<compile_context>
chip_gen: v7x
topology: tpu7x:2x2x1
jax: 0.10.2.dev20260603
libtpu: 0.0.44.dev20260713+nightly
codegen_flags: <defaults>
</compile_context>

<pallas_src>
import functools

import jax
import jax.numpy as jnp
from jax import lax
from jax.experimental import pallas as pl
from jax.experimental.pallas import tpu as pltpu
from jax.experimental.pallas import tpu_sc as plsc

_N = 10000
_D = 128
_KP1 = 33
_KTOP = 32
_BR = 128
_NP = 10112
_GRID = _NP // _BR
_G = _NP // 128
_P = 6

_M = _N * _KP1
_NSUB = 16
_NWORK = 32
_ROWS_C = 162
_M_PAD = _NSUB * _ROWS_C * 128
_PER_W = _M_PAD // _NWORK
_VREGS_W = _PER_W // 16
_NIP = 10240

_NEG = -3e38



def _embed_body(x_ref, w1t_ref, b1_ref, w2t_ref, b2_ref, out_ref):
    h = jnp.dot(x_ref[...], w1t_ref[...], preferred_element_type=jnp.float32)
    h = jnp.maximum(h + b1_ref[...], 0.0)
    e = jnp.dot(h, w2t_ref[...], preferred_element_type=jnp.float32)
    e = e + b2_ref[...]
    nrm = jnp.sqrt(jnp.sum(e * e, axis=1, keepdims=True))
    out_ref[...] = e / jnp.maximum(nrm, 1e-12)


def _topk_body(en_ref, ent_ref, vals_ref, idx_ref,
               s3_ref, vs_ref, as_ref, m_ref, a_ref):
    i = pl.program_id(0)
    lane = lax.broadcasted_iota(jnp.int32, (_BR, 128), 1)

    @pl.when(i < _GRID)
    def _():
        en = en_ref[...]
        M = jnp.full((_BR, 128), _NEG, jnp.float32)
        A = jnp.zeros((_BR, 128), jnp.int32)
        for g in range(_G):
            v = jnp.dot(en, ent_ref[:, g * 128:(g + 1) * 128],
                        preferred_element_type=jnp.float32)
            if g == _G - 1:
                v = jnp.where(lane >= _N - (_G - 1) * 128, _NEG, v)
            s3_ref[i % 2, g] = v
            gt = v > M
            M = jnp.where(gt, v, M)
            A = jnp.where(gt, g, A)
        m_ref[i % 2] = M
        a_ref[i % 2] = A

    @pl.when(i > 0)
    def _():
        b = (i - 1) % 2
        M = m_ref[b]
        vs_ref[0] = M
        as_ref[0] = a_ref[b] * 128 + lane

        def pass_body(p, Mp):
            M = jnp.full((_BR, 128), _NEG, jnp.float32)
            A = jnp.zeros((_BR, 128), jnp.int32)
            for g in range(_G):
                v = s3_ref[b, g]
                cand = jnp.where(v < Mp, v, _NEG)
                gt = cand > M
                M = jnp.where(gt, cand, M)
                A = jnp.where(gt, g, A)
            vs_ref[p] = M
            as_ref[p] = A * 128 + lane
            return M

        lax.fori_loop(1, _P, pass_body, M)

        def ebody(j, carry):
            ptr, vals, idxs = carry
            H = jnp.full((_BR, 128), _NEG, jnp.float32)
            GA = jnp.full((_BR, 128), 1 << 30, jnp.int32)
            for p in range(_P):
                selp = ptr == p
                H = jnp.where(selp, vs_ref[p], H)
                GA = jnp.where(selp, as_ref[p], GA)
            mrow = jnp.max(H, axis=1, keepdims=True)
            pickarr = jnp.where(H == mrow, GA, 1 << 30)
            amin = jnp.min(pickarr, axis=1, keepdims=True)
            adv = jnp.logical_and(H == mrow, GA == amin)
            ptr = ptr + adv.astype(jnp.int32)
            vals = jnp.where(lane == j, mrow, vals)
            idxs = jnp.where(lane == j, amin, idxs)
            return ptr, vals, idxs

        _, vals, idxs = lax.fori_loop(
            0, _KP1, ebody,
            (jnp.zeros((_BR, 128), jnp.int32),
             jnp.zeros((_BR, 128), jnp.float32),
             jnp.zeros((_BR, 128), jnp.int32)))
        nrow = jnp.sum(jnp.where(lane < _KP1, vals, 0.0), axis=1,
                       keepdims=True)
        vals_ref[...] = jnp.where(lane == _KP1, nrow, vals)
        idx_ref[...] = idxs


def _inv_body(nr_ref, nc0_ref, nc1_ref, out_ref):
    out_ref[...] = lax.rsqrt(nr_ref[...] + nc0_ref[...] + nc1_ref[...])


def _embed_call(x_pad, w1t, b1_2d, w2t, b2_2d):
    return pl.pallas_call(
        _embed_body,
        grid=(_GRID,),
        in_specs=[
            pl.BlockSpec((_BR, _D), lambda i: (i, 0)),
            pl.BlockSpec((_D, _D), lambda i: (0, 0)),
            pl.BlockSpec((1, _D), lambda i: (0, 0)),
            pl.BlockSpec((_D, _D), lambda i: (0, 0)),
            pl.BlockSpec((1, _D), lambda i: (0, 0)),
        ],
        out_specs=pl.BlockSpec((_BR, _D), lambda i: (i, 0)),
        out_shape=jax.ShapeDtypeStruct((_NP, _D), jnp.float32),
    )(x_pad, w1t, b1_2d, w2t, b2_2d)


def _topk_call(en, ent):
    return pl.pallas_call(
        _topk_body,
        grid=(_GRID + 1,),
        in_specs=[
            pl.BlockSpec((_BR, _D), lambda i: (jnp.minimum(i, _GRID - 1), 0)),
            pl.BlockSpec((_D, _NP), lambda i: (0, 0)),
        ],
        out_specs=[
            pl.BlockSpec((_BR, 128), lambda i: (jnp.maximum(i - 1, 0), 0)),
            pl.BlockSpec((_BR, 128), lambda i: (jnp.maximum(i - 1, 0), 0)),
        ],
        out_shape=[
            jax.ShapeDtypeStruct((_NP, 128), jnp.float32),
            jax.ShapeDtypeStruct((_NP, 128), jnp.int32),
        ],
        scratch_shapes=[
            pltpu.VMEM((2, _G, _BR, 128), jnp.float32),
            pltpu.VMEM((_P, _BR, 128), jnp.float32),
            pltpu.VMEM((_P, _BR, 128), jnp.int32),
            pltpu.VMEM((2, _BR, 128), jnp.float32),
            pltpu.VMEM((2, _BR, 128), jnp.int32),
        ],
    )(en, ent)


def _inv_call(nr2d, nc0_2d, nc1_2d):
    return pl.pallas_call(
        _inv_body,
        out_shape=jax.ShapeDtypeStruct((_NIP // 128, 128), jnp.float32),
    )(nr2d, nc0_2d, nc1_2d)



@functools.lru_cache(maxsize=None)
def _sc_kernels():
    mesh = plsc.VectorSubcoreMesh(core_axis_name="c", subcore_axis_name="s")

    @functools.partial(
        pl.kernel,
        mesh=mesh,
        out_type=jax.ShapeDtypeStruct((2, _N), jnp.float32),
        scratch_types=[
            pltpu.VMEM((_PER_W,), jnp.int32),
            pltpu.VMEM((_PER_W,), jnp.float32),
            pltpu.VMEM_SHARED((_N,), jnp.float32),
        ],
    )
    def _scatter_add_kernel(cols_hbm, vals_hbm, zeros_hbm, out_hbm,
                            cols_v, vals_v, shared):
        cid = lax.axis_index("c")
        sid = lax.axis_index("s")
        wid = sid * 2 + cid

        @pl.when(sid == 0)
        def _():
            pltpu.sync_copy(zeros_hbm, shared)

        plsc.subcore_barrier()
        pltpu.sync_copy(cols_hbm.at[wid], cols_v)
        pltpu.sync_copy(vals_hbm.at[wid], vals_v)
        pltpu.sync_copy(vals_v, shared.at[cols_v], add=True)
        plsc.subcore_barrier()

        @pl.when(sid == 0)
        def _():
            pltpu.sync_copy(shared, out_hbm.at[cid])

    @functools.partial(
        pl.kernel,
        mesh=mesh,
        out_type=jax.ShapeDtypeStruct((_NWORK, _PER_W), jnp.float32),
        scratch_types=[
            pltpu.VMEM((_PER_W,), jnp.int32),
            pltpu.VMEM((_PER_W,), jnp.int32),
            pltpu.VMEM((_PER_W,), jnp.float32),
            pltpu.VMEM((_PER_W,), jnp.float32),
            pltpu.VMEM((_PER_W,), jnp.float32),
            pltpu.VMEM_SHARED((_NIP,), jnp.float32),
            pltpu.SemaphoreType.DMA,
        ],
    )
    def _gather_norm_kernel(inv_hbm, rows_hbm, cols_hbm, vals_hbm, out_hbm,
                            rows_v, cols_v, vals_v, gr_v, gc_v, inv_s, sem):
        sid = lax.axis_index("s")
        wid = sid * 2 + lax.axis_index("c")

        @pl.when(sid == 0)
        def _():
            pltpu.sync_copy(inv_hbm, inv_s)

        pltpu.sync_copy(rows_hbm.at[wid], rows_v)
        pltpu.sync_copy(cols_hbm.at[wid], cols_v)
        pltpu.sync_copy(vals_hbm.at[wid], vals_v)
        plsc.subcore_barrier()
        cp_r = pltpu.async_copy(inv_s.at[rows_v], gr_v, sem)
        cp_c = pltpu.async_copy(inv_s.at[cols_v], gc_v, sem)
        cp_r.wait()
        cp_c.wait()

        def body(i, _):
            sl = pl.ds(i * 16, 16)
            gr_v[sl] = vals_v[sl] * gc_v[sl] * gr_v[sl]
            return 0

        lax.fori_loop(0, _VREGS_W, body, 0)
        pltpu.sync_copy(gr_v, out_hbm.at[wid])

    return _scatter_add_kernel, _gather_norm_kernel



def kernel(x, W1, b1, W2, b2, k):
    x_pad = jnp.pad(x, ((0, _NP - _N), (0, 0)))
    en = _embed_call(x_pad, W1.T, b1.reshape(1, _D), W2.T, b2.reshape(1, _D))
    ent = jnp.asarray(en.T)

    vals_all, idx_all = _topk_call(en, ent)
    vals33 = vals_all[:_N, :_KP1]
    cols33 = idx_all[:_N, :_KP1]
    nrow = vals_all[:_N, _KP1]

    rows_flat = jnp.repeat(
        jnp.arange(_N, dtype=jnp.int32), _KP1) + (k - _KTOP).astype(jnp.int32)
    cols_flat = cols33.reshape(-1)
    vals_flat = vals33.reshape(-1)

    pad_n = _M_PAD - _M
    pad_idx = (jnp.arange(pad_n, dtype=jnp.int32) % _N)
    cols_p = jnp.concatenate([cols_flat, pad_idx])
    rows_p = jnp.concatenate([rows_flat, pad_idx])
    vals_p = jnp.concatenate([vals_flat, jnp.zeros((pad_n,), jnp.float32)])

    _scatter_add_kernel, _gather_norm_kernel = _sc_kernels()
    norm_col2 = _scatter_add_kernel(
        cols_p.reshape(_NWORK, _PER_W),
        vals_p.reshape(_NWORK, _PER_W),
        jnp.zeros((_N,), jnp.float32),
    )

    nr_pad = jnp.pad(nrow, (0, _NIP - _N)).reshape(_NIP // 128, 128)
    nc0_pad = jnp.pad(norm_col2[0], (0, _NIP - _N)).reshape(_NIP // 128, 128)
    nc1_pad = jnp.pad(norm_col2[1], (0, _NIP - _N)).reshape(_NIP // 128, 128)
    inv = _inv_call(nr_pad, nc0_pad, nc1_pad).reshape(_NIP)

    out = _gather_norm_kernel(
        inv,
        rows_p.reshape(_NWORK, _PER_W),
        cols_p.reshape(_NWORK, _PER_W),
        vals_p.reshape(_NWORK, _PER_W),
    )
    values = out.reshape(-1)[:_M]

    edge_index = jnp.concatenate(
        [jnp.stack([rows_flat, cols_flat]), jnp.stack([cols_flat, rows_flat])],
        axis=0)
    edge_weight = jnp.concatenate([values, values])
    return edge_index, edge_weight

# --- scband reference (transcript-rebuilt; emitter-appended) ---
"""Pipeline reference for scband-slaps-17308718202950 (READ-ONLY COPY).

The authoritative reference and input builder live on the scoring server;
editing this copy changes nothing except your own understanding.
"""

import jax, jax.numpy as jnp
import numpy as np

N = 10000
D = 128
K = 32


def setup_inputs(seed: int = 0) -> dict:
    key = jax.random.key(seed)
    k1, k2, k3 = jax.random.split(key, 3)
    x = jax.random.normal(k1, (N, D), dtype=jnp.float32)
    # MLP.weight_initinal sets both Linear weights to identity (in_dim == out_dim)
    W1 = jnp.eye(D, dtype=jnp.float32)
    W2 = jnp.eye(D, dtype=jnp.float32)
    bound = 1.0 / np.sqrt(D)
    b1 = jax.random.uniform(k2, (D,), minval=-bound, maxval=bound, dtype=jnp.float32)
    b2 = jax.random.uniform(k3, (D,), minval=-bound, maxval=bound, dtype=jnp.float32)
    return {"x": x, "W1": W1, "b1": b1, "W2": W2, "b2": b2, "k": K}


def _knn_fast(X, k):
    # F.normalize(X, dim=1, p=2)
    norms = jnp.sqrt(jnp.sum(X * X, axis=1, keepdims=True))
    Xn = X / jnp.maximum(norms, 1e-12)
    n = Xn.shape[0]
    # Full similarity (the torch code does the same blockwise with b=1000)
    sims = Xn @ Xn.T
    vals, inds = jax.lax.top_k(sims, K + 1)
    rows = jnp.repeat(jnp.arange(n), K + 1) + (k - K)
    cols = inds.reshape(-1)
    values = vals.reshape(-1)
    norm_row = jnp.sum(vals, axis=1)
    norm_col = jnp.zeros((n,), dtype=Xn.dtype).at[cols].add(values)
    norm = norm_row + norm_col
    values = values * jnp.power(norm[rows], -0.5) * jnp.power(norm[cols], -0.5)
    return rows, cols, values


def reference(x, W1, b1, W2, b2, k):
    # MLP: Linear -> ReLU -> Linear (weights initialized to identity)
    h = jax.nn.relu(x @ W1.T + b1)
    embeds = h @ W2.T + b2
    rows, cols, values = _knn_fast(embeds, k)
    # Faithful to torch: cat along dim 0 of two [2, M] stacks -> [4, M]
    edge_index = jnp.concatenate([jnp.stack([rows, cols]), jnp.stack([cols, rows])], axis=0)
    edge_weight = jnp.concatenate([values, values])
    return edge_index, edge_weight

if __name__ == "__main__":
    import jax
    _d = setup_inputs()
    print(jax.jit(kernel)(*tuple(_d.values())))

</pallas_src>

<mosaic_0001>
#map = affine_map<(d0, d1) -> (0, 0)>
#map1 = affine_map<(d0, d1) -> (0)>
module attributes {stable_mosaic.version = 14 : i64} {
  func.func @_scatter_add_kernel(%arg0: i32, %arg1: i32, %arg2: memref<32x10368xi32, #tpu.memory_space<hbm>>, %arg3: memref<32x10368xf32, #tpu.memory_space<hbm>>, %arg4: memref<10000xf32, #tpu.memory_space<hbm>>, %arg5: memref<2x10000xf32, #tpu.memory_space<hbm>>, %arg6: memref<10368xi32, #tpu.memory_space<vmem>>, %arg7: memref<10368xf32, #tpu.memory_space<vmem>>, %arg8: memref<10000xf32, #tpu.memory_space<vmem_shared>>) attributes {dimension_semantics = [#tpu.dimension_semantics<core_parallel>, #tpu.dimension_semantics<subcore_parallel>], iteration_bounds = array<i64: 2, 16>, scalar_prefetch = 0 : i64, scratch_operands = 3 : i64, tpu.core_type = #tpu.core_type<sc_vector_subcore>, window_params = [{transform_indices = #map}, {transform_indices = #map}, {transform_indices = #map1}, {transform_indices = #map}]} {
    %mul3A = arith.constant 2 : i32
    %mul3A_0 = arith.muli %arg1, %mul3A : i32
    %add3A = arith.addi %mul3A_0, %arg0 : i32
    %eq3A = arith.constant 0 : i32
    %eq3A_1 = arith.cmpi eq, %arg1, %eq3A : i32
    %convert_element_type3A = arith.extui %eq3A_1 : i1 to i32
    %cond3A = arith.constant 0 : i32
    %cond3A_2 = arith.cmpi ne, %convert_element_type3A, %cond3A : i32
    scf.if %cond3A_2 {
      "tpu.region"() ({
        %run_scoped3A = tpu.sem_alloc : memref<!tpu.dma_semaphore, #tpu.memory_space<semaphore_mem>>
        tpu.enqueue_dma source(%arg4 : memref<10000xf32, #tpu.memory_space<hbm>>) target(%arg8 : memref<10000xf32, #tpu.memory_space<vmem_shared>>) target_semaphore(%run_scoped3A : memref<!tpu.dma_semaphore, #tpu.memory_space<semaphore_mem>>)
        tpu.wait_dma2 semaphore(%run_scoped3A : memref<!tpu.dma_semaphore, #tpu.memory_space<semaphore_mem>>) src(%arg4 : memref<10000xf32, #tpu.memory_space<hbm>>) dst(%arg8 : memref<10000xf32, #tpu.memory_space<vmem_shared>>)
        tpu.yield
      }) : () -> ()
    } else {
    }
    %barrier3A = arith.constant 0 : index
    tpu.barrier barrier_id(%barrier3A)
    "tpu.region"() ({
      %run_scoped3A = tpu.sem_alloc : memref<!tpu.dma_semaphore, #tpu.memory_space<semaphore_mem>>
      %dma_start3A = arith.constant 0 : i32
      %dma_start3A_9 = tpu.memref_slice %arg2[%add3A, %dma_start3A] : memref<32x10368xi32, #tpu.memory_space<hbm>> -> memref<1x10368xi32, #tpu.memory_space<hbm>>
      %dma_start3A_10 = tpu.memref_squeeze %dma_start3A_9 : memref<1x10368xi32, #tpu.memory_space<hbm>> -> memref<10368xi32, #tpu.memory_space<hbm>>
      %dma_start3A_11 = arith.constant 0 : i32
      %dma_start3A_12 = tpu.memref_slice %arg2[%add3A, %dma_start3A_11] : memref<32x10368xi32, #tpu.memory_space<hbm>> -> memref<1x10368xi32, #tpu.memory_space<hbm>>
      %dma_start3A_13 = tpu.memref_squeeze %dma_start3A_12 : memref<1x10368xi32, #tpu.memory_space<hbm>> -> memref<10368xi32, #tpu.memory_space<hbm>>
      tpu.enqueue_dma source(%dma_start3A_13 : memref<10368xi32, #tpu.memory_space<hbm>>) target(%arg6 : memref<10368xi32, #tpu.memory_space<vmem>>) target_semaphore(%run_scoped3A : memref<!tpu.dma_semaphore, #tpu.memory_space<semaphore_mem>>)
      %dma_wait3A = arith.constant 0 : i32
      %dma_wait3A_14 = tpu.memref_slice %arg2[%add3A, %dma_wait3A] : memref<32x10368xi32, #tpu.memory_space<hbm>> -> memref<1x10368xi32, #tpu.memory_space<hbm>>
      %dma_wait3A_15 = tpu.memref_squeeze %dma_wait3A_14 : memref<1x10368xi32, #tpu.memory_space<hbm>> -> memref<10368xi32, #tpu.memory_space<hbm>>
      %dma_wait3A_16 = arith.constant 0 : i32
      %dma_wait3A_17 = tpu.memref_slice %arg2[%add3A, %dma_wait3A_16] : memref<32x10368xi32, #tpu.memory_space<hbm>> -> memref<1x10368xi32, #tpu.memory_space<hbm>>
      %dma_wait3A_18 = tpu.memref_squeeze %dma_wait3A_17 : memref<1x10368xi32, #tpu.memory_space<hbm>> -> memref<10368xi32, #tpu.memory_space<hbm>>
      tpu.wait_dma2 semaphore(%run_scoped3A : memref<!tpu.dma_semaphore, #tpu.memory_space<semaphore_mem>>) src(%dma_wait3A_18 : memref<10368xi32, #tpu.memory_space<hbm>>) dst(%arg6 : memref<10368xi32, #tpu.memory_space<vmem>>)
      tpu.yield
    }) : () -> ()
    "tpu.region"() ({
      %run_scoped3A = tpu.sem_alloc : memref<!tpu.dma_semaphore, #tpu.memory_space<semaphore_mem>>
      %dma_start3A = arith.constant 0 : i32
      %dma_start3A_9 = tpu.memref_slice %arg3[%add3A, %dma_start3A] : memref<32x10368xf32, #tpu.memory_space<hbm>> -> memref<1x10368xf32, #tpu.memory_space<hbm>>
      %dma_start3A_10 = tpu.memref_squeeze %dma_start3A_9 : memref<1x10368xf32, #tpu.memory_space<hbm>> -> memref<10368xf32, #tpu.memory_space<hbm>>
      %dma_start3A_11 = arith.constant 0 : i32
      %dma_start3A_12 = tpu.memref_slice %arg3[%add3A, %dma_start3A_11] : memref<32x10368xf32, #tpu.memory_space<hbm>> -> memref<1x10368xf32, #tpu.memory_space<hbm>>
      %dma_start3A_13 = tpu.memref_squeeze %dma_start3A_12 : memref<1x10368xf32, #tpu.memory_space<hbm>> -> memref<10368xf32, #tpu.memory_space<hbm>>
      tpu.enqueue_dma source(%dma_start3A_13 : memref<10368xf32, #tpu.memory_space<hbm>>) target(%arg7 : memref<10368xf32, #tpu.memory_space<vmem>>) target_semaphore(%run_scoped3A : memref<!tpu.dma_semaphore, #tpu.memory_space<semaphore_mem>>)
      %dma_wait3A = arith.constant 0 : i32
      %dma_wait3A_14 = tpu.memref_slice %arg3[%add3A, %dma_wait3A] : memref<32x10368xf32, #tpu.memory_space<hbm>> -> memref<1x10368xf32, #tpu.memory_space<hbm>>
      %dma_wait3A_15 = tpu.memref_squeeze %dma_wait3A_14 : memref<1x10368xf32, #tpu.memory_space<hbm>> -> memref<10368xf32, #tpu.memory_space<hbm>>
      %dma_wait3A_16 = arith.constant 0 : i32
      %dma_wait3A_17 = tpu.memref_slice %arg3[%add3A, %dma_wait3A_16] : memref<32x10368xf32, #tpu.memory_space<hbm>> -> memref<1x10368xf32, #tpu.memory_space<hbm>>
      %dma_wait3A_18 = tpu.memref_squeeze %dma_wait3A_17 : memref<1x10368xf32, #tpu.memory_space<hbm>> -> memref<10368xf32, #tpu.memory_space<hbm>>
      tpu.wait_dma2 semaphore(%run_scoped3A : memref<!tpu.dma_semaphore, #tpu.memory_space<semaphore_mem>>) src(%dma_wait3A_18 : memref<10368xf32, #tpu.memory_space<hbm>>) dst(%arg7 : memref<10368xf32, #tpu.memory_space<vmem>>)
      tpu.yield
    }) : () -> ()
    "tpu.region"() ({
      %run_scoped3A = tpu.sem_alloc : memref<!tpu.dma_semaphore, #tpu.memory_space<semaphore_mem>>
      %dma_start3A = arith.constant 0 : i32
      %dma_start3A_9 = tpu.memref_slice %arg8[%dma_start3A] : memref<10000xf32, #tpu.memory_space<vmem_shared>> -> memref<10000xf32, #tpu.memory_space<vmem_shared>>
      tpu.enqueue_indirect_dma source(%arg7 : memref<10368xf32, #tpu.memory_space<vmem>>) target(%dma_start3A_9 : memref<10000xf32, #tpu.memory_space<vmem_shared>>) offsets(%arg6 : memref<10368xi32, #tpu.memory_space<vmem>>) semaphore(%run_scoped3A : memref<!tpu.dma_semaphore, #tpu.memory_space<semaphore_mem>>) {add = true}
      %dma_wait3A = arith.constant 0 : i32
      %dma_wait3A_10 = tpu.memref_slice %arg8[%dma_wait3A] : memref<10000xf32, #tpu.memory_space<vmem_shared>> -> memref<10000xf32, #tpu.memory_space<vmem_shared>>
      tpu.wait_indirect_dma semaphore(%run_scoped3A : memref<!tpu.dma_semaphore, #tpu.memory_space<semaphore_mem>>) src(%arg7 : memref<10368xf32, #tpu.memory_space<vmem>>) dst(%dma_wait3A_10 : memref<10000xf32, #tpu.memory_space<vmem_shared>>)
      tpu.yield
    }) : () -> ()
    %barrier3A_3 = arith.constant 0 : index
    tpu.barrier barrier_id(%barrier3A_3)
    %eq3A_4 = arith.constant 0 : i32
    %eq3A_5 = arith.cmpi eq, %arg1, %eq3A_4 : i32
    %convert_element_type3A_6 = arith.extui %eq3A_5 : i1 to i32
    %cond3A_7 = arith.constant 0 : i32
    %cond3A_8 = arith.cmpi ne, %convert_element_type3A_6, %cond3A_7 : i32
    scf.if %cond3A_8 {
      "tpu.region"() ({
        %run_scoped3A = tpu.sem_alloc : memref<!tpu.dma_semaphore, #tpu.memory_space<semaphore_mem>>
        %dma_start3A = arith.constant 0 : i32
        %dma_start3A_9 = tpu.memref_slice %arg5[%arg0, %dma_start3A] : memref<2x10000xf32, #tpu.memory_space<hbm>> -> memref<1x10000xf32, #tpu.memory_space<hbm>>
        %dma_start3A_10 = tpu.memref_squeeze %dma_start3A_9 : memref<1x10000xf32, #tpu.memory_space<hbm>> -> memref<10000xf32, #tpu.memory_space<hbm>>
        tpu.enqueue_dma source(%arg8 : memref<10000xf32, #tpu.memory_space<vmem_shared>>) target(%dma_start3A_10 : memref<10000xf32, #tpu.memory_space<hbm>>) target_semaphore(%run_scoped3A : memref<!tpu.dma_semaphore, #tpu.memory_space<semaphore_mem>>)
        %dma_wait3A = arith.constant 0 : i32
        %dma_wait3A_11 = tpu.memref_slice %arg5[%arg0, %dma_wait3A] : memref<2x10000xf32, #tpu.memory_space<hbm>> -> memref<1x10000xf32, #tpu.memory_space<hbm>>
        %dma_wait3A_12 = tpu.memref_squeeze %dma_wait3A_11 : memref<1x10000xf32, #tpu.memory_space<hbm>> -> memref<10000xf32, #tpu.memory_space<hbm>>
        tpu.wait_dma2 semaphore(%run_scoped3A : memref<!tpu.dma_semaphore, #tpu.memory_space<semaphore_mem>>) src(%arg8 : memref<10000xf32, #tpu.memory_space<vmem_shared>>) dst(%dma_wait3A_12 : memref<10000xf32, #tpu.memory_space<hbm>>)
        tpu.yield
      }) : () -> ()
    } else {
    }
    return
  }
}

#map = affine_map<(d0, d1) -> (0)>
#map1 = affine_map<(d0, d1) -> (0, 0)>
module attributes {stable_mosaic.version = 14 : i64} {
  func.func @_gather_norm_kernel(%arg0: i32, %arg1: i32, %arg2: memref<10240xf32, #tpu.memory_space<hbm>>, %arg3: memref<32x10368xi32, #tpu.memory_space<hbm>>, %arg4: memref<32x10368xi32, #tpu.memory_space<hbm>>, %arg5: memref<32x10368xf32, #tpu.memory_space<hbm>>, %arg6: memref<32x10368xf32, #tpu.memory_space<hbm>>, %arg7: memref<10368xi32, #tpu.memory_space<vmem>>, %arg8: memref<10368xi32, #tpu.memory_space<vmem>>, %arg9: memref<10368xf32, #tpu.memory_space<vmem>>, %arg10: memref<10368xf32, #tpu.memory_space<vmem>>, %arg11: memref<10368xf32, #tpu.memory_space<vmem>>, %arg12: memref<10240xf32, #tpu.memory_space<vmem_shared>>, %arg13: memref<!tpu.dma_semaphore, #tpu.memory_space<semaphore_mem>>) attributes {dimension_semantics = [#tpu.dimension_semantics<core_parallel>, #tpu.dimension_semantics<subcore_parallel>], iteration_bounds = array<i64: 2, 16>, scalar_prefetch = 0 : i64, scratch_operands = 7 : i64, tpu.core_type = #tpu.core_type<sc_vector_subcore>, window_params = [{transform_indices = #map}, {transform_indices = #map1}, {transform_indices = #map1}, {transform_indices = #map1}, {transform_indices = #map1}]} {
    %mul3A = arith.constant 2 : i32
    %mul3A_0 = arith.muli %arg1, %mul3A : i32
    %add3A = arith.addi %mul3A_0, %arg0 : i32
    %eq3A = arith.constant 0 : i32
    %eq3A_1 = arith.cmpi eq, %arg1, %eq3A : i32
    %convert_element_type3A = arith.extui %eq3A_1 : i1 to i32
    %cond3A = arith.constant 0 : i32
    %cond3A_2 = arith.cmpi ne, %convert_element_type3A, %cond3A : i32
    scf.if %cond3A_2 {
      "tpu.region"() ({
        %run_scoped3A = tpu.sem_alloc : memref<!tpu.dma_semaphore, #tpu.memory_space<semaphore_mem>>
        tpu.enqueue_dma source(%arg2 : memref<10240xf32, #tpu.memory_space<hbm>>) target(%arg12 : memref<10240xf32, #tpu.memory_space<vmem_shared>>) target_semaphore(%run_scoped3A : memref<!tpu.dma_semaphore, #tpu.memory_space<semaphore_mem>>)
        tpu.wait_dma2 semaphore(%run_scoped3A : memref<!tpu.dma_semaphore, #tpu.memory_space<semaphore_mem>>) src(%arg2 : memref<10240xf32, #tpu.memory_space<hbm>>) dst(%arg12 : memref<10240xf32, #tpu.memory_space<vmem_shared>>)
        tpu.yield
      }) : () -> ()
    } else {
    }
    "tpu.region"() ({
      %run_scoped3A = tpu.sem_alloc : memref<!tpu.dma_semaphore, #tpu.memory_space<semaphore_mem>>
      %dma_start3A_15 = arith.constant 0 : i32
      %dma_start3A_16 = tpu.memref_slice %arg3[%add3A, %dma_start3A_15] : memref<32x10368xi32, #tpu.memory_space<hbm>> -> memref<1x10368xi32, #tpu.memory_space<hbm>>
      %dma_start3A_17 = tpu.memref_squeeze %dma_start3A_16 : memref<1x10368xi32, #tpu.memory_space<hbm>> -> memref<10368xi32, #tpu.memory_space<hbm>>
      %dma_start3A_18 = arith.constant 0 : i32
      %dma_start3A_19 = tpu.memref_slice %arg3[%add3A, %dma_start3A_18] : memref<32x10368xi32, #tpu.memory_space<hbm>> -> memref<1x10368xi32, #tpu.memory_space<hbm>>
      %dma_start3A_20 = tpu.memref_squeeze %dma_start3A_19 : memref<1x10368xi32, #tpu.memory_space<hbm>> -> memref<10368xi32, #tpu.memory_space<hbm>>
      tpu.enqueue_dma source(%dma_start3A_20 : memref<10368xi32, #tpu.memory_space<hbm>>) target(%arg7 : memref<10368xi32, #tpu.memory_space<vmem>>) target_semaphore(%run_scoped3A : memref<!tpu.dma_semaphore, #tpu.memory_space<semaphore_mem>>)
      %dma_wait3A_21 = arith.constant 0 : i32
      %dma_wait3A_22 = tpu.memref_slice %arg3[%add3A, %dma_wait3A_21] : memref<32x10368xi32, #tpu.memory_space<hbm>> -> memref<1x10368xi32, #tpu.memory_space<hbm>>
      %dma_wait3A_23 = tpu.memref_squeeze %dma_wait3A_22 : memref<1x10368xi32, #tpu.memory_space<hbm>> -> memref<10368xi32, #tpu.memory_space<hbm>>
      %dma_wait3A_24 = arith.constant 0 : i32
      %dma_wait3A_25 = tpu.memref_slice %arg3[%add3A, %dma_wait3A_24] : memref<32x10368xi32, #tpu.memory_space<hbm>> -> memref<1x10368xi32, #tpu.memory_space<hbm>>
      %dma_wait3A_26 = tpu.memref_squeeze %dma_wait3A_25 : memref<1x10368xi32, #tpu.memory_space<hbm>> -> memref<10368xi32, #tpu.memory_space<hbm>>
      tpu.wait_dma2 semaphore(%run_scoped3A : memref<!tpu.dma_semaphore, #tpu.memory_space<semaphore_mem>>) src(%dma_wait3A_26 : memref<10368xi32, #tpu.memory_space<hbm>>) dst(%arg7 : memref<10368xi32, #tpu.memory_space<vmem>>)
      tpu.yield
    }) : () -> ()
    "tpu.region"() ({
      %run_scoped3A = tpu.sem_alloc : memref<!tpu.dma_semaphore, #tpu.memory_space<semaphore_mem>>
      %dma_start3A_15 = arith.constant 0 : i32
      %dma_start3A_16 = tpu.memref_slice %arg4[%add3A, %dma_start3A_15] : memref<32x10368xi32, #tpu.memory_space<hbm>> -> memref<1x10368xi32, #tpu.memory_space<hbm>>
      %dma_start3A_17 = tpu.memref_squeeze %dma_start3A_16 : memref<1x10368xi32, #tpu.memory_space<hbm>> -> memref<10368xi32, #tpu.memory_space<hbm>>
      %dma_start3A_18 = arith.constant 0 : i32
      %dma_start3A_19 = tpu.memref_slice %arg4[%add3A, %dma_start3A_18] : memref<32x10368xi32, #tpu.memory_space<hbm>> -> memref<1x10368xi32, #tpu.memory_space<hbm>>
      %dma_start3A_20 = tpu.memref_squeeze %dma_start3A_19 : memref<1x10368xi32, #tpu.memory_space<hbm>> -> memref<10368xi32, #tpu.memory_space<hbm>>
      tpu.enqueue_dma source(%dma_start3A_20 : memref<10368xi32, #tpu.memory_space<hbm>>) target(%arg8 : memref<10368xi32, #tpu.memory_space<vmem>>) target_semaphore(%run_scoped3A : memref<!tpu.dma_semaphore, #tpu.memory_space<semaphore_mem>>)
      %dma_wait3A_21 = arith.constant 0 : i32
      %dma_wait3A_22 = tpu.memref_slice %arg4[%add3A, %dma_wait3A_21] : memref<32x10368xi32, #tpu.memory_space<hbm>> -> memref<1x10368xi32, #tpu.memory_space<hbm>>
      %dma_wait3A_23 = tpu.memref_squeeze %dma_wait3A_22 : memref<1x10368xi32, #tpu.memory_space<hbm>> -> memref<10368xi32, #tpu.memory_space<hbm>>
      %dma_wait3A_24 = arith.constant 0 : i32
      %dma_wait3A_25 = tpu.memref_slice %arg4[%add3A, %dma_wait3A_24] : memref<32x10368xi32, #tpu.memory_space<hbm>> -> memref<1x10368xi32, #tpu.memory_space<hbm>>
      %dma_wait3A_26 = tpu.memref_squeeze %dma_wait3A_25 : memref<1x10368xi32, #tpu.memory_space<hbm>> -> memref<10368xi32, #tpu.memory_space<hbm>>
      tpu.wait_dma2 semaphore(%run_scoped3A : memref<!tpu.dma_semaphore, #tpu.memory_space<semaphore_mem>>) src(%dma_wait3A_26 : memref<10368xi32, #tpu.memory_space<hbm>>) dst(%arg8 : memref<10368xi32, #tpu.memory_space<vmem>>)
      tpu.yield
    }) : () -> ()
    "tpu.region"() ({
      %run_scoped3A = tpu.sem_alloc : memref<!tpu.dma_semaphore, #tpu.memory_space<semaphore_mem>>
      %dma_start3A_15 = arith.constant 0 : i32
      %dma_start3A_16 = tpu.memref_slice %arg5[%add3A, %dma_start3A_15] : memref<32x10368xf32, #tpu.memory_space<hbm>> -> memref<1x10368xf32, #tpu.memory_space<hbm>>
      %dma_start3A_17 = tpu.memref_squeeze %dma_start3A_16 : memref<1x10368xf32, #tpu.memory_space<hbm>> -> memref<10368xf32, #tpu.memory_space<hbm>>
      %dma_start3A_18 = arith.constant 0 : i32
      %dma_start3A_19 = tpu.memref_slice %arg5[%add3A, %dma_start3A_18] : memref<32x10368xf32, #tpu.memory_space<hbm>> -> memref<1x10368xf32, #tpu.memory_space<hbm>>
      %dma_start3A_20 = tpu.memref_squeeze %dma_start3A_19 : memref<1x10368xf32, #tpu.memory_space<hbm>> -> memref<10368xf32, #tpu.memory_space<hbm>>
      tpu.enqueue_dma source(%dma_start3A_20 : memref<10368xf32, #tpu.memory_space<hbm>>) target(%arg9 : memref<10368xf32, #tpu.memory_space<vmem>>) target_semaphore(%run_scoped3A : memref<!tpu.dma_semaphore, #tpu.memory_space<semaphore_mem>>)
      %dma_wait3A_21 = arith.constant 0 : i32
      %dma_wait3A_22 = tpu.memref_slice %arg5[%add3A, %dma_wait3A_21] : memref<32x10368xf32, #tpu.memory_space<hbm>> -> memref<1x10368xf32, #tpu.memory_space<hbm>>
      %dma_wait3A_23 = tpu.memref_squeeze %dma_wait3A_22 : memref<1x10368xf32, #tpu.memory_space<hbm>> -> memref<10368xf32, #tpu.memory_space<hbm>>
      %dma_wait3A_24 = arith.constant 0 : i32
      %dma_wait3A_25 = tpu.memref_slice %arg5[%add3A, %dma_wait3A_24] : memref<32x10368xf32, #tpu.memory_space<hbm>> -> memref<1x10368xf32, #tpu.memory_space<hbm>>
      %dma_wait3A_26 = tpu.memref_squeeze %dma_wait3A_25 : memref<1x10368xf32, #tpu.memory_space<hbm>> -> memref<10368xf32, #tpu.memory_space<hbm>>
      tpu.wait_dma2 semaphore(%run_scoped3A : memref<!tpu.dma_semaphore, #tpu.memory_space<semaphore_mem>>) src(%dma_wait3A_26 : memref<10368xf32, #tpu.memory_space<hbm>>) dst(%arg9 : memref<10368xf32, #tpu.memory_space<vmem>>)
      tpu.yield
    }) : () -> ()
    %barrier3A = arith.constant 0 : index
    tpu.barrier barrier_id(%barrier3A)
    %dma_start3A = arith.constant 0 : i32
    %dma_start3A_3 = tpu.memref_slice %arg12[%dma_start3A] : memref<10240xf32, #tpu.memory_space<vmem_shared>> -> memref<10240xf32, #tpu.memory_space<vmem_shared>>
    tpu.enqueue_indirect_dma source(%dma_start3A_3 : memref<10240xf32, #tpu.memory_space<vmem_shared>>) target(%arg10 : memref<10368xf32, #tpu.memory_space<vmem>>) offsets(%arg7 : memref<10368xi32, #tpu.memory_space<vmem>>) semaphore(%arg13 : memref<!tpu.dma_semaphore, #tpu.memory_space<semaphore_mem>>)
    %dma_start3A_4 = arith.constant 0 : i32
    %dma_start3A_5 = tpu.memref_slice %arg12[%dma_start3A_4] : memref<10240xf32, #tpu.memory_space<vmem_shared>> -> memref<10240xf32, #tpu.memory_space<vmem_shared>>
    tpu.enqueue_indirect_dma source(%dma_start3A_5 : memref<10240xf32, #tpu.memory_space<vmem_shared>>) target(%arg11 : memref<10368xf32, #tpu.memory_space<vmem>>) offsets(%arg8 : memref<10368xi32, #tpu.memory_space<vmem>>) semaphore(%arg13 : memref<!tpu.dma_semaphore, #tpu.memory_space<semaphore_mem>>)
    %dma_wait3A = arith.constant 0 : i32
    %dma_wait3A_6 = tpu.memref_slice %arg12[%dma_wait3A] : memref<10240xf32, #tpu.memory_space<vmem_shared>> -> memref<10240xf32, #tpu.memory_space<vmem_shared>>
    tpu.wait_indirect_dma semaphore(%arg13 : memref<!tpu.dma_semaphore, #tpu.memory_space<semaphore_mem>>) src(%dma_wait3A_6 : memref<10240xf32, #tpu.memory_space<vmem_shared>>) dst(%arg10 : memref<10368xf32, #tpu.memory_space<vmem>>)
    %dma_wait3A_7 = arith.constant 0 : i32
    %dma_wait3A_8 = tpu.memref_slice %arg12[%dma_wait3A_7] : memref<10240xf32, #tpu.memory_space<vmem_shared>> -> memref<10240xf32, #tpu.memory_space<vmem_shared>>
    tpu.wait_indirect_dma semaphore(%arg13 : memref<!tpu.dma_semaphore, #tpu.memory_space<semaphore_mem>>) src(%dma_wait3A_8 : memref<10240xf32, #tpu.memory_space<vmem_shared>>) dst(%arg11 : memref<10368xf32, #tpu.memory_space<vmem>>)
    %scan3A = arith.constant 0 : i32
    %scan3A_9 = arith.constant 0 : i32
    %scan3A_10 = arith.constant 648 : i32
    %scan3A_11 = arith.addi %scan3A_9, %scan3A_10 : i32
    %scan3A_12 = arith.constant 1 : i32
    %scan3A_13 = scf.for %scan3A_15 = %scan3A_9 to %scan3A_11 step %scan3A_12 iter_args(%scan3A_16 = %scan3A) -> (i32)  : i32 {
      %mul3A_17 = arith.constant 16 : i32
      %mul3A_18 = arith.muli %scan3A_15, %mul3A_17 : i32
      %get3A = arith.index_cast %mul3A_18 : i32 to index
      %get3A_19 = tpu.vector_load %arg9[%get3A] {strides = array<i32>} : memref<10368xf32, #tpu.memory_space<vmem>>, vector<16xf32>,
      %get3A_20 = vector.shape_cast %get3A_19 : vector<16xf32> to vector<16xf32>
      %get3A_21 = arith.index_cast %mul3A_18 : i32 to index
      %get3A_22 = tpu.vector_load %arg11[%get3A_21] {strides = array<i32>} : memref<10368xf32, #tpu.memory_space<vmem>>, vector<16xf32>,
      %get3A_23 = vector.shape_cast %get3A_22 : vector<16xf32> to vector<16xf32>
      %mul3A_24 = arith.mulf %get3A_20, %get3A_23 : vector<16xf32>
      %get3A_25 = arith.index_cast %mul3A_18 : i32 to index
      %get3A_26 = tpu.vector_load %arg10[%get3A_25] {strides = array<i32>} : memref<10368xf32, #tpu.memory_space<vmem>>, vector<16xf32>,
      %get3A_27 = vector.shape_cast %get3A_26 : vector<16xf32> to vector<16xf32>
      %mul3A_28 = arith.mulf %mul3A_24, %get3A_27 : vector<16xf32>
      %swap3A = arith.index_cast %mul3A_18 : i32 to index
      %swap3A_29 = tpu.vector_load %arg10[%swap3A] {strides = array<i32>} : memref<10368xf32, #tpu.memory_space<vmem>>, vector<16xf32>,
      %swap3A_30 = vector.shape_cast %swap3A_29 : vector<16xf32> to vector<16xf32>
      %swap3A_31 = vector.shape_cast %mul3A_28 : vector<16xf32> to vector<16xf32>
      tpu.vector_store %arg10[%swap3A], %swap3A_31 {strides = array<i32>} : memref<10368xf32, #tpu.memory_space<vmem>>, vector<16xf32>,
      %scan3A_32 = arith.constant 0 : i32
      scf.yield %scan3A_32 : i32
    }
    %scan3A_14 = arith.constant 648 : i32
    "tpu.region"() ({
      %run_scoped3A = tpu.sem_alloc : memref<!tpu.dma_semaphore, #tpu.memory_space<semaphore_mem>>
      %dma_start3A_15 = arith.constant 0 : i32
      %dma_start3A_16 = tpu.memref_slice %arg6[%add3A, %dma_start3A_15] : memref<32x10368xf32, #tpu.memory_space<hbm>> -> memref<1x10368xf32, #tpu.memory_space<hbm>>
      %dma_start3A_17 = tpu.memref_squeeze %dma_start3A_16 : memref<1x10368xf32, #tpu.memory_space<hbm>> -> memref<10368xf32, #tpu.memory_space<hbm>>
      %dma_start3A_18 = arith.constant 0 : i32
      %dma_start3A_19 = tpu.memref_slice %arg6[%add3A, %dma_start3A_18] : memref<32x10368xf32, #tpu.memory_space<hbm>> -> memref<1x10368xf32, #tpu.memory_space<hbm>>
      %dma_start3A_20 = tpu.memref_squeeze %dma_start3A_19 : memref<1x10368xf32, #tpu.memory_space<hbm>> -> memref<10368xf32, #tpu.memory_space<hbm>>
      tpu.enqueue_dma source(%arg10 : memref<10368xf32, #tpu.memory_space<vmem>>) target(%dma_start3A_20 : memref<10368xf32, #tpu.memory_space<hbm>>) target_semaphore(%run_scoped3A : memref<!tpu.dma_semaphore, #tpu.memory_space<semaphore_mem>>)
      %dma_wait3A_21 = arith.constant 0 : i32
      %dma_wait3A_22 = tpu.memref_slice %arg6[%add3A, %dma_wait3A_21] : memref<32x10368xf32, #tpu.memory_space<hbm>> -> memref<1x10368xf32, #tpu.memory_space<hbm>>
      %dma_wait3A_23 = tpu.memref_squeeze %dma_wait3A_22 : memref<1x10368xf32, #tpu.memory_space<hbm>> -> memref<10368xf32, #tpu.memory_space<hbm>>
      %dma_wait3A_24 = arith.constant 0 : i32
      %dma_wait3A_25 = tpu.memref_slice %arg6[%add3A, %dma_wait3A_24] : memref<32x10368xf32, #tpu.memory_space<hbm>> -> memref<1x10368xf32, #tpu.memory_space<hbm>>
      %dma_wait3A_26 = tpu.memref_squeeze %dma_wait3A_25 : memref<1x10368xf32, #tpu.memory_space<hbm>> -> memref<10368xf32, #tpu.memory_space<hbm>>
      tpu.wait_dma2 semaphore(%run_scoped3A : memref<!tpu.dma_semaphore, #tpu.memory_space<semaphore_mem>>) src(%arg10 : memref<10368xf32, #tpu.memory_space<vmem>>) dst(%dma_wait3A_26 : memref<10368xf32, #tpu.memory_space<hbm>>)
      tpu.yield
    }) : () -> ()
    return
  }
}

module attributes {stable_mosaic.version = 14 : i64} {
  func.func @_embed_body(%arg0: i32, %arg1: memref<128x128xf32, #tpu.memory_space<vmem>>, %arg2: memref<128x128xf32, #tpu.memory_space<vmem>>, %arg3: memref<1x128xf32, #tpu.memory_space<vmem>>, %arg4: memref<128x128xf32, #tpu.memory_space<vmem>>, %arg5: memref<1x128xf32, #tpu.memory_space<vmem>>, %arg6: memref<128x128xf32, #tpu.memory_space<vmem>>) attributes {dimension_semantics = [#tpu.dimension_semantics<arbitrary>], iteration_bounds = array<i64: 79>, scalar_prefetch = 0 : i64, scratch_operands = 0 : i64, tpu.core_type = #tpu.core_type<tc>, window_params = [{transform_indices = @transform_0, window_bounds = array<i64: 128, 128>}, {pipeline_mode = #tpu.pipeline_mode<synchronous>, transform_indices = @transform_1, window_bounds = array<i64: 128, 128>}, {pipeline_mode = #tpu.pipeline_mode<synchronous>, transform_indices = @transform_2, window_bounds = array<i64: 1, 128>}, {pipeline_mode = #tpu.pipeline_mode<synchronous>, transform_indices = @transform_3, window_bounds = array<i64: 128, 128>}, {pipeline_mode = #tpu.pipeline_mode<synchronous>, transform_indices = @transform_4, window_bounds = array<i64: 1, 128>}, {transform_indices = @transform_5, window_bounds = array<i64: 128, 128>}]} {
    %get3A = arith.constant 0 : index
    %get3A_0 = arith.constant 0 : index
    %get3A_1 = vector.load %arg1[%get3A, %get3A_0] : memref<128x128xf32, #tpu.memory_space<vmem>>, vector<128x128xf32>
    %get3A_2 = arith.constant 0 : index
    %get3A_3 = arith.constant 0 : index
    %get3A_4 = vector.load %arg2[%get3A_2, %get3A_3] : memref<128x128xf32, #tpu.memory_space<vmem>>, vector<128x128xf32>
    %dot_general3A = arith.constant dense<0.000000e+00> : vector<128x128xf32>
    %dot_general3A_5 = tpu.matmul %get3A_1, %get3A_4, %dot_general3A {dimension_numbers = #tpu.dot_dimension_numbers<[1], [0], [0], [1], [0, 0, 1, 1], [], []>, transpose_lhs_hint = false} : vector<128x128xf32>, vector<128x128xf32>, vector<128x128xf32> -> vector<128x128xf32>
    %get3A_6 = arith.constant 0 : index
    %get3A_7 = arith.constant 0 : index
    %get3A_8 = vector.load %arg3[%get3A_6, %get3A_7] : memref<1x128xf32, #tpu.memory_space<vmem>>, vector<1x128xf32>
    %add3A = vector.broadcast %get3A_8 : vector<1x128xf32> to vector<128x128xf32>
    %add3A_9 = arith.addf %dot_general3A_5, %add3A : vector<128x128xf32>
    %max3A = arith.constant 0.000000e+00 : f32
    %max3A_10 = vector.broadcast %max3A : f32 to vector<128x128xf32>
    %max3A_11 = arith.maximumf %add3A_9, %max3A_10 : vector<128x128xf32>
    %get3A_12 = arith.constant 0 : index
    %get3A_13 = arith.constant 0 : index
    %get3A_14 = vector.load %arg4[%get3A_12, %get3A_13] : memref<128x128xf32, #tpu.memory_space<vmem>>, vector<128x128xf32>
    %dot_general3A_15 = arith.constant dense<0.000000e+00> : vector<128x128xf32>
    %dot_general3A_16 = tpu.matmul %max3A_11, %get3A_14, %dot_general3A_15 {dimension_numbers = #tpu.dot_dimension_numbers<[1], [0], [0], [1], [0, 0, 1, 1], [], []>, transpose_lhs_hint = false} : vector<128x128xf32>, vector<128x128xf32>, vector<128x128xf32> -> vector<128x128xf32>
    %get3A_17 = arith.constant 0 : index
    %get3A_18 = arith.constant 0 : index
    %get3A_19 = vector.load %arg5[%get3A_17, %get3A_18] : memref<1x128xf32, #tpu.memory_space<vmem>>, vector<1x128xf32>
    %add3A_20 = vector.broadcast %get3A_19 : vector<1x128xf32> to vector<128x128xf32>
    %add3A_21 = arith.addf %dot_general3A_16, %add3A_20 : vector<128x128xf32>
    %mul3A = arith.mulf %add3A_21, %add3A_21 : vector<128x128xf32>
    %reduce_sum3A = arith.constant dense<0.000000e+00> : vector<128xf32>
    %reduce_sum3A_22 = vector.multi_reduction <add>, %mul3A, %reduce_sum3A [1] : vector<128x128xf32> to vector<128xf32>
    %broadcast_in_dim3A = vector.shape_cast %reduce_sum3A_22 : vector<128xf32> to vector<128x1xf32>
    %sqrt3A = math.sqrt %broadcast_in_dim3A : vector<128x1xf32>
    %max3A_23 = arith.constant 9.99999996E-13 : f32
    %max3A_24 = vector.broadcast %max3A_23 : f32 to vector<128x1xf32>
    %max3A_25 = arith.maximumf %sqrt3A, %max3A_24 : vector<128x1xf32>
    %div3A = vector.broadcast %max3A_25 : vector<128x1xf32> to vector<128x128xf32>
    %div3A_26 = arith.divf %add3A_21, %div3A : vector<128x128xf32>
    %swap3A = arith.constant 0 : index
    %swap3A_27 = arith.constant 0 : index
    %swap3A_28 = vector.load %arg6[%swap3A, %swap3A_27] : memref<128x128xf32, #tpu.memory_space<vmem>>, vector<128x128xf32>
    tpu.vector_store %arg6[%swap3A, %swap3A_27], %div3A_26 {strides = array<i32>} : memref<128x128xf32, #tpu.memory_space<vmem>>, vector<128x128xf32>,
    return
  }
  func.func @transform_0(%arg0: i32) -> (i32, i32) {
    %c0_i32 = arith.constant 0 : i32
    %c0_i32_0 = arith.constant 0 : i32
    return %arg0, %c0_i32 : i32, i32
  }
  func.func @transform_1(%arg0: i32) -> (i32, i32) {
    %c0_i32 = arith.constant 0 : i32
    %c0_i32_0 = arith.constant 0 : i32
    %c0_i32_1 = arith.constant 0 : i32
    return %c0_i32, %c0_i32_0 : i32, i32
  }
  func.func @transform_2(%arg0: i32) -> (i32, i32) {
    %c0_i32 = arith.constant 0 : i32
    %c0_i32_0 = arith.constant 0 : i32
    %c0_i32_1 = arith.constant 0 : i32
    return %c0_i32, %c0_i32_0 : i32, i32
  }
  func.func @transform_3(%arg0: i32) -> (i32, i32) {
    %c0_i32 = arith.constant 0 : i32
    %c0_i32_0 = arith.constant 0 : i32
    %c0_i32_1 = arith.constant 0 : i32
    return %c0_i32, %c0_i32_0 : i32, i32
  }
  func.func @transform_4(%arg0: i32) -> (i32, i32) {
    %c0_i32 = arith.constant 0 : i32
    %c0_i32_0 = arith.constant 0 : i32
    %c0_i32_1 = arith.constant 0 : i32
    return %c0_i32, %c0_i32_0 : i32, i32
  }
  func.func @transform_5(%arg0: i32) -> (i32, i32) {
    %c0_i32 = arith.constant 0 : i32
    %c0_i32_0 = arith.constant 0 : i32
    return %arg0, %c0_i32 : i32, i32
  }
}

module attributes {stable_mosaic.version = 14 : i64} {
  func.func @_topk_body(%arg0: i32, %arg1: memref<128x128xf32, #tpu.memory_space<vmem>>, %arg2: memref<128x10112xf32, #tpu.memory_space<vmem>>, %arg3: memref<128x128xf32, #tpu.memory_space<vmem>>, %arg4: memref<128x128xi32, #tpu.memory_space<vmem>>, %arg5: memref<2x79x128x128xf32, #tpu.memory_space<vmem>>, %arg6: memref<6x128x128xf32, #tpu.memory_space<vmem>>, %arg7: memref<6x128x128xi32, #tpu.memory_space<vmem>>, %arg8: memref<2x128x128xf32, #tpu.memory_space<vmem>>, %arg9: memref<2x128x128xi32, #tpu.memory_space<vmem>>) attributes {dimension_semantics = [#tpu.dimension_semantics<arbitrary>], iteration_bounds = array<i64: 80>, scalar_prefetch = 0 : i64, scratch_operands = 5 : i64, tpu.core_type = #tpu.core_type<tc>, window_params = [{transform_indices = @transform_0, window_bounds = array<i64: 128, 128>}, {pipeline_mode = #tpu.pipeline_mode<synchronous>, transform_indices = @transform_1, window_bounds = array<i64: 128, 10112>}, {transform_indices = @transform_2, window_bounds = array<i64: 128, 128>}, {transform_indices = @transform_3, window_bounds = array<i64: 128, 128>}]} {
    %iota3A = tpu.iota {dimensions = array<i32: 1>} : vector<128x128xi32>
    %lt3A = arith.constant 79 : i32
    %lt3A_0 = arith.cmpi slt, %arg0, %lt3A : i32
    %convert_element_type3A = arith.extui %lt3A_0 : i1 to i32
    %cond3A = arith.constant 0 : i32
    %cond3A_1 = arith.cmpi ne, %convert_element_type3A, %cond3A : i32
    scf.if %cond3A_1 {
      %get3A = arith.constant 0 : index
      %get3A_6 = arith.constant 0 : index
      %get3A_7 = vector.load %arg1[%get3A, %get3A_6] : memref<128x128xf32, #tpu.memory_space<vmem>>, vector<128x128xf32>
      %broadcast_in_dim3A = arith.constant -3.000000e+38 : f32
      %broadcast_in_dim3A_8 = vector.broadcast %broadcast_in_dim3A : f32 to vector<128x128xf32>
      %broadcast_in_dim3A_9 = arith.constant 0 : i32
      %broadcast_in_dim3A_10 = vector.broadcast %broadcast_in_dim3A_9 : i32 to vector<128x128xi32>
      %get3A_11 = arith.constant 0 : index
      %get3A_12 = arith.constant 0 : index
      %get3A_13 = vector.load %arg2[%get3A_11, %get3A_12] : memref<128x10112xf32, #tpu.memory_space<vmem>>, vector<128x128xf32>
      %dot_general3A = arith.constant dense<0.000000e+00> : vector<128x128xf32>
      %dot_general3A_14 = tpu.matmul %get3A_7, %get3A_13, %dot_general3A {dimension_numbers = #tpu.dot_dimension_numbers<[1], [0], [0], [1], [0, 0, 1, 1], [], []>, transpose_lhs_hint = false} : vector<128x128xf32>, vector<128x128xf32>, vector<128x128xf32> -> vector<128x128xf32>
      %jit3A = arith.constant 2 : i32
      %eq3A = arith.constant 0 : i32
      %eq3A_15 = arith.cmpi eq, %jit3A, %eq3A : i32
      %jit3A_16 = arith.constant 1 : i32
      %select_n3A = arith.select %eq3A_15, %jit3A_16, %jit3A : i32
      %rem3A = arith.remsi %arg0, %select_n3A : i32
      %ne3A = arith.constant 0 : i32
      %ne3A_17 = arith.cmpi ne, %rem3A, %ne3A : i32
      %lt3A_18 = arith.constant 0 : i32
      %lt3A_19 = arith.cmpi slt, %rem3A, %lt3A_18 : i32
      %lt3A_20 = arith.constant 0 : i32
      %lt3A_21 = arith.cmpi slt, %select_n3A, %lt3A_20 : i32
      %ne3A_22 = arith.xori %lt3A_19, %lt3A_21 : i1
      %and3A = arith.andi %ne3A_22, %ne3A_17 : i1
      %add3A = arith.addi %rem3A, %select_n3A : i32
      %select_n3A_23 = arith.select %and3A, %add3A, %rem3A : i32
      %swap3A = arith.index_cast %select_n3A_23 : i32 to index
      %swap3A_24 = arith.constant 0 : index
      %swap3A_25 = arith.constant 0 : index
      %swap3A_26 = arith.constant 0 : index
      %swap3A_27 = vector.load %arg5[%swap3A, %swap3A_24, %swap3A_25, %swap3A_26] : memref<2x79x128x128xf32, #tpu.memory_space<vmem>>, vector<1x1x128x128xf32>
      %swap3A_28 = vector.shape_cast %swap3A_27 : vector<1x1x128x128xf32> to vector<128x128xf32>
      %swap3A_29 = vector.shape_cast %dot_general3A_14 : vector<128x128xf32> to vector<1x1x128x128xf32>
      tpu.vector_store %arg5[%swap3A, %swap3A_24, %swap3A_25, %swap3A_26], %swap3A_29 {strides = array<i32>} : memref<2x79x128x128xf32, #tpu.memory_space<vmem>>, vector<1x1x128x128xf32>,
      %gt3A_30 = arith.cmpf ogt, %dot_general3A_14, %broadcast_in_dim3A_8 : vector<128x128xf32>
      %select_n3A_31 = arith.select %gt3A_30, %dot_general3A_14, %broadcast_in_dim3A_8 : vector<128x128xi1>, vector<128x128xf32>
      %jit3A_32 = arith.constant 0 : i32
      %broadcast_in_dim3A_33 = vector.broadcast %jit3A_32 : i32 to vector<128x128xi32>
      %select_n3A_34 = arith.select %gt3A_30, %broadcast_in_dim3A_33, %broadcast_in_dim3A_10 : vector<128x128xi1>, vector<128x128xi32>
      %get3A_35 = arith.constant 0 : index
      %get3A_36 = arith.constant 128 : index
      %get3A_37 = vector.load %arg2[%get3A_35, %get3A_36] : memref<128x10112xf32, #tpu.memory_space<vmem>>, vector<128x128xf32>
      %dot_general3A_38 = arith.constant dense<0.000000e+00> : vector<128x128xf32>
      %dot_general3A_39 = tpu.matmul %get3A_7, %get3A_37, %dot_general3A_38 {dimension_numbers = #tpu.dot_dimension_numbers<[1], [0], [0], [1], [0, 0, 1, 1], [], []>, transpose_lhs_hint = false} : vector<128x128xf32>, vector<128x128xf32>, vector<128x128xf32> -> vector<128x128xf32>
      %jit3A_40 = arith.constant 2 : i32
      %eq3A_41 = arith.constant 0 : i32
      %eq3A_42 = arith.cmpi eq, %jit3A_40, %eq3A_41 : i32
      %jit3A_43 = arith.constant 1 : i32
      %select_n3A_44 = arith.select %eq3A_42, %jit3A_43, %jit3A_40 : i32
      %rem3A_45 = arith.remsi %arg0, %select_n3A_44 : i32
      %ne3A_46 = arith.constant 0 : i32
      %ne3A_47 = arith.cmpi ne, %rem3A_45, %ne3A_46 : i32
      %lt3A_48 = arith.constant 0 : i32
      %lt3A_49 = arith.cmpi slt, %rem3A_45, %lt3A_48 : i32
      %lt3A_50 = arith.constant 0 : i32
      %lt3A_51 = arith.cmpi slt, %select_n3A_44, %lt3A_50 : i32
      %ne3A_52 = arith.xori %lt3A_49, %lt3A_51 : i1
      %and3A_53 = arith.andi %ne3A_52, %ne3A_47 : i1
      %add3A_54 = arith.addi %rem3A_45, %select_n3A_44 : i32
      %select_n3A_55 = arith.select %and3A_53, %add3A_54, %rem3A_45 : i32
      %swap3A_56 = arith.index_cast %select_n3A_55 : i32 to index
      %swap3A_57 = arith.constant 1 : index
      %swap3A_58 = arith.constant 0 : index
      %swap3A_59 = arith.constant 0 : index
      %swap3A_60 = vector.load %arg5[%swap3A_56, %swap3A_57, %swap3A_58, %swap3A_59] : memref<2x79x128x128xf32, #tpu.memory_space<vmem>>, vector<1x1x128x128xf32>
      %swap3A_61 = vector.shape_cast %swap3A_60 : vector<1x1x128x128xf32> to vector<128x128xf32>
      %swap3A_62 = vector.shape_cast %dot_general3A_39 : vector<128x128xf32> to vector<1x1x128x128xf32>
      tpu.vector_store %arg5[%swap3A_56, %swap3A_57, %swap3A_58, %swap3A_59], %swap3A_62 {strides = array<i32>} : memref<2x79x128x128xf32, #tpu.memory_space<vmem>>, vector<1x1x128x128xf32>,
      %gt3A_63 = arith.cmpf ogt, %dot_general3A_39, %select_n3A_31 : vector<128x128xf32>
      %select_n3A_64 = arith.select %gt3A_63, %dot_general3A_39, %select_n3A_31 : vector<128x128xi1>, vector<128x128xf32>
      %jit3A_65 = arith.constant 1 : i32
      %broadcast_in_dim3A_66 = vector.broadcast %jit3A_65 : i32 to vector<128x128xi32>
      %select_n3A_67 = arith.select %gt3A_63, %broadcast_in_dim3A_66, %select_n3A_34 : vector<128x128xi1>, vector<128x128xi32>
      %get3A_68 = arith.constant 0 : index
      %get3A_69 = arith.constant 256 : index
      %get3A_70 = vector.load %arg2[%get3A_68, %get3A_69] : memref<128x10112xf32, #tpu.memory_space<vmem>>, vector<128x128xf32>
      %dot_general3A_71 = arith.constant dense<0.000000e+00> : vector<128x128xf32>
      %dot_general3A_72 = tpu.matmul %get3A_7, %get3A_70, %dot_general3A_71 {dimension_numbers = #tpu.dot_dimension_numbers<[1], [0], [0], [1], [0, 0, 1, 1], [], []>, transpose_lhs_hint = false} : vector<128x128xf32>, vector<128x128xf32>, vector<128x128xf32> -> vector<128x128xf32>
      %jit3A_73 = arith.constant 2 : i32
      %eq3A_74 = arith.constant 0 : i32
      %eq3A_75 = arith.cmpi eq, %jit3A_73, %eq3A_74 : i32
      %jit3A_76 = arith.constant 1 : i32
      %select_n3A_77 = arith.select %eq3A_75, %jit3A_76, %jit3A_73 : i32
      %rem3A_78 = arith.remsi %arg0, %select_n3A_77 : i32
      %ne3A_79 = arith.constant 0 : i32
      %ne3A_80 = arith.cmpi ne, %rem3A_78, %ne3A_79 : i32
      %lt3A_81 = arith.constant 0 : i32
      %lt3A_82 = arith.cmpi slt, %rem3A_78, %lt3A_81 : i32
      %lt3A_83 = arith.constant 0 : i32
      %lt3A_84 = arith.cmpi slt, %select_n3A_77, %lt3A_83 : i32
      %ne3A_85 = arith.xori %lt3A_82, %lt3A_84 : i1
      %and3A_86 = arith.andi %ne3A_85, %ne3A_80 : i1
      %add3A_87 = arith.addi %rem3A_78, %select_n3A_77 : i32
      %select_n3A_88 = arith.select %and3A_86, %add3A_87, %rem3A_78 : i32
      %swap3A_89 = arith.index_cast %select_n3A_88 : i32 to index
      %swap3A_90 = arith.constant 2 : index
      %swap3A_91 = arith.constant 0 : index
      %swap3A_92 = arith.constant 0 : index
      %swap3A_93 = vector.load %arg5[%swap3A_89, %swap3A_90, %swap3A_91, %swap3A_92] : memref<2x79x128x128xf32, #tpu.memory_space<vmem>>, vector<1x1x128x128xf32>
      %swap3A_94 = vector.shape_cast %swap3A_93 : vector<1x1x128x128xf32> to vector<128x128xf32>
      %swap3A_95 = vector.shape_cast %dot_general3A_72 : vector<128x128xf32> to vector<1x1x128x128xf32>
      tpu.vector_store %arg5[%swap3A_89, %swap3A_90, %swap3A_91, %swap3A_92], %swap3A_95 {strides = array<i32>} : memref<2x79x128x128xf32, #tpu.memory_space<vmem>>, vector<1x1x128x128xf32>,
      %gt3A_96 = arith.cmpf ogt, %dot_general3A_72, %select_n3A_64 : vector<128x128xf32>
      %select_n3A_97 = arith.select %gt3A_96, %dot_general3A_72, %select_n3A_64 : vector<128x128xi1>, vector<128x128xf32>
      %jit3A_98 = arith.constant 2 : i32
      %broadcast_in_dim3A_99 = vector.broadcast %jit3A_98 : i32 to vector<128x128xi32>
      %select_n3A_100 = arith.select %gt3A_96, %broadcast_in_dim3A_99, %select_n3A_67 : vector<128x128xi1>, vector<128x128xi32>
      %get3A_101 = arith.constant 0 : index
      %get3A_102 = arith.constant 384 : index
      %get3A_103 = vector.load %arg2[%get3A_101, %get3A_102] : memref<128x10112xf32, #tpu.memory_space<vmem>>, vector<128x128xf32>
      %dot_general3A_104 = arith.constant dense<0.000000e+00> : vector<128x128xf32>
      %dot_general3A_105 = tpu.matmul %get3A_7, %get3A_103, %dot_general3A_104 {dimension_numbers = #tpu.dot_dimension_numbers<[1], [0], [0], [1], [0, 0, 1, 1], [], []>, transpose_lhs_hint = false} : vector<128x128xf32>, vector<128x128xf32>, vector<128x128xf32> -> vector<128x128xf32>
      %jit3A_106 = arith.constant 2 : i32
      %eq3A_107 = arith.constant 0 : i32
      %eq3A_108 = arith.cmpi eq, %jit3A_106, %eq3A_107 : i32
      %jit3A_109 = arith.constant 1 : i32
      %select_n3A_110 = arith.select %eq3A_108, %jit3A_109, %jit3A_106 : i32
      %rem3A_111 = arith.remsi %arg0, %select_n3A_110 : i32
      %ne3A_112 = arith.constant 0 : i32
      %ne3A_113 = arith.cmpi ne, %rem3A_111, %ne3A_112 : i32
      %lt3A_114 = arith.constant 0 : i32
      %lt3A_115 = arith.cmpi slt, %rem3A_111, %lt3A_114 : i32
      %lt3A_116 = arith.constant 0 : i32
      %lt3A_117 = arith.cmpi slt, %select_n3A_110, %lt3A_116 : i32
      %ne3A_118 = arith.xori %lt3A_115, %lt3A_117 : i1
      %and3A_119 = arith.andi %ne3A_118, %ne3A_113 : i1
      %add3A_120 = arith.addi %rem3A_111, %select_n3A_110 : i32
      %select_n3A_121 = arith.select %and3A_119, %add3A_120, %rem3A_111 : i32
      %swap3A_122 = arith.index_cast %select_n3A_121 : i32 to index
      %swap3A_123 = arith.constant 3 : index
      %swap3A_124 = arith.constant 0 : index
      %swap3A_125 = arith.constant 0 : index
      %swap3A_126 = vector.load %arg5[%swap3A_122, %swap3A_123, %swap3A_124, %swap3A_125] : memref<2x79x128x128xf32, #tpu.memory_space<vmem>>, vector<1x1x128x128xf32>
      %swap3A_127 = vector.shape_cast %swap3A_126 : vector<1x1x128x128xf32> to vector<128x128xf32>
      %swap3A_128 = vector.shape_cast %dot_general3A_105 : vector<128x128xf32> to vector<1x1x128x128xf32>
      tpu.vector_store %arg5[%swap3A_122, %swap3A_123, %swap3A_124, %swap3A_125], %swap3A_128 {strides = array<i32>} : memref<2x79x128x128xf32, #tpu.memory_space<vmem>>, vector<1x1x128x128xf32>,
      %gt3A_129 = arith.cmpf ogt, %dot_general3A_105, %select_n3A_97 : vector<128x128xf32>
      %select_n3A_130 = arith.select %gt3A_129, %dot_general3A_105, %select_n3A_97 : vector<128x128xi1>, vector<128x128xf32>
      %jit3A_131 = arith.constant 3 : i32
      %broadcast_in_dim3A_132 = vector.broadcast %jit3A_131 : i32 to vector<128x128xi32>
      %select_n3A_133 = arith.select %gt3A_129, %broadcast_in_dim3A_132, %select_n3A_100 : vector<128x128xi1>, vector<128x128xi32>
      %get3A_134 = arith.constant 0 : index
      %get3A_135 = arith.constant 512 : index
      %get3A_136 = vector.load %arg2[%get3A_134, %get3A_135] : memref<128x10112xf32, #tpu.memory_space<vmem>>, vector<128x128xf32>
      %dot_general3A_137 = arith.constant dense<0.000000e+00> : vector<128x128xf32>
      %dot_general3A_138 = tpu.matmul %get3A_7, %get3A_136, %dot_general3A_137 {dimension_numbers = #tpu.dot_dimension_numbers<[1], [0], [0], [1], [0, 0, 1, 1], [], []>, transpose_lhs_hint = false} : vector<128x128xf32>, vector<128x128xf32>, vector<128x128xf32> -> vector<128x128xf32>
      %jit3A_139 = arith.constant 2 : i32
      %eq3A_140 = arith.constant 0 : i32
      %eq3A_141 = arith.cmpi eq, %jit3A_139, %eq3A_140 : i32
      %jit3A_142 = arith.constant 1 : i32
      %select_n3A_143 = arith.select %eq3A_141, %jit3A_142, %jit3A_139 : i32
      %rem3A_144 = arith.remsi %arg0, %select_n3A_143 : i32
      %ne3A_145 = arith.constant 0 : i32
      %ne3A_146 = arith.cmpi ne, %rem3A_144, %ne3A_145 : i32
      %lt3A_147 = arith.constant 0 : i32
      %lt3A_148 = arith.cmpi slt, %rem3A_144, %lt3A_147 : i32
      %lt3A_149 = arith.constant 0 : i32
      %lt3A_150 = arith.cmpi slt, %select_n3A_143, %lt3A_149 : i32
      %ne3A_151 = arith.xori %lt3A_148, %lt3A_150 : i1
      %and3A_152 = arith.andi %ne3A_151, %ne3A_146 : i1
      %add3A_153 = arith.addi %rem3A_144, %select_n3A_143 : i32
      %select_n3A_154 = arith.select %and3A_152, %add3A_153, %rem3A_144 : i32
      %swap3A_155 = arith.index_cast %select_n3A_154 : i32 to index
      %swap3A_156 = arith.constant 4 : index
      %swap3A_157 = arith.constant 0 : index
      %swap3A_158 = arith.constant 0 : index
      %swap3A_159 = vector.load %arg5[%swap3A_155, %swap3A_156, %swap3A_157, %swap3A_158] : memref<2x79x128x128xf32, #tpu.memory_space<vmem>>, vector<1x1x128x128xf32>
      %swap3A_160 = vector.shape_cast %swap3A_159 : vector<1x1x128x128xf32> to vector<128x128xf32>
      %swap3A_161 = vector.shape_cast %dot_general3A_138 : vector<128x128xf32> to vector<1x1x128x128xf32>
      tpu.vector_store %arg5[%swap3A_155, %swap3A_156, %swap3A_157, %swap3A_158], %swap3A_161 {strides = array<i32>} : memref<2x79x128x128xf32, #tpu.memory_space<vmem>>, vector<1x1x128x128xf32>,
      %gt3A_162 = arith.cmpf ogt, %dot_general3A_138, %select_n3A_130 : vector<128x128xf32>
      %select_n3A_163 = arith.select %gt3A_162, %dot_general3A_138, %select_n3A_130 : vector<128x128xi1>, vector<128x128xf32>
      %jit3A_164 = arith.constant 4 : i32
      %broadcast_in_dim3A_165 = vector.broadcast %jit3A_164 : i32 to vector<128x128xi32>
      %select_n3A_166 = arith.select %gt3A_162, %broadcast_in_dim3A_165, %select_n3A_133 : vector<128x128xi1>, vector<128x128xi32>
      %get3A_167 = arith.constant 0 : index
      %get3A_168 = arith.constant 640 : index
      %get3A_169 = vector.load %arg2[%get3A_167, %get3A_168] : memref<128x10112xf32, #tpu.memory_space<vmem>>, vector<128x128xf32>
      %dot_general3A_170 = arith.constant dense<0.000000e+00> : vector<128x128xf32>
      %dot_general3A_171 = tpu.matmul %get3A_7, %get3A_169, %dot_general3A_170 {dimension_numbers = #tpu.dot_dimension_numbers<[1], [0], [0], [1], [0, 0, 1, 1], [], []>, transpose_lhs_hint = false} : vector<128x128xf32>, vector<128x128xf32>, vector<128x128xf32> -> vector<128x128xf32>
      %jit3A_172 = arith.constant 2 : i32
      %eq3A_173 = arith.constant 0 : i32
      %eq3A_174 = arith.cmpi eq, %jit3A_172, %eq3A_173 : i32
      %jit3A_175 = arith.constant 1 : i32
      %select_n3A_176 = arith.select %eq3A_174, %jit3A_175, %jit3A_172 : i32
      %rem3A_177 = arith.remsi %arg0, %select_n3A_176 : i32
      %ne3A_178 = arith.constant 0 : i32
      %ne3A_179 = arith.cmpi ne, %rem3A_177, %ne3A_178 : i32
      %lt3A_180 = arith.constant 0 : i32
      %lt3A_181 = arith.cmpi slt, %rem3A_177, %lt3A_180 : i32
      %lt3A_182 = arith.constant 0 : i32
      %lt3A_183 = arith.cmpi slt, %select_n3A_176, %lt3A_182 : i32
      %ne3A_184 = arith.xori %lt3A_181, %lt3A_183 : i1
      %and3A_185 = arith.andi %ne3A_184, %ne3A_179 : i1
      %add3A_186 = arith.addi %rem3A_177, %select_n3A_176 : i32
      %select_n3A_187 = arith.select %and3A_185, %add3A_186, %rem3A_177 : i32
      %swap3A_188 = arith.index_cast %select_n3A_187 : i32 to index
      %swap3A_189 = arith.constant 5 : index
      %swap3A_190 = arith.constant 0 : index
      %swap3A_191 = arith.constant 0 : index
      %swap3A_192 = vector.load %arg5[%swap3A_188, %swap3A_189, %swap3A_190, %swap3A_191] : memref<2x79x128x128xf32, #tpu.memory_space<vmem>>, vector<1x1x128x128xf32>
      %swap3A_193 = vector.shape_cast %swap3A_192 : vector<1x1x128x128xf32> to vector<128x128xf32>
      %swap3A_194 = vector.shape_cast %dot_general3A_171 : vector<128x128xf32> to vector<1x1x128x128xf32>
      tpu.vector_store %arg5[%swap3A_188, %swap3A_189, %swap3A_190, %swap3A_191], %swap3A_194 {strides = array<i32>} : memref<2x79x128x128xf32, #tpu.memory_space<vmem>>, vector<1x1x128x128xf32>,
      %gt3A_195 = arith.cmpf ogt, %dot_general3A_171, %select_n3A_163 : vector<128x128xf32>
      %select_n3A_196 = arith.select %gt3A_195, %dot_general3A_171, %select_n3A_163 : vector<128x128xi1>, vector<128x128xf32>
      %jit3A_197 = arith.constant 5 : i32
      %broadcast_in_dim3A_198 = vector.broadcast %jit3A_197 : i32 to vector<128x128xi32>
      %select_n3A_199 = arith.select %gt3A_195, %broadcast_in_dim3A_198, %select_n3A_166 : vector<128x128xi1>, vector<128x128xi32>
      %get3A_200 = arith.constant 0 : index
      %get3A_201 = arith.constant 768 : index
      %get3A_202 = vector.load %arg2[%get3A_200, %get3A_201] : memref<128x10112xf32, #tpu.memory_space<vmem>>, vector<128x128xf32>
      %dot_general3A_203 = arith.constant dense<0.000000e+00> : vector<128x128xf32>
      %dot_general3A_204 = tpu.matmul %get3A_7, %get3A_202, %dot_general3A_203 {dimension_numbers = #tpu.dot_dimension_numbers<[1], [0], [0], [1], [0, 0, 1, 1], [], []>, transpose_lhs_hint = false} : vector<128x128xf32>, vector<128x128xf32>, vector<128x128xf32> -> vector<128x128xf32>
      %jit3A_205 = arith.constant 2 : i32
      %eq3A_206 = arith.constant 0 : i32
      %eq3A_207 = arith.cmpi eq, %jit3A_205, %eq3A_206 : i32
      %jit3A_208 = arith.constant 1 : i32
      %select_n3A_209 = arith.select %eq3A_207, %jit3A_208, %jit3A_205 : i32
      %rem3A_210 = arith.remsi %arg0, %select_n3A_209 : i32
      %ne3A_211 = arith.constant 0 : i32
      %ne3A_212 = arith.cmpi ne, %rem3A_210, %ne3A_211 : i32
      %lt3A_213 = arith.constant 0 : i32
      %lt3A_214 = arith.cmpi slt, %rem3A_210, %lt3A_213 : i32
      %lt3A_215 = arith.constant 0 : i32
      %lt3A_216 = arith.cmpi slt, %select_n3A_209, %lt3A_215 : i32
      %ne3A_217 = arith.xori %lt3A_214, %lt3A_216 : i1
      %and3A_218 = arith.andi %ne3A_217, %ne3A_212 : i1
      %add3A_219 = arith.addi %rem3A_210, %select_n3A_209 : i32
      %select_n3A_220 = arith.select %and3A_218, %add3A_219, %rem3A_210 : i32
      %swap3A_221 = arith.index_cast %select_n3A_220 : i32 to index
      %swap3A_222 = arith.constant 6 : index
      %swap3A_223 = arith.constant 0 : index
      %swap3A_224 = arith.constant 0 : index
      %swap3A_225 = vector.load %arg5[%swap3A_221, %swap3A_222, %swap3A_223, %swap3A_224] : memref<2x79x128x128xf32, #tpu.memory_space<vmem>>, vector<1x1x128x128xf32>
      %swap3A_226 = vector.shape_cast %swap3A_225 : vector<1x1x128x128xf32> to vector<128x128xf32>
      %swap3A_227 = vector.shape_cast %dot_general3A_204 : vector<128x128xf32> to vector<1x1x128x128xf32>
      tpu.vector_store %arg5[%swap3A_221, %swap3A_222, %swap3A_223, %swap3A_224], %swap3A_227 {strides = array<i32>} : memref<2x79x128x128xf32, #tpu.memory_space<vmem>>, vector<1x1x128x128xf32>,
      %gt3A_228 = arith.cmpf ogt, %dot_general3A_204, %select_n3A_196 : vector<128x128xf32>
      %select_n3A_229 = arith.select %gt3A_228, %dot_general3A_204, %select_n3A_196 : vector<128x128xi1>, vector<128x128xf32>
      %jit3A_230 = arith.constant 6 : i32
      %broadcast_in_dim3A_231 = vector.broadcast %jit3A_230 : i32 to vector<128x128xi32>
      %select_n3A_232 = arith.select %gt3A_228, %broadcast_in_dim3A_231, %select_n3A_199 : vector<128x128xi1>, vector<128x128xi32>
      %get3A_233 = arith.constant 0 : index
      %get3A_234 = arith.constant 896 : index
      %get3A_235 = vector.load %arg2[%get3A_233, %get3A_234] : memref<128x10112xf32, #tpu.memory_space<vmem>>, vector<128x128xf32>
      %dot_general3A_236 = arith.constant dense<0.000000e+00> : vector<128x128xf32>
      %dot_general3A_237 = tpu.matmul %get3A_7, %get3A_235, %dot_general3A_236 {dimension_numbers = #tpu.dot_dimension_numbers<[1], [0], [0], [1], [0, 0, 1, 1], [], []>, transpose_lhs_hint = false} : vector<128x128xf32>, vector<128x128xf32>, vector<128x128xf32> -> vector<128x128xf32>
      %jit3A_238 = arith.constant 2 : i32
      %eq3A_239 = arith.constant 0 : i32
      %eq3A_240 = arith.cmpi eq, %jit3A_238, %eq3A_239 : i32
      %jit3A_241 = arith.constant 1 : i32
      %select_n3A_242 = arith.select %eq3A_240, %jit3A_241, %jit3A_238 : i32
      %rem3A_243 = arith.remsi %arg0, %select_n3A_242 : i32
      %ne3A_244 = arith.constant 0 : i32
      %ne3A_245 = arith.cmpi ne, %rem3A_243, %ne3A_244 : i32
      %lt3A_246 = arith.constant 0 : i32
      %lt3A_247 = arith.cmpi slt, %rem3A_243, %lt3A_246 : i32
      %lt3A_248 = arith.constant 0 : i32
      %lt3A_249 = arith.cmpi slt, %select_n3A_242, %lt3A_248 : i32
      %ne3A_250 = arith.xori %lt3A_247, %lt3A_249 : i1
      %and3A_251 = arith.andi %ne3A_250, %ne3A_245 : i1
      %add3A_252 = arith.addi %rem3A_243, %select_n3A_242 : i32
      %select_n3A_253 = arith.select %and3A_251, %add3A_252, %rem3A_243 : i32
      %swap3A_254 = arith.index_cast %select_n3A_253 : i32 to index
      %swap3A_255 = arith.constant 7 : index
      %swap3A_256 = arith.constant 0 : index
      %swap3A_257 = arith.constant 0 : index
      %swap3A_258 = vector.load %arg5[%swap3A_254, %swap3A_255, %swap3A_256, %swap3A_257] : memref<2x79x128x128xf32, #tpu.memory_space<vmem>>, vector<1x1x128x128xf32>
      %swap3A_259 = vector.shape_cast %swap3A_258 : vector<1x1x128x128xf32> to vector<128x128xf32>
      %swap3A_260 = vector.shape_cast %dot_general3A_237 : vector<128x128xf32> to vector<1x1x128x128xf32>
      tpu.vector_store %arg5[%swap3A_254, %swap3A_255, %swap3A_256, %swap3A_257], %swap3A_260 {strides = array<i32>} : memref<2x79x128x128xf32, #tpu.memory_space<vmem>>, vector<1x1x128x128xf32>,
      %gt3A_261 = arith.cmpf ogt, %dot_general3A_237, %select_n3A_229 : vector<128x128xf32>
      %select_n3A_262 = arith.select %gt3A_261, %dot_general3A_237, %select_n3A_229 : vector<128x128xi1>, vector<128x128xf32>
      %jit3A_263 = arith.constant 7 : i32
      %broadcast_in_dim3A_264 = vector.broadcast %jit3A_263 : i32 to vector<128x128xi32>
      %select_n3A_265 = arith.select %gt3A_261, %broadcast_in_dim3A_264, %select_n3A_232 : vector<128x128xi1>, vector<128x128xi32>
      %get3A_266 = arith.constant 0 : index
      %get3A_267 = arith.constant 1024 : index
      %get3A_268 = vector.load %arg2[%get3A_266, %get3A_267] : memref<128x10112xf32, #tpu.memory_space<vmem>>, vector<128x128xf32>
      %dot_general3A_269 = arith.constant dense<0.000000e+00> : vector<128x128xf32>
      %dot_general3A_270 = tpu.matmul %get3A_7, %get3A_268, %dot_general3A_269 {dimension_numbers = #tpu.dot_dimension_numbers<[1], [0], [0], [1], [0, 0, 1, 1], [], []>, transpose_lhs_hint = false} : vector<128x128xf32>, vector<128x128xf32>, vector<128x128xf32> -> vector<128x128xf32>
      %jit3A_271 = arith.constant 2 : i32
      %eq3A_272 = arith.constant 0 : i32
      %eq3A_273 = arith.cmpi eq, %jit3A_271, %eq3A_272 : i32
      %jit3A_274 = arith.constant 1 : i32
      %select_n3A_275 = arith.select %eq3A_273, %jit3A_274, %jit3A_271 : i32
      %rem3A_276 = arith.remsi %arg0, %select_n3A_275 : i32
      %ne3A_277 = arith.constant 0 : i32
      %ne3A_278 = arith.cmpi ne, %rem3A_276, %ne3A_277 : i32
      %lt3A_279 = arith.constant 0 : i32
      %lt3A_280 = arith.cmpi slt, %rem3A_276, %lt3A_279 : i32
      %lt3A_281 = arith.constant 0 : i32
      %lt3A_282 = arith.cmpi slt, %select_n3A_275, %lt3A_281 : i32
      %ne3A_283 = arith.xori %lt3A_280, %lt3A_282 : i1
      %and3A_284 = arith.andi %ne3A_283, %ne3A_278 : i1
      %add3A_285 = arith.addi %rem3A_276, %select_n3A_275 : i32
      %select_n3A_286 = arith.select %and3A_284, %add3A_285, %rem3A_276 : i32
      %swap3A_287 = arith.index_cast %select_n3A_286 : i32 to index
      %swap3A_288 = arith.constant 8 : index
      %swap3A_289 = arith.constant 0 : index
      %swap3A_290 = arith.constant 0 : index
      %swap3A_291 = vector.load %arg5[%swap3A_287, %swap3A_288, %swap3A_289, %swap3A_290] : memref<2x79x128x128xf32, #tpu.memory_space<vmem>>, vector<1x1x128x128xf32>
      %swap3A_292 = vector.shape_cast %swap3A_291 : vector<1x1x128x128xf32> to vector<128x128xf32>
      %swap3A_293 = vector.shape_cast %dot_general3A_270 : vector<128x128xf32> to vector<1x1x128x128xf32>
      tpu.vector_store %arg5[%swap3A_287, %swap3A_288, %swap3A_289, %swap3A_290], %swap3A_293 {strides = array<i32>} : memref<2x79x128x128xf32, #tpu.memory_space<vmem>>, vector<1x1x128x128xf32>,
      %gt3A_294 = arith.cmpf ogt, %dot_general3A_270, %select_n3A_262 : vector<128x128xf32>
      %select_n3A_295 = arith.select %gt3A_294, %dot_general3A_270, %select_n3A_262 : vector<128x128xi1>, vector<128x128xf32>
      %jit3A_296 = arith.constant 8 : i32
      %broadcast_in_dim3A_297 = vector.broadcast %jit3A_296 : i32 to vector<128x128xi32>
      %select_n3A_298 = arith.select %gt3A_294, %broadcast_in_dim3A_297, %select_n3A_265 : vector<128x128xi1>, vector<128x128xi32>
      %get3A_299 = arith.constant 0 : index
      %get3A_300 = arith.constant 1152 : index
      %get3A_301 = vector.load %arg2[%get3A_299, %get3A_300] : memref<128x10112xf32, #tpu.memory_space<vmem>>, vector<128x128xf32>
      %dot_general3A_302 = arith.constant dense<0.000000e+00> : vector<128x128xf32>
      %dot_general3A_303 = tpu.matmul %get3A_7, %get3A_301, %dot_general3A_302 {dimension_numbers = #tpu.dot_dimension_numbers<[1], [0], [0], [1], [0, 0, 1, 1], [], []>, transpose_lhs_hint = false} : vector<128x128xf32>, vector<128x128xf32>, vector<128x128xf32> -> vector<128x128xf32>
      %jit3A_304 = arith.constant 2 : i32
      %eq3A_305 = arith.constant 0 : i32
      %eq3A_306 = arith.cmpi eq, %jit3A_304, %eq3A_305 : i32
      %jit3A_307 = arith.constant 1 : i32
      %select_n3A_308 = arith.select %eq3A_306, %jit3A_307, %jit3A_304 : i32
      %rem3A_309 = arith.remsi %arg0, %select_n3A_308 : i32
      %ne3A_310 = arith.constant 0 : i32
      %ne3A_311 = arith.cmpi ne, %rem3A_309, %ne3A_310 : i32
      %lt3A_312 = arith.constant 0 : i32
      %lt3A_313 = arith.cmpi slt, %rem3A_309, %lt3A_312 : i32
      %lt3A_314 = arith.constant 0 : i32
      %lt3A_315 = arith.cmpi slt, %select_n3A_308, %lt3A_314 : i32
      %ne3A_316 = arith.xori %lt3A_313, %lt3A_315 : i1
      %and3A_317 = arith.andi %ne3A_316, %ne3A_311 : i1
      %add3A_318 = arith.addi %rem3A_309, %select_n3A_308 : i32
      %select_n3A_319 = arith.select %and3A_317, %add3A_318, %rem3A_309 : i32
      %swap3A_320 = arith.index_cast %select_n3A_319 : i32 to index
      %swap3A_321 = arith.constant 9 : index
      %swap3A_322 = arith.constant 0 : index
      %swap3A_323 = arith.constant 0 : index
      %swap3A_324 = vector.load %arg5[%swap3A_320, %swap3A_321, %swap3A_322, %swap3A_323] : memref<2x79x128x128xf32, #tpu.memory_space<vmem>>, vector<1x1x128x128xf32>
      %swap3A_325 = vector.shape_cast %swap3A_324 : vector<1x1x128x128xf32> to vector<128x128xf32>
      %swap3A_326 = vector.shape_cast %dot_general3A_303 : vector<128x128xf32> to vector<1x1x128x128xf32>
      tpu.vector_store %arg5[%swap3A_320, %swap3A_321, %swap3A_322, %swap3A_323], %swap3A_326 {strides = array<i32>} : memref<2x79x128x128xf32, #tpu.memory_space<vmem>>, vector<1x1x128x128xf32>,
      %gt3A_327 = arith.cmpf ogt, %dot_general3A_303, %select_n3A_295 : vector<128x128xf32>
      %select_n3A_328 = arith.select %gt3A_327, %dot_general3A_303, %select_n3A_295 : vector<128x128xi1>, vector<128x128xf32>
      %jit3A_329 = arith.constant 9 : i32
      %broadcast_in_dim3A_330 = vector.broadcast %jit3A_329 : i32 to vector<128x128xi32>
      %select_n3A_331 = arith.select %gt3A_327, %broadcast_in_dim3A_330, %select_n3A_298 : vector<128x128xi1>, vector<128x128xi32>
      %get3A_332 = arith.constant 0 : index
      %get3A_333 = arith.constant 1280 : index
      %get3A_334 = vector.load %arg2[%get3A_332, %get3A_333] : memref<128x10112xf32, #tpu.memory_space<vmem>>, vector<128x128xf32>
      %dot_general3A_335 = arith.constant dense<0.000000e+00> : vector<128x128xf32>
      %dot_general3A_336 = tpu.matmul %get3A_7, %get3A_334, %dot_general3A_335 {dimension_numbers = #tpu.dot_dimension_numbers<[1], [0], [0], [1], [0, 0, 1, 1], [], []>, transpose_lhs_hint = false} : vector<128x128xf32>, vector<128x128xf32>, vector<128x128xf32> -> vector<128x128xf32>
      %jit3A_337 = arith.constant 2 : i32
      %eq3A_338 = arith.constant 0 : i32
      %eq3A_339 = arith.cmpi eq, %jit3A_337, %eq3A_338 : i32
      %jit3A_340 = arith.constant 1 : i32
      %select_n3A_341 = arith.select %eq3A_339, %jit3A_340, %jit3A_337 : i32
      %rem3A_342 = arith.remsi %arg0, %select_n3A_341 : i32
      %ne3A_343 = arith.constant 0 : i32
      %ne3A_344 = arith.cmpi ne, %rem3A_342, %ne3A_343 : i32
      %lt3A_345 = arith.constant 0 : i32
      %lt3A_346 = arith.cmpi slt, %rem3A_342, %lt3A_345 : i32
      %lt3A_347 = arith.constant 0 : i32
      %lt3A_348 = arith.cmpi slt, %select_n3A_341, %lt3A_347 : i32
      %ne3A_349 = arith.xori %lt3A_346, %lt3A_348 : i1
      %and3A_350 = arith.andi %ne3A_349, %ne3A_344 : i1
      %add3A_351 = arith.addi %rem3A_342, %select_n3A_341 : i32
      %select_n3A_352 = arith.select %and3A_350, %add3A_351, %rem3A_342 : i32
      %swap3A_353 = arith.index_cast %select_n3A_352 : i32 to index
      %swap3A_354 = arith.constant 10 : index
      %swap3A_355 = arith.constant 0 : index
      %swap3A_356 = arith.constant 0 : index
      %swap3A_357 = vector.load %arg5[%swap3A_353, %swap3A_354, %swap3A_355, %swap3A_356] : memref<2x79x128x128xf32, #tpu.memory_space<vmem>>, vector<1x1x128x128xf32>
      %swap3A_358 = vector.shape_cast %swap3A_357 : vector<1x1x128x128xf32> to vector<128x128xf32>
      %swap3A_359 = vector.shape_cast %dot_general3A_336 : vector<128x128xf32> to vector<1x1x128x128xf32>
      tpu.vector_store %arg5[%swap3A_353, %swap3A_354, %swap3A_355, %swap3A_356], %swap3A_359 {strides = array<i32>} : memref<2x79x128x128xf32, #tpu.memory_space<vmem>>, vector<1x1x128x128xf32>,
      %gt3A_360 = arith.cmpf ogt, %dot_general3A_336, %select_n3A_328 : vector<128x128xf32>
      %select_n3A_361 = arith.select %gt3A_360, %dot_general3A_336, %select_n3A_328 : vector<128x128xi1>, vector<128x128xf32>
      %jit3A_362 = arith.constant 10 : i32
      %broadcast_in_dim3A_363 = vector.broadcast %jit3A_362 : i32 to vector<128x128xi32>
      %select_n3A_364 = arith.select %gt3A_360, %broadcast_in_dim3A_363, %select_n3A_331 : vector<128x128xi1>, vector<128x128xi32>
      %get3A_365 = arith.constant 0 : index
      %get3A_366 = arith.constant 1408 : index
      %get3A_367 = vector.load %arg2[%get3A_365, %get3A_366] : memref<128x10112xf32, #tpu.memory_space<vmem>>, vector<128x128xf32>
      %dot_general3A_368 = arith.constant dense<0.000000e+00> : vector<128x128xf32>
      %dot_general3A_369 = tpu.matmul %get3A_7, %get3A_367, %dot_general3A_368 {dimension_numbers = #tpu.dot_dimension_numbers<[1], [0], [0], [1], [0, 0, 1, 1], [], []>, transpose_lhs_hint = false} : vector<128x128xf32>, vector<128x128xf32>, vector<128x128xf32> -> vector<128x128xf32>
      %jit3A_370 = arith.constant 2 : i32
      %eq3A_371 = arith.constant 0 : i32
      %eq3A_372 = arith.cmpi eq, %jit3A_370, %eq3A_371 : i32
      %jit3A_373 = arith.constant 1 : i32
      %select_n3A_374 = arith.select %eq3A_372, %jit3A_373, %jit3A_370 : i32
      %rem3A_375 = arith.remsi %arg0, %select_n3A_374 : i32
      %ne3A_376 = arith.constant 0 : i32
      %ne3A_377 = arith.cmpi ne, %rem3A_375, %ne3A_376 : i32
      %lt3A_378 = arith.constant 0 : i32
      %lt3A_379 = arith.cmpi slt, %rem3A_375, %lt3A_378 : i32
      %lt3A_380 = arith.constant 0 : i32
      %lt3A_381 = arith.cmpi slt, %select_n3A_374, %lt3A_380 : i32
      %ne3A_382 = arith.xori %lt3A_379, %lt3A_381 : i1
      %and3A_383 = arith.andi %ne3A_382, %ne3A_377 : i1
      %add3A_384 = arith.addi %rem3A_375, %select_n3A_374 : i32
      %select_n3A_385 = arith.select %and3A_383, %add3A_384, %rem3A_375 : i32
      %swap3A_386 = arith.index_cast %select_n3A_385 : i32 to index
      %swap3A_387 = arith.constant 11 : index
      %swap3A_388 = arith.constant 0 : index
      %swap3A_389 = arith.constant 0 : index
      %swap3A_390 = vector.load %arg5[%swap3A_386, %swap3A_387, %swap3A_388, %swap3A_389] : memref<2x79x128x128xf32, #tpu.memory_space<vmem>>, vector<1x1x128x128xf32>
      %swap3A_391 = vector.shape_cast %swap3A_390 : vector<1x1x128x128xf32> to vector<128x128xf32>
      %swap3A_392 = vector.shape_cast %dot_general3A_369 : vector<128x128xf32> to vector<1x1x128x128xf32>
      tpu.vector_store %arg5[%swap3A_386, %swap3A_387, %swap3A_388, %swap3A_389], %swap3A_392 {strides = array<i32>} : memref<2x79x128x128xf32, #tpu.memory_space<vmem>>, vector<1x1x128x128xf32>,
      %gt3A_393 = arith.cmpf ogt, %dot_general3A_369, %select_n3A_361 : vector<128x128xf32>
      %select_n3A_394 = arith.select %gt3A_393, %dot_general3A_369, %select_n3A_361 : vector<128x128xi1>, vector<128x128xf32>
      %jit3A_395 = arith.constant 11 : i32
      %broadcast_in_dim3A_396 = vector.broadcast %jit3A_395 : i32 to vector<128x128xi32>
      %select_n3A_397 = arith.select %gt3A_393, %broadcast_in_dim3A_396, %select_n3A_364 : vector<128x128xi1>, vector<128x128xi32>
      %get3A_398 = arith.constant 0 : index
      %get3A_399 = arith.constant 1536 : index
      %get3A_400 = vector.load %arg2[%get3A_398, %get3A_399] : memref<128x10112xf32, #tpu.memory_space<vmem>>, vector<128x128xf32>
      %dot_general3A_401 = arith.constant dense<0.000000e+00> : vector<128x128xf32>
      %dot_general3A_402 = tpu.matmul %get3A_7, %get3A_400, %dot_general3A_401 {dimension_numbers = #tpu.dot_dimension_numbers<[1], [0], [0], [1], [0, 0, 1, 1], [], []>, transpose_lhs_hint = false} : vector<128x128xf32>, vector<128x128xf32>, vector<128x128xf32> -> vector<128x128xf32>
      %jit3A_403 = arith.constant 2 : i32
      %eq3A_404 = arith.constant 0 : i32
      %eq3A_405 = arith.cmpi eq, %jit3A_403, %eq3A_404 : i32
      %jit3A_406 = arith.constant 1 : i32
      %select_n3A_407 = arith.select %eq3A_405, %jit3A_406, %jit3A_403 : i32
      %rem3A_408 = arith.remsi %arg0, %select_n3A_407 : i32
      %ne3A_409 = arith.constant 0 : i32
      %ne3A_410 = arith.cmpi ne, %rem3A_408, %ne3A_409 : i32
      %lt3A_411 = arith.constant 0 : i32
      %lt3A_412 = arith.cmpi slt, %rem3A_408, %lt3A_411 : i32
      %lt3A_413 = arith.constant 0 : i32
      %lt3A_414 = arith.cmpi slt, %select_n3A_407, %lt3A_413 : i32
      %ne3A_415 = arith.xori %lt3A_412, %lt3A_414 : i1
      %and3A_416 = arith.andi %ne3A_415, %ne3A_410 : i1
      %add3A_417 = arith.addi %rem3A_408, %select_n3A_407 : i32
      %select_n3A_418 = arith.select %and3A_416, %add3A_417, %rem3A_408 : i32
      %swap3A_419 = arith.index_cast %select_n3A_418 : i32 to index
      %swap3A_420 = arith.constant 12 : index
      %swap3A_421 = arith.constant 0 : index
      %swap3A_422 = arith.constant 0 : index
      %swap3A_423 = vector.load %arg5[%swap3A_419, %swap3A_420, %swap3A_421, %swap3A_422] : memref<2x79x128x128xf32, #tpu.memory_space<vmem>>, vector<1x1x128x128xf32>
      %swap3A_424 = vector.shape_cast %swap3A_423 : vector<1x1x128x128xf32> to vector<128x128xf32>
      %swap3A_425 = vector.shape_cast %dot_general3A_402 : vector<128x128xf32> to vector<1x1x128x128xf32>
      tpu.vector_store %arg5[%swap3A_419, %swap3A_420, %swap3A_421, %swap3A_422], %swap3A_425 {strides = array<i32>} : memref<2x79x128x128xf32, #tpu.memory_space<vmem>>, vector<1x1x128x128xf32>,
      %gt3A_426 = arith.cmpf ogt, %dot_general3A_402, %select_n3A_394 : vector<128x128xf32>
      %select_n3A_427 = arith.select %gt3A_426, %dot_general3A_402, %select_n3A_394 : vector<128x128xi1>, vector<128x128xf32>
      %jit3A_428 = arith.constant 12 : i32
      %broadcast_in_dim3A_429 = vector.broadcast %jit3A_428 : i32 to vector<128x128xi32>
      %select_n3A_430 = arith.select %gt3A_426, %broadcast_in_dim3A_429, %select_n3A_397 : vector<128x128xi1>, vector<128x128xi32>
      %get3A_431 = arith.constant 0 : index
      %get3A_432 = arith.constant 1664 : index
      %get3A_433 = vector.load %arg2[%get3A_431, %get3A_432] : memref<128x10112xf32, #tpu.memory_space<vmem>>, vector<128x128xf32>
      %dot_general3A_434 = arith.constant dense<0.000000e+00> : vector<128x128xf32>
      %dot_general3A_435 = tpu.matmul %get3A_7, %get3A_433, %dot_general3A_434 {dimension_numbers = #tpu.dot_dimension_numbers<[1], [0], [0], [1], [0, 0, 1, 1], [], []>, transpose_lhs_hint = false} : vector<128x128xf32>, vector<128x128xf32>, vector<128x128xf32> -> vector<128x128xf32>
      %jit3A_436 = arith.constant 2 : i32
      %eq3A_437 = arith.constant 0 : i32
      %eq3A_438 = arith.cmpi eq, %jit3A_436, %eq3A_437 : i32
      %jit3A_439 = arith.constant 1 : i32
      %select_n3A_440 = arith.select %eq3A_438, %jit3A_439, %jit3A_436 : i32
      %rem3A_441 = arith.remsi %arg0, %select_n3A_440 : i32
      %ne3A_442 = arith.constant 0 : i32
      %ne3A_443 = arith.cmpi ne, %rem3A_441, %ne3A_442 : i32
      %lt3A_444 = arith.constant 0 : i32
      %lt3A_445 = arith.cmpi slt, %rem3A_441, %lt3A_444 : i32
      %lt3A_446 = arith.constant 0 : i32
      %lt3A_447 = arith.cmpi slt, %select_n3A_440, %lt3A_446 : i32
      %ne3A_448 = arith.xori %lt3A_445, %lt3A_447 : i1
      %and3A_449 = arith.andi %ne3A_448, %ne3A_443 : i1
      %add3A_450 = arith.addi %rem3A_441, %select_n3A_440 : i32
      %select_n3A_451 = arith.select %and3A_449, %add3A_450, %rem3A_441 : i32
      %swap3A_452 = arith.index_cast %select_n3A_451 : i32 to index
      %swap3A_453 = arith.constant 13 : index
      %swap3A_454 = arith.constant 0 : index
      %swap3A_455 = arith.constant 0 : index
      %swap3A_456 = vector.load %arg5[%swap3A_452, %swap3A_453, %swap3A_454, %swap3A_455] : memref<2x79x128x128xf32, #tpu.memory_space<vmem>>, vector<1x1x128x128xf32>
      %swap3A_457 = vector.shape_cast %swap3A_456 : vector<1x1x128x128xf32> to vector<128x128xf32>
      %swap3A_458 = vector.shape_cast %dot_general3A_435 : vector<128x128xf32> to vector<1x1x128x128xf32>
      tpu.vector_store %arg5[%swap3A_452, %swap3A_453, %swap3A_454, %swap3A_455], %swap3A_458 {strides = array<i32>} : memref<2x79x128x128xf32, #tpu.memory_space<vmem>>, vector<1x1x128x128xf32>,
      %gt3A_459 = arith.cmpf ogt, %dot_general3A_435, %select_n3A_427 : vector<128x128xf32>
      %select_n3A_460 = arith.select %gt3A_459, %dot_general3A_435, %select_n3A_427 : vector<128x128xi1>, vector<128x128xf32>
      %jit3A_461 = arith.constant 13 : i32
      %broadcast_in_dim3A_462 = vector.broadcast %jit3A_461 : i32 to vector<128x128xi32>
      %select_n3A_463 = arith.select %gt3A_459, %broadcast_in_dim3A_462, %select_n3A_430 : vector<128x128xi1>, vector<128x128xi32>
      %get3A_464 = arith.constant 0 : index
      %get3A_465 = arith.constant 1792 : index
      %get3A_466 = vector.load %arg2[%get3A_464, %get3A_465] : memref<128x10112xf32, #tpu.memory_space<vmem>>, vector<128x128xf32>
      %dot_general3A_467 = arith.constant dense<0.000000e+00> : vector<128x128xf32>
      %dot_general3A_468 = tpu.matmul %get3A_7, %get3A_466, %dot_general3A_467 {dimension_numbers = #tpu.dot_dimension_numbers<[1], [0], [0], [1], [0, 0, 1, 1], [], []>, transpose_lhs_hint = false} : vector<128x128xf32>, vector<128x128xf32>, vector<128x128xf32> -> vector<128x128xf32>
      %jit3A_469 = arith.constant 2 : i32
      %eq3A_470 = arith.constant 0 : i32
      %eq3A_471 = arith.cmpi eq, %jit3A_469, %eq3A_470 : i32
      %jit3A_472 = arith.constant 1 : i32
      %select_n3A_473 = arith.select %eq3A_471, %jit3A_472, %jit3A_469 : i32
      %rem3A_474 = arith.remsi %arg0, %select_n3A_473 : i32
      %ne3A_475 = arith.constant 0 : i32
      %ne3A_476 = arith.cmpi ne, %rem3A_474, %ne3A_475 : i32
      %lt3A_477 = arith.constant 0 : i32
      %lt3A_478 = arith.cmpi slt, %rem3A_474, %lt3A_477 : i32
      %lt3A_479 = arith.constant 0 : i32
      %lt3A_480 = arith.cmpi slt, %select_n3A_473, %lt3A_479 : i32
      %ne3A_481 = arith.xori %lt3A_478, %lt3A_480 : i1
      %and3A_482 = arith.andi %ne3A_481, %ne3A_476 : i1
      %add3A_483 = arith.addi %rem3A_474, %select_n3A_473 : i32
      %select_n3A_484 = arith.select %and3A_482, %add3A_483, %rem3A_474 : i32
      %swap3A_485 = arith.index_cast %select_n3A_484 : i32 to index
      %swap3A_486 = arith.constant 14 : index
      %swap3A_487 = arith.constant 0 : index
      %swap3A_488 = arith.constant 0 : index
      %swap3A_489 = vector.load %arg5[%swap3A_485, %swap3A_486, %swap3A_487, %swap3A_488] : memref<2x79x128x128xf32, #tpu.memory_space<vmem>>, vector<1x1x128x128xf32>
      %swap3A_490 = vector.shape_cast %swap3A_489 : vector<1x1x128x128xf32> to vector<128x128xf32>
      %swap3A_491 = vector.shape_cast %dot_general3A_468 : vector<128x128xf32> to vector<1x1x128x128xf32>
      tpu.vector_store %arg5[%swap3A_485, %swap3A_486, %swap3A_487, %swap3A_488], %swap3A_491 {strides = array<i32>} : memref<2x79x128x128xf32, #tpu.memory_space<vmem>>, vector<1x1x128x128xf32>,
      %gt3A_492 = arith.cmpf ogt, %dot_general3A_468, %select_n3A_460 : vector<128x128xf32>
      %select_n3A_493 = arith.select %gt3A_492, %dot_general3A_468, %select_n3A_460 : vector<128x128xi1>, vector<128x128xf32>
      %jit3A_494 = arith.constant 14 : i32
      %broadcast_in_dim3A_495 = vector.broadcast %jit3A_494 : i32 to vector<128x128xi32>
      %select_n3A_496 = arith.select %gt3A_492, %broadcast_in_dim3A_495, %select_n3A_463 : vector<128x128xi1>, vector<128x128xi32>
      %get3A_497 = arith.constant 0 : index
      %get3A_498 = arith.constant 1920 : index
      %get3A_499 = vector.load %arg2[%get3A_497, %get3A_498] : memref<128x10112xf32, #tpu.memory_space<vmem>>, vector<128x128xf32>
      %dot_general3A_500 = arith.constant dense<0.000000e+00> : vector<128x128xf32>
      %dot_general3A_501 = tpu.matmul %get3A_7, %get3A_499, %dot_general3A_500 {dimension_numbers = #tpu.dot_dimension_numbers<[1], [0], [0], [1], [0, 0, 1, 1], [], []>, transpose_lhs_hint = false} : vector<128x128xf32>, vector<128x128xf32>, vector<128x128xf32> -> vector<128x128xf32>
      %jit3A_502 = arith.constant 2 : i32
      %eq3A_503 = arith.constant 0 : i32
      %eq3A_504 = arith.cmpi eq, %jit3A_502, %eq3A_503 : i32
      %jit3A_505 = arith.constant 1 : i32
      %select_n3A_506 = arith.select %eq3A_504, %jit3A_505, %jit3A_502 : i32
      %rem3A_507 = arith.remsi %arg0, %select_n3A_506 : i32
      %ne3A_508 = arith.constant 0 : i32
      %ne3A_509 = arith.cmpi ne, %rem3A_507, %ne3A_508 : i32
      %lt3A_510 = arith.constant 0 : i32
      %lt3A_511 = arith.cmpi slt, %rem3A_507, %lt3A_510 : i32
      %lt3A_512 = arith.constant 0 : i32
      %lt3A_513 = arith.cmpi slt, %select_n3A_506, %lt3A_512 : i32
      %ne3A_514 = arith.xori %lt3A_511, %lt3A_513 : i1
      %and3A_515 = arith.andi %ne3A_514, %ne3A_509 : i1
      %add3A_516 = arith.addi %rem3A_507, %select_n3A_506 : i32
      %select_n3A_517 = arith.select %and3A_515, %add3A_516, %rem3A_507 : i32
      %swap3A_518 = arith.index_cast %select_n3A_517 : i32 to index
      %swap3A_519 = arith.constant 15 : index
      %swap3A_520 = arith.constant 0 : index
      %swap3A_521 = arith.constant 0 : index
      %swap3A_522 = vector.load %arg5[%swap3A_518, %swap3A_519, %swap3A_520, %swap3A_521] : memref<2x79x128x128xf32, #tpu.memory_space<vmem>>, vector<1x1x128x128xf32>
      %swap3A_523 = vector.shape_cast %swap3A_522 : vector<1x1x128x128xf32> to vector<128x128xf32>
      %swap3A_524 = vector.shape_cast %dot_general3A_501 : vector<128x128xf32> to vector<1x1x128x128xf32>
      tpu.vector_store %arg5[%swap3A_518, %swap3A_519, %swap3A_520, %swap3A_521], %swap3A_524 {strides = array<i32>} : memref<2x79x128x128xf32, #tpu.memory_space<vmem>>, vector<1x1x128x128xf32>,
      %gt3A_525 = arith.cmpf ogt, %dot_general3A_501, %select_n3A_493 : vector<128x128xf32>
      %select_n3A_526 = arith.select %gt3A_525, %dot_general3A_501, %select_n3A_493 : vector<128x128xi1>, vector<128x128xf32>
      %jit3A_527 = arith.constant 15 : i32
      %broadcast_in_dim3A_528 = vector.broadcast %jit3A_527 : i32 to vector<128x128xi32>
      %select_n3A_529 = arith.select %gt3A_525, %broadcast_in_dim3A_528, %select_n3A_496 : vector<128x128xi1>, vector<128x128xi32>
      %get3A_530 = arith.constant 0 : index
      %get3A_531 = arith.constant 2048 : index
      %get3A_532 = vector.load %arg2[%get3A_530, %get3A_531] : memref<128x10112xf32, #tpu.memory_space<vmem>>, vector<128x128xf32>
      %dot_general3A_533 = arith.constant dense<0.000000e+00> : vector<128x128xf32>
      %dot_general3A_534 = tpu.matmul %get3A_7, %get3A_532, %dot_general3A_533 {dimension_numbers = #tpu.dot_dimension_numbers<[1], [0], [0], [1], [0, 0, 1, 1], [], []>, transpose_lhs_hint = false} : vector<128x128xf32>, vector<128x128xf32>, vector<128x128xf32> -> vector<128x128xf32>
      %jit3A_535 = arith.constant 2 : i32
      %eq3A_536 = arith.constant 0 : i32
      %eq3A_537 = arith.cmpi eq, %jit3A_535, %eq3A_536 : i32
      %jit3A_538 = arith.constant 1 : i32
      %select_n3A_539 = arith.select %eq3A_537, %jit3A_538, %jit3A_535 : i32
      %rem3A_540 = arith.remsi %arg0, %select_n3A_539 : i32
      %ne3A_541 = arith.constant 0 : i32
      %ne3A_542 = arith.cmpi ne, %rem3A_540, %ne3A_541 : i32
      %lt3A_543 = arith.constant 0 : i32
      %lt3A_544 = arith.cmpi slt, %rem3A_540, %lt3A_543 : i32
      %lt3A_545 = arith.constant 0 : i32
      %lt3A_546 = arith.cmpi slt, %select_n3A_539, %lt3A_545 : i32
      %ne3A_547 = arith.xori %lt3A_544, %lt3A_546 : i1
      %and3A_548 = arith.andi %ne3A_547, %ne3A_542 : i1
      %add3A_549 = arith.addi %rem3A_540, %select_n3A_539 : i32
      %select_n3A_550 = arith.select %and3A_548, %add3A_549, %rem3A_540 : i32
      %swap3A_551 = arith.index_cast %select_n3A_550 : i32 to index
      %swap3A_552 = arith.constant 16 : index
      %swap3A_553 = arith.constant 0 : index
      %swap3A_554 = arith.constant 0 : index
      %swap3A_555 = vector.load %arg5[%swap3A_551, %swap3A_552, %swap3A_553, %swap3A_554] : memref<2x79x128x128xf32, #tpu.memory_space<vmem>>, vector<1x1x128x128xf32>
      %swap3A_556 = vector.shape_cast %swap3A_555 : vector<1x1x128x128xf32> to vector<128x128xf32>
      %swap3A_557 = vector.shape_cast %dot_general3A_534 : vector<128x128xf32> to vector<1x1x128x128xf32>
      tpu.vector_store %arg5[%swap3A_551, %swap3A_552, %swap3A_553, %swap3A_554], %swap3A_557 {strides = array<i32>} : memref<2x79x128x128xf32, #tpu.memory_space<vmem>>, vector<1x1x128x128xf32>,
      %gt3A_558 = arith.cmpf ogt, %dot_general3A_534, %select_n3A_526 : vector<128x128xf32>
      %select_n3A_559 = arith.select %gt3A_558, %dot_general3A_534, %select_n3A_526 : vector<128x128xi1>, vector<128x128xf32>
      %jit3A_560 = arith.constant 16 : i32
      %broadcast_in_dim3A_561 = vector.broadcast %jit3A_560 : i32 to vector<128x128xi32>
      %select_n3A_562 = arith.select %gt3A_558, %broadcast_in_dim3A_561, %select_n3A_529 : vector<128x128xi1>, vector<128x128xi32>
      %get3A_563 = arith.constant 0 : index
      %get3A_564 = arith.constant 2176 : index
      %get3A_565 = vector.load %arg2[%get3A_563, %get3A_564] : memref<128x10112xf32, #tpu.memory_space<vmem>>, vector<128x128xf32>
      %dot_general3A_566 = arith.constant dense<0.000000e+00> : vector<128x128xf32>
      %dot_general3A_567 = tpu.matmul %get3A_7, %get3A_565, %dot_general3A_566 {dimension_numbers = #tpu.dot_dimension_numbers<[1], [0], [0], [1], [0, 0, 1, 1], [], []>, transpose_lhs_hint = false} : vector<128x128xf32>, vector<128x128xf32>, vector<128x128xf32> -> vector<128x128xf32>
      %jit3A_568 = arith.constant 2 : i32
      %eq3A_569 = arith.constant 0 : i32
      %eq3A_570 = arith.cmpi eq, %jit3A_568, %eq3A_569 : i32
      %jit3A_571 = arith.constant 1 : i32
      %select_n3A_572 = arith.select %eq3A_570, %jit3A_571, %jit3A_568 : i32
      %rem3A_573 = arith.remsi %arg0, %select_n3A_572 : i32
      %ne3A_574 = arith.constant 0 : i32
      %ne3A_575 = arith.cmpi ne, %rem3A_573, %ne3A_574 : i32
      %lt3A_576 = arith.constant 0 : i32
      %lt3A_577 = arith.cmpi slt, %rem3A_573, %lt3A_576 : i32
      %lt3A_578 = arith.constant 0 : i32
      %lt3A_579 = arith.cmpi slt, %select_n3A_572, %lt3A_578 : i32
      %ne3A_580 = arith.xori %lt3A_577, %lt3A_579 : i1
      %and3A_581 = arith.andi %ne3A_580, %ne3A_575 : i1
      %add3A_582 = arith.addi %rem3A_573, %select_n3A_572 : i32
      %select_n3A_583 = arith.select %and3A_581, %add3A_582, %rem3A_573 : i32
      %swap3A_584 = arith.index_cast %select_n3A_583 : i32 to index
      %swap3A_585 = arith.constant 17 : index
      %swap3A_586 = arith.constant 0 : index
      %swap3A_587 = arith.constant 0 : index
      %swap3A_588 = vector.load %arg5[%swap3A_584, %swap3A_585, %swap3A_586, %swap3A_587] : memref<2x79x128x128xf32, #tpu.memory_space<vmem>>, vector<1x1x128x128xf32>
      %swap3A_589 = vector.shape_cast %swap3A_588 : vector<1x1x128x128xf32> to vector<128x128xf32>
      %swap3A_590 = vector.shape_cast %dot_general3A_567 : vector<128x128xf32> to vector<1x1x128x128xf32>
      tpu.vector_store %arg5[%swap3A_584, %swap3A_585, %swap3A_586, %swap3A_587], %swap3A_590 {strides = array<i32>} : memref<2x79x128x128xf32, #tpu.memory_space<vmem>>, vector<1x1x128x128xf32>,
      %gt3A_591 = arith.cmpf ogt, %dot_general3A_567, %select_n3A_559 : vector<128x128xf32>
      %select_n3A_592 = arith.select %gt3A_591, %dot_general3A_567, %select_n3A_559 : vector<128x128xi1>, vector<128x128xf32>
      %jit3A_593 = arith.constant 17 : i32
      %broadcast_in_dim3A_594 = vector.broadcast %jit3A_593 : i32 to vector<128x128xi32>
      %select_n3A_595 = arith.select %gt3A_591, %broadcast_in_dim3A_594, %select_n3A_562 : vector<128x128xi1>, vector<128x128xi32>
      %get3A_596 = arith.constant 0 : index
      %get3A_597 = arith.constant 2304 : index
      %get3A_598 = vector.load %arg2[%get3A_596, %get3A_597] : memref<128x10112xf32, #tpu.memory_space<vmem>>, vector<128x128xf32>
      %dot_general3A_599 = arith.constant dense<0.000000e+00> : vector<128x128xf32>
      %dot_general3A_600 = tpu.matmul %get3A_7, %get3A_598, %dot_general3A_599 {dimension_numbers = #tpu.dot_dimension_numbers<[1], [0], [0], [1], [0, 0, 1, 1], [], []>, transpose_lhs_hint = false} : vector<128x128xf32>, vector<128x128xf32>, vector<128x128xf32> -> vector<128x128xf32>
      %jit3A_601 = arith.constant 2 : i32
      %eq3A_602 = arith.constant 0 : i32
      %eq3A_603 = arith.cmpi eq, %jit3A_601, %eq3A_602 : i32
      %jit3A_604 = arith.constant 1 : i32
      %select_n3A_605 = arith.select %eq3A_603, %jit3A_604, %jit3A_601 : i32
      %rem3A_606 = arith.remsi %arg0, %select_n3A_605 : i32
      %ne3A_607 = arith.constant 0 : i32
      %ne3A_608 = arith.cmpi ne, %rem3A_606, %ne3A_607 : i32
      %lt3A_609 = arith.constant 0 : i32
      %lt3A_610 = arith.cmpi slt, %rem3A_606, %lt3A_609 : i32
      %lt3A_611 = arith.constant 0 : i32
      %lt3A_612 = arith.cmpi slt, %select_n3A_605, %lt3A_611 : i32
      %ne3A_613 = arith.xori %lt3A_610, %lt3A_612 : i1
      %and3A_614 = arith.andi %ne3A_613, %ne3A_608 : i1
      %add3A_615 = arith.addi %rem3A_606, %select_n3A_605 : i32
      %select_n3A_616 = arith.select %and3A_614, %add3A_615, %rem3A_606 : i32
      %swap3A_617 = arith.index_cast %select_n3A_616 : i32 to index
      %swap3A_618 = arith.constant 18 : index
      %swap3A_619 = arith.constant 0 : index
      %swap3A_620 = arith.constant 0 : index
      %swap3A_621 = vector.load %arg5[%swap3A_617, %swap3A_618, %swap3A_619, %swap3A_620] : memref<2x79x128x128xf32, #tpu.memory_space<vmem>>, vector<1x1x128x128xf32>
      %swap3A_622 = vector.shape_cast %swap3A_621 : vector<1x1x128x128xf32> to vector<128x128xf32>
      %swap3A_623 = vector.shape_cast %dot_general3A_600 : vector<128x128xf32> to vector<1x1x128x128xf32>
      tpu.vector_store %arg5[%swap3A_617, %swap3A_618, %swap3A_619, %swap3A_620], %swap3A_623 {strides = array<i32>} : memref<2x79x128x128xf32, #tpu.memory_space<vmem>>, vector<1x1x128x128xf32>,
      %gt3A_624 = arith.cmpf ogt, %dot_general3A_600, %select_n3A_592 : vector<128x128xf32>
      %select_n3A_625 = arith.select %gt3A_624, %dot_general3A_600, %select_n3A_592 : vector<128x128xi1>, vector<128x128xf32>
      %jit3A_626 = arith.constant 18 : i32
      %broadcast_in_dim3A_627 = vector.broadcast %jit3A_626 : i32 to vector<128x128xi32>
      %select_n3A_628 = arith.select %gt3A_624, %broadcast_in_dim3A_627, %select_n3A_595 : vector<128x128xi1>, vector<128x128xi32>
      %get3A_629 = arith.constant 0 : index
      %get3A_630 = arith.constant 2432 : index
      %get3A_631 = vector.load %arg2[%get3A_629, %get3A_630] : memref<128x10112xf32, #tpu.memory_space<vmem>>, vector<128x128xf32>
      %dot_general3A_632 = arith.constant dense<0.000000e+00> : vector<128x128xf32>
      %dot_general3A_633 = tpu.matmul %get3A_7, %get3A_631, %dot_general3A_632 {dimension_numbers = #tpu.dot_dimension_numbers<[1], [0], [0], [1], [0, 0, 1, 1], [], []>, transpose_lhs_hint = false} : vector<128x128xf32>, vector<128x128xf32>, vector<128x128xf32> -> vector<128x128xf32>
      %jit3A_634 = arith.constant 2 : i32
      %eq3A_635 = arith.constant 0 : i32
      %eq3A_636 = arith.cmpi eq, %jit3A_634, %eq3A_635 : i32
      %jit3A_637 = arith.constant 1 : i32
      %select_n3A_638 = arith.select %eq3A_636, %jit3A_637, %jit3A_634 : i32
      %rem3A_639 = arith.remsi %arg0, %select_n3A_638 : i32
      %ne3A_640 = arith.constant 0 : i32
      %ne3A_641 = arith.cmpi ne, %rem3A_639, %ne3A_640 : i32
      %lt3A_642 = arith.constant 0 : i32
      %lt3A_643 = arith.cmpi slt, %rem3A_639, %lt3A_642 : i32
      %lt3A_644 = arith.constant 0 : i32
      %lt3A_645 = arith.cmpi slt, %select_n3A_638, %lt3A_644 : i32
      %ne3A_646 = arith.xori %lt3A_643, %lt3A_645 : i1
      %and3A_647 = arith.andi %ne3A_646, %ne3A_641 : i1
      %add3A_648 = arith.addi %rem3A_639, %select_n3A_638 : i32
      %select_n3A_649 = arith.select %and3A_647, %add3A_648, %rem3A_639 : i32
      %swap3A_650 = arith.index_cast %select_n3A_649 : i32 to index
      %swap3A_651 = arith.constant 19 : index
      %swap3A_652 = arith.constant 0 : index
      %swap3A_653 = arith.constant 0 : index
      %swap3A_654 = vector.load %arg5[%swap3A_650, %swap3A_651, %swap3A_652, %swap3A_653] : memref<2x79x128x128xf32, #tpu.memory_space<vmem>>, vector<1x1x128x128xf32>
      %swap3A_655 = vector.shape_cast %swap3A_654 : vector<1x1x128x128xf32> to vector<128x128xf32>
      %swap3A_656 = vector.shape_cast %dot_general3A_633 : vector<128x128xf32> to vector<1x1x128x128xf32>
      tpu.vector_store %arg5[%swap3A_650, %swap3A_651, %swap3A_652, %swap3A_653], %swap3A_656 {strides = array<i32>} : memref<2x79x128x128xf32, #tpu.memory_space<vmem>>, vector<1x1x128x128xf32>,
      %gt3A_657 = arith.cmpf ogt, %dot_general3A_633, %select_n3A_625 : vector<128x128xf32>
      %select_n3A_658 = arith.select %gt3A_657, %dot_general3A_633, %select_n3A_625 : vector<128x128xi1>, vector<128x128xf32>
      %jit3A_659 = arith.constant 19 : i32
      %broadcast_in_dim3A_660 = vector.broadcast %jit3A_659 : i32 to vector<128x128xi32>
      %select_n3A_661 = arith.select %gt3A_657, %broadcast_in_dim3A_660, %select_n3A_628 : vector<128x128xi1>, vector<128x128xi32>
      %get3A_662 = arith.constant 0 : index
      %get3A_663 = arith.constant 2560 : index
      %get3A_664 = vector.load %arg2[%get3A_662, %get3A_663] : memref<128x10112xf32, #tpu.memory_space<vmem>>, vector<128x128xf32>
      %dot_general3A_665 = arith.constant dense<0.000000e+00> : vector<128x128xf32>
      %dot_general3A_666 = tpu.matmul %get3A_7, %get3A_664, %dot_general3A_665 {dimension_numbers = #tpu.dot_dimension_numbers<[1], [0], [0], [1], [0, 0, 1, 1], [], []>, transpose_lhs_hint = false} : vector<128x128xf32>, vector<128x128xf32>, vector<128x128xf32> -> vector<128x128xf32>
      %jit3A_667 = arith.constant 2 : i32
      %eq3A_668 = arith.constant 0 : i32
      %eq3A_669 = arith.cmpi eq, %jit3A_667, %eq3A_668 : i32
      %jit3A_670 = arith.constant 1 : i32
      %select_n3A_671 = arith.select %eq3A_669, %jit3A_670, %jit3A_667 : i32
      %rem3A_672 = arith.remsi %arg0, %select_n3A_671 : i32
      %ne3A_673 = arith.constant 0 : i32
      %ne3A_674 = arith.cmpi ne, %rem3A_672, %ne3A_673 : i32
      %lt3A_675 = arith.constant 0 : i32
      %lt3A_676 = arith.cmpi slt, %rem3A_672, %lt3A_675 : i32
      %lt3A_677 = arith.constant 0 : i32
      %lt3A_678 = arith.cmpi slt, %select_n3A_671, %lt3A_677 : i32
      %ne3A_679 = arith.xori %lt3A_676, %lt3A_678 : i1
      %and3A_680 = arith.andi %ne3A_679, %ne3A_674 : i1
      %add3A_681 = arith.addi %rem3A_672, %select_n3A_671 : i32
      %select_n3A_682 = arith.select %and3A_680, %add3A_681, %rem3A_672 : i32
      %swap3A_683 = arith.index_cast %select_n3A_682 : i32 to index
      %swap3A_684 = arith.constant 20 : index
      %swap3A_685 = arith.constant 0 : index
      %swap3A_686 = arith.constant 0 : index
      %swap3A_687 = vector.load %arg5[%swap3A_683, %swap3A_684, %swap3A_685, %swap3A_686] : memref<2x79x128x128xf32, #tpu.memory_space<vmem>>, vector<1x1x128x128xf32>
      %swap3A_688 = vector.shape_cast %swap3A_687 : vector<1x1x128x128xf32> to vector<128x128xf32>
      %swap3A_689 = vector.shape_cast %dot_general3A_666 : vector<128x128xf32> to vector<1x1x128x128xf32>
      tpu.vector_store %arg5[%swap3A_683, %swap3A_684, %swap3A_685, %swap3A_686], %swap3A_689 {strides = array<i32>} : memref<2x79x128x128xf32, #tpu.memory_space<vmem>>, vector<1x1x128x128xf32>,
      %gt3A_690 = arith.cmpf ogt, %dot_general3A_666, %select_n3A_658 : vector<128x128xf32>
      %select_n3A_691 = arith.select %gt3A_690, %dot_general3A_666, %select_n3A_658 : vector<128x128xi1>, vector<128x128xf32>
      %jit3A_692 = arith.constant 20 : i32
      %broadcast_in_dim3A_693 = vector.broadcast %jit3A_692 : i32 to vector<128x128xi32>
      %select_n3A_694 = arith.select %gt3A_690, %broadcast_in_dim3A_693, %select_n3A_661 : vector<128x128xi1>, vector<128x128xi32>
      %get3A_695 = arith.constant 0 : index
      %get3A_696 = arith.constant 2688 : index
      %get3A_697 = vector.load %arg2[%get3A_695, %get3A_696] : memref<128x10112xf32, #tpu.memory_space<vmem>>, vector<128x128xf32>
      %dot_general3A_698 = arith.constant dense<0.000000e+00> : vector<128x128xf32>
      %dot_general3A_699 = tpu.matmul %get3A_7, %get3A_697, %dot_general3A_698 {dimension_numbers = #tpu.dot_dimension_numbers<[1], [0], [0], [1], [0, 0, 1, 1], [], []>, transpose_lhs_hint = false} : vector<128x128xf32>, vector<128x128xf32>, vector<128x128xf32> -> vector<128x128xf32>
      %jit3A_700 = arith.constant 2 : i32
      %eq3A_701 = arith.constant 0 : i32
      %eq3A_702 = arith.cmpi eq, %jit3A_700, %eq3A_701 : i32
      %jit3A_703 = arith.constant 1 : i32
      %select_n3A_704 = arith.select %eq3A_702, %jit3A_703, %jit3A_700 : i32
      %rem3A_705 = arith.remsi %arg0, %select_n3A_704 : i32
      %ne3A_706 = arith.constant 0 : i32
      %ne3A_707 = arith.cmpi ne, %rem3A_705, %ne3A_706 : i32
      %lt3A_708 = arith.constant 0 : i32
      %lt3A_709 = arith.cmpi slt, %rem3A_705, %lt3A_708 : i32
      %lt3A_710 = arith.constant 0 : i32
      %lt3A_711 = arith.cmpi slt, %select_n3A_704, %lt3A_710 : i32
      %ne3A_712 = arith.xori %lt3A_709, %lt3A_711 : i1
      %and3A_713 = arith.andi %ne3A_712, %ne3A_707 : i1
      %add3A_714 = arith.addi %rem3A_705, %select_n3A_704 : i32
      %select_n3A_715 = arith.select %and3A_713, %add3A_714, %rem3A_705 : i32
      %swap3A_716 = arith.index_cast %select_n3A_715 : i32 to index
      %swap3A_717 = arith.constant 21 : index
      %swap3A_718 = arith.constant 0 : index
      %swap3A_719 = arith.constant 0 : index
      %swap3A_720 = vector.load %arg5[%swap3A_716, %swap3A_717, %swap3A_718, %swap3A_719] : memref<2x79x128x128xf32, #tpu.memory_space<vmem>>, vector<1x1x128x128xf32>
      %swap3A_721 = vector.shape_cast %swap3A_720 : vector<1x1x128x128xf32> to vector<128x128xf32>
      %swap3A_722 = vector.shape_cast %dot_general3A_699 : vector<128x128xf32> to vector<1x1x128x128xf32>
      tpu.vector_store %arg5[%swap3A_716, %swap3A_717, %swap3A_718, %swap3A_719], %swap3A_722 {strides = array<i32>} : memref<2x79x128x128xf32, #tpu.memory_space<vmem>>, vector<1x1x128x128xf32>,
      %gt3A_723 = arith.cmpf ogt, %dot_general3A_699, %select_n3A_691 : vector<128x128xf32>
      %select_n3A_724 = arith.select %gt3A_723, %dot_general3A_699, %select_n3A_691 : vector<128x128xi1>, vector<128x128xf32>
      %jit3A_725 = arith.constant 21 : i32
      %broadcast_in_dim3A_726 = vector.broadcast %jit3A_725 : i32 to vector<128x128xi32>
      %select_n3A_727 = arith.select %gt3A_723, %broadcast_in_dim3A_726, %select_n3A_694 : vector<128x128xi1>, vector<128x128xi32>
      %get3A_728 = arith.constant 0 : index
      %get3A_729 = arith.constant 2816 : index
      %get3A_730 = vector.load %arg2[%get3A_728, %get3A_729] : memref<128x10112xf32, #tpu.memory_space<vmem>>, vector<128x128xf32>
      %dot_general3A_731 = arith.constant dense<0.000000e+00> : vector<128x128xf32>
      %dot_general3A_732 = tpu.matmul %get3A_7, %get3A_730, %dot_general3A_731 {dimension_numbers = #tpu.dot_dimension_numbers<[1], [0], [0], [1], [0, 0, 1, 1], [], []>, transpose_lhs_hint = false} : vector<128x128xf32>, vector<128x128xf32>, vector<128x128xf32> -> vector<128x128xf32>
      %jit3A_733 = arith.constant 2 : i32
      %eq3A_734 = arith.constant 0 : i32
      %eq3A_735 = arith.cmpi eq, %jit3A_733, %eq3A_734 : i32
      %jit3A_736 = arith.constant 1 : i32
      %select_n3A_737 = arith.select %eq3A_735, %jit3A_736, %jit3A_733 : i32
      %rem3A_738 = arith.remsi %arg0, %select_n3A_737 : i32
      %ne3A_739 = arith.constant 0 : i32
      %ne3A_740 = arith.cmpi ne, %rem3A_738, %ne3A_739 : i32
      %lt3A_741 = arith.constant 0 : i32
      %lt3A_742 = arith.cmpi slt, %rem3A_738, %lt3A_741 : i32
      %lt3A_743 = arith.constant 0 : i32
      %lt3A_744 = arith.cmpi slt, %select_n3A_737, %lt3A_743 : i32
      %ne3A_745 = arith.xori %lt3A_742, %lt3A_744 : i1
      %and3A_746 = arith.andi %ne3A_745, %ne3A_740 : i1
      %add3A_747 = arith.addi %rem3A_738, %select_n3A_737 : i32
      %select_n3A_748 = arith.select %and3A_746, %add3A_747, %rem3A_738 : i32
      %swap3A_749 = arith.index_cast %select_n3A_748 : i32 to index
      %swap3A_750 = arith.constant 22 : index
      %swap3A_751 = arith.constant 0 : index
      %swap3A_752 = arith.constant 0 : index
      %swap3A_753 = vector.load %arg5[%swap3A_749, %swap3A_750, %swap3A_751, %swap3A_752] : memref<2x79x128x128xf32, #tpu.memory_space<vmem>>, vector<1x1x128x128xf32>
      %swap3A_754 = vector.shape_cast %swap3A_753 : vector<1x1x128x128xf32> to vector<128x128xf32>
      %swap3A_755 = vector.shape_cast %dot_general3A_732 : vector<128x128xf32> to vector<1x1x128x128xf32>
      tpu.vector_store %arg5[%swap3A_749, %swap3A_750, %swap3A_751, %swap3A_752], %swap3A_755 {strides = array<i32>} : memref<2x79x128x128xf32, #tpu.memory_space<vmem>>, vector<1x1x128x128xf32>,
      %gt3A_756 = arith.cmpf ogt, %dot_general3A_732, %select_n3A_724 : vector<128x128xf32>
      %select_n3A_757 = arith.select %gt3A_756, %dot_general3A_732, %select_n3A_724 : vector<128x128xi1>, vector<128x128xf32>
      %jit3A_758 = arith.constant 22 : i32
      %broadcast_in_dim3A_759 = vector.broadcast %jit3A_758 : i32 to vector<128x128xi32>
      %select_n3A_760 = arith.select %gt3A_756, %broadcast_in_dim3A_759, %select_n3A_727 : vector<128x128xi1>, vector<128x128xi32>
      %get3A_761 = arith.constant 0 : index
      %get3A_762 = arith.constant 2944 : index
      %get3A_763 = vector.load %arg2[%get3A_761, %get3A_762] : memref<128x10112xf32, #tpu.memory_space<vmem>>, vector<128x128xf32>
      %dot_general3A_764 = arith.constant dense<0.000000e+00> : vector<128x128xf32>
      %dot_general3A_765 = tpu.matmul %get3A_7, %get3A_763, %dot_general3A_764 {dimension_numbers = #tpu.dot_dimension_numbers<[1], [0], [0], [1], [0, 0, 1, 1], [], []>, transpose_lhs_hint = false} : vector<128x128xf32>, vector<128x128xf32>, vector<128x128xf32> -> vector<128x128xf32>
      %jit3A_766 = arith.constant 2 : i32
      %eq3A_767 = arith.constant 0 : i32
      %eq3A_768 = arith.cmpi eq, %jit3A_766, %eq3A_767 : i32
      %jit3A_769 = arith.constant 1 : i32
      %select_n3A_770 = arith.select %eq3A_768, %jit3A_769, %jit3A_766 : i32
      %rem3A_771 = arith.remsi %arg0, %select_n3A_770 : i32
      %ne3A_772 = arith.constant 0 : i32
      %ne3A_773 = arith.cmpi ne, %rem3A_771, %ne3A_772 : i32
      %lt3A_774 = arith.constant 0 : i32
      %lt3A_775 = arith.cmpi slt, %rem3A_771, %lt3A_774 : i32
      %lt3A_776 = arith.constant 0 : i32
      %lt3A_777 = arith.cmpi slt, %select_n3A_770, %lt3A_776 : i32
      %ne3A_778 = arith.xori %lt3A_775, %lt3A_777 : i1
      %and3A_779 = arith.andi %ne3A_778, %ne3A_773 : i1
      %add3A_780 = arith.addi %rem3A_771, %select_n3A_770 : i32
      %select_n3A_781 = arith.select %and3A_779, %add3A_780, %rem3A_771 : i32
      %swap3A_782 = arith.index_cast %select_n3A_781 : i32 to index
      %swap3A_783 = arith.constant 23 : index
      %swap3A_784 = arith.constant 0 : index
      %swap3A_785 = arith.constant 0 : index
      %swap3A_786 = vector.load %arg5[%swap3A_782, %swap3A_783, %swap3A_784, %swap3A_785] : memref<2x79x128x128xf32, #tpu.memory_space<vmem>>, vector<1x1x128x128xf32>
      %swap3A_787 = vector.shape_cast %swap3A_786 : vector<1x1x128x128xf32> to vector<128x128xf32>
      %swap3A_788 = vector.shape_cast %dot_general3A_765 : vector<128x128xf32> to vector<1x1x128x128xf32>
      tpu.vector_store %arg5[%swap3A_782, %swap3A_783, %swap3A_784, %swap3A_785], %swap3A_788 {strides = array<i32>} : memref<2x79x128x128xf32, #tpu.memory_space<vmem>>, vector<1x1x128x128xf32>,
      %gt3A_789 = arith.cmpf ogt, %dot_general3A_765, %select_n3A_757 : vector<128x128xf32>
      %select_n3A_790 = arith.select %gt3A_789, %dot_general3A_765, %select_n3A_757 : vector<128x128xi1>, vector<128x128xf32>
      %jit3A_791 = arith.constant 23 : i32
      %broadcast_in_dim3A_792 = vector.broadcast %jit3A_791 : i32 to vector<128x128xi32>
      %select_n3A_793 = arith.select %gt3A_789, %broadcast_in_dim3A_792, %select_n3A_760 : vector<128x128xi1>, vector<128x128xi32>
      %get3A_794 = arith.constant 0 : index
      %get3A_795 = arith.constant 3072 : index
      %get3A_796 = vector.load %arg2[%get3A_794, %get3A_795] : memref<128x10112xf32, #tpu.memory_space<vmem>>, vector<128x128xf32>
      %dot_general3A_797 = arith.constant dense<0.000000e+00> : vector<128x128xf32>
      %dot_general3A_798 = tpu.matmul %get3A_7, %get3A_796, %dot_general3A_797 {dimension_numbers = #tpu.dot_dimension_numbers<[1], [0], [0], [1], [0, 0, 1, 1], [], []>, transpose_lhs_hint = false} : vector<128x128xf32>, vector<128x128xf32>, vector<128x128xf32> -> vector<128x128xf32>
      %jit3A_799 = arith.constant 2 : i32
      %eq3A_800 = arith.constant 0 : i32
      %eq3A_801 = arith.cmpi eq, %jit3A_799, %eq3A_800 : i32
      %jit3A_802 = arith.constant 1 : i32
      %select_n3A_803 = arith.select %eq3A_801, %jit3A_802, %jit3A_799 : i32
      %rem3A_804 = arith.remsi %arg0, %select_n3A_803 : i32
      %ne3A_805 = arith.constant 0 : i32
      %ne3A_806 = arith.cmpi ne, %rem3A_804, %ne3A_805 : i32
      %lt3A_807 = arith.constant 0 : i32
      %lt3A_808 = arith.cmpi slt, %rem3A_804, %lt3A_807 : i32
      %lt3A_809 = arith.constant 0 : i32
      %lt3A_810 = arith.cmpi slt, %select_n3A_803, %lt3A_809 : i32
      %ne3A_811 = arith.xori %lt3A_808, %lt3A_810 : i1
      %and3A_812 = arith.andi %ne3A_811, %ne3A_806 : i1
      %add3A_813 = arith.addi %rem3A_804, %select_n3A_803 : i32
      %select_n3A_814 = arith.select %and3A_812, %add3A_813, %rem3A_804 : i32
      %swap3A_815 = arith.index_cast %select_n3A_814 : i32 to index
      %swap3A_816 = arith.constant 24 : index
      %swap3A_817 = arith.constant 0 : index
      %swap3A_818 = arith.constant 0 : index
      %swap3A_819 = vector.load %arg5[%swap3A_815, %swap3A_816, %swap3A_817, %swap3A_818] : memref<2x79x128x128xf32, #tpu.memory_space<vmem>>, vector<1x1x128x128xf32>
      %swap3A_820 = vector.shape_cast %swap3A_819 : vector<1x1x128x128xf32> to vector<128x128xf32>
      %swap3A_821 = vector.shape_cast %dot_general3A_798 : vector<128x128xf32> to vector<1x1x128x128xf32>
      tpu.vector_store %arg5[%swap3A_815, %swap3A_816, %swap3A_817, %swap3A_818], %swap3A_821 {strides = array<i32>} : memref<2x79x128x128xf32, #tpu.memory_space<vmem>>, vector<1x1x128x128xf32>,
      %gt3A_822 = arith.cmpf ogt, %dot_general3A_798, %select_n3A_790 : vector<128x128xf32>
      %select_n3A_823 = arith.select %gt3A_822, %dot_general3A_798, %select_n3A_790 : vector<128x128xi1>, vector<128x128xf32>
      %jit3A_824 = arith.constant 24 : i32
      %broadcast_in_dim3A_825 = vector.broadcast %jit3A_824 : i32 to vector<128x128xi32>
      %select_n3A_826 = arith.select %gt3A_822, %broadcast_in_dim3A_825, %select_n3A_793 : vector<128x128xi1>, vector<128x128xi32>
      %get3A_827 = arith.constant 0 : index
      %get3A_828 = arith.constant 3200 : index
      %get3A_829 = vector.load %arg2[%get3A_827, %get3A_828] : memref<128x10112xf32, #tpu.memory_space<vmem>>, vector<128x128xf32>
      %dot_general3A_830 = arith.constant dense<0.000000e+00> : vector<128x128xf32>
      %dot_general3A_831 = tpu.matmul %get3A_7, %get3A_829, %dot_general3A_830 {dimension_numbers = #tpu.dot_dimension_numbers<[1], [0], [0], [1], [0, 0, 1, 1], [], []>, transpose_lhs_hint = false} : vector<128x128xf32>, vector<128x128xf32>, vector<128x128xf32> -> vector<128x128xf32>
      %jit3A_832 = arith.constant 2 : i32
      %eq3A_833 = arith.constant 0 : i32
      %eq3A_834 = arith.cmpi eq, %jit3A_832, %eq3A_833 : i32
      %jit3A_835 = arith.constant 1 : i32
      %select_n3A_836 = arith.select %eq3A_834, %jit3A_835, %jit3A_832 : i32
      %rem3A_837 = arith.remsi %arg0, %select_n3A_836 : i32
      %ne3A_838 = arith.constant 0 : i32
      %ne3A_839 = arith.cmpi ne, %rem3A_837, %ne3A_838 : i32
      %lt3A_840 = arith.constant 0 : i32
      %lt3A_841 = arith.cmpi slt, %rem3A_837, %lt3A_840 : i32
      %lt3A_842 = arith.constant 0 : i32
      %lt3A_843 = arith.cmpi slt, %select_n3A_836, %lt3A_842 : i32
      %ne3A_844 = arith.xori %lt3A_841, %lt3A_843 : i1
      %and3A_845 = arith.andi %ne3A_844, %ne3A_839 : i1
      %add3A_846 = arith.addi %rem3A_837, %select_n3A_836 : i32
      %select_n3A_847 = arith.select %and3A_845, %add3A_846, %rem3A_837 : i32
      %swap3A_848 = arith.index_cast %select_n3A_847 : i32 to index
      %swap3A_849 = arith.constant 25 : index
      %swap3A_850 = arith.constant 0 : index
      %swap3A_851 = arith.constant 0 : index
      %swap3A_852 = vector.load %arg5[%swap3A_848, %swap3A_849, %swap3A_850, %swap3A_851] : memref<2x79x128x128xf32, #tpu.memory_space<vmem>>, vector<1x1x128x128xf32>
      %swap3A_853 = vector.shape_cast %swap3A_852 : vector<1x1x128x128xf32> to vector<128x128xf32>
      %swap3A_854 = vector.shape_cast %dot_general3A_831 : vector<128x128xf32> to vector<1x1x128x128xf32>
      tpu.vector_store %arg5[%swap3A_848, %swap3A_849, %swap3A_850, %swap3A_851], %swap3A_854 {strides = array<i32>} : memref<2x79x128x128xf32, #tpu.memory_space<vmem>>, vector<1x1x128x128xf32>,
      %gt3A_855 = arith.cmpf ogt, %dot_general3A_831, %select_n3A_823 : vector<128x128xf32>
      %select_n3A_856 = arith.select %gt3A_855, %dot_general3A_831, %select_n3A_823 : vector<128x128xi1>, vector<128x128xf32>
      %jit3A_857 = arith.constant 25 : i32
      %broadcast_in_dim3A_858 = vector.broadcast %jit3A_857 : i32 to vector<128x128xi32>
      %select_n3A_859 = arith.select %gt3A_855, %broadcast_in_dim3A_858, %select_n3A_826 : vector<128x128xi1>, vector<128x128xi32>
      %get3A_860 = arith.constant 0 : index
      %get3A_861 = arith.constant 3328 : index
      %get3A_862 = vector.load %arg2[%get3A_860, %get3A_861] : memref<128x10112xf32, #tpu.memory_space<vmem>>, vector<128x128xf32>
      %dot_general3A_863 = arith.constant dense<0.000000e+00> : vector<128x128xf32>
      %dot_general3A_864 = tpu.matmul %get3A_7, %get3A_862, %dot_general3A_863 {dimension_numbers = #tpu.dot_dimension_numbers<[1], [0], [0], [1], [0, 0, 1, 1], [], []>, transpose_lhs_hint = false} : vector<128x128xf32>, vector<128x128xf32>, vector<128x128xf32> -> vector<128x128xf32>
      %jit3A_865 = arith.constant 2 : i32
      %eq3A_866 = arith.constant 0 : i32
      %eq3A_867 = arith.cmpi eq, %jit3A_865, %eq3A_866 : i32
      %jit3A_868 = arith.constant 1 : i32
      %select_n3A_869 = arith.select %eq3A_867, %jit3A_868, %jit3A_865 : i32
      %rem3A_870 = arith.remsi %arg0, %select_n3A_869 : i32
      %ne3A_871 = arith.constant 0 : i32
      %ne3A_872 = arith.cmpi ne, %rem3A_870, %ne3A_871 : i32
      %lt3A_873 = arith.constant 0 : i32
      %lt3A_874 = arith.cmpi slt, %rem3A_870, %lt3A_873 : i32
      %lt3A_875 = arith.constant 0 : i32
      %lt3A_876 = arith.cmpi slt, %select_n3A_869, %lt3A_875 : i32
      %ne3A_877 = arith.xori %lt3A_874, %lt3A_876 : i1
      %and3A_878 = arith.andi %ne3A_877, %ne3A_872 : i1
      %add3A_879 = arith.addi %rem3A_870, %select_n3A_869 : i32
      %select_n3A_880 = arith.select %and3A_878, %add3A_879, %rem3A_870 : i32
      %swap3A_881 = arith.index_cast %select_n3A_880 : i32 to index
      %swap3A_882 = arith.constant 26 : index
      %swap3A_883 = arith.constant 0 : index
      %swap3A_884 = arith.constant 0 : index
      %swap3A_885 = vector.load %arg5[%swap3A_881, %swap3A_882, %swap3A_883, %swap3A_884] : memref<2x79x128x128xf32, #tpu.memory_space<vmem>>, vector<1x1x128x128xf32>
      %swap3A_886 = vector.shape_cast %swap3A_885 : vector<1x1x128x128xf32> to vector<128x128xf32>
      %swap3A_887 = vector.shape_cast %dot_general3A_864 : vector<128x128xf32> to vector<1x1x128x128xf32>
      tpu.vector_store %arg5[%swap3A_881, %swap3A_882, %swap3A_883, %swap3A_884], %swap3A_887 {strides = array<i32>} : memref<2x79x128x128xf32, #tpu.memory_space<vmem>>, vector<1x1x128x128xf32>,
      %gt3A_888 = arith.cmpf ogt, %dot_general3A_864, %select_n3A_856 : vector<128x128xf32>
      %select_n3A_889 = arith.select %gt3A_888, %dot_general3A_864, %select_n3A_856 : vector<128x128xi1>, vector<128x128xf32>
      %jit3A_890 = arith.constant 26 : i32
      %broadcast_in_dim3A_891 = vector.broadcast %jit3A_890 : i32 to vector<128x128xi32>
      %select_n3A_892 = arith.select %gt3A_888, %broadcast_in_dim3A_891, %select_n3A_859 : vector<128x128xi1>, vector<128x128xi32>
      %get3A_893 = arith.constant 0 : index
      %get3A_894 = arith.constant 3456 : index
      %get3A_895 = vector.load %arg2[%get3A_893, %get3A_894] : memref<128x10112xf32, #tpu.memory_space<vmem>>, vector<128x128xf32>
      %dot_general3A_896 = arith.constant dense<0.000000e+00> : vector<128x128xf32>
      %dot_general3A_897 = tpu.matmul %get3A_7, %get3A_895, %dot_general3A_896 {dimension_numbers = #tpu.dot_dimension_numbers<[1], [0], [0], [1], [0, 0, 1, 1], [], []>, transpose_lhs_hint = false} : vector<128x128xf32>, vector<128x128xf32>, vector<128x128xf32> -> vector<128x128xf32>
      %jit3A_898 = arith.constant 2 : i32
      %eq3A_899 = arith.constant 0 : i32
      %eq3A_900 = arith.cmpi eq, %jit3A_898, %eq3A_899 : i32
      %jit3A_901 = arith.constant 1 : i32
      %select_n3A_902 = arith.select %eq3A_900, %jit3A_901, %jit3A_898 : i32
      %rem3A_903 = arith.remsi %arg0, %select_n3A_902 : i32
      %ne3A_904 = arith.constant 0 : i32
      %ne3A_905 = arith.cmpi ne, %rem3A_903, %ne3A_904 : i32
      %lt3A_906 = arith.constant 0 : i32
      %lt3A_907 = arith.cmpi slt, %rem3A_903, %lt3A_906 : i32
      %lt3A_908 = arith.constant 0 : i32
      %lt3A_909 = arith.cmpi slt, %select_n3A_902, %lt3A_908 : i32
      %ne3A_910 = arith.xori %lt3A_907, %lt3A_909 : i1
      %and3A_911 = arith.andi %ne3A_910, %ne3A_905 : i1
      %add3A_912 = arith.addi %rem3A_903, %select_n3A_902 : i32
      %select_n3A_913 = arith.select %and3A_911, %add3A_912, %rem3A_903 : i32
      %swap3A_914 = arith.index_cast %select_n3A_913 : i32 to index
      %swap3A_915 = arith.constant 27 : index
      %swap3A_916 = arith.constant 0 : index
      %swap3A_917 = arith.constant 0 : index
      %swap3A_918 = vector.load %arg5[%swap3A_914, %swap3A_915, %swap3A_916, %swap3A_917] : memref<2x79x128x128xf32, #tpu.memory_space<vmem>>, vector<1x1x128x128xf32>
      %swap3A_919 = vector.shape_cast %swap3A_918 : vector<1x1x128x128xf32> to vector<128x128xf32>
      %swap3A_920 = vector.shape_cast %dot_general3A_897 : vector<128x128xf32> to vector<1x1x128x128xf32>
      tpu.vector_store %arg5[%swap3A_914, %swap3A_915, %swap3A_916, %swap3A_917], %swap3A_920 {strides = array<i32>} : memref<2x79x128x128xf32, #tpu.memory_space<vmem>>, vector<1x1x128x128xf32>,
      %gt3A_921 = arith.cmpf ogt, %dot_general3A_897, %select_n3A_889 : vector<128x128xf32>
      %select_n3A_922 = arith.select %gt3A_921, %dot_general3A_897, %select_n3A_889 : vector<128x128xi1>, vector<128x128xf32>
      %jit3A_923 = arith.constant 27 : i32
      %broadcast_in_dim3A_924 = vector.broadcast %jit3A_923 : i32 to vector<128x128xi32>
      %select_n3A_925 = arith.select %gt3A_921, %broadcast_in_dim3A_924, %select_n3A_892 : vector<128x128xi1>, vector<128x128xi32>
      %get3A_926 = arith.constant 0 : index
      %get3A_927 = arith.constant 3584 : index
      %get3A_928 = vector.load %arg2[%get3A_926, %get3A_927] : memref<128x10112xf32, #tpu.memory_space<vmem>>, vector<128x128xf32>
      %dot_general3A_929 = arith.constant dense<0.000000e+00> : vector<128x128xf32>
      %dot_general3A_930 = tpu.matmul %get3A_7, %get3A_928, %dot_general3A_929 {dimension_numbers = #tpu.dot_dimension_numbers<[1], [0], [0], [1], [0, 0, 1, 1], [], []>, transpose_lhs_hint = false} : vector<128x128xf32>, vector<128x128xf32>, vector<128x128xf32> -> vector<128x128xf32>
      %jit3A_931 = arith.constant 2 : i32
      %eq3A_932 = arith.constant 0 : i32
      %eq3A_933 = arith.cmpi eq, %jit3A_931, %eq3A_932 : i32
      %jit3A_934 = arith.constant 1 : i32
      %select_n3A_935 = arith.select %eq3A_933, %jit3A_934, %jit3A_931 : i32
      %rem3A_936 = arith.remsi %arg0, %select_n3A_935 : i32
      %ne3A_937 = arith.constant 0 : i32
      %ne3A_938 = arith.cmpi ne, %rem3A_936, %ne3A_937 : i32
      %lt3A_939 = arith.constant 0 : i32
      %lt3A_940 = arith.cmpi slt, %rem3A_936, %lt3A_939 : i32
      %lt3A_941 = arith.constant 0 : i32
      %lt3A_942 = arith.cmpi slt, %select_n3A_935, %lt3A_941 : i32
      %ne3A_943 = arith.xori %lt3A_940, %lt3A_942 : i1
      %and3A_944 = arith.andi %ne3A_943, %ne3A_938 : i1
      %add3A_945 = arith.addi %rem3A_936, %select_n3A_935 : i32
      %select_n3A_946 = arith.select %and3A_944, %add3A_945, %rem3A_936 : i32
      %swap3A_947 = arith.index_cast %select_n3A_946 : i32 to index
      %swap3A_948 = arith.constant 28 : index
      %swap3A_949 = arith.constant 0 : index
      %swap3A_950 = arith.constant 0 : index
      %swap3A_951 = vector.load %arg5[%swap3A_947, %swap3A_948, %swap3A_949, %swap3A_950] : memref<2x79x128x128xf32, #tpu.memory_space<vmem>>, vector<1x1x128x128xf32>
      %swap3A_952 = vector.shape_cast %swap3A_951 : vector<1x1x128x128xf32> to vector<128x128xf32>
      %swap3A_953 = vector.shape_cast %dot_general3A_930 : vector<128x128xf32> to vector<1x1x128x128xf32>
      tpu.vector_store %arg5[%swap3A_947, %swap3A_948, %swap3A_949, %swap3A_950], %swap3A_953 {strides = array<i32>} : memref<2x79x128x128xf32, #tpu.memory_space<vmem>>, vector<1x1x128x128xf32>,
      %gt3A_954 = arith.cmpf ogt, %dot_general3A_930, %select_n3A_922 : vector<128x128xf32>
      %select_n3A_955 = arith.select %gt3A_954, %dot_general3A_930, %select_n3A_922 : vector<128x128xi1>, vector<128x128xf32>
      %jit3A_956 = arith.constant 28 : i32
      %broadcast_in_dim3A_957 = vector.broadcast %jit3A_956 : i32 to vector<128x128xi32>
      %select_n3A_958 = arith.select %gt3A_954, %broadcast_in_dim3A_957, %select_n3A_925 : vector<128x128xi1>, vector<128x128xi32>
      %get3A_959 = arith.constant 0 : index
      %get3A_960 = arith.constant 3712 : index
      %get3A_961 = vector.load %arg2[%get3A_959, %get3A_960] : memref<128x10112xf32, #tpu.memory_space<vmem>>, vector<128x128xf32>
      %dot_general3A_962 = arith.constant dense<0.000000e+00> : vector<128x128xf32>
      %dot_general3A_963 = tpu.matmul %get3A_7, %get3A_961, %dot_general3A_962 {dimension_numbers = #tpu.dot_dimension_numbers<[1], [0], [0], [1], [0, 0, 1, 1], [], []>, transpose_lhs_hint = false} : vector<128x128xf32>, vector<128x128xf32>, vector<128x128xf32> -> vector<128x128xf32>
      %jit3A_964 = arith.constant 2 : i32
      %eq3A_965 = arith.constant 0 : i32
      %eq3A_966 = arith.cmpi eq, %jit3A_964, %eq3A_965 : i32
      %jit3A_967 = arith.constant 1 : i32
      %select_n3A_968 = arith.select %eq3A_966, %jit3A_967, %jit3A_964 : i32
      %rem3A_969 = arith.remsi %arg0, %select_n3A_968 : i32
      %ne3A_970 = arith.constant 0 : i32
      %ne3A_971 = arith.cmpi ne, %rem3A_969, %ne3A_970 : i32
      %lt3A_972 = arith.constant 0 : i32
      %lt3A_973 = arith.cmpi slt, %rem3A_969, %lt3A_972 : i32
      %lt3A_974 = arith.constant 0 : i32
      %lt3A_975 = arith.cmpi slt, %select_n3A_968, %lt3A_974 : i32
      %ne3A_976 = arith.xori %lt3A_973, %lt3A_975 : i1
      %and3A_977 = arith.andi %ne3A_976, %ne3A_971 : i1
      %add3A_978 = arith.addi %rem3A_969, %select_n3A_968 : i32
      %select_n3A_979 = arith.select %and3A_977, %add3A_978, %rem3A_969 : i32
      %swap3A_980 = arith.index_cast %select_n3A_979 : i32 to index
      %swap3A_981 = arith.constant 29 : index
      %swap3A_982 = arith.constant 0 : index
      %swap3A_983 = arith.constant 0 : index
      %swap3A_984 = vector.load %arg5[%swap3A_980, %swap3A_981, %swap3A_982, %swap3A_983] : memref<2x79x128x128xf32, #tpu.memory_space<vmem>>, vector<1x1x128x128xf32>
      %swap3A_985 = vector.shape_cast %swap3A_984 : vector<1x1x128x128xf32> to vector<128x128xf32>
      %swap3A_986 = vector.shape_cast %dot_general3A_963 : vector<128x128xf32> to vector<1x1x128x128xf32>
      tpu.vector_store %arg5[%swap3A_980, %swap3A_981, %swap3A_982, %swap3A_983], %swap3A_986 {strides = array<i32>} : memref<2x79x128x128xf32, #tpu.memory_space<vmem>>, vector<1x1x128x128xf32>,
      %gt3A_987 = arith.cmpf ogt, %dot_general3A_963, %select_n3A_955 : vector<128x128xf32>
      %select_n3A_988 = arith.select %gt3A_987, %dot_general3A_963, %select_n3A_955 : vector<128x128xi1>, vector<128x128xf32>
      %jit3A_989 = arith.constant 29 : i32
      %broadcast_in_dim3A_990 = vector.broadcast %jit3A_989 : i32 to vector<128x128xi32>
      %select_n3A_991 = arith.select %gt3A_987, %broadcast_in_dim3A_990, %select_n3A_958 : vector<128x128xi1>, vector<128x128xi32>
      %get3A_992 = arith.constant 0 : index
      %get3A_993 = arith.constant 3840 : index
      %get3A_994 = vector.load %arg2[%get3A_992, %get3A_993] : memref<128x10112xf32, #tpu.memory_space<vmem>>, vector<128x128xf32>
      %dot_general3A_995 = arith.constant dense<0.000000e+00> : vector<128x128xf32>
      %dot_general3A_996 = tpu.matmul %get3A_7, %get3A_994, %dot_general3A_995 {dimension_numbers = #tpu.dot_dimension_numbers<[1], [0], [0], [1], [0, 0, 1, 1], [], []>, transpose_lhs_hint = false} : vector<128x128xf32>, vector<128x128xf32>, vector<128x128xf32> -> vector<128x128xf32>
      %jit3A_997 = arith.constant 2 : i32
      %eq3A_998 = arith.constant 0 : i32
      %eq3A_999 = arith.cmpi eq, %jit3A_997, %eq3A_998 : i32
      %jit3A_1000 = arith.constant 1 : i32
      %select_n3A_1001 = arith.select %eq3A_999, %jit3A_1000, %jit3A_997 : i32
      %rem3A_1002 = arith.remsi %arg0, %select_n3A_1001 : i32
      %ne3A_1003 = arith.constant 0 : i32
      %ne3A_1004 = arith.cmpi ne, %rem3A_1002, %ne3A_1003 : i32
      %lt3A_1005 = arith.constant 0 : i32
      %lt3A_1006 = arith.cmpi slt, %rem3A_1002, %lt3A_1005 : i32
      %lt3A_1007 = arith.constant 0 : i32
      %lt3A_1008 = arith.cmpi slt, %select_n3A_1001, %lt3A_1007 : i32
      %ne3A_1009 = arith.xori %lt3A_1006, %lt3A_1008 : i1
      %and3A_1010 = arith.andi %ne3A_1009, %ne3A_1004 : i1
      %add3A_1011 = arith.addi %rem3A_1002, %select_n3A_1001 : i32
      %select_n3A_1012 = arith.select %and3A_1010, %add3A_1011, %rem3A_1002 : i32
      %swap3A_1013 = arith.index_cast %select_n3A_1012 : i32 to index
      %swap3A_1014 = arith.constant 30 : index
      %swap3A_1015 = arith.constant 0 : index
      %swap3A_1016 = arith.constant 0 : index
      %swap3A_1017 = vector.load %arg5[%swap3A_1013, %swap3A_1014, %swap3A_1015, %swap3A_1016] : memref<2x79x128x128xf32, #tpu.memory_space<vmem>>, vector<1x1x128x128xf32>
      %swap3A_1018 = vector.shape_cast %swap3A_1017 : vector<1x1x128x128xf32> to vector<128x128xf32>
      %swap3A_1019 = vector.shape_cast %dot_general3A_996 : vector<128x128xf32> to vector<1x1x128x128xf32>
      tpu.vector_store %arg5[%swap3A_1013, %swap3A_1014, %swap3A_1015, %swap3A_1016], %swap3A_1019 {strides = array<i32>} : memref<2x79x128x128xf32, #tpu.memory_space<vmem>>, vector<1x1x128x128xf32>,
      %gt3A_1020 = arith.cmpf ogt, %dot_general3A_996, %select_n3A_988 : vector<128x128xf32>
      %select_n3A_1021 = arith.select %gt3A_1020, %dot_general3A_996, %select_n3A_988 : vector<128x128xi1>, vector<128x128xf32>
      %jit3A_1022 = arith.constant 30 : i32
      %broadcast_in_dim3A_1023 = vector.broadcast %jit3A_1022 : i32 to vector<128x128xi32>
      %select_n3A_1024 = arith.select %gt3A_1020, %broadcast_in_dim3A_1023, %select_n3A_991 : vector<128x128xi1>, vector<128x128xi32>
      %get3A_1025 = arith.constant 0 : index
      %get3A_1026 = arith.constant 3968 : index
      %get3A_1027 = vector.load %arg2[%get3A_1025, %get3A_1026] : memref<128x10112xf32, #tpu.memory_space<vmem>>, vector<128x128xf32>
      %dot_general3A_1028 = arith.constant dense<0.000000e+00> : vector<128x128xf32>
      %dot_general3A_1029 = tpu.matmul %get3A_7, %get3A_1027, %dot_general3A_1028 {dimension_numbers = #tpu.dot_dimension_numbers<[1], [0], [0], [1], [0, 0, 1, 1], [], []>, transpose_lhs_hint = false} : vector<128x128xf32>, vector<128x128xf32>, vector<128x128xf32> -> vector<128x128xf32>
      %jit3A_1030 = arith.constant 2 : i32
      %eq3A_1031 = arith.constant 0 : i32
      %eq3A_1032 = arith.cmpi eq, %jit3A_1030, %eq3A_1031 : i32
      %jit3A_1033 = arith.constant 1 : i32
      %select_n3A_1034 = arith.select %eq3A_1032, %jit3A_1033, %jit3A_1030 : i32
      %rem3A_1035 = arith.remsi %arg0, %select_n3A_1034 : i32
      %ne3A_1036 = arith.constant 0 : i32
      %ne3A_1037 = arith.cmpi ne, %rem3A_1035, %ne3A_1036 : i32
      %lt3A_1038 = arith.constant 0 : i32
      %lt3A_1039 = arith.cmpi slt, %rem3A_1035, %lt3A_1038 : i32
      %lt3A_1040 = arith.constant 0 : i32
      %lt3A_1041 = arith.cmpi slt, %select_n3A_1034, %lt3A_1040 : i32
      %ne3A_1042 = arith.xori %lt3A_1039, %lt3A_1041 : i1
      %and3A_1043 = arith.andi %ne3A_1042, %ne3A_1037 : i1
      %add3A_1044 = arith.addi %rem3A_1035, %select_n3A_1034 : i32
      %select_n3A_1045 = arith.select %and3A_1043, %add3A_1044, %rem3A_1035 : i32
      %swap3A_1046 = arith.index_cast %select_n3A_1045 : i32 to index
      %swap3A_1047 = arith.constant 31 : index
      %swap3A_1048 = arith.constant 0 : index
      %swap3A_1049 = arith.constant 0 : index
      %swap3A_1050 = vector.load %arg5[%swap3A_1046, %swap3A_1047, %swap3A_1048, %swap3A_1049] : memref<2x79x128x128xf32, #tpu.memory_space<vmem>>, vector<1x1x128x128xf32>
      %swap3A_1051 = vector.shape_cast %swap3A_1050 : vector<1x1x128x128xf32> to vector<128x128xf32>
      %swap3A_1052 = vector.shape_cast %dot_general3A_1029 : vector<128x128xf32> to vector<1x1x128x128xf32>
      tpu.vector_store %arg5[%swap3A_1046, %swap3A_1047, %swap3A_1048, %swap3A_1049], %swap3A_1052 {strides = array<i32>} : memref<2x79x128x128xf32, #tpu.memory_space<vmem>>, vector<1x1x128x128xf32>,
      %gt3A_1053 = arith.cmpf ogt, %dot_general3A_1029, %select_n3A_1021 : vector<128x128xf32>
      %select_n3A_1054 = arith.select %gt3A_1053, %dot_general3A_1029, %select_n3A_1021 : vector<128x128xi1>, vector<128x128xf32>
      %jit3A_1055 = arith.constant 31 : i32
      %broadcast_in_dim3A_1056 = vector.broadcast %jit3A_1055 : i32 to vector<128x128xi32>
      %select_n3A_1057 = arith.select %gt3A_1053, %broadcast_in_dim3A_1056, %select_n3A_1024 : vector<128x128xi1>, vector<128x128xi32>
      %get3A_1058 = arith.constant 0 : index
      %get3A_1059 = arith.constant 4096 : index
      %get3A_1060 = vector.load %arg2[%get3A_1058, %get3A_1059] : memref<128x10112xf32, #tpu.memory_space<vmem>>, vector<128x128xf32>
      %dot_general3A_1061 = arith.constant dense<0.000000e+00> : vector<128x128xf32>
      %dot_general3A_1062 = tpu.matmul %get3A_7, %get3A_1060, %dot_general3A_1061 {dimension_numbers = #tpu.dot_dimension_numbers<[1], [0], [0], [1], [0, 0, 1, 1], [], []>, transpose_lhs_hint = false} : vector<128x128xf32>, vector<128x128xf32>, vector<128x128xf32> -> vector<128x128xf32>
      %jit3A_1063 = arith.constant 2 : i32
      %eq3A_1064 = arith.constant 0 : i32
      %eq3A_1065 = arith.cmpi eq, %jit3A_1063, %eq3A_1064 : i32
      %jit3A_1066 = arith.constant 1 : i32
      %select_n3A_1067 = arith.select %eq3A_1065, %jit3A_1066, %jit3A_1063 : i32
      %rem3A_1068 = arith.remsi %arg0, %select_n3A_1067 : i32
      %ne3A_1069 = arith.constant 0 : i32
      %ne3A_1070 = arith.cmpi ne, %rem3A_1068, %ne3A_1069 : i32
      %lt3A_1071 = arith.constant 0 : i32
      %lt3A_1072 = arith.cmpi slt, %rem3A_1068, %lt3A_1071 : i32
      %lt3A_1073 = arith.constant 0 : i32
      %lt3A_1074 = arith.cmpi slt, %select_n3A_1067, %lt3A_1073 : i32
      %ne3A_1075 = arith.xori %lt3A_1072, %lt3A_1074 : i1
      %and3A_1076 = arith.andi %ne3A_1075, %ne3A_1070 : i1
      %add3A_1077 = arith.addi %rem3A_1068, %select_n3A_1067 : i32
      %select_n3A_1078 = arith.select %and3A_1076, %add3A_1077, %rem3A_1068 : i32
      %swap3A_1079 = arith.index_cast %select_n3A_1078 : i32 to index
      %swap3A_1080 = arith.constant 32 : index
      %swap3A_1081 = arith.constant 0 : index
      %swap3A_1082 = arith.constant 0 : index
      %swap3A_1083 = vector.load %arg5[%swap3A_1079, %swap3A_1080, %swap3A_1081, %swap3A_1082] : memref<2x79x128x128xf32, #tpu.memory_space<vmem>>, vector<1x1x128x128xf32>
      %swap3A_1084 = vector.shape_cast %swap3A_1083 : vector<1x1x128x128xf32> to vector<128x128xf32>
      %swap3A_1085 = vector.shape_cast %dot_general3A_1062 : vector<128x128xf32> to vector<1x1x128x128xf32>
      tpu.vector_store %arg5[%swap3A_1079, %swap3A_1080, %swap3A_1081, %swap3A_1082], %swap3A_1085 {strides = array<i32>} : memref<2x79x128x128xf32, #tpu.memory_space<vmem>>, vector<1x1x128x128xf32>,
      %gt3A_1086 = arith.cmpf ogt, %dot_general3A_1062, %select_n3A_1054 : vector<128x128xf32>
      %select_n3A_1087 = arith.select %gt3A_1086, %dot_general3A_1062, %select_n3A_1054 : vector<128x128xi1>, vector<128x128xf32>
      %jit3A_1088 = arith.constant 32 : i32
      %broadcast_in_dim3A_1089 = vector.broadcast %jit3A_1088 : i32 to vector<128x128xi32>
      %select_n3A_1090 = arith.select %gt3A_1086, %broadcast_in_dim3A_1089, %select_n3A_1057 : vector<128x128xi1>, vector<128x128xi32>
      %get3A_1091 = arith.constant 0 : index
      %get3A_1092 = arith.constant 4224 : index
      %get3A_1093 = vector.load %arg2[%get3A_1091, %get3A_1092] : memref<128x10112xf32, #tpu.memory_space<vmem>>, vector<128x128xf32>
      %dot_general3A_1094 = arith.constant dense<0.000000e+00> : vector<128x128xf32>
      %dot_general3A_1095 = tpu.matmul %get3A_7, %get3A_1093, %dot_general3A_1094 {dimension_numbers = #tpu.dot_dimension_numbers<[1], [0], [0], [1], [0, 0, 1, 1], [], []>, transpose_lhs_hint = false} : vector<128x128xf32>, vector<128x128xf32>, vector<128x128xf32> -> vector<128x128xf32>
      %jit3A_1096 = arith.constant 2 : i32
      %eq3A_1097 = arith.constant 0 : i32
      %eq3A_1098 = arith.cmpi eq, %jit3A_1096, %eq3A_1097 : i32
      %jit3A_1099 = arith.constant 1 : i32
      %select_n3A_1100 = arith.select %eq3A_1098, %jit3A_1099, %jit3A_1096 : i32
      %rem3A_1101 = arith.remsi %arg0, %select_n3A_1100 : i32
      %ne3A_1102 = arith.constant 0 : i32
      %ne3A_1103 = arith.cmpi ne, %rem3A_1101, %ne3A_1102 : i32
      %lt3A_1104 = arith.constant 0 : i32
      %lt3A_1105 = arith.cmpi slt, %rem3A_1101, %lt3A_1104 : i32
      %lt3A_1106 = arith.constant 0 : i32
      %lt3A_1107 = arith.cmpi slt, %select_n3A_1100, %lt3A_1106 : i32
      %ne3A_1108 = arith.xori %lt3A_1105, %lt3A_1107 : i1
      %and3A_1109 = arith.andi %ne3A_1108, %ne3A_1103 : i1
      %add3A_1110 = arith.addi %rem3A_1101, %select_n3A_1100 : i32
      %select_n3A_1111 = arith.select %and3A_1109, %add3A_1110, %rem3A_1101 : i32
      %swap3A_1112 = arith.index_cast %select_n3A_1111 : i32 to index
      %swap3A_1113 = arith.constant 33 : index
      %swap3A_1114 = arith.constant 0 : index
      %swap3A_1115 = arith.constant 0 : index
      %swap3A_1116 = vector.load %arg5[%swap3A_1112, %swap3A_1113, %swap3A_1114, %swap3A_1115] : memref<2x79x128x128xf32, #tpu.memory_space<vmem>>, vector<1x1x128x128xf32>
      %swap3A_1117 = vector.shape_cast %swap3A_1116 : vector<1x1x128x128xf32> to vector<128x128xf32>
      %swap3A_1118 = vector.shape_cast %dot_general3A_1095 : vector<128x128xf32> to vector<1x1x128x128xf32>
      tpu.vector_store %arg5[%swap3A_1112, %swap3A_1113, %swap3A_1114, %swap3A_1115], %swap3A_1118 {strides = array<i32>} : memref<2x79x128x128xf32, #tpu.memory_space<vmem>>, vector<1x1x128x128xf32>,
      %gt3A_1119 = arith.cmpf ogt, %dot_general3A_1095, %select_n3A_1087 : vector<128x128xf32>
      %select_n3A_1120 = arith.select %gt3A_1119, %dot_general3A_1095, %select_n3A_1087 : vector<128x128xi1>, vector<128x128xf32>
      %jit3A_1121 = arith.constant 33 : i32
      %broadcast_in_dim3A_1122 = vector.broadcast %jit3A_1121 : i32 to vector<128x128xi32>
      %select_n3A_1123 = arith.select %gt3A_1119, %broadcast_in_dim3A_1122, %select_n3A_1090 : vector<128x128xi1>, vector<128x128xi32>
      %get3A_1124 = arith.constant 0 : index
      %get3A_1125 = arith.constant 4352 : index
      %get3A_1126 = vector.load %arg2[%get3A_1124, %get3A_1125] : memref<128x10112xf32, #tpu.memory_space<vmem>>, vector<128x128xf32>
      %dot_general3A_1127 = arith.constant dense<0.000000e+00> : vector<128x128xf32>
      %dot_general3A_1128 = tpu.matmul %get3A_7, %get3A_1126, %dot_general3A_1127 {dimension_numbers = #tpu.dot_dimension_numbers<[1], [0], [0], [1], [0, 0, 1, 1], [], []>, transpose_lhs_hint = false} : vector<128x128xf32>, vector<128x128xf32>, vector<128x128xf32> -> vector<128x128xf32>
      %jit3A_1129 = arith.constant 2 : i32
      %eq3A_1130 = arith.constant 0 : i32
      %eq3A_1131 = arith.cmpi eq, %jit3A_1129, %eq3A_1130 : i32
      %jit3A_1132 = arith.constant 1 : i32
      %select_n3A_1133 = arith.select %eq3A_1131, %jit3A_1132, %jit3A_1129 : i32
      %rem3A_1134 = arith.remsi %arg0, %select_n3A_1133 : i32
      %ne3A_1135 = arith.constant 0 : i32
      %ne3A_1136 = arith.cmpi ne, %rem3A_1134, %ne3A_1135 : i32
      %lt3A_1137 = arith.constant 0 : i32
      %lt3A_1138 = arith.cmpi slt, %rem3A_1134, %lt3A_1137 : i32
      %lt3A_1139 = arith.constant 0 : i32
      %lt3A_1140 = arith.cmpi slt, %select_n3A_1133, %lt3A_1139 : i32
      %ne3A_1141 = arith.xori %lt3A_1138, %lt3A_1140 : i1
      %and3A_1142 = arith.andi %ne3A_1141, %ne3A_1136 : i1
      %add3A_1143 = arith.addi %rem3A_1134, %select_n3A_1133 : i32
      %select_n3A_1144 = arith.select %and3A_1142, %add3A_1143, %rem3A_1134 : i32
      %swap3A_1145 = arith.index_cast %select_n3A_1144 : i32 to index
      %swap3A_1146 = arith.constant 34 : index
      %swap3A_1147 = arith.constant 0 : index
      %swap3A_1148 = arith.constant 0 : index
      %swap3A_1149 = vector.load %arg5[%swap3A_1145, %swap3A_1146, %swap3A_1147, %swap3A_1148] : memref<2x79x128x128xf32, #tpu.memory_space<vmem>>, vector<1x1x128x128xf32>
      %swap3A_1150 = vector.shape_cast %swap3A_1149 : vector<1x1x128x128xf32> to vector<128x128xf32>
      %swap3A_1151 = vector.shape_cast %dot_general3A_1128 : vector<128x128xf32> to vector<1x1x128x128xf32>
      tpu.vector_store %arg5[%swap3A_1145, %swap3A_1146, %swap3A_1147, %swap3A_1148], %swap3A_1151 {strides = array<i32>} : memref<2x79x128x128xf32, #tpu.memory_space<vmem>>, vector<1x1x128x128xf32>,
      %gt3A_1152 = arith.cmpf ogt, %dot_general3A_1128, %select_n3A_1120 : vector<128x128xf32>
      %select_n3A_1153 = arith.select %gt3A_1152, %dot_general3A_1128, %select_n3A_1120 : vector<128x128xi1>, vector<128x128xf32>
      %jit3A_1154 = arith.constant 34 : i32
      %broadcast_in_dim3A_1155 = vector.broadcast %jit3A_1154 : i32 to vector<128x128xi32>
      %select_n3A_1156 = arith.select %gt3A_1152, %broadcast_in_dim3A_1155, %select_n3A_1123 : vector<128x128xi1>, vector<128x128xi32>
      %get3A_1157 = arith.constant 0 : index
      %get3A_1158 = arith.constant 4480 : index
      %get3A_1159 = vector.load %arg2[%get3A_1157, %get3A_1158] : memref<128x10112xf32, #tpu.memory_space<vmem>>, vector<128x128xf32>
      %dot_general3A_1160 = arith.constant dense<0.000000e+00> : vector<128x128xf32>
      %dot_general3A_1161 = tpu.matmul %get3A_7, %get3A_1159, %dot_general3A_1160 {dimension_numbers = #tpu.dot_dimension_numbers<[1], [0], [0], [1], [0, 0, 1, 1], [], []>, transpose_lhs_hint = false} : vector<128x128xf32>, vector<128x128xf32>, vector<128x128xf32> -> vector<128x128xf32>
      %jit3A_1162 = arith.constant 2 : i32
      %eq3A_1163 = arith.constant 0 : i32
      %eq3A_1164 = arith.cmpi eq, %jit3A_1162, %eq3A_1163 : i32
      %jit3A_1165 = arith.constant 1 : i32
      %select_n3A_1166 = arith.select %eq3A_1164, %jit3A_1165, %jit3A_1162 : i32
      %rem3A_1167 = arith.remsi %arg0, %select_n3A_1166 : i32
      %ne3A_1168 = arith.constant 0 : i32
      %ne3A_1169 = arith.cmpi ne, %rem3A_1167, %ne3A_1168 : i32
      %lt3A_1170 = arith.constant 0 : i32
      %lt3A_1171 = arith.cmpi slt, %rem3A_1167, %lt3A_1170 : i32
      %lt3A_1172 = arith.constant 0 : i32
      %lt3A_1173 = arith.cmpi slt, %select_n3A_1166, %lt3A_1172 : i32
      %ne3A_1174 = arith.xori %lt3A_1171, %lt3A_1173 : i1
      %and3A_1175 = arith.andi %ne3A_1174, %ne3A_1169 : i1
      %add3A_1176 = arith.addi %rem3A_1167, %select_n3A_1166 : i32
      %select_n3A_1177 = arith.select %and3A_1175, %add3A_1176, %rem3A_1167 : i32
      %swap3A_1178 = arith.index_cast %select_n3A_1177 : i32 to index
      %swap3A_1179 = arith.constant 35 : index
      %swap3A_1180 = arith.constant 0 : index
      %swap3A_1181 = arith.constant 0 : index
      %swap3A_1182 = vector.load %arg5[%swap3A_1178, %swap3A_1179, %swap3A_1180, %swap3A_1181] : memref<2x79x128x128xf32, #tpu.memory_space<vmem>>, vector<1x1x128x128xf32>
      %swap3A_1183 = vector.shape_cast %swap3A_1182 : vector<1x1x128x128xf32> to vector<128x128xf32>
      %swap3A_1184 = vector.shape_cast %dot_general3A_1161 : vector<128x128xf32> to vector<1x1x128x128xf32>
      tpu.vector_store %arg5[%swap3A_1178, %swap3A_1179, %swap3A_1180, %swap3A_1181], %swap3A_1184 {strides = array<i32>} : memref<2x79x128x128xf32, #tpu.memory_space<vmem>>, vector<1x1x128x128xf32>,
      %gt3A_1185 = arith.cmpf ogt, %dot_general3A_1161, %select_n3A_1153 : vector<128x128xf32>
      %select_n3A_1186 = arith.select %gt3A_1185, %dot_general3A_1161, %select_n3A_1153 : vector<128x128xi1>, vector<128x128xf32>
      %jit3A_1187 = arith.constant 35 : i32
      %broadcast_in_dim3A_1188 = vector.broadcast %jit3A_1187 : i32 to vector<128x128xi32>
      %select_n3A_1189 = arith.select %gt3A_1185, %broadcast_in_dim3A_1188, %select_n3A_1156 : vector<128x128xi1>, vector<128x128xi32>
      %get3A_1190 = arith.constant 0 : index
      %get3A_1191 = arith.constant 4608 : index
      %get3A_1192 = vector.load %arg2[%get3A_1190, %get3A_1191] : memref<128x10112xf32, #tpu.memory_space<vmem>>, vector<128x128xf32>
      %dot_general3A_1193 = arith.constant dense<0.000000e+00> : vector<128x128xf32>
      %dot_general3A_1194 = tpu.matmul %get3A_7, %get3A_1192, %dot_general3A_1193 {dimension_numbers = #tpu.dot_dimension_numbers<[1], [0], [0], [1], [0, 0, 1, 1], [], []>, transpose_lhs_hint = false} : vector<128x128xf32>, vector<128x128xf32>, vector<128x128xf32> -> vector<128x128xf32>
      %jit3A_1195 = arith.constant 2 : i32
      %eq3A_1196 = arith.constant 0 : i32
      %eq3A_1197 = arith.cmpi eq, %jit3A_1195, %eq3A_1196 : i32
      %jit3A_1198 = arith.constant 1 : i32
      %select_n3A_1199 = arith.select %eq3A_1197, %jit3A_1198, %jit3A_1195 : i32
      %rem3A_1200 = arith.remsi %arg0, %select_n3A_1199 : i32
      %ne3A_1201 = arith.constant 0 : i32
      %ne3A_1202 = arith.cmpi ne, %rem3A_1200, %ne3A_1201 : i32
      %lt3A_1203 = arith.constant 0 : i32
      %lt3A_1204 = arith.cmpi slt, %rem3A_1200, %lt3A_1203 : i32
      %lt3A_1205 = arith.constant 0 : i32
      %lt3A_1206 = arith.cmpi slt, %select_n3A_1199, %lt3A_1205 : i32
      %ne3A_1207 = arith.xori %lt3A_1204, %lt3A_1206 : i1
      %and3A_1208 = arith.andi %ne3A_1207, %ne3A_1202 : i1
      %add3A_1209 = arith.addi %rem3A_1200, %select_n3A_1199 : i32
      %select_n3A_1210 = arith.select %and3A_1208, %add3A_1209, %rem3A_1200 : i32
      %swap3A_1211 = arith.index_cast %select_n3A_1210 : i32 to index
      %swap3A_1212 = arith.constant 36 : index
      %swap3A_1213 = arith.constant 0 : index
      %swap3A_1214 = arith.constant 0 : index
      %swap3A_1215 = vector.load %arg5[%swap3A_1211, %swap3A_1212, %swap3A_1213, %swap3A_1214] : memref<2x79x128x128xf32, #tpu.memory_space<vmem>>, vector<1x1x128x128xf32>
      %swap3A_1216 = vector.shape_cast %swap3A_1215 : vector<1x1x128x128xf32> to vector<128x128xf32>
      %swap3A_1217 = vector.shape_cast %dot_general3A_1194 : vector<128x128xf32> to vector<1x1x128x128xf32>
      tpu.vector_store %arg5[%swap3A_1211, %swap3A_1212, %swap3A_1213, %swap3A_1214], %swap3A_1217 {strides = array<i32>} : memref<2x79x128x128xf32, #tpu.memory_space<vmem>>, vector<1x1x128x128xf32>,
      %gt3A_1218 = arith.cmpf ogt, %dot_general3A_1194, %select_n3A_1186 : vector<128x128xf32>
      %select_n3A_1219 = arith.select %gt3A_1218, %dot_general3A_1194, %select_n3A_1186 : vector<128x128xi1>, vector<128x128xf32>
      %jit3A_1220 = arith.constant 36 : i32
      %broadcast_in_dim3A_1221 = vector.broadcast %jit3A_1220 : i32 to vector<128x128xi32>
      %select_n3A_1222 = arith.select %gt3A_1218, %broadcast_in_dim3A_1221, %select_n3A_1189 : vector<128x128xi1>, vector<128x128xi32>
      %get3A_1223 = arith.constant 0 : index
      %get3A_1224 = arith.constant 4736 : index
      %get3A_1225 = vector.load %arg2[%get3A_1223, %get3A_1224] : memref<128x10112xf32, #tpu.memory_space<vmem>>, vector<128x128xf32>
      %dot_general3A_1226 = arith.constant dense<0.000000e+00> : vector<128x128xf32>
      %dot_general3A_1227 = tpu.matmul %get3A_7, %get3A_1225, %dot_general3A_1226 {dimension_numbers = #tpu.dot_dimension_numbers<[1], [0], [0], [1], [0, 0, 1, 1], [], []>, transpose_lhs_hint = false} : vector<128x128xf32>, vector<128x128xf32>, vector<128x128xf32> -> vector<128x128xf32>
      %jit3A_1228 = arith.constant 2 : i32
      %eq3A_1229 = arith.constant 0 : i32
      %eq3A_1230 = arith.cmpi eq, %jit3A_1228, %eq3A_1229 : i32
      %jit3A_1231 = arith.constant 1 : i32
      %select_n3A_1232 = arith.select %eq3A_1230, %jit3A_1231, %jit3A_1228 : i32
      %rem3A_1233 = arith.remsi %arg0, %select_n3A_1232 : i32
      %ne3A_1234 = arith.constant 0 : i32
      %ne3A_1235 = arith.cmpi ne, %rem3A_1233, %ne3A_1234 : i32
      %lt3A_1236 = arith.constant 0 : i32
      %lt3A_1237 = arith.cmpi slt, %rem3A_1233, %lt3A_1236 : i32
      %lt3A_1238 = arith.constant 0 : i32
      %lt3A_1239 = arith.cmpi slt, %select_n3A_1232, %lt3A_1238 : i32
      %ne3A_1240 = arith.xori %lt3A_1237, %lt3A_1239 : i1
      %and3A_1241 = arith.andi %ne3A_1240, %ne3A_1235 : i1
      %add3A_1242 = arith.addi %rem3A_1233, %select_n3A_1232 : i32
      %select_n3A_1243 = arith.select %and3A_1241, %add3A_1242, %rem3A_1233 : i32
      %swap3A_1244 = arith.index_cast %select_n3A_1243 : i32 to index
      %swap3A_1245 = arith.constant 37 : index
      %swap3A_1246 = arith.constant 0 : index
      %swap3A_1247 = arith.constant 0 : index
      %swap3A_1248 = vector.load %arg5[%swap3A_1244, %swap3A_1245, %swap3A_1246, %swap3A_1247] : memref<2x79x128x128xf32, #tpu.memory_space<vmem>>, vector<1x1x128x128xf32>
      %swap3A_1249 = vector.shape_cast %swap3A_1248 : vector<1x1x128x128xf32> to vector<128x128xf32>
      %swap3A_1250 = vector.shape_cast %dot_general3A_1227 : vector<128x128xf32> to vector<1x1x128x128xf32>
      tpu.vector_store %arg5[%swap3A_1244, %swap3A_1245, %swap3A_1246, %swap3A_1247], %swap3A_1250 {strides = array<i32>} : memref<2x79x128x128xf32, #tpu.memory_space<vmem>>, vector<1x1x128x128xf32>,
      %gt3A_1251 = arith.cmpf ogt, %dot_general3A_1227, %select_n3A_1219 : vector<128x128xf32>
      %select_n3A_1252 = arith.select %gt3A_1251, %dot_general3A_1227, %select_n3A_1219 : vector<128x128xi1>, vector<128x128xf32>
      %jit3A_1253 = arith.constant 37 : i32
      %broadcast_in_dim3A_1254 = vector.broadcast %jit3A_1253 : i32 to vector<128x128xi32>
      %select_n3A_1255 = arith.select %gt3A_1251, %broadcast_in_dim3A_1254, %select_n3A_1222 : vector<128x128xi1>, vector<128x128xi32>
      %get3A_1256 = arith.constant 0 : index
      %get3A_1257 = arith.constant 4864 : index
      %get3A_1258 = vector.load %arg2[%get3A_1256, %get3A_1257] : memref<128x10112xf32, #tpu.memory_space<vmem>>, vector<128x128xf32>
      %dot_general3A_1259 = arith.constant dense<0.000000e+00> : vector<128x128xf32>
      %dot_general3A_1260 = tpu.matmul %get3A_7, %get3A_1258, %dot_general3A_1259 {dimension_numbers = #tpu.dot_dimension_numbers<[1], [0], [0], [1], [0, 0, 1, 1], [], []>, transpose_lhs_hint = false} : vector<128x128xf32>, vector<128x128xf32>, vector<128x128xf32> -> vector<128x128xf32>
      %jit3A_1261 = arith.constant 2 : i32
      %eq3A_1262 = arith.constant 0 : i32
      %eq3A_1263 = arith.cmpi eq, %jit3A_1261, %eq3A_1262 : i32
      %jit3A_1264 = arith.constant 1 : i32
      %select_n3A_1265 = arith.select %eq3A_1263, %jit3A_1264, %jit3A_1261 : i32
      %rem3A_1266 = arith.remsi %arg0, %select_n3A_1265 : i32
      %ne3A_1267 = arith.constant 0 : i32
      %ne3A_1268 = arith.cmpi ne, %rem3A_1266, %ne3A_1267 : i32
      %lt3A_1269 = arith.constant 0 : i32
      %lt3A_1270 = arith.cmpi slt, %rem3A_1266, %lt3A_1269 : i32
      %lt3A_1271 = arith.constant 0 : i32
      %lt3A_1272 = arith.cmpi slt, %select_n3A_1265, %lt3A_1271 : i32
      %ne3A_1273 = arith.xori %lt3A_1270, %lt3A_1272 : i1
      %and3A_1274 = arith.andi %ne3A_1273, %ne3A_1268 : i1
      %add3A_1275 = arith.addi %rem3A_1266, %select_n3A_1265 : i32
      %select_n3A_1276 = arith.select %and3A_1274, %add3A_1275, %rem3A_1266 : i32
      %swap3A_1277 = arith.index_cast %select_n3A_1276 : i32 to index
      %swap3A_1278 = arith.constant 38 : index
      %swap3A_1279 = arith.constant 0 : index
      %swap3A_1280 = arith.constant 0 : index
      %swap3A_1281 = vector.load %arg5[%swap3A_1277, %swap3A_1278, %swap3A_1279, %swap3A_1280] : memref<2x79x128x128xf32, #tpu.memory_space<vmem>>, vector<1x1x128x128xf32>
      %swap3A_1282 = vector.shape_cast %swap3A_1281 : vector<1x1x128x128xf32> to vector<128x128xf32>
      %swap3A_1283 = vector.shape_cast %dot_general3A_1260 : vector<128x128xf32> to vector<1x1x128x128xf32>
      tpu.vector_store %arg5[%swap3A_1277, %swap3A_1278, %swap3A_1279, %swap3A_1280], %swap3A_1283 {strides = array<i32>} : memref<2x79x128x128xf32, #tpu.memory_space<vmem>>, vector<1x1x128x128xf32>,
      %gt3A_1284 = arith.cmpf ogt, %dot_general3A_1260, %select_n3A_1252 : vector<128x128xf32>
      %select_n3A_1285 = arith.select %gt3A_1284, %dot_general3A_1260, %select_n3A_1252 : vector<128x128xi1>, vector<128x128xf32>
      %jit3A_1286 = arith.constant 38 : i32
      %broadcast_in_dim3A_1287 = vector.broadcast %jit3A_1286 : i32 to vector<128x128xi32>
      %select_n3A_1288 = arith.select %gt3A_1284, %broadcast_in_dim3A_1287, %select_n3A_1255 : vector<128x128xi1>, vector<128x128xi32>
      %get3A_1289 = arith.constant 0 : index
      %get3A_1290 = arith.constant 4992 : index
      %get3A_1291 = vector.load %arg2[%get3A_1289, %get3A_1290] : memref<128x10112xf32, #tpu.memory_space<vmem>>, vector<128x128xf32>
      %dot_general3A_1292 = arith.constant dense<0.000000e+00> : vector<128x128xf32>
      %dot_general3A_1293 = tpu.matmul %get3A_7, %get3A_1291, %dot_general3A_1292 {dimension_numbers = #tpu.dot_dimension_numbers<[1], [0], [0], [1], [0, 0, 1, 1], [], []>, transpose_lhs_hint = false} : vector<128x128xf32>, vector<128x128xf32>, vector<128x128xf32> -> vector<128x128xf32>
      %jit3A_1294 = arith.constant 2 : i32
      %eq3A_1295 = arith.constant 0 : i32
      %eq3A_1296 = arith.cmpi eq, %jit3A_1294, %eq3A_1295 : i32
      %jit3A_1297 = arith.constant 1 : i32
      %select_n3A_1298 = arith.select %eq3A_1296, %jit3A_1297, %jit3A_1294 : i32
      %rem3A_1299 = arith.remsi %arg0, %select_n3A_1298 : i32
      %ne3A_1300 = arith.constant 0 : i32
      %ne3A_1301 = arith.cmpi ne, %rem3A_1299, %ne3A_1300 : i32
      %lt3A_1302 = arith.constant 0 : i32
      %lt3A_1303 = arith.cmpi slt, %rem3A_1299, %lt3A_1302 : i32
      %lt3A_1304 = arith.constant 0 : i32
      %lt3A_1305 = arith.cmpi slt, %select_n3A_1298, %lt3A_1304 : i32
      %ne3A_1306 = arith.xori %lt3A_1303, %lt3A_1305 : i1
      %and3A_1307 = arith.andi %ne3A_1306, %ne3A_1301 : i1
      %add3A_1308 = arith.addi %rem3A_1299, %select_n3A_1298 : i32
      %select_n3A_1309 = arith.select %and3A_1307, %add3A_1308, %rem3A_1299 : i32
      %swap3A_1310 = arith.index_cast %select_n3A_1309 : i32 to index
      %swap3A_1311 = arith.constant 39 : index
      %swap3A_1312 = arith.constant 0 : index
      %swap3A_1313 = arith.constant 0 : index
      %swap3A_1314 = vector.load %arg5[%swap3A_1310, %swap3A_1311, %swap3A_1312, %swap3A_1313] : memref<2x79x128x128xf32, #tpu.memory_space<vmem>>, vector<1x1x128x128xf32>
      %swap3A_1315 = vector.shape_cast %swap3A_1314 : vector<1x1x128x128xf32> to vector<128x128xf32>
      %swap3A_1316 = vector.shape_cast %dot_general3A_1293 : vector<128x128xf32> to vector<1x1x128x128xf32>
      tpu.vector_store %arg5[%swap3A_1310, %swap3A_1311, %swap3A_1312, %swap3A_1313], %swap3A_1316 {strides = array<i32>} : memref<2x79x128x128xf32, #tpu.memory_space<vmem>>, vector<1x1x128x128xf32>,
      %gt3A_1317 = arith.cmpf ogt, %dot_general3A_1293, %select_n3A_1285 : vector<128x128xf32>
      %select_n3A_1318 = arith.select %gt3A_1317, %dot_general3A_1293, %select_n3A_1285 : vector<128x128xi1>, vector<128x128xf32>
      %jit3A_1319 = arith.constant 39 : i32
      %broadcast_in_dim3A_1320 = vector.broadcast %jit3A_1319 : i32 to vector<128x128xi32>
      %select_n3A_1321 = arith.select %gt3A_1317, %broadcast_in_dim3A_1320, %select_n3A_1288 : vector<128x128xi1>, vector<128x128xi32>
      %get3A_1322 = arith.constant 0 : index
      %get3A_1323 = arith.constant 5120 : index
      %get3A_1324 = vector.load %arg2[%get3A_1322, %get3A_1323] : memref<128x10112xf32, #tpu.memory_space<vmem>>, vector<128x128xf32>
      %dot_general3A_1325 = arith.constant dense<0.000000e+00> : vector<128x128xf32>
      %dot_general3A_1326 = tpu.matmul %get3A_7, %get3A_1324, %dot_general3A_1325 {dimension_numbers = #tpu.dot_dimension_numbers<[1], [0], [0], [1], [0, 0, 1, 1], [], []>, transpose_lhs_hint = false} : vector<128x128xf32>, vector<128x128xf32>, vector<128x128xf32> -> vector<128x128xf32>
      %jit3A_1327 = arith.constant 2 : i32
      %eq3A_1328 = arith.constant 0 : i32
      %eq3A_1329 = arith.cmpi eq, %jit3A_1327, %eq3A_1328 : i32
      %jit3A_1330 = arith.constant 1 : i32
      %select_n3A_1331 = arith.select %eq3A_1329, %jit3A_1330, %jit3A_1327 : i32
      %rem3A_1332 = arith.remsi %arg0, %select_n3A_1331 : i32
      %ne3A_1333 = arith.constant 0 : i32
      %ne3A_1334 = arith.cmpi ne, %rem3A_1332, %ne3A_1333 : i32
      %lt3A_1335 = arith.constant 0 : i32
      %lt3A_1336 = arith.cmpi slt, %rem3A_1332, %lt3A_1335 : i32
      %lt3A_1337 = arith.constant 0 : i32
      %lt3A_1338 = arith.cmpi slt, %select_n3A_1331, %lt3A_1337 : i32
      %ne3A_1339 = arith.xori %lt3A_1336, %lt3A_1338 : i1
      %and3A_1340 = arith.andi %ne3A_1339, %ne3A_1334 : i1
      %add3A_1341 = arith.addi %rem3A_1332, %select_n3A_1331 : i32
      %select_n3A_1342 = arith.select %and3A_1340, %add3A_1341, %rem3A_1332 : i32
      %swap3A_1343 = arith.index_cast %select_n3A_1342 : i32 to index
      %swap3A_1344 = arith.constant 40 : index
      %swap3A_1345 = arith.constant 0 : index
      %swap3A_1346 = arith.constant 0 : index
      %swap3A_1347 = vector.load %arg5[%swap3A_1343, %swap3A_1344, %swap3A_1345, %swap3A_1346] : memref<2x79x128x128xf32, #tpu.memory_space<vmem>>, vector<1x1x128x128xf32>
      %swap3A_1348 = vector.shape_cast %swap3A_1347 : vector<1x1x128x128xf32> to vector<128x128xf32>
      %swap3A_1349 = vector.shape_cast %dot_general3A_1326 : vector<128x128xf32> to vector<1x1x128x128xf32>
      tpu.vector_store %arg5[%swap3A_1343, %swap3A_1344, %swap3A_1345, %swap3A_1346], %swap3A_1349 {strides = array<i32>} : memref<2x79x128x128xf32, #tpu.memory_space<vmem>>, vector<1x1x128x128xf32>,
      %gt3A_1350 = arith.cmpf ogt, %dot_general3A_1326, %select_n3A_1318 : vector<128x128xf32>
      %select_n3A_1351 = arith.select %gt3A_1350, %dot_general3A_1326, %select_n3A_1318 : vector<128x128xi1>, vector<128x128xf32>
      %jit3A_1352 = arith.constant 40 : i32
      %broadcast_in_dim3A_1353 = vector.broadcast %jit3A_1352 : i32 to vector<128x128xi32>
      %select_n3A_1354 = arith.select %gt3A_1350, %broadcast_in_dim3A_1353, %select_n3A_1321 : vector<128x128xi1>, vector<128x128xi32>
      %get3A_1355 = arith.constant 0 : index
      %get3A_1356 = arith.constant 5248 : index
      %get3A_1357 = vector.load %arg2[%get3A_1355, %get3A_1356] : memref<128x10112xf32, #tpu.memory_space<vmem>>, vector<128x128xf32>
      %dot_general3A_1358 = arith.constant dense<0.000000e+00> : vector<128x128xf32>
      %dot_general3A_1359 = tpu.matmul %get3A_7, %get3A_1357, %dot_general3A_1358 {dimension_numbers = #tpu.dot_dimension_numbers<[1], [0], [0], [1], [0, 0, 1, 1], [], []>, transpose_lhs_hint = false} : vector<128x128xf32>, vector<128x128xf32>, vector<128x128xf32> -> vector<128x128xf32>
      %jit3A_1360 = arith.constant 2 : i32
      %eq3A_1361 = arith.constant 0 : i32
      %eq3A_1362 = arith.cmpi eq, %jit3A_1360, %eq3A_1361 : i32
      %jit3A_1363 = arith.constant 1 : i32
      %select_n3A_1364 = arith.select %eq3A_1362, %jit3A_1363, %jit3A_1360 : i32
      %rem3A_1365 = arith.remsi %arg0, %select_n3A_1364 : i32
      %ne3A_1366 = arith.constant 0 : i32
      %ne3A_1367 = arith.cmpi ne, %rem3A_1365, %ne3A_1366 : i32
      %lt3A_1368 = arith.constant 0 : i32
      %lt3A_1369 = arith.cmpi slt, %rem3A_1365, %lt3A_1368 : i32
      %lt3A_1370 = arith.constant 0 : i32
      %lt3A_1371 = arith.cmpi slt, %select_n3A_1364, %lt3A_1370 : i32
      %ne3A_1372 = arith.xori %lt3A_1369, %lt3A_1371 : i1
      %and3A_1373 = arith.andi %ne3A_1372, %ne3A_1367 : i1
      %add3A_1374 = arith.addi %rem3A_1365, %select_n3A_1364 : i32
      %select_n3A_1375 = arith.select %and3A_1373, %add3A_1374, %rem3A_1365 : i32
      %swap3A_1376 = arith.index_cast %select_n3A_1375 : i32 to index
      %swap3A_1377 = arith.constant 41 : index
      %swap3A_1378 = arith.constant 0 : index
      %swap3A_1379 = arith.constant 0 : index
      %swap3A_1380 = vector.load %arg5[%swap3A_1376, %swap3A_1377, %swap3A_1378, %swap3A_1379] : memref<2x79x128x128xf32, #tpu.memory_space<vmem>>, vector<1x1x128x128xf32>
      %swap3A_1381 = vector.shape_cast %swap3A_1380 : vector<1x1x128x128xf32> to vector<128x128xf32>
      %swap3A_1382 = vector.shape_cast %dot_general3A_1359 : vector<128x128xf32> to vector<1x1x128x128xf32>
      tpu.vector_store %arg5[%swap3A_1376, %swap3A_1377, %swap3A_1378, %swap3A_1379], %swap3A_1382 {strides = array<i32>} : memref<2x79x128x128xf32, #tpu.memory_space<vmem>>, vector<1x1x128x128xf32>,
      %gt3A_1383 = arith.cmpf ogt, %dot_general3A_1359, %select_n3A_1351 : vector<128x128xf32>
      %select_n3A_1384 = arith.select %gt3A_1383, %dot_general3A_1359, %select_n3A_1351 : vector<128x128xi1>, vector<128x128xf32>
      %jit3A_1385 = arith.constant 41 : i32
      %broadcast_in_dim3A_1386 = vector.broadcast %jit3A_1385 : i32 to vector<128x128xi32>
      %select_n3A_1387 = arith.select %gt3A_1383, %broadcast_in_dim3A_1386, %select_n3A_1354 : vector<128x128xi1>, vector<128x128xi32>
      %get3A_1388 = arith.constant 0 : index
      %get3A_1389 = arith.constant 5376 : index
      %get3A_1390 = vector.load %arg2[%get3A_1388, %get3A_1389] : memref<128x10112xf32, #tpu.memory_space<vmem>>, vector<128x128xf32>
      %dot_general3A_1391 = arith.constant dense<0.000000e+00> : vector<128x128xf32>
      %dot_general3A_1392 = tpu.matmul %get3A_7, %get3A_1390, %dot_general3A_1391 {dimension_numbers = #tpu.dot_dimension_numbers<[1], [0], [0], [1], [0, 0, 1, 1], [], []>, transpose_lhs_hint = false} : vector<128x128xf32>, vector<128x128xf32>, vector<128x128xf32> -> vector<128x128xf32>
      %jit3A_1393 = arith.constant 2 : i32
      %eq3A_1394 = arith.constant 0 : i32
      %eq3A_1395 = arith.cmpi eq, %jit3A_1393, %eq3A_1394 : i32
      %jit3A_1396 = arith.constant 1 : i32
      %select_n3A_1397 = arith.select %eq3A_1395, %jit3A_1396, %jit3A_1393 : i32
      %rem3A_1398 = arith.remsi %arg0, %select_n3A_1397 : i32
      %ne3A_1399 = arith.constant 0 : i32
      %ne3A_1400 = arith.cmpi ne, %rem3A_1398, %ne3A_1399 : i32
      %lt3A_1401 = arith.constant 0 : i32
      %lt3A_1402 = arith.cmpi slt, %rem3A_1398, %lt3A_1401 : i32
      %lt3A_1403 = arith.constant 0 : i32
      %lt3A_1404 = arith.cmpi slt, %select_n3A_1397, %lt3A_1403 : i32
      %ne3A_1405 = arith.xori %lt3A_1402, %lt3A_1404 : i1
      %and3A_1406 = arith.andi %ne3A_1405, %ne3A_1400 : i1
      %add3A_1407 = arith.addi %rem3A_1398, %select_n3A_1397 : i32
      %select_n3A_1408 = arith.select %and3A_1406, %add3A_1407, %rem3A_1398 : i32
      %swap3A_1409 = arith.index_cast %select_n3A_1408 : i32 to index
      %swap3A_1410 = arith.constant 42 : index
      %swap3A_1411 = arith.constant 0 : index
      %swap3A_1412 = arith.constant 0 : index
      %swap3A_1413 = vector.load %arg5[%swap3A_1409, %swap3A_1410, %swap3A_1411, %swap3A_1412] : memref<2x79x128x128xf32, #tpu.memory_space<vmem>>, vector<1x1x128x128xf32>
      %swap3A_1414 = vector.shape_cast %swap3A_1413 : vector<1x1x128x128xf32> to vector<128x128xf32>
      %swap3A_1415 = vector.shape_cast %dot_general3A_1392 : vector<128x128xf32> to vector<1x1x128x128xf32>
      tpu.vector_store %arg5[%swap3A_1409, %swap3A_1410, %swap3A_1411, %swap3A_1412], %swap3A_1415 {strides = array<i32>} : memref<2x79x128x128xf32, #tpu.memory_space<vmem>>, vector<1x1x128x128xf32>,
      %gt3A_1416 = arith.cmpf ogt, %dot_general3A_1392, %select_n3A_1384 : vector<128x128xf32>
      %select_n3A_1417 = arith.select %gt3A_1416, %dot_general3A_1392, %select_n3A_1384 : vector<128x128xi1>, vector<128x128xf32>
      %jit3A_1418 = arith.constant 42 : i32
      %broadcast_in_dim3A_1419 = vector.broadcast %jit3A_1418 : i32 to vector<128x128xi32>
      %select_n3A_1420 = arith.select %gt3A_1416, %broadcast_in_dim3A_1419, %select_n3A_1387 : vector<128x128xi1>, vector<128x128xi32>
      %get3A_1421 = arith.constant 0 : index
      %get3A_1422 = arith.constant 5504 : index
      %get3A_1423 = vector.load %arg2[%get3A_1421, %get3A_1422] : memref<128x10112xf32, #tpu.memory_space<vmem>>, vector<128x128xf32>
      %dot_general3A_1424 = arith.constant dense<0.000000e+00> : vector<128x128xf32>
      %dot_general3A_1425 = tpu.matmul %get3A_7, %get3A_1423, %dot_general3A_1424 {dimension_numbers = #tpu.dot_dimension_numbers<[1], [0], [0], [1], [0, 0, 1, 1], [], []>, transpose_lhs_hint = false} : vector<128x128xf32>, vector<128x128xf32>, vector<128x128xf32> -> vector<128x128xf32>
      %jit3A_1426 = arith.constant 2 : i32
      %eq3A_1427 = arith.constant 0 : i32
      %eq3A_1428 = arith.cmpi eq, %jit3A_1426, %eq3A_1427 : i32
      %jit3A_1429 = arith.constant 1 : i32
      %select_n3A_1430 = arith.select %eq3A_1428, %jit3A_1429, %jit3A_1426 : i32
      %rem3A_1431 = arith.remsi %arg0, %select_n3A_1430 : i32
      %ne3A_1432 = arith.constant 0 : i32
      %ne3A_1433 = arith.cmpi ne, %rem3A_1431, %ne3A_1432 : i32
      %lt3A_1434 = arith.constant 0 : i32
      %lt3A_1435 = arith.cmpi slt, %rem3A_1431, %lt3A_1434 : i32
      %lt3A_1436 = arith.constant 0 : i32
      %lt3A_1437 = arith.cmpi slt, %select_n3A_1430, %lt3A_1436 : i32
      %ne3A_1438 = arith.xori %lt3A_1435, %lt3A_1437 : i1
      %and3A_1439 = arith.andi %ne3A_1438, %ne3A_1433 : i1
      %add3A_1440 = arith.addi %rem3A_1431, %select_n3A_1430 : i32
      %select_n3A_1441 = arith.select %and3A_1439, %add3A_1440, %rem3A_1431 : i32
      %swap3A_1442 = arith.index_cast %select_n3A_1441 : i32 to index
      %swap3A_1443 = arith.constant 43 : index
      %swap3A_1444 = arith.constant 0 : index
      %swap3A_1445 = arith.constant 0 : index
      %swap3A_1446 = vector.load %arg5[%swap3A_1442, %swap3A_1443, %swap3A_1444, %swap3A_1445] : memref<2x79x128x128xf32, #tpu.memory_space<vmem>>, vector<1x1x128x128xf32>
      %swap3A_1447 = vector.shape_cast %swap3A_1446 : vector<1x1x128x128xf32> to vector<128x128xf32>
      %swap3A_1448 = vector.shape_cast %dot_general3A_1425 : vector<128x128xf32> to vector<1x1x128x128xf32>
      tpu.vector_store %arg5[%swap3A_1442, %swap3A_1443, %swap3A_1444, %swap3A_1445], %swap3A_1448 {strides = array<i32>} : memref<2x79x128x128xf32, #tpu.memory_space<vmem>>, vector<1x1x128x128xf32>,
      %gt3A_1449 = arith.cmpf ogt, %dot_general3A_1425, %select_n3A_1417 : vector<128x128xf32>
      %select_n3A_1450 = arith.select %gt3A_1449, %dot_general3A_1425, %select_n3A_1417 : vector<128x128xi1>, vector<128x128xf32>
      %jit3A_1451 = arith.constant 43 : i32
      %broadcast_in_dim3A_1452 = vector.broadcast %jit3A_1451 : i32 to vector<128x128xi32>
      %select_n3A_1453 = arith.select %gt3A_1449, %broadcast_in_dim3A_1452, %select_n3A_1420 : vector<128x128xi1>, vector<128x128xi32>
      %get3A_1454 = arith.constant 0 : index
      %get3A_1455 = arith.constant 5632 : index
      %get3A_1456 = vector.load %arg2[%get3A_1454, %get3A_1455] : memref<128x10112xf32, #tpu.memory_space<vmem>>, vector<128x128xf32>
      %dot_general3A_1457 = arith.constant dense<0.000000e+00> : vector<128x128xf32>
      %dot_general3A_1458 = tpu.matmul %get3A_7, %get3A_1456, %dot_general3A_1457 {dimension_numbers = #tpu.dot_dimension_numbers<[1], [0], [0], [1], [0, 0, 1, 1], [], []>, transpose_lhs_hint = false} : vector<128x128xf32>, vector<128x128xf32>, vector<128x128xf32> -> vector<128x128xf32>
      %jit3A_1459 = arith.constant 2 : i32
      %eq3A_1460 = arith.constant 0 : i32
      %eq3A_1461 = arith.cmpi eq, %jit3A_1459, %eq3A_1460 : i32
      %jit3A_1462 = arith.constant 1 : i32
      %select_n3A_1463 = arith.select %eq3A_1461, %jit3A_1462, %jit3A_1459 : i32
      %rem3A_1464 = arith.remsi %arg0, %select_n3A_1463 : i32
      %ne3A_1465 = arith.constant 0 : i32
      %ne3A_1466 = arith.cmpi ne, %rem3A_1464, %ne3A_1465 : i32
      %lt3A_1467 = arith.constant 0 : i32
      %lt3A_1468 = arith.cmpi slt, %rem3A_1464, %lt3A_1467 : i32
      %lt3A_1469 = arith.constant 0 : i32
      %lt3A_1470 = arith.cmpi slt, %select_n3A_1463, %lt3A_1469 : i32
      %ne3A_1471 = arith.xori %lt3A_1468, %lt3A_1470 : i1
      %and3A_1472 = arith.andi %ne3A_1471, %ne3A_1466 : i1
      %add3A_1473 = arith.addi %rem3A_1464, %select_n3A_1463 : i32
      %select_n3A_1474 = arith.select %and3A_1472, %add3A_1473, %rem3A_1464 : i32
      %swap3A_1475 = arith.index_cast %select_n3A_1474 : i32 to index
      %swap3A_1476 = arith.constant 44 : index
      %swap3A_1477 = arith.constant 0 : index
      %swap3A_1478 = arith.constant 0 : index
      %swap3A_1479 = vector.load %arg5[%swap3A_1475, %swap3A_1476, %swap3A_1477, %swap3A_1478] : memref<2x79x128x128xf32, #tpu.memory_space<vmem>>, vector<1x1x128x128xf32>
      %swap3A_1480 = vector.shape_cast %swap3A_1479 : vector<1x1x128x128xf32> to vector<128x128xf32>
      %swap3A_1481 = vector.shape_cast %dot_general3A_1458 : vector<128x128xf32> to vector<1x1x128x128xf32>
      tpu.vector_store %arg5[%swap3A_1475, %swap3A_1476, %swap3A_1477, %swap3A_1478], %swap3A_1481 {strides = array<i32>} : memref<2x79x128x128xf32, #tpu.memory_space<vmem>>, vector<1x1x128x128xf32>,
      %gt3A_1482 = arith.cmpf ogt, %dot_general3A_1458, %select_n3A_1450 : vector<128x128xf32>
      %select_n3A_1483 = arith.select %gt3A_1482, %dot_general3A_1458, %select_n3A_1450 : vector<128x128xi1>, vector<128x128xf32>
      %jit3A_1484 = arith.constant 44 : i32
      %broadcast_in_dim3A_1485 = vector.broadcast %jit3A_1484 : i32 to vector<128x128xi32>
      %select_n3A_1486 = arith.select %gt3A_1482, %broadcast_in_dim3A_1485, %select_n3A_1453 : vector<128x128xi1>, vector<128x128xi32>
      %get3A_1487 = arith.constant 0 : index
      %get3A_1488 = arith.constant 5760 : index
      %get3A_1489 = vector.load %arg2[%get3A_1487, %get3A_1488] : memref<128x10112xf32, #tpu.memory_space<vmem>>, vector<128x128xf32>
      %dot_general3A_1490 = arith.constant dense<0.000000e+00> : vector<128x128xf32>
      %dot_general3A_1491 = tpu.matmul %get3A_7, %get3A_1489, %dot_general3A_1490 {dimension_numbers = #tpu.dot_dimension_numbers<[1], [0], [0], [1], [0, 0, 1, 1], [], []>, transpose_lhs_hint = false} : vector<128x128xf32>, vector<128x128xf32>, vector<128x128xf32> -> vector<128x128xf32>
      %jit3A_1492 = arith.constant 2 : i32
      %eq3A_1493 = arith.constant 0 : i32
      %eq3A_1494 = arith.cmpi eq, %jit3A_1492, %eq3A_1493 : i32
      %jit3A_1495 = arith.constant 1 : i32
      %select_n3A_1496 = arith.select %eq3A_1494, %jit3A_1495, %jit3A_1492 : i32
      %rem3A_1497 = arith.remsi %arg0, %select_n3A_1496 : i32
      %ne3A_1498 = arith.constant 0 : i32
      %ne3A_1499 = arith.cmpi ne, %rem3A_1497, %ne3A_1498 : i32
      %lt3A_1500 = arith.constant 0 : i32
      %lt3A_1501 = arith.cmpi slt, %rem3A_1497, %lt3A_1500 : i32
      %lt3A_1502 = arith.constant 0 : i32
      %lt3A_1503 = arith.cmpi slt, %select_n3A_1496, %lt3A_1502 : i32
      %ne3A_1504 = arith.xori %lt3A_1501, %lt3A_1503 : i1
      %and3A_1505 = arith.andi %ne3A_1504, %ne3A_1499 : i1
      %add3A_1506 = arith.addi %rem3A_1497, %select_n3A_1496 : i32
      %select_n3A_1507 = arith.select %and3A_1505, %add3A_1506, %rem3A_1497 : i32
      %swap3A_1508 = arith.index_cast %select_n3A_1507 : i32 to index
      %swap3A_1509 = arith.constant 45 : index
      %swap3A_1510 = arith.constant 0 : index
      %swap3A_1511 = arith.constant 0 : index
      %swap3A_1512 = vector.load %arg5[%swap3A_1508, %swap3A_1509, %swap3A_1510, %swap3A_1511] : memref<2x79x128x128xf32, #tpu.memory_space<vmem>>, vector<1x1x128x128xf32>
      %swap3A_1513 = vector.shape_cast %swap3A_1512 : vector<1x1x128x128xf32> to vector<128x128xf32>
      %swap3A_1514 = vector.shape_cast %dot_general3A_1491 : vector<128x128xf32> to vector<1x1x128x128xf32>
      tpu.vector_store %arg5[%swap3A_1508, %swap3A_1509, %swap3A_1510, %swap3A_1511], %swap3A_1514 {strides = array<i32>} : memref<2x79x128x128xf32, #tpu.memory_space<vmem>>, vector<1x1x128x128xf32>,
      %gt3A_1515 = arith.cmpf ogt, %dot_general3A_1491, %select_n3A_1483 : vector<128x128xf32>
      %select_n3A_1516 = arith.select %gt3A_1515, %dot_general3A_1491, %select_n3A_1483 : vector<128x128xi1>, vector<128x128xf32>
      %jit3A_1517 = arith.constant 45 : i32
      %broadcast_in_dim3A_1518 = vector.broadcast %jit3A_1517 : i32 to vector<128x128xi32>
      %select_n3A_1519 = arith.select %gt3A_1515, %broadcast_in_dim3A_1518, %select_n3A_1486 : vector<128x128xi1>, vector<128x128xi32>
      %get3A_1520 = arith.constant 0 : index
      %get3A_1521 = arith.constant 5888 : index
      %get3A_1522 = vector.load %arg2[%get3A_1520, %get3A_1521] : memref<128x10112xf32, #tpu.memory_space<vmem>>, vector<128x128xf32>
      %dot_general3A_1523 = arith.constant dense<0.000000e+00> : vector<128x128xf32>
      %dot_general3A_1524 = tpu.matmul %get3A_7, %get3A_1522, %dot_general3A_1523 {dimension_numbers = #tpu.dot_dimension_numbers<[1], [0], [0], [1], [0, 0, 1, 1], [], []>, transpose_lhs_hint = false} : vector<128x128xf32>, vector<128x128xf32>, vector<128x128xf32> -> vector<128x128xf32>
      %jit3A_1525 = arith.constant 2 : i32
      %eq3A_1526 = arith.constant 0 : i32
      %eq3A_1527 = arith.cmpi eq, %jit3A_1525, %eq3A_1526 : i32
      %jit3A_1528 = arith.constant 1 : i32
      %select_n3A_1529 = arith.select %eq3A_1527, %jit3A_1528, %jit3A_1525 : i32
      %rem3A_1530 = arith.remsi %arg0, %select_n3A_1529 : i32
      %ne3A_1531 = arith.constant 0 : i32
      %ne3A_1532 = arith.cmpi ne, %rem3A_1530, %ne3A_1531 : i32
      %lt3A_1533 = arith.constant 0 : i32
      %lt3A_1534 = arith.cmpi slt, %rem3A_1530, %lt3A_1533 : i32
      %lt3A_1535 = arith.constant 0 : i32
      %lt3A_1536 = arith.cmpi slt, %select_n3A_1529, %lt3A_1535 : i32
      %ne3A_1537 = arith.xori %lt3A_1534, %lt3A_1536 : i1
      %and3A_1538 = arith.andi %ne3A_1537, %ne3A_1532 : i1
      %add3A_1539 = arith.addi %rem3A_1530, %select_n3A_1529 : i32
      %select_n3A_1540 = arith.select %and3A_1538, %add3A_1539, %rem3A_1530 : i32
      %swap3A_1541 = arith.index_cast %select_n3A_1540 : i32 to index
      %swap3A_1542 = arith.constant 46 : index
      %swap3A_1543 = arith.constant 0 : index
      %swap3A_1544 = arith.constant 0 : index
      %swap3A_1545 = vector.load %arg5[%swap3A_1541, %swap3A_1542, %swap3A_1543, %swap3A_1544] : memref<2x79x128x128xf32, #tpu.memory_space<vmem>>, vector<1x1x128x128xf32>
      %swap3A_1546 = vector.shape_cast %swap3A_1545 : vector<1x1x128x128xf32> to vector<128x128xf32>
      %swap3A_1547 = vector.shape_cast %dot_general3A_1524 : vector<128x128xf32> to vector<1x1x128x128xf32>
      tpu.vector_store %arg5[%swap3A_1541, %swap3A_1542, %swap3A_1543, %swap3A_1544], %swap3A_1547 {strides = array<i32>} : memref<2x79x128x128xf32, #tpu.memory_space<vmem>>, vector<1x1x128x128xf32>,
      %gt3A_1548 = arith.cmpf ogt, %dot_general3A_1524, %select_n3A_1516 : vector<128x128xf32>
      %select_n3A_1549 = arith.select %gt3A_1548, %dot_general3A_1524, %select_n3A_1516 : vector<128x128xi1>, vector<128x128xf32>
      %jit3A_1550 = arith.constant 46 : i32
      %broadcast_in_dim3A_1551 = vector.broadcast %jit3A_1550 : i32 to vector<128x128xi32>
      %select_n3A_1552 = arith.select %gt3A_1548, %broadcast_in_dim3A_1551, %select_n3A_1519 : vector<128x128xi1>, vector<128x128xi32>
      %get3A_1553 = arith.constant 0 : index
      %get3A_1554 = arith.constant 6016 : index
      %get3A_1555 = vector.load %arg2[%get3A_1553, %get3A_1554] : memref<128x10112xf32, #tpu.memory_space<vmem>>, vector<128x128xf32>
      %dot_general3A_1556 = arith.constant dense<0.000000e+00> : vector<128x128xf32>
      %dot_general3A_1557 = tpu.matmul %get3A_7, %get3A_1555, %dot_general3A_1556 {dimension_numbers = #tpu.dot_dimension_numbers<[1], [0], [0], [1], [0, 0, 1, 1], [], []>, transpose_lhs_hint = false} : vector<128x128xf32>, vector<128x128xf32>, vector<128x128xf32> -> vector<128x128xf32>
      %jit3A_1558 = arith.constant 2 : i32
      %eq3A_1559 = arith.constant 0 : i32
      %eq3A_1560 = arith.cmpi eq, %jit3A_1558, %eq3A_1559 : i32
      %jit3A_1561 = arith.constant 1 : i32
      %select_n3A_1562 = arith.select %eq3A_1560, %jit3A_1561, %jit3A_1558 : i32
      %rem3A_1563 = arith.remsi %arg0, %select_n3A_1562 : i32
      %ne3A_1564 = arith.constant 0 : i32
      %ne3A_1565 = arith.cmpi ne, %rem3A_1563, %ne3A_1564 : i32
      %lt3A_1566 = arith.constant 0 : i32
      %lt3A_1567 = arith.cmpi slt, %rem3A_1563, %lt3A_1566 : i32
      %lt3A_1568 = arith.constant 0 : i32
      %lt3A_1569 = arith.cmpi slt, %select_n3A_1562, %lt3A_1568 : i32
      %ne3A_1570 = arith.xori %lt3A_1567, %lt3A_1569 : i1
      %and3A_1571 = arith.andi %ne3A_1570, %ne3A_1565 : i1
      %add3A_1572 = arith.addi %rem3A_1563, %select_n3A_1562 : i32
      %select_n3A_1573 = arith.select %and3A_1571, %add3A_1572, %rem3A_1563 : i32
      %swap3A_1574 = arith.index_cast %select_n3A_1573 : i32 to index
      %swap3A_1575 = arith.constant 47 : index
      %swap3A_1576 = arith.constant 0 : index
      %swap3A_1577 = arith.constant 0 : index
      %swap3A_1578 = vector.load %arg5[%swap3A_1574, %swap3A_1575, %swap3A_1576, %swap3A_1577] : memref<2x79x128x128xf32, #tpu.memory_space<vmem>>, vector<1x1x128x128xf32>
      %swap3A_1579 = vector.shape_cast %swap3A_1578 : vector<1x1x128x128xf32> to vector<128x128xf32>
      %swap3A_1580 = vector.shape_cast %dot_general3A_1557 : vector<128x128xf32> to vector<1x1x128x128xf32>
      tpu.vector_store %arg5[%swap3A_1574, %swap3A_1575, %swap3A_1576, %swap3A_1577], %swap3A_1580 {strides = array<i32>} : memref<2x79x128x128xf32, #tpu.memory_space<vmem>>, vector<1x1x128x128xf32>,
      %gt3A_1581 = arith.cmpf ogt, %dot_general3A_1557, %select_n3A_1549 : vector<128x128xf32>
      %select_n3A_1582 = arith.select %gt3A_1581, %dot_general3A_1557, %select_n3A_1549 : vector<128x128xi1>, vector<128x128xf32>
      %jit3A_1583 = arith.constant 47 : i32
      %broadcast_in_dim3A_1584 = vector.broadcast %jit3A_1583 : i32 to vector<128x128xi32>
      %select_n3A_1585 = arith.select %gt3A_1581, %broadcast_in_dim3A_1584, %select_n3A_1552 : vector<128x128xi1>, vector<128x128xi32>
      %get3A_1586 = arith.constant 0 : index
      %get3A_1587 = arith.constant 6144 : index
      %get3A_1588 = vector.load %arg2[%get3A_1586, %get3A_1587] : memref<128x10112xf32, #tpu.memory_space<vmem>>, vector<128x128xf32>
      %dot_general3A_1589 = arith.constant dense<0.000000e+00> : vector<128x128xf32>
      %dot_general3A_1590 = tpu.matmul %get3A_7, %get3A_1588, %dot_general3A_1589 {dimension_numbers = #tpu.dot_dimension_numbers<[1], [0], [0], [1], [0, 0, 1, 1], [], []>, transpose_lhs_hint = false} : vector<128x128xf32>, vector<128x128xf32>, vector<128x128xf32> -> vector<128x128xf32>
      %jit3A_1591 = arith.constant 2 : i32
      %eq3A_1592 = arith.constant 0 : i32
      %eq3A_1593 = arith.cmpi eq, %jit3A_1591, %eq3A_1592 : i32
      %jit3A_1594 = arith.constant 1 : i32
      %select_n3A_1595 = arith.select %eq3A_1593, %jit3A_1594, %jit3A_1591 : i32
      %rem3A_1596 = arith.remsi %arg0, %select_n3A_1595 : i32
      %ne3A_1597 = arith.constant 0 : i32
      %ne3A_1598 = arith.cmpi ne, %rem3A_1596, %ne3A_1597 : i32
      %lt3A_1599 = arith.constant 0 : i32
      %lt3A_1600 = arith.cmpi slt, %rem3A_1596, %lt3A_1599 : i32
      %lt3A_1601 = arith.constant 0 : i32
      %lt3A_1602 = arith.cmpi slt, %select_n3A_1595, %lt3A_1601 : i32
      %ne3A_1603 = arith.xori %lt3A_1600, %lt3A_1602 : i1
      %and3A_1604 = arith.andi %ne3A_1603, %ne3A_1598 : i1
      %add3A_1605 = arith.addi %rem3A_1596, %select_n3A_1595 : i32
      %select_n3A_1606 = arith.select %and3A_1604, %add3A_1605, %rem3A_1596 : i32
      %swap3A_1607 = arith.index_cast %select_n3A_1606 : i32 to index
      %swap3A_1608 = arith.constant 48 : index
      %swap3A_1609 = arith.constant 0 : index
      %swap3A_1610 = arith.constant 0 : index
      %swap3A_1611 = vector.load %arg5[%swap3A_1607, %swap3A_1608, %swap3A_1609, %swap3A_1610] : memref<2x79x128x128xf32, #tpu.memory_space<vmem>>, vector<1x1x128x128xf32>
      %swap3A_1612 = vector.shape_cast %swap3A_1611 : vector<1x1x128x128xf32> to vector<128x128xf32>
      %swap3A_1613 = vector.shape_cast %dot_general3A_1590 : vector<128x128xf32> to vector<1x1x128x128xf32>
      tpu.vector_store %arg5[%swap3A_1607, %swap3A_1608, %swap3A_1609, %swap3A_1610], %swap3A_1613 {strides = array<i32>} : memref<2x79x128x128xf32, #tpu.memory_space<vmem>>, vector<1x1x128x128xf32>,
      %gt3A_1614 = arith.cmpf ogt, %dot_general3A_1590, %select_n3A_1582 : vector<128x128xf32>
      %select_n3A_1615 = arith.select %gt3A_1614, %dot_general3A_1590, %select_n3A_1582 : vector<128x128xi1>, vector<128x128xf32>
      %jit3A_1616 = arith.constant 48 : i32
      %broadcast_in_dim3A_1617 = vector.broadcast %jit3A_1616 : i32 to vector<128x128xi32>
      %select_n3A_1618 = arith.select %gt3A_1614, %broadcast_in_dim3A_1617, %select_n3A_1585 : vector<128x128xi1>, vector<128x128xi32>
      %get3A_1619 = arith.constant 0 : index
      %get3A_1620 = arith.constant 6272 : index
      %get3A_1621 = vector.load %arg2[%get3A_1619, %get3A_1620] : memref<128x10112xf32, #tpu.memory_space<vmem>>, vector<128x128xf32>
      %dot_general3A_1622 = arith.constant dense<0.000000e+00> : vector<128x128xf32>
      %dot_general3A_1623 = tpu.matmul %get3A_7, %get3A_1621, %dot_general3A_1622 {dimension_numbers = #tpu.dot_dimension_numbers<[1], [0], [0], [1], [0, 0, 1, 1], [], []>, transpose_lhs_hint = false} : vector<128x128xf32>, vector<128x128xf32>, vector<128x128xf32> -> vector<128x128xf32>
      %jit3A_1624 = arith.constant 2 : i32
      %eq3A_1625 = arith.constant 0 : i32
      %eq3A_1626 = arith.cmpi eq, %jit3A_1624, %eq3A_1625 : i32
      %jit3A_1627 = arith.constant 1 : i32
      %select_n3A_1628 = arith.select %eq3A_1626, %jit3A_1627, %jit3A_1624 : i32
      %rem3A_1629 = arith.remsi %arg0, %select_n3A_1628 : i32
      %ne3A_1630 = arith.constant 0 : i32
      %ne3A_1631 = arith.cmpi ne, %rem3A_1629, %ne3A_1630 : i32
      %lt3A_1632 = arith.constant 0 : i32
      %lt3A_1633 = arith.cmpi slt, %rem3A_1629, %lt3A_1632 : i32
      %lt3A_1634 = arith.constant 0 : i32
      %lt3A_1635 = arith.cmpi slt, %select_n3A_1628, %lt3A_1634 : i32
      %ne3A_1636 = arith.xori %lt3A_1633, %lt3A_1635 : i1
      %and3A_1637 = arith.andi %ne3A_1636, %ne3A_1631 : i1
      %add3A_1638 = arith.addi %rem3A_1629, %select_n3A_1628 : i32
      %select_n3A_1639 = arith.select %and3A_1637, %add3A_1638, %rem3A_1629 : i32
      %swap3A_1640 = arith.index_cast %select_n3A_1639 : i32 to index
      %swap3A_1641 = arith.constant 49 : index
      %swap3A_1642 = arith.constant 0 : index
      %swap3A_1643 = arith.constant 0 : index
      %swap3A_1644 = vector.load %arg5[%swap3A_1640, %swap3A_1641, %swap3A_1642, %swap3A_1643] : memref<2x79x128x128xf32, #tpu.memory_space<vmem>>, vector<1x1x128x128xf32>
      %swap3A_1645 = vector.shape_cast %swap3A_1644 : vector<1x1x128x128xf32> to vector<128x128xf32>
      %swap3A_1646 = vector.shape_cast %dot_general3A_1623 : vector<128x128xf32> to vector<1x1x128x128xf32>
      tpu.vector_store %arg5[%swap3A_1640, %swap3A_1641, %swap3A_1642, %swap3A_1643], %swap3A_1646 {strides = array<i32>} : memref<2x79x128x128xf32, #tpu.memory_space<vmem>>, vector<1x1x128x128xf32>,
      %gt3A_1647 = arith.cmpf ogt, %dot_general3A_1623, %select_n3A_1615 : vector<128x128xf32>
      %select_n3A_1648 = arith.select %gt3A_1647, %dot_general3A_1623, %select_n3A_1615 : vector<128x128xi1>, vector<128x128xf32>
      %jit3A_1649 = arith.constant 49 : i32
      %broadcast_in_dim3A_1650 = vector.broadcast %jit3A_1649 : i32 to vector<128x128xi32>
      %select_n3A_1651 = arith.select %gt3A_1647, %broadcast_in_dim3A_1650, %select_n3A_1618 : vector<128x128xi1>, vector<128x128xi32>
      %get3A_1652 = arith.constant 0 : index
      %get3A_1653 = arith.constant 6400 : index
      %get3A_1654 = vector.load %arg2[%get3A_1652, %get3A_1653] : memref<128x10112xf32, #tpu.memory_space<vmem>>, vector<128x128xf32>
      %dot_general3A_1655 = arith.constant dense<0.000000e+00> : vector<128x128xf32>
      %dot_general3A_1656 = tpu.matmul %get3A_7, %get3A_1654, %dot_general3A_1655 {dimension_numbers = #tpu.dot_dimension_numbers<[1], [0], [0], [1], [0, 0, 1, 1], [], []>, transpose_lhs_hint = false} : vector<128x128xf32>, vector<128x128xf32>, vector<128x128xf32> -> vector<128x128xf32>
      %jit3A_1657 = arith.constant 2 : i32
      %eq3A_1658 = arith.constant 0 : i32
      %eq3A_1659 = arith.cmpi eq, %jit3A_1657, %eq3A_1658 : i32
      %jit3A_1660 = arith.constant 1 : i32
      %select_n3A_1661 = arith.select %eq3A_1659, %jit3A_1660, %jit3A_1657 : i32
      %rem3A_1662 = arith.remsi %arg0, %select_n3A_1661 : i32
      %ne3A_1663 = arith.constant 0 : i32
      %ne3A_1664 = arith.cmpi ne, %rem3A_1662, %ne3A_1663 : i32
      %lt3A_1665 = arith.constant 0 : i32
      %lt3A_1666 = arith.cmpi slt, %rem3A_1662, %lt3A_1665 : i32
      %lt3A_1667 = arith.constant 0 : i32
      %lt3A_1668 = arith.cmpi slt, %select_n3A_1661, %lt3A_1667 : i32
      %ne3A_1669 = arith.xori %lt3A_1666, %lt3A_1668 : i1
      %and3A_1670 = arith.andi %ne3A_1669, %ne3A_1664 : i1
      %add3A_1671 = arith.addi %rem3A_1662, %select_n3A_1661 : i32
      %select_n3A_1672 = arith.select %and3A_1670, %add3A_1671, %rem3A_1662 : i32
      %swap3A_1673 = arith.index_cast %select_n3A_1672 : i32 to index
      %swap3A_1674 = arith.constant 50 : index
      %swap3A_1675 = arith.constant 0 : index
      %swap3A_1676 = arith.constant 0 : index
      %swap3A_1677 = vector.load %arg5[%swap3A_1673, %swap3A_1674, %swap3A_1675, %swap3A_1676] : memref<2x79x128x128xf32, #tpu.memory_space<vmem>>, vector<1x1x128x128xf32>
      %swap3A_1678 = vector.shape_cast %swap3A_1677 : vector<1x1x128x128xf32> to vector<128x128xf32>
      %swap3A_1679 = vector.shape_cast %dot_general3A_1656 : vector<128x128xf32> to vector<1x1x128x128xf32>
      tpu.vector_store %arg5[%swap3A_1673, %swap3A_1674, %swap3A_1675, %swap3A_1676], %swap3A_1679 {strides = array<i32>} : memref<2x79x128x128xf32, #tpu.memory_space<vmem>>, vector<1x1x128x128xf32>,
      %gt3A_1680 = arith.cmpf ogt, %dot_general3A_1656, %select_n3A_1648 : vector<128x128xf32>
      %select_n3A_1681 = arith.select %gt3A_1680, %dot_general3A_1656, %select_n3A_1648 : vector<128x128xi1>, vector<128x128xf32>
      %jit3A_1682 = arith.constant 50 : i32
      %broadcast_in_dim3A_1683 = vector.broadcast %jit3A_1682 : i32 to vector<128x128xi32>
      %select_n3A_1684 = arith.select %gt3A_1680, %broadcast_in_dim3A_1683, %select_n3A_1651 : vector<128x128xi1>, vector<128x128xi32>
      %get3A_1685 = arith.constant 0 : index
      %get3A_1686 = arith.constant 6528 : index
      %get3A_1687 = vector.load %arg2[%get3A_1685, %get3A_1686] : memref<128x10112xf32, #tpu.memory_space<vmem>>, vector<128x128xf32>
      %dot_general3A_1688 = arith.constant dense<0.000000e+00> : vector<128x128xf32>
      %dot_general3A_1689 = tpu.matmul %get3A_7, %get3A_1687, %dot_general3A_1688 {dimension_numbers = #tpu.dot_dimension_numbers<[1], [0], [0], [1], [0, 0, 1, 1], [], []>, transpose_lhs_hint = false} : vector<128x128xf32>, vector<128x128xf32>, vector<128x128xf32> -> vector<128x128xf32>
      %jit3A_1690 = arith.constant 2 : i32
      %eq3A_1691 = arith.constant 0 : i32
      %eq3A_1692 = arith.cmpi eq, %jit3A_1690, %eq3A_1691 : i32
      %jit3A_1693 = arith.constant 1 : i32
      %select_n3A_1694 = arith.select %eq3A_1692, %jit3A_1693, %jit3A_1690 : i32
      %rem3A_1695 = arith.remsi %arg0, %select_n3A_1694 : i32
      %ne3A_1696 = arith.constant 0 : i32
      %ne3A_1697 = arith.cmpi ne, %rem3A_1695, %ne3A_1696 : i32
      %lt3A_1698 = arith.constant 0 : i32
      %lt3A_1699 = arith.cmpi slt, %rem3A_1695, %lt3A_1698 : i32
      %lt3A_1700 = arith.constant 0 : i32
      %lt3A_1701 = arith.cmpi slt, %select_n3A_1694, %lt3A_1700 : i32
      %ne3A_1702 = arith.xori %lt3A_1699, %lt3A_1701 : i1
      %and3A_1703 = arith.andi %ne3A_1702, %ne3A_1697 : i1
      %add3A_1704 = arith.addi %rem3A_1695, %select_n3A_1694 : i32
      %select_n3A_1705 = arith.select %and3A_1703, %add3A_1704, %rem3A_1695 : i32
      %swap3A_1706 = arith.index_cast %select_n3A_1705 : i32 to index
      %swap3A_1707 = arith.constant 51 : index
      %swap3A_1708 = arith.constant 0 : index
      %swap3A_1709 = arith.constant 0 : index
      %swap3A_1710 = vector.load %arg5[%swap3A_1706, %swap3A_1707, %swap3A_1708, %swap3A_1709] : memref<2x79x128x128xf32, #tpu.memory_space<vmem>>, vector<1x1x128x128xf32>
      %swap3A_1711 = vector.shape_cast %swap3A_1710 : vector<1x1x128x128xf32> to vector<128x128xf32>
      %swap3A_1712 = vector.shape_cast %dot_general3A_1689 : vector<128x128xf32> to vector<1x1x128x128xf32>
      tpu.vector_store %arg5[%swap3A_1706, %swap3A_1707, %swap3A_1708, %swap3A_1709], %swap3A_1712 {strides = array<i32>} : memref<2x79x128x128xf32, #tpu.memory_space<vmem>>, vector<1x1x128x128xf32>,
      %gt3A_1713 = arith.cmpf ogt, %dot_general3A_1689, %select_n3A_1681 : vector<128x128xf32>
      %select_n3A_1714 = arith.select %gt3A_1713, %dot_general3A_1689, %select_n3A_1681 : vector<128x128xi1>, vector<128x128xf32>
      %jit3A_1715 = arith.constant 51 : i32
      %broadcast_in_dim3A_1716 = vector.broadcast %jit3A_1715 : i32 to vector<128x128xi32>
      %select_n3A_1717 = arith.select %gt3A_1713, %broadcast_in_dim3A_1716, %select_n3A_1684 : vector<128x128xi1>, vector<128x128xi32>
      %get3A_1718 = arith.constant 0 : index
      %get3A_1719 = arith.constant 6656 : index
      %get3A_1720 = vector.load %arg2[%get3A_1718, %get3A_1719] : memref<128x10112xf32, #tpu.memory_space<vmem>>, vector<128x128xf32>
      %dot_general3A_1721 = arith.constant dense<0.000000e+00> : vector<128x128xf32>
      %dot_general3A_1722 = tpu.matmul %get3A_7, %get3A_1720, %dot_general3A_1721 {dimension_numbers = #tpu.dot_dimension_numbers<[1], [0], [0], [1], [0, 0, 1, 1], [], []>, transpose_lhs_hint = false} : vector<128x128xf32>, vector<128x128xf32>, vector<128x128xf32> -> vector<128x128xf32>
      %jit3A_1723 = arith.constant 2 : i32
      %eq3A_1724 = arith.constant 0 : i32
      %eq3A_1725 = arith.cmpi eq, %jit3A_1723, %eq3A_1724 : i32
      %jit3A_1726 = arith.constant 1 : i32
      %select_n3A_1727 = arith.select %eq3A_1725, %jit3A_1726, %jit3A_1723 : i32
      %rem3A_1728 = arith.remsi %arg0, %select_n3A_1727 : i32
      %ne3A_1729 = arith.constant 0 : i32
      %ne3A_1730 = arith.cmpi ne, %rem3A_1728, %ne3A_1729 : i32
      %lt3A_1731 = arith.constant 0 : i32
      %lt3A_1732 = arith.cmpi slt, %rem3A_1728, %lt3A_1731 : i32
      %lt3A_1733 = arith.constant 0 : i32
      %lt3A_1734 = arith.cmpi slt, %select_n3A_1727, %lt3A_1733 : i32
      %ne3A_1735 = arith.xori %lt3A_1732, %lt3A_1734 : i1
      %and3A_1736 = arith.andi %ne3A_1735, %ne3A_1730 : i1
      %add3A_1737 = arith.addi %rem3A_1728, %select_n3A_1727 : i32
      %select_n3A_1738 = arith.select %and3A_1736, %add3A_1737, %rem3A_1728 : i32
      %swap3A_1739 = arith.index_cast %select_n3A_1738 : i32 to index
      %swap3A_1740 = arith.constant 52 : index
      %swap3A_1741 = arith.constant 0 : index
      %swap3A_1742 = arith.constant 0 : index
      %swap3A_1743 = vector.load %arg5[%swap3A_1739, %swap3A_1740, %swap3A_1741, %swap3A_1742] : memref<2x79x128x128xf32, #tpu.memory_space<vmem>>, vector<1x1x128x128xf32>
      %swap3A_1744 = vector.shape_cast %swap3A_1743 : vector<1x1x128x128xf32> to vector<128x128xf32>
      %swap3A_1745 = vector.shape_cast %dot_general3A_1722 : vector<128x128xf32> to vector<1x1x128x128xf32>
      tpu.vector_store %arg5[%swap3A_1739, %swap3A_1740, %swap3A_1741, %swap3A_1742], %swap3A_1745 {strides = array<i32>} : memref<2x79x128x128xf32, #tpu.memory_space<vmem>>, vector<1x1x128x128xf32>,
      %gt3A_1746 = arith.cmpf ogt, %dot_general3A_1722, %select_n3A_1714 : vector<128x128xf32>
      %select_n3A_1747 = arith.select %gt3A_1746, %dot_general3A_1722, %select_n3A_1714 : vector<128x128xi1>, vector<128x128xf32>
      %jit3A_1748 = arith.constant 52 : i32
      %broadcast_in_dim3A_1749 = vector.broadcast %jit3A_1748 : i32 to vector<128x128xi32>
      %select_n3A_1750 = arith.select %gt3A_1746, %broadcast_in_dim3A_1749, %select_n3A_1717 : vector<128x128xi1>, vector<128x128xi32>
      %get3A_1751 = arith.constant 0 : index
      %get3A_1752 = arith.constant 6784 : index
      %get3A_1753 = vector.load %arg2[%get3A_1751, %get3A_1752] : memref<128x10112xf32, #tpu.memory_space<vmem>>, vector<128x128xf32>
      %dot_general3A_1754 = arith.constant dense<0.000000e+00> : vector<128x128xf32>
      %dot_general3A_1755 = tpu.matmul %get3A_7, %get3A_1753, %dot_general3A_1754 {dimension_numbers = #tpu.dot_dimension_numbers<[1], [0], [0], [1], [0, 0, 1, 1], [], []>, transpose_lhs_hint = false} : vector<128x128xf32>, vector<128x128xf32>, vector<128x128xf32> -> vector<128x128xf32>
      %jit3A_1756 = arith.constant 2 : i32
      %eq3A_1757 = arith.constant 0 : i32
      %eq3A_1758 = arith.cmpi eq, %jit3A_1756, %eq3A_1757 : i32
      %jit3A_1759 = arith.constant 1 : i32
      %select_n3A_1760 = arith.select %eq3A_1758, %jit3A_1759, %jit3A_1756 : i32
      %rem3A_1761 = arith.remsi %arg0, %select_n3A_1760 : i32
      %ne3A_1762 = arith.constant 0 : i32
      %ne3A_1763 = arith.cmpi ne, %rem3A_1761, %ne3A_1762 : i32
      %lt3A_1764 = arith.constant 0 : i32
      %lt3A_1765 = arith.cmpi slt, %rem3A_1761, %lt3A_1764 : i32
      %lt3A_1766 = arith.constant 0 : i32
      %lt3A_1767 = arith.cmpi slt, %select_n3A_1760, %lt3A_1766 : i32
      %ne3A_1768 = arith.xori %lt3A_1765, %lt3A_1767 : i1
      %and3A_1769 = arith.andi %ne3A_1768, %ne3A_1763 : i1
      %add3A_1770 = arith.addi %rem3A_1761, %select_n3A_1760 : i32
      %select_n3A_1771 = arith.select %and3A_1769, %add3A_1770, %rem3A_1761 : i32
      %swap3A_1772 = arith.index_cast %select_n3A_1771 : i32 to index
      %swap3A_1773 = arith.constant 53 : index
      %swap3A_1774 = arith.constant 0 : index
      %swap3A_1775 = arith.constant 0 : index
      %swap3A_1776 = vector.load %arg5[%swap3A_1772, %swap3A_1773, %swap3A_1774, %swap3A_1775] : memref<2x79x128x128xf32, #tpu.memory_space<vmem>>, vector<1x1x128x128xf32>
      %swap3A_1777 = vector.shape_cast %swap3A_1776 : vector<1x1x128x128xf32> to vector<128x128xf32>
      %swap3A_1778 = vector.shape_cast %dot_general3A_1755 : vector<128x128xf32> to vector<1x1x128x128xf32>
      tpu.vector_store %arg5[%swap3A_1772, %swap3A_1773, %swap3A_1774, %swap3A_1775], %swap3A_1778 {strides = array<i32>} : memref<2x79x128x128xf32, #tpu.memory_space<vmem>>, vector<1x1x128x128xf32>,
      %gt3A_1779 = arith.cmpf ogt, %dot_general3A_1755, %select_n3A_1747 : vector<128x128xf32>
      %select_n3A_1780 = arith.select %gt3A_1779, %dot_general3A_1755, %select_n3A_1747 : vector<128x128xi1>, vector<128x128xf32>
      %jit3A_1781 = arith.constant 53 : i32
      %broadcast_in_dim3A_1782 = vector.broadcast %jit3A_1781 : i32 to vector<128x128xi32>
      %select_n3A_1783 = arith.select %gt3A_1779, %broadcast_in_dim3A_1782, %select_n3A_1750 : vector<128x128xi1>, vector<128x128xi32>
      %get3A_1784 = arith.constant 0 : index
      %get3A_1785 = arith.constant 6912 : index
      %get3A_1786 = vector.load %arg2[%get3A_1784, %get3A_1785] : memref<128x10112xf32, #tpu.memory_space<vmem>>, vector<128x128xf32>
      %dot_general3A_1787 = arith.constant dense<0.000000e+00> : vector<128x128xf32>
      %dot_general3A_1788 = tpu.matmul %get3A_7, %get3A_1786, %dot_general3A_1787 {dimension_numbers = #tpu.dot_dimension_numbers<[1], [0], [0], [1], [0, 0, 1, 1], [], []>, transpose_lhs_hint = false} : vector<128x128xf32>, vector<128x128xf32>, vector<128x128xf32> -> vector<128x128xf32>
      %jit3A_1789 = arith.constant 2 : i32
      %eq3A_1790 = arith.constant 0 : i32
      %eq3A_1791 = arith.cmpi eq, %jit3A_1789, %eq3A_1790 : i32
      %jit3A_1792 = arith.constant 1 : i32
      %select_n3A_1793 = arith.select %eq3A_1791, %jit3A_1792, %jit3A_1789 : i32
      %rem3A_1794 = arith.remsi %arg0, %select_n3A_1793 : i32
      %ne3A_1795 = arith.constant 0 : i32
      %ne3A_1796 = arith.cmpi ne, %rem3A_1794, %ne3A_1795 : i32
      %lt3A_1797 = arith.constant 0 : i32
      %lt3A_1798 = arith.cmpi slt, %rem3A_1794, %lt3A_1797 : i32
      %lt3A_1799 = arith.constant 0 : i32
      %lt3A_1800 = arith.cmpi slt, %select_n3A_1793, %lt3A_1799 : i32
      %ne3A_1801 = arith.xori %lt3A_1798, %lt3A_1800 : i1
      %and3A_1802 = arith.andi %ne3A_1801, %ne3A_1796 : i1
      %add3A_1803 = arith.addi %rem3A_1794, %select_n3A_1793 : i32
      %select_n3A_1804 = arith.select %and3A_1802, %add3A_1803, %rem3A_1794 : i32
      %swap3A_1805 = arith.index_cast %select_n3A_1804 : i32 to index
      %swap3A_1806 = arith.constant 54 : index
      %swap3A_1807 = arith.constant 0 : index
      %swap3A_1808 = arith.constant 0 : index
      %swap3A_1809 = vector.load %arg5[%swap3A_1805, %swap3A_1806, %swap3A_1807, %swap3A_1808] : memref<2x79x128x128xf32, #tpu.memory_space<vmem>>, vector<1x1x128x128xf32>
      %swap3A_1810 = vector.shape_cast %swap3A_1809 : vector<1x1x128x128xf32> to vector<128x128xf32>
      %swap3A_1811 = vector.shape_cast %dot_general3A_1788 : vector<128x128xf32> to vector<1x1x128x128xf32>
      tpu.vector_store %arg5[%swap3A_1805, %swap3A_1806, %swap3A_1807, %swap3A_1808], %swap3A_1811 {strides = array<i32>} : memref<2x79x128x128xf32, #tpu.memory_space<vmem>>, vector<1x1x128x128xf32>,
      %gt3A_1812 = arith.cmpf ogt, %dot_general3A_1788, %select_n3A_1780 : vector<128x128xf32>
      %select_n3A_1813 = arith.select %gt3A_1812, %dot_general3A_1788, %select_n3A_1780 : vector<128x128xi1>, vector<128x128xf32>
      %jit3A_1814 = arith.constant 54 : i32
      %broadcast_in_dim3A_1815 = vector.broadcast %jit3A_1814 : i32 to vector<128x128xi32>
      %select_n3A_1816 = arith.select %gt3A_1812, %broadcast_in_dim3A_1815, %select_n3A_1783 : vector<128x128xi1>, vector<128x128xi32>
      %get3A_1817 = arith.constant 0 : index
      %get3A_1818 = arith.constant 7040 : index
      %get3A_1819 = vector.load %arg2[%get3A_1817, %get3A_1818] : memref<128x10112xf32, #tpu.memory_space<vmem>>, vector<128x128xf32>
      %dot_general3A_1820 = arith.constant dense<0.000000e+00> : vector<128x128xf32>
      %dot_general3A_1821 = tpu.matmul %get3A_7, %get3A_1819, %dot_general3A_1820 {dimension_numbers = #tpu.dot_dimension_numbers<[1], [0], [0], [1], [0, 0, 1, 1], [], []>, transpose_lhs_hint = false} : vector<128x128xf32>, vector<128x128xf32>, vector<128x128xf32> -> vector<128x128xf32>
      %jit3A_1822 = arith.constant 2 : i32
      %eq3A_1823 = arith.constant 0 : i32
      %eq3A_1824 = arith.cmpi eq, %jit3A_1822, %eq3A_1823 : i32
      %jit3A_1825 = arith.constant 1 : i32
      %select_n3A_1826 = arith.select %eq3A_1824, %jit3A_1825, %jit3A_1822 : i32
      %rem3A_1827 = arith.remsi %arg0, %select_n3A_1826 : i32
      %ne3A_1828 = arith.constant 0 : i32
      %ne3A_1829 = arith.cmpi ne, %rem3A_1827, %ne3A_1828 : i32
      %lt3A_1830 = arith.constant 0 : i32
      %lt3A_1831 = arith.cmpi slt, %rem3A_1827, %lt3A_1830 : i32
      %lt3A_1832 = arith.constant 0 : i32
      %lt3A_1833 = arith.cmpi slt, %select_n3A_1826, %lt3A_1832 : i32
      %ne3A_1834 = arith.xori %lt3A_1831, %lt3A_1833 : i1
      %and3A_1835 = arith.andi %ne3A_1834, %ne3A_1829 : i1
      %add3A_1836 = arith.addi %rem3A_1827, %select_n3A_1826 : i32
      %select_n3A_1837 = arith.select %and3A_1835, %add3A_1836, %rem3A_1827 : i32
      %swap3A_1838 = arith.index_cast %select_n3A_1837 : i32 to index
      %swap3A_1839 = arith.constant 55 : index
      %swap3A_1840 = arith.constant 0 : index
      %swap3A_1841 = arith.constant 0 : index
      %swap3A_1842 = vector.load %arg5[%swap3A_1838, %swap3A_1839, %swap3A_1840, %swap3A_1841] : memref<2x79x128x128xf32, #tpu.memory_space<vmem>>, vector<1x1x128x128xf32>
      %swap3A_1843 = vector.shape_cast %swap3A_1842 : vector<1x1x128x128xf32> to vector<128x128xf32>
      %swap3A_1844 = vector.shape_cast %dot_general3A_1821 : vector<128x128xf32> to vector<1x1x128x128xf32>
      tpu.vector_store %arg5[%swap3A_1838, %swap3A_1839, %swap3A_1840, %swap3A_1841], %swap3A_1844 {strides = array<i32>} : memref<2x79x128x128xf32, #tpu.memory_space<vmem>>, vector<1x1x128x128xf32>,
      %gt3A_1845 = arith.cmpf ogt, %dot_general3A_1821, %select_n3A_1813 : vector<128x128xf32>
      %select_n3A_1846 = arith.select %gt3A_1845, %dot_general3A_1821, %select_n3A_1813 : vector<128x128xi1>, vector<128x128xf32>
      %jit3A_1847 = arith.constant 55 : i32
      %broadcast_in_dim3A_1848 = vector.broadcast %jit3A_1847 : i32 to vector<128x128xi32>
      %select_n3A_1849 = arith.select %gt3A_1845, %broadcast_in_dim3A_1848, %select_n3A_1816 : vector<128x128xi1>, vector<128x128xi32>
      %get3A_1850 = arith.constant 0 : index
      %get3A_1851 = arith.constant 7168 : index
      %get3A_1852 = vector.load %arg2[%get3A_1850, %get3A_1851] : memref<128x10112xf32, #tpu.memory_space<vmem>>, vector<128x128xf32>
      %dot_general3A_1853 = arith.constant dense<0.000000e+00> : vector<128x128xf32>
      %dot_general3A_1854 = tpu.matmul %get3A_7, %get3A_1852, %dot_general3A_1853 {dimension_numbers = #tpu.dot_dimension_numbers<[1], [0], [0], [1], [0, 0, 1, 1], [], []>, transpose_lhs_hint = false} : vector<128x128xf32>, vector<128x128xf32>, vector<128x128xf32> -> vector<128x128xf32>
      %jit3A_1855 = arith.constant 2 : i32
      %eq3A_1856 = arith.constant 0 : i32
      %eq3A_1857 = arith.cmpi eq, %jit3A_1855, %eq3A_1856 : i32
      %jit3A_1858 = arith.constant 1 : i32
      %select_n3A_1859 = arith.select %eq3A_1857, %jit3A_1858, %jit3A_1855 : i32
      %rem3A_1860 = arith.remsi %arg0, %select_n3A_1859 : i32
      %ne3A_1861 = arith.constant 0 : i32
      %ne3A_1862 = arith.cmpi ne, %rem3A_1860, %ne3A_1861 : i32
      %lt3A_1863 = arith.constant 0 : i32
      %lt3A_1864 = arith.cmpi slt, %rem3A_1860, %lt3A_1863 : i32
      %lt3A_1865 = arith.constant 0 : i32
      %lt3A_1866 = arith.cmpi slt, %select_n3A_1859, %lt3A_1865 : i32
      %ne3A_1867 = arith.xori %lt3A_1864, %lt3A_1866 : i1
      %and3A_1868 = arith.andi %ne3A_1867, %ne3A_1862 : i1
      %add3A_1869 = arith.addi %rem3A_1860, %select_n3A_1859 : i32
      %select_n3A_1870 = arith.select %and3A_1868, %add3A_1869, %rem3A_1860 : i32
      %swap3A_1871 = arith.index_cast %select_n3A_1870 : i32 to index
      %swap3A_1872 = arith.constant 56 : index
      %swap3A_1873 = arith.constant 0 : index
      %swap3A_1874 = arith.constant 0 : index
      %swap3A_1875 = vector.load %arg5[%swap3A_1871, %swap3A_1872, %swap3A_1873, %swap3A_1874] : memref<2x79x128x128xf32, #tpu.memory_space<vmem>>, vector<1x1x128x128xf32>
      %swap3A_1876 = vector.shape_cast %swap3A_1875 : vector<1x1x128x128xf32> to vector<128x128xf32>
      %swap3A_1877 = vector.shape_cast %dot_general3A_1854 : vector<128x128xf32> to vector<1x1x128x128xf32>
      tpu.vector_store %arg5[%swap3A_1871, %swap3A_1872, %swap3A_1873, %swap3A_1874], %swap3A_1877 {strides = array<i32>} : memref<2x79x128x128xf32, #tpu.memory_space<vmem>>, vector<1x1x128x128xf32>,
      %gt3A_1878 = arith.cmpf ogt, %dot_general3A_1854, %select_n3A_1846 : vector<128x128xf32>
      %select_n3A_1879 = arith.select %gt3A_1878, %dot_general3A_1854, %select_n3A_1846 : vector<128x128xi1>, vector<128x128xf32>
      %jit3A_1880 = arith.constant 56 : i32
      %broadcast_in_dim3A_1881 = vector.broadcast %jit3A_1880 : i32 to vector<128x128xi32>
      %select_n3A_1882 = arith.select %gt3A_1878, %broadcast_in_dim3A_1881, %select_n3A_1849 : vector<128x128xi1>, vector<128x128xi32>
      %get3A_1883 = arith.constant 0 : index
      %get3A_1884 = arith.constant 7296 : index
      %get3A_1885 = vector.load %arg2[%get3A_1883, %get3A_1884] : memref<128x10112xf32, #tpu.memory_space<vmem>>, vector<128x128xf32>
      %dot_general3A_1886 = arith.constant dense<0.000000e+00> : vector<128x128xf32>
      %dot_general3A_1887 = tpu.matmul %get3A_7, %get3A_1885, %dot_general3A_1886 {dimension_numbers = #tpu.dot_dimension_numbers<[1], [0], [0], [1], [0, 0, 1, 1], [], []>, transpose_lhs_hint = false} : vector<128x128xf32>, vector<128x128xf32>, vector<128x128xf32> -> vector<128x128xf32>
      %jit3A_1888 = arith.constant 2 : i32
      %eq3A_1889 = arith.constant 0 : i32
      %eq3A_1890 = arith.cmpi eq, %jit3A_1888, %eq3A_1889 : i32
      %jit3A_1891 = arith.constant 1 : i32
      %select_n3A_1892 = arith.select %eq3A_1890, %jit3A_1891, %jit3A_1888 : i32
      %rem3A_1893 = arith.remsi %arg0, %select_n3A_1892 : i32
      %ne3A_1894 = arith.constant 0 : i32
      %ne3A_1895 = arith.cmpi ne, %rem3A_1893, %ne3A_1894 : i32
      %lt3A_1896 = arith.constant 0 : i32
      %lt3A_1897 = arith.cmpi slt, %rem3A_1893, %lt3A_1896 : i32
      %lt3A_1898 = arith.constant 0 : i32
      %lt3A_1899 = arith.cmpi slt, %select_n3A_1892, %lt3A_1898 : i32
      %ne3A_1900 = arith.xori %lt3A_1897, %lt3A_1899 : i1
      %and3A_1901 = arith.andi %ne3A_1900, %ne3A_1895 : i1
      %add3A_1902 = arith.addi %rem3A_1893, %select_n3A_1892 : i32
      %select_n3A_1903 = arith.select %and3A_1901, %add3A_1902, %rem3A_1893 : i32
      %swap3A_1904 = arith.index_cast %select_n3A_1903 : i32 to index
      %swap3A_1905 = arith.constant 57 : index
      %swap3A_1906 = arith.constant 0 : index
      %swap3A_1907 = arith.constant 0 : index
      %swap3A_1908 = vector.load %arg5[%swap3A_1904, %swap3A_1905, %swap3A_1906, %swap3A_1907] : memref<2x79x128x128xf32, #tpu.memory_space<vmem>>, vector<1x1x128x128xf32>
      %swap3A_1909 = vector.shape_cast %swap3A_1908 : vector<1x1x128x128xf32> to vector<128x128xf32>
      %swap3A_1910 = vector.shape_cast %dot_general3A_1887 : vector<128x128xf32> to vector<1x1x128x128xf32>
      tpu.vector_store %arg5[%swap3A_1904, %swap3A_1905, %swap3A_1906, %swap3A_1907], %swap3A_1910 {strides = array<i32>} : memref<2x79x128x128xf32, #tpu.memory_space<vmem>>, vector<1x1x128x128xf32>,
      %gt3A_1911 = arith.cmpf ogt, %dot_general3A_1887, %select_n3A_1879 : vector<128x128xf32>
      %select_n3A_1912 = arith.select %gt3A_1911, %dot_general3A_1887, %select_n3A_1879 : vector<128x128xi1>, vector<128x128xf32>
      %jit3A_1913 = arith.constant 57 : i32
      %broadcast_in_dim3A_1914 = vector.broadcast %jit3A_1913 : i32 to vector<128x128xi32>
      %select_n3A_1915 = arith.select %gt3A_1911, %broadcast_in_dim3A_1914, %select_n3A_1882 : vector<128x128xi1>, vector<128x128xi32>
      %get3A_1916 = arith.constant 0 : index
      %get3A_1917 = arith.constant 7424 : index
      %get3A_1918 = vector.load %arg2[%get3A_1916, %get3A_1917] : memref<128x10112xf32, #tpu.memory_space<vmem>>, vector<128x128xf32>
      %dot_general3A_1919 = arith.constant dense<0.000000e+00> : vector<128x128xf32>
      %dot_general3A_1920 = tpu.matmul %get3A_7, %get3A_1918, %dot_general3A_1919 {dimension_numbers = #tpu.dot_dimension_numbers<[1], [0], [0], [1], [0, 0, 1, 1], [], []>, transpose_lhs_hint = false} : vector<128x128xf32>, vector<128x128xf32>, vector<128x128xf32> -> vector<128x128xf32>
      %jit3A_1921 = arith.constant 2 : i32
      %eq3A_1922 = arith.constant 0 : i32
      %eq3A_1923 = arith.cmpi eq, %jit3A_1921, %eq3A_1922 : i32
      %jit3A_1924 = arith.constant 1 : i32
      %select_n3A_1925 = arith.select %eq3A_1923, %jit3A_1924, %jit3A_1921 : i32
      %rem3A_1926 = arith.remsi %arg0, %select_n3A_1925 : i32
      %ne3A_1927 = arith.constant 0 : i32
      %ne3A_1928 = arith.cmpi ne, %rem3A_1926, %ne3A_1927 : i32
      %lt3A_1929 = arith.constant 0 : i32
      %lt3A_1930 = arith.cmpi slt, %rem3A_1926, %lt3A_1929 : i32
      %lt3A_1931 = arith.constant 0 : i32
      %lt3A_1932 = arith.cmpi slt, %select_n3A_1925, %lt3A_1931 : i32
      %ne3A_1933 = arith.xori %lt3A_1930, %lt3A_1932 : i1
      %and3A_1934 = arith.andi %ne3A_1933, %ne3A_1928 : i1
      %add3A_1935 = arith.addi %rem3A_1926, %select_n3A_1925 : i32
      %select_n3A_1936 = arith.select %and3A_1934, %add3A_1935, %rem3A_1926 : i32
      %swap3A_1937 = arith.index_cast %select_n3A_1936 : i32 to index
      %swap3A_1938 = arith.constant 58 : index
      %swap3A_1939 = arith.constant 0 : index
      %swap3A_1940 = arith.constant 0 : index
      %swap3A_1941 = vector.load %arg5[%swap3A_1937, %swap3A_1938, %swap3A_1939, %swap3A_1940] : memref<2x79x128x128xf32, #tpu.memory_space<vmem>>, vector<1x1x128x128xf32>
      %swap3A_1942 = vector.shape_cast %swap3A_1941 : vector<1x1x128x128xf32> to vector<128x128xf32>
      %swap3A_1943 = vector.shape_cast %dot_general3A_1920 : vector<128x128xf32> to vector<1x1x128x128xf32>
      tpu.vector_store %arg5[%swap3A_1937, %swap3A_1938, %swap3A_1939, %swap3A_1940], %swap3A_1943 {strides = array<i32>} : memref<2x79x128x128xf32, #tpu.memory_space<vmem>>, vector<1x1x128x128xf32>,
      %gt3A_1944 = arith.cmpf ogt, %dot_general3A_1920, %select_n3A_1912 : vector<128x128xf32>
      %select_n3A_1945 = arith.select %gt3A_1944, %dot_general3A_1920, %select_n3A_1912 : vector<128x128xi1>, vector<128x128xf32>
      %jit3A_1946 = arith.constant 58 : i32
      %broadcast_in_dim3A_1947 = vector.broadcast %jit3A_1946 : i32 to vector<128x128xi32>
      %select_n3A_1948 = arith.select %gt3A_1944, %broadcast_in_dim3A_1947, %select_n3A_1915 : vector<128x128xi1>, vector<128x128xi32>
      %get3A_1949 = arith.constant 0 : index
      %get3A_1950 = arith.constant 7552 : index
      %get3A_1951 = vector.load %arg2[%get3A_1949, %get3A_1950] : memref<128x10112xf32, #tpu.memory_space<vmem>>, vector<128x128xf32>
      %dot_general3A_1952 = arith.constant dense<0.000000e+00> : vector<128x128xf32>
      %dot_general3A_1953 = tpu.matmul %get3A_7, %get3A_1951, %dot_general3A_1952 {dimension_numbers = #tpu.dot_dimension_numbers<[1], [0], [0], [1], [0, 0, 1, 1], [], []>, transpose_lhs_hint = false} : vector<128x128xf32>, vector<128x128xf32>, vector<128x128xf32> -> vector<128x128xf32>
      %jit3A_1954 = arith.constant 2 : i32
      %eq3A_1955 = arith.constant 0 : i32
      %eq3A_1956 = arith.cmpi eq, %jit3A_1954, %eq3A_1955 : i32
      %jit3A_1957 = arith.constant 1 : i32
      %select_n3A_1958 = arith.select %eq3A_1956, %jit3A_1957, %jit3A_1954 : i32
      %rem3A_1959 = arith.remsi %arg0, %select_n3A_1958 : i32
      %ne3A_1960 = arith.constant 0 : i32
      %ne3A_1961 = arith.cmpi ne, %rem3A_1959, %ne3A_1960 : i32
      %lt3A_1962 = arith.constant 0 : i32
      %lt3A_1963 = arith.cmpi slt, %rem3A_1959, %lt3A_1962 : i32
      %lt3A_1964 = arith.constant 0 : i32
      %lt3A_1965 = arith.cmpi slt, %select_n3A_1958, %lt3A_1964 : i32
      %ne3A_1966 = arith.xori %lt3A_1963, %lt3A_1965 : i1
      %and3A_1967 = arith.andi %ne3A_1966, %ne3A_1961 : i1
      %add3A_1968 = arith.addi %rem3A_1959, %select_n3A_1958 : i32
      %select_n3A_1969 = arith.select %and3A_1967, %add3A_1968, %rem3A_1959 : i32
      %swap3A_1970 = arith.index_cast %select_n3A_1969 : i32 to index
      %swap3A_1971 = arith.constant 59 : index
      %swap3A_1972 = arith.constant 0 : index
      %swap3A_1973 = arith.constant 0 : index
      %swap3A_1974 = vector.load %arg5[%swap3A_1970, %swap3A_1971, %swap3A_1972, %swap3A_1973] : memref<2x79x128x128xf32, #tpu.memory_space<vmem>>, vector<1x1x128x128xf32>
      %swap3A_1975 = vector.shape_cast %swap3A_1974 : vector<1x1x128x128xf32> to vector<128x128xf32>
      %swap3A_1976 = vector.shape_cast %dot_general3A_1953 : vector<128x128xf32> to vector<1x1x128x128xf32>
      tpu.vector_store %arg5[%swap3A_1970, %swap3A_1971, %swap3A_1972, %swap3A_1973], %swap3A_1976 {strides = array<i32>} : memref<2x79x128x128xf32, #tpu.memory_space<vmem>>, vector<1x1x128x128xf32>,
      %gt3A_1977 = arith.cmpf ogt, %dot_general3A_1953, %select_n3A_1945 : vector<128x128xf32>
      %select_n3A_1978 = arith.select %gt3A_1977, %dot_general3A_1953, %select_n3A_1945 : vector<128x128xi1>, vector<128x128xf32>
      %jit3A_1979 = arith.constant 59 : i32
      %broadcast_in_dim3A_1980 = vector.broadcast %jit3A_1979 : i32 to vector<128x128xi32>
      %select_n3A_1981 = arith.select %gt3A_1977, %broadcast_in_dim3A_1980, %select_n3A_1948 : vector<128x128xi1>, vector<128x128xi32>
      %get3A_1982 = arith.constant 0 : index
      %get3A_1983 = arith.constant 7680 : index
      %get3A_1984 = vector.load %arg2[%get3A_1982, %get3A_1983] : memref<128x10112xf32, #tpu.memory_space<vmem>>, vector<128x128xf32>
      %dot_general3A_1985 = arith.constant dense<0.000000e+00> : vector<128x128xf32>
      %dot_general3A_1986 = tpu.matmul %get3A_7, %get3A_1984, %dot_general3A_1985 {dimension_numbers = #tpu.dot_dimension_numbers<[1], [0], [0], [1], [0, 0, 1, 1], [], []>, transpose_lhs_hint = false} : vector<128x128xf32>, vector<128x128xf32>, vector<128x128xf32> -> vector<128x128xf32>
      %jit3A_1987 = arith.constant 2 : i32
      %eq3A_1988 = arith.constant 0 : i32
      %eq3A_1989 = arith.cmpi eq, %jit3A_1987, %eq3A_1988 : i32
      %jit3A_1990 = arith.constant 1 : i32
      %select_n3A_1991 = arith.select %eq3A_1989, %jit3A_1990, %jit3A_1987 : i32
      %rem3A_1992 = arith.remsi %arg0, %select_n3A_1991 : i32
      %ne3A_1993 = arith.constant 0 : i32
      %ne3A_1994 = arith.cmpi ne, %rem3A_1992, %ne3A_1993 : i32
      %lt3A_1995 = arith.constant 0 : i32
      %lt3A_1996 = arith.cmpi slt, %rem3A_1992, %lt3A_1995 : i32
      %lt3A_1997 = arith.constant 0 : i32
      %lt3A_1998 = arith.cmpi slt, %select_n3A_1991, %lt3A_1997 : i32
      %ne3A_1999 = arith.xori %lt3A_1996, %lt3A_1998 : i1
      %and3A_2000 = arith.andi %ne3A_1999, %ne3A_1994 : i1
      %add3A_2001 = arith.addi %rem3A_1992, %select_n3A_1991 : i32
      %select_n3A_2002 = arith.select %and3A_2000, %add3A_2001, %rem3A_1992 : i32
      %swap3A_2003 = arith.index_cast %select_n3A_2002 : i32 to index
      %swap3A_2004 = arith.constant 60 : index
      %swap3A_2005 = arith.constant 0 : index
      %swap3A_2006 = arith.constant 0 : index
      %swap3A_2007 = vector.load %arg5[%swap3A_2003, %swap3A_2004, %swap3A_2005, %swap3A_2006] : memref<2x79x128x128xf32, #tpu.memory_space<vmem>>, vector<1x1x128x128xf32>
      %swap3A_2008 = vector.shape_cast %swap3A_2007 : vector<1x1x128x128xf32> to vector<128x128xf32>
      %swap3A_2009 = vector.shape_cast %dot_general3A_1986 : vector<128x128xf32> to vector<1x1x128x128xf32>
      tpu.vector_store %arg5[%swap3A_2003, %swap3A_2004, %swap3A_2005, %swap3A_2006], %swap3A_2009 {strides = array<i32>} : memref<2x79x128x128xf32, #tpu.memory_space<vmem>>, vector<1x1x128x128xf32>,
      %gt3A_2010 = arith.cmpf ogt, %dot_general3A_1986, %select_n3A_1978 : vector<128x128xf32>
      %select_n3A_2011 = arith.select %gt3A_2010, %dot_general3A_1986, %select_n3A_1978 : vector<128x128xi1>, vector<128x128xf32>
      %jit3A_2012 = arith.constant 60 : i32
      %broadcast_in_dim3A_2013 = vector.broadcast %jit3A_2012 : i32 to vector<128x128xi32>
      %select_n3A_2014 = arith.select %gt3A_2010, %broadcast_in_dim3A_2013, %select_n3A_1981 : vector<128x128xi1>, vector<128x128xi32>
      %get3A_2015 = arith.constant 0 : index
      %get3A_2016 = arith.constant 7808 : index
      %get3A_2017 = vector.load %arg2[%get3A_2015, %get3A_2016] : memref<128x10112xf32, #tpu.memory_space<vmem>>, vector<128x128xf32>
      %dot_general3A_2018 = arith.constant dense<0.000000e+00> : vector<128x128xf32>
      %dot_general3A_2019 = tpu.matmul %get3A_7, %get3A_2017, %dot_general3A_2018 {dimension_numbers = #tpu.dot_dimension_numbers<[1], [0], [0], [1], [0, 0, 1, 1], [], []>, transpose_lhs_hint = false} : vector<128x128xf32>, vector<128x128xf32>, vector<128x128xf32> -> vector<128x128xf32>
      %jit3A_2020 = arith.constant 2 : i32
      %eq3A_2021 = arith.constant 0 : i32
      %eq3A_2022 = arith.cmpi eq, %jit3A_2020, %eq3A_2021 : i32
      %jit3A_2023 = arith.constant 1 : i32
      %select_n3A_2024 = arith.select %eq3A_2022, %jit3A_2023, %jit3A_2020 : i32
      %rem3A_2025 = arith.remsi %arg0, %select_n3A_2024 : i32
      %ne3A_2026 = arith.constant 0 : i32
      %ne3A_2027 = arith.cmpi ne, %rem3A_2025, %ne3A_2026 : i32
      %lt3A_2028 = arith.constant 0 : i32
      %lt3A_2029 = arith.cmpi slt, %rem3A_2025, %lt3A_2028 : i32
      %lt3A_2030 = arith.constant 0 : i32
      %lt3A_2031 = arith.cmpi slt, %select_n3A_2024, %lt3A_2030 : i32
      %ne3A_2032 = arith.xori %lt3A_2029, %lt3A_2031 : i1
      %and3A_2033 = arith.andi %ne3A_2032, %ne3A_2027 : i1
      %add3A_2034 = arith.addi %rem3A_2025, %select_n3A_2024 : i32
      %select_n3A_2035 = arith.select %and3A_2033, %add3A_2034, %rem3A_2025 : i32
      %swap3A_2036 = arith.index_cast %select_n3A_2035 : i32 to index
      %swap3A_2037 = arith.constant 61 : index
      %swap3A_2038 = arith.constant 0 : index
      %swap3A_2039 = arith.constant 0 : index
      %swap3A_2040 = vector.load %arg5[%swap3A_2036, %swap3A_2037, %swap3A_2038, %swap3A_2039] : memref<2x79x128x128xf32, #tpu.memory_space<vmem>>, vector<1x1x128x128xf32>
      %swap3A_2041 = vector.shape_cast %swap3A_2040 : vector<1x1x128x128xf32> to vector<128x128xf32>
      %swap3A_2042 = vector.shape_cast %dot_general3A_2019 : vector<128x128xf32> to vector<1x1x128x128xf32>
      tpu.vector_store %arg5[%swap3A_2036, %swap3A_2037, %swap3A_2038, %swap3A_2039], %swap3A_2042 {strides = array<i32>} : memref<2x79x128x128xf32, #tpu.memory_space<vmem>>, vector<1x1x128x128xf32>,
      %gt3A_2043 = arith.cmpf ogt, %dot_general3A_2019, %select_n3A_2011 : vector<128x128xf32>
      %select_n3A_2044 = arith.select %gt3A_2043, %dot_general3A_2019, %select_n3A_2011 : vector<128x128xi1>, vector<128x128xf32>
      %jit3A_2045 = arith.constant 61 : i32
      %broadcast_in_dim3A_2046 = vector.broadcast %jit3A_2045 : i32 to vector<128x128xi32>
      %select_n3A_2047 = arith.select %gt3A_2043, %broadcast_in_dim3A_2046, %select_n3A_2014 : vector<128x128xi1>, vector<128x128xi32>
      %get3A_2048 = arith.constant 0 : index
      %get3A_2049 = arith.constant 7936 : index
      %get3A_2050 = vector.load %arg2[%get3A_2048, %get3A_2049] : memref<128x10112xf32, #tpu.memory_space<vmem>>, vector<128x128xf32>
      %dot_general3A_2051 = arith.constant dense<0.000000e+00> : vector<128x128xf32>
      %dot_general3A_2052 = tpu.matmul %get3A_7, %get3A_2050, %dot_general3A_2051 {dimension_numbers = #tpu.dot_dimension_numbers<[1], [0], [0], [1], [0, 0, 1, 1], [], []>, transpose_lhs_hint = false} : vector<128x128xf32>, vector<128x128xf32>, vector<128x128xf32> -> vector<128x128xf32>
      %jit3A_2053 = arith.constant 2 : i32
      %eq3A_2054 = arith.constant 0 : i32
      %eq3A_2055 = arith.cmpi eq, %jit3A_2053, %eq3A_2054 : i32
      %jit3A_2056 = arith.constant 1 : i32
      %select_n3A_2057 = arith.select %eq3A_2055, %jit3A_2056, %jit3A_2053 : i32
      %rem3A_2058 = arith.remsi %arg0, %select_n3A_2057 : i32
      %ne3A_2059 = arith.constant 0 : i32
      %ne3A_2060 = arith.cmpi ne, %rem3A_2058, %ne3A_2059 : i32
      %lt3A_2061 = arith.constant 0 : i32
      %lt3A_2062 = arith.cmpi slt, %rem3A_2058, %lt3A_2061 : i32
      %lt3A_2063 = arith.constant 0 : i32
      %lt3A_2064 = arith.cmpi slt, %select_n3A_2057, %lt3A_2063 : i32
      %ne3A_2065 = arith.xori %lt3A_2062, %lt3A_2064 : i1
      %and3A_2066 = arith.andi %ne3A_2065, %ne3A_2060 : i1
      %add3A_2067 = arith.addi %rem3A_2058, %select_n3A_2057 : i32
      %select_n3A_2068 = arith.select %and3A_2066, %add3A_2067, %rem3A_2058 : i32
      %swap3A_2069 = arith.index_cast %select_n3A_2068 : i32 to index
      %swap3A_2070 = arith.constant 62 : index
      %swap3A_2071 = arith.constant 0 : index
      %swap3A_2072 = arith.constant 0 : index
      %swap3A_2073 = vector.load %arg5[%swap3A_2069, %swap3A_2070, %swap3A_2071, %swap3A_2072] : memref<2x79x128x128xf32, #tpu.memory_space<vmem>>, vector<1x1x128x128xf32>
      %swap3A_2074 = vector.shape_cast %swap3A_2073 : vector<1x1x128x128xf32> to vector<128x128xf32>
      %swap3A_2075 = vector.shape_cast %dot_general3A_2052 : vector<128x128xf32> to vector<1x1x128x128xf32>
      tpu.vector_store %arg5[%swap3A_2069, %swap3A_2070, %swap3A_2071, %swap3A_2072], %swap3A_2075 {strides = array<i32>} : memref<2x79x128x128xf32, #tpu.memory_space<vmem>>, vector<1x1x128x128xf32>,
      %gt3A_2076 = arith.cmpf ogt, %dot_general3A_2052, %select_n3A_2044 : vector<128x128xf32>
      %select_n3A_2077 = arith.select %gt3A_2076, %dot_general3A_2052, %select_n3A_2044 : vector<128x128xi1>, vector<128x128xf32>
      %jit3A_2078 = arith.constant 62 : i32
      %broadcast_in_dim3A_2079 = vector.broadcast %jit3A_2078 : i32 to vector<128x128xi32>
      %select_n3A_2080 = arith.select %gt3A_2076, %broadcast_in_dim3A_2079, %select_n3A_2047 : vector<128x128xi1>, vector<128x128xi32>
      %get3A_2081 = arith.constant 0 : index
      %get3A_2082 = arith.constant 8064 : index
      %get3A_2083 = vector.load %arg2[%get3A_2081, %get3A_2082] : memref<128x10112xf32, #tpu.memory_space<vmem>>, vector<128x128xf32>
      %dot_general3A_2084 = arith.constant dense<0.000000e+00> : vector<128x128xf32>
      %dot_general3A_2085 = tpu.matmul %get3A_7, %get3A_2083, %dot_general3A_2084 {dimension_numbers = #tpu.dot_dimension_numbers<[1], [0], [0], [1], [0, 0, 1, 1], [], []>, transpose_lhs_hint = false} : vector<128x128xf32>, vector<128x128xf32>, vector<128x128xf32> -> vector<128x128xf32>
      %jit3A_2086 = arith.constant 2 : i32
      %eq3A_2087 = arith.constant 0 : i32
      %eq3A_2088 = arith.cmpi eq, %jit3A_2086, %eq3A_2087 : i32
      %jit3A_2089 = arith.constant 1 : i32
      %select_n3A_2090 = arith.select %eq3A_2088, %jit3A_2089, %jit3A_2086 : i32
      %rem3A_2091 = arith.remsi %arg0, %select_n3A_2090 : i32
      %ne3A_2092 = arith.constant 0 : i32
      %ne3A_2093 = arith.cmpi ne, %rem3A_2091, %ne3A_2092 : i32
      %lt3A_2094 = arith.constant 0 : i32
      %lt3A_2095 = arith.cmpi slt, %rem3A_2091, %lt3A_2094 : i32
      %lt3A_2096 = arith.constant 0 : i32
      %lt3A_2097 = arith.cmpi slt, %select_n3A_2090, %lt3A_2096 : i32
      %ne3A_2098 = arith.xori %lt3A_2095, %lt3A_2097 : i1
      %and3A_2099 = arith.andi %ne3A_2098, %ne3A_2093 : i1
      %add3A_2100 = arith.addi %rem3A_2091, %select_n3A_2090 : i32
      %select_n3A_2101 = arith.select %and3A_2099, %add3A_2100, %rem3A_2091 : i32
      %swap3A_2102 = arith.index_cast %select_n3A_2101 : i32 to index
      %swap3A_2103 = arith.constant 63 : index
      %swap3A_2104 = arith.constant 0 : index
      %swap3A_2105 = arith.constant 0 : index
      %swap3A_2106 = vector.load %arg5[%swap3A_2102, %swap3A_2103, %swap3A_2104, %swap3A_2105] : memref<2x79x128x128xf32, #tpu.memory_space<vmem>>, vector<1x1x128x128xf32>
      %swap3A_2107 = vector.shape_cast %swap3A_2106 : vector<1x1x128x128xf32> to vector<128x128xf32>
      %swap3A_2108 = vector.shape_cast %dot_general3A_2085 : vector<128x128xf32> to vector<1x1x128x128xf32>
      tpu.vector_store %arg5[%swap3A_2102, %swap3A_2103, %swap3A_2104, %swap3A_2105], %swap3A_2108 {strides = array<i32>} : memref<2x79x128x128xf32, #tpu.memory_space<vmem>>, vector<1x1x128x128xf32>,
      %gt3A_2109 = arith.cmpf ogt, %dot_general3A_2085, %select_n3A_2077 : vector<128x128xf32>
      %select_n3A_2110 = arith.select %gt3A_2109, %dot_general3A_2085, %select_n3A_2077 : vector<128x128xi1>, vector<128x128xf32>
      %jit3A_2111 = arith.constant 63 : i32
      %broadcast_in_dim3A_2112 = vector.broadcast %jit3A_2111 : i32 to vector<128x128xi32>
      %select_n3A_2113 = arith.select %gt3A_2109, %broadcast_in_dim3A_2112, %select_n3A_2080 : vector<128x128xi1>, vector<128x128xi32>
      %get3A_2114 = arith.constant 0 : index
      %get3A_2115 = arith.constant 8192 : index
      %get3A_2116 = vector.load %arg2[%get3A_2114, %get3A_2115] : memref<128x10112xf32, #tpu.memory_space<vmem>>, vector<128x128xf32>
      %dot_general3A_2117 = arith.constant dense<0.000000e+00> : vector<128x128xf32>
      %dot_general3A_2118 = tpu.matmul %get3A_7, %get3A_2116, %dot_general3A_2117 {dimension_numbers = #tpu.dot_dimension_numbers<[1], [0], [0], [1], [0, 0, 1, 1], [], []>, transpose_lhs_hint = false} : vector<128x128xf32>, vector<128x128xf32>, vector<128x128xf32> -> vector<128x128xf32>
      %jit3A_2119 = arith.constant 2 : i32
      %eq3A_2120 = arith.constant 0 : i32
      %eq3A_2121 = arith.cmpi eq, %jit3A_2119, %eq3A_2120 : i32
      %jit3A_2122 = arith.constant 1 : i32
      %select_n3A_2123 = arith.select %eq3A_2121, %jit3A_2122, %jit3A_2119 : i32
      %rem3A_2124 = arith.remsi %arg0, %select_n3A_2123 : i32
      %ne3A_2125 = arith.constant 0 : i32
      %ne3A_2126 = arith.cmpi ne, %rem3A_2124, %ne3A_2125 : i32
      %lt3A_2127 = arith.constant 0 : i32
      %lt3A_2128 = arith.cmpi slt, %rem3A_2124, %lt3A_2127 : i32
      %lt3A_2129 = arith.constant 0 : i32
      %lt3A_2130 = arith.cmpi slt, %select_n3A_2123, %lt3A_2129 : i32
      %ne3A_2131 = arith.xori %lt3A_2128, %lt3A_2130 : i1
      %and3A_2132 = arith.andi %ne3A_2131, %ne3A_2126 : i1
      %add3A_2133 = arith.addi %rem3A_2124, %select_n3A_2123 : i32
      %select_n3A_2134 = arith.select %and3A_2132, %add3A_2133, %rem3A_2124 : i32
      %swap3A_2135 = arith.index_cast %select_n3A_2134 : i32 to index
      %swap3A_2136 = arith.constant 64 : index
      %swap3A_2137 = arith.constant 0 : index
      %swap3A_2138 = arith.constant 0 : index
      %swap3A_2139 = vector.load %arg5[%swap3A_2135, %swap3A_2136, %swap3A_2137, %swap3A_2138] : memref<2x79x128x128xf32, #tpu.memory_space<vmem>>, vector<1x1x128x128xf32>
      %swap3A_2140 = vector.shape_cast %swap3A_2139 : vector<1x1x128x128xf32> to vector<128x128xf32>
      %swap3A_2141 = vector.shape_cast %dot_general3A_2118 : vector<128x128xf32> to vector<1x1x128x128xf32>
      tpu.vector_store %arg5[%swap3A_2135, %swap3A_2136, %swap3A_2137, %swap3A_2138], %swap3A_2141 {strides = array<i32>} : memref<2x79x128x128xf32, #tpu.memory_space<vmem>>, vector<1x1x128x128xf32>,
      %gt3A_2142 = arith.cmpf ogt, %dot_general3A_2118, %select_n3A_2110 : vector<128x128xf32>
      %select_n3A_2143 = arith.select %gt3A_2142, %dot_general3A_2118, %select_n3A_2110 : vector<128x128xi1>, vector<128x128xf32>
      %jit3A_2144 = arith.constant 64 : i32
      %broadcast_in_dim3A_2145 = vector.broadcast %jit3A_2144 : i32 to vector<128x128xi32>
      %select_n3A_2146 = arith.select %gt3A_2142, %broadcast_in_dim3A_2145, %select_n3A_2113 : vector<128x128xi1>, vector<128x128xi32>
      %get3A_2147 = arith.constant 0 : index
      %get3A_2148 = arith.constant 8320 : index
      %get3A_2149 = vector.load %arg2[%get3A_2147, %get3A_2148] : memref<128x10112xf32, #tpu.memory_space<vmem>>, vector<128x128xf32>
      %dot_general3A_2150 = arith.constant dense<0.000000e+00> : vector<128x128xf32>
      %dot_general3A_2151 = tpu.matmul %get3A_7, %get3A_2149, %dot_general3A_2150 {dimension_numbers = #tpu.dot_dimension_numbers<[1], [0], [0], [1], [0, 0, 1, 1], [], []>, transpose_lhs_hint = false} : vector<128x128xf32>, vector<128x128xf32>, vector<128x128xf32> -> vector<128x128xf32>
      %jit3A_2152 = arith.constant 2 : i32
      %eq3A_2153 = arith.constant 0 : i32
      %eq3A_2154 = arith.cmpi eq, %jit3A_2152, %eq3A_2153 : i32
      %jit3A_2155 = arith.constant 1 : i32
      %select_n3A_2156 = arith.select %eq3A_2154, %jit3A_2155, %jit3A_2152 : i32
      %rem3A_2157 = arith.remsi %arg0, %select_n3A_2156 : i32
      %ne3A_2158 = arith.constant 0 : i32
      %ne3A_2159 = arith.cmpi ne, %rem3A_2157, %ne3A_2158 : i32
      %lt3A_2160 = arith.constant 0 : i32
      %lt3A_2161 = arith.cmpi slt, %rem3A_2157, %lt3A_2160 : i32
      %lt3A_2162 = arith.constant 0 : i32
      %lt3A_2163 = arith.cmpi slt, %select_n3A_2156, %lt3A_2162 : i32
      %ne3A_2164 = arith.xori %lt3A_2161, %lt3A_2163 : i1
      %and3A_2165 = arith.andi %ne3A_2164, %ne3A_2159 : i1
      %add3A_2166 = arith.addi %rem3A_2157, %select_n3A_2156 : i32
      %select_n3A_2167 = arith.select %and3A_2165, %add3A_2166, %rem3A_2157 : i32
      %swap3A_2168 = arith.index_cast %select_n3A_2167 : i32 to index
      %swap3A_2169 = arith.constant 65 : index
      %swap3A_2170 = arith.constant 0 : index
      %swap3A_2171 = arith.constant 0 : index
      %swap3A_2172 = vector.load %arg5[%swap3A_2168, %swap3A_2169, %swap3A_2170, %swap3A_2171] : memref<2x79x128x128xf32, #tpu.memory_space<vmem>>, vector<1x1x128x128xf32>
      %swap3A_2173 = vector.shape_cast %swap3A_2172 : vector<1x1x128x128xf32> to vector<128x128xf32>
      %swap3A_2174 = vector.shape_cast %dot_general3A_2151 : vector<128x128xf32> to vector<1x1x128x128xf32>
      tpu.vector_store %arg5[%swap3A_2168, %swap3A_2169, %swap3A_2170, %swap3A_2171], %swap3A_2174 {strides = array<i32>} : memref<2x79x128x128xf32, #tpu.memory_space<vmem>>, vector<1x1x128x128xf32>,
      %gt3A_2175 = arith.cmpf ogt, %dot_general3A_2151, %select_n3A_2143 : vector<128x128xf32>
      %select_n3A_2176 = arith.select %gt3A_2175, %dot_general3A_2151, %select_n3A_2143 : vector<128x128xi1>, vector<128x128xf32>
      %jit3A_2177 = arith.constant 65 : i32
      %broadcast_in_dim3A_2178 = vector.broadcast %jit3A_2177 : i32 to vector<128x128xi32>
      %select_n3A_2179 = arith.select %gt3A_2175, %broadcast_in_dim3A_2178, %select_n3A_2146 : vector<128x128xi1>, vector<128x128xi32>
      %get3A_2180 = arith.constant 0 : index
      %get3A_2181 = arith.constant 8448 : index
      %get3A_2182 = vector.load %arg2[%get3A_2180, %get3A_2181] : memref<128x10112xf32, #tpu.memory_space<vmem>>, vector<128x128xf32>
      %dot_general3A_2183 = arith.constant dense<0.000000e+00> : vector<128x128xf32>
      %dot_general3A_2184 = tpu.matmul %get3A_7, %get3A_2182, %dot_general3A_2183 {dimension_numbers = #tpu.dot_dimension_numbers<[1], [0], [0], [1], [0, 0, 1, 1], [], []>, transpose_lhs_hint = false} : vector<128x128xf32>, vector<128x128xf32>, vector<128x128xf32> -> vector<128x128xf32>
      %jit3A_2185 = arith.constant 2 : i32
      %eq3A_2186 = arith.constant 0 : i32
      %eq3A_2187 = arith.cmpi eq, %jit3A_2185, %eq3A_2186 : i32
      %jit3A_2188 = arith.constant 1 : i32
      %select_n3A_2189 = arith.select %eq3A_2187, %jit3A_2188, %jit3A_2185 : i32
      %rem3A_2190 = arith.remsi %arg0, %select_n3A_2189 : i32
      %ne3A_2191 = arith.constant 0 : i32
      %ne3A_2192 = arith.cmpi ne, %rem3A_2190, %ne3A_2191 : i32
      %lt3A_2193 = arith.constant 0 : i32
      %lt3A_2194 = arith.cmpi slt, %rem3A_2190, %lt3A_2193 : i32
      %lt3A_2195 = arith.constant 0 : i32
      %lt3A_2196 = arith.cmpi slt, %select_n3A_2189, %lt3A_2195 : i32
      %ne3A_2197 = arith.xori %lt3A_2194, %lt3A_2196 : i1
      %and3A_2198 = arith.andi %ne3A_2197, %ne3A_2192 : i1
      %add3A_2199 = arith.addi %rem3A_2190, %select_n3A_2189 : i32
      %select_n3A_2200 = arith.select %and3A_2198, %add3A_2199, %rem3A_2190 : i32
      %swap3A_2201 = arith.index_cast %select_n3A_2200 : i32 to index
      %swap3A_2202 = arith.constant 66 : index
      %swap3A_2203 = arith.constant 0 : index
      %swap3A_2204 = arith.constant 0 : index
      %swap3A_2205 = vector.load %arg5[%swap3A_2201, %swap3A_2202, %swap3A_2203, %swap3A_2204] : memref<2x79x128x128xf32, #tpu.memory_space<vmem>>, vector<1x1x128x128xf32>
      %swap3A_2206 = vector.shape_cast %swap3A_2205 : vector<1x1x128x128xf32> to vector<128x128xf32>
      %swap3A_2207 = vector.shape_cast %dot_general3A_2184 : vector<128x128xf32> to vector<1x1x128x128xf32>
      tpu.vector_store %arg5[%swap3A_2201, %swap3A_2202, %swap3A_2203, %swap3A_2204], %swap3A_2207 {strides = array<i32>} : memref<2x79x128x128xf32, #tpu.memory_space<vmem>>, vector<1x1x128x128xf32>,
      %gt3A_2208 = arith.cmpf ogt, %dot_general3A_2184, %select_n3A_2176 : vector<128x128xf32>
      %select_n3A_2209 = arith.select %gt3A_2208, %dot_general3A_2184, %select_n3A_2176 : vector<128x128xi1>, vector<128x128xf32>
      %jit3A_2210 = arith.constant 66 : i32
      %broadcast_in_dim3A_2211 = vector.broadcast %jit3A_2210 : i32 to vector<128x128xi32>
      %select_n3A_2212 = arith.select %gt3A_2208, %broadcast_in_dim3A_2211, %select_n3A_2179 : vector<128x128xi1>, vector<128x128xi32>
      %get3A_2213 = arith.constant 0 : index
      %get3A_2214 = arith.constant 8576 : index
      %get3A_2215 = vector.load %arg2[%get3A_2213, %get3A_2214] : memref<128x10112xf32, #tpu.memory_space<vmem>>, vector<128x128xf32>
      %dot_general3A_2216 = arith.constant dense<0.000000e+00> : vector<128x128xf32>
      %dot_general3A_2217 = tpu.matmul %get3A_7, %get3A_2215, %dot_general3A_2216 {dimension_numbers = #tpu.dot_dimension_numbers<[1], [0], [0], [1], [0, 0, 1, 1], [], []>, transpose_lhs_hint = false} : vector<128x128xf32>, vector<128x128xf32>, vector<128x128xf32> -> vector<128x128xf32>
      %jit3A_2218 = arith.constant 2 : i32
      %eq3A_2219 = arith.constant 0 : i32
      %eq3A_2220 = arith.cmpi eq, %jit3A_2218, %eq3A_2219 : i32
      %jit3A_2221 = arith.constant 1 : i32
      %select_n3A_2222 = arith.select %eq3A_2220, %jit3A_2221, %jit3A_2218 : i32
      %rem3A_2223 = arith.remsi %arg0, %select_n3A_2222 : i32
      %ne3A_2224 = arith.constant 0 : i32
      %ne3A_2225 = arith.cmpi ne, %rem3A_2223, %ne3A_2224 : i32
      %lt3A_2226 = arith.constant 0 : i32
      %lt3A_2227 = arith.cmpi slt, %rem3A_2223, %lt3A_2226 : i32
      %lt3A_2228 = arith.constant 0 : i32
      %lt3A_2229 = arith.cmpi slt, %select_n3A_2222, %lt3A_2228 : i32
      %ne3A_2230 = arith.xori %lt3A_2227, %lt3A_2229 : i1
      %and3A_2231 = arith.andi %ne3A_2230, %ne3A_2225 : i1
      %add3A_2232 = arith.addi %rem3A_2223, %select_n3A_2222 : i32
      %select_n3A_2233 = arith.select %and3A_2231, %add3A_2232, %rem3A_2223 : i32
      %swap3A_2234 = arith.index_cast %select_n3A_2233 : i32 to index
      %swap3A_2235 = arith.constant 67 : index
      %swap3A_2236 = arith.constant 0 : index
      %swap3A_2237 = arith.constant 0 : index
      %swap3A_2238 = vector.load %arg5[%swap3A_2234, %swap3A_2235, %swap3A_2236, %swap3A_2237] : memref<2x79x128x128xf32, #tpu.memory_space<vmem>>, vector<1x1x128x128xf32>
      %swap3A_2239 = vector.shape_cast %swap3A_2238 : vector<1x1x128x128xf32> to vector<128x128xf32>
      %swap3A_2240 = vector.shape_cast %dot_general3A_2217 : vector<128x128xf32> to vector<1x1x128x128xf32>
      tpu.vector_store %arg5[%swap3A_2234, %swap3A_2235, %swap3A_2236, %swap3A_2237], %swap3A_2240 {strides = array<i32>} : memref<2x79x128x128xf32, #tpu.memory_space<vmem>>, vector<1x1x128x128xf32>,
      %gt3A_2241 = arith.cmpf ogt, %dot_general3A_2217, %select_n3A_2209 : vector<128x128xf32>
      %select_n3A_2242 = arith.select %gt3A_2241, %dot_general3A_2217, %select_n3A_2209 : vector<128x128xi1>, vector<128x128xf32>
      %jit3A_2243 = arith.constant 67 : i32
      %broadcast_in_dim3A_2244 = vector.broadcast %jit3A_2243 : i32 to vector<128x128xi32>
      %select_n3A_2245 = arith.select %gt3A_2241, %broadcast_in_dim3A_2244, %select_n3A_2212 : vector<128x128xi1>, vector<128x128xi32>
      %get3A_2246 = arith.constant 0 : index
      %get3A_2247 = arith.constant 8704 : index
      %get3A_2248 = vector.load %arg2[%get3A_2246, %get3A_2247] : memref<128x10112xf32, #tpu.memory_space<vmem>>, vector<128x128xf32>
      %dot_general3A_2249 = arith.constant dense<0.000000e+00> : vector<128x128xf32>
      %dot_general3A_2250 = tpu.matmul %get3A_7, %get3A_2248, %dot_general3A_2249 {dimension_numbers = #tpu.dot_dimension_numbers<[1], [0], [0], [1], [0, 0, 1, 1], [], []>, transpose_lhs_hint = false} : vector<128x128xf32>, vector<128x128xf32>, vector<128x128xf32> -> vector<128x128xf32>
      %jit3A_2251 = arith.constant 2 : i32
      %eq3A_2252 = arith.constant 0 : i32
      %eq3A_2253 = arith.cmpi eq, %jit3A_2251, %eq3A_2252 : i32
      %jit3A_2254 = arith.constant 1 : i32
      %select_n3A_2255 = arith.select %eq3A_2253, %jit3A_2254, %jit3A_2251 : i32
      %rem3A_2256 = arith.remsi %arg0, %select_n3A_2255 : i32
      %ne3A_2257 = arith.constant 0 : i32
      %ne3A_2258 = arith.cmpi ne, %rem3A_2256, %ne3A_2257 : i32
      %lt3A_2259 = arith.constant 0 : i32
      %lt3A_2260 = arith.cmpi slt, %rem3A_2256, %lt3A_2259 : i32
      %lt3A_2261 = arith.constant 0 : i32
      %lt3A_2262 = arith.cmpi slt, %select_n3A_2255, %lt3A_2261 : i32
      %ne3A_2263 = arith.xori %lt3A_2260, %lt3A_2262 : i1
      %and3A_2264 = arith.andi %ne3A_2263, %ne3A_2258 : i1
      %add3A_2265 = arith.addi %rem3A_2256, %select_n3A_2255 : i32
      %select_n3A_2266 = arith.select %and3A_2264, %add3A_2265, %rem3A_2256 : i32
      %swap3A_2267 = arith.index_cast %select_n3A_2266 : i32 to index
      %swap3A_2268 = arith.constant 68 : index
      %swap3A_2269 = arith.constant 0 : index
      %swap3A_2270 = arith.constant 0 : index
      %swap3A_2271 = vector.load %arg5[%swap3A_2267, %swap3A_2268, %swap3A_2269, %swap3A_2270] : memref<2x79x128x128xf32, #tpu.memory_space<vmem>>, vector<1x1x128x128xf32>
      %swap3A_2272 = vector.shape_cast %swap3A_2271 : vector<1x1x128x128xf32> to vector<128x128xf32>
      %swap3A_2273 = vector.shape_cast %dot_general3A_2250 : vector<128x128xf32> to vector<1x1x128x128xf32>
      tpu.vector_store %arg5[%swap3A_2267, %swap3A_2268, %swap3A_2269, %swap3A_2270], %swap3A_2273 {strides = array<i32>} : memref<2x79x128x128xf32, #tpu.memory_space<vmem>>, vector<1x1x128x128xf32>,
      %gt3A_2274 = arith.cmpf ogt, %dot_general3A_2250, %select_n3A_2242 : vector<128x128xf32>
      %select_n3A_2275 = arith.select %gt3A_2274, %dot_general3A_2250, %select_n3A_2242 : vector<128x128xi1>, vector<128x128xf32>
      %jit3A_2276 = arith.constant 68 : i32
      %broadcast_in_dim3A_2277 = vector.broadcast %jit3A_2276 : i32 to vector<128x128xi32>
      %select_n3A_2278 = arith.select %gt3A_2274, %broadcast_in_dim3A_2277, %select_n3A_2245 : vector<128x128xi1>, vector<128x128xi32>
      %get3A_2279 = arith.constant 0 : index
      %get3A_2280 = arith.constant 8832 : index
      %get3A_2281 = vector.load %arg2[%get3A_2279, %get3A_2280] : memref<128x10112xf32, #tpu.memory_space<vmem>>, vector<128x128xf32>
      %dot_general3A_2282 = arith.constant dense<0.000000e+00> : vector<128x128xf32>
      %dot_general3A_2283 = tpu.matmul %get3A_7, %get3A_2281, %dot_general3A_2282 {dimension_numbers = #tpu.dot_dimension_numbers<[1], [0], [0], [1], [0, 0, 1, 1], [], []>, transpose_lhs_hint = false} : vector<128x128xf32>, vector<128x128xf32>, vector<128x128xf32> -> vector<128x128xf32>
      %jit3A_2284 = arith.constant 2 : i32
      %eq3A_2285 = arith.constant 0 : i32
      %eq3A_2286 = arith.cmpi eq, %jit3A_2284, %eq3A_2285 : i32
      %jit3A_2287 = arith.constant 1 : i32
      %select_n3A_2288 = arith.select %eq3A_2286, %jit3A_2287, %jit3A_2284 : i32
      %rem3A_2289 = arith.remsi %arg0, %select_n3A_2288 : i32
      %ne3A_2290 = arith.constant 0 : i32
      %ne3A_2291 = arith.cmpi ne, %rem3A_2289, %ne3A_2290 : i32
      %lt3A_2292 = arith.constant 0 : i32
      %lt3A_2293 = arith.cmpi slt, %rem3A_2289, %lt3A_2292 : i32
      %lt3A_2294 = arith.constant 0 : i32
      %lt3A_2295 = arith.cmpi slt, %select_n3A_2288, %lt3A_2294 : i32
      %ne3A_2296 = arith.xori %lt3A_2293, %lt3A_2295 : i1
      %and3A_2297 = arith.andi %ne3A_2296, %ne3A_2291 : i1
      %add3A_2298 = arith.addi %rem3A_2289, %select_n3A_2288 : i32
      %select_n3A_2299 = arith.select %and3A_2297, %add3A_2298, %rem3A_2289 : i32
      %swap3A_2300 = arith.index_cast %select_n3A_2299 : i32 to index
      %swap3A_2301 = arith.constant 69 : index
      %swap3A_2302 = arith.constant 0 : index
      %swap3A_2303 = arith.constant 0 : index
      %swap3A_2304 = vector.load %arg5[%swap3A_2300, %swap3A_2301, %swap3A_2302, %swap3A_2303] : memref<2x79x128x128xf32, #tpu.memory_space<vmem>>, vector<1x1x128x128xf32>
      %swap3A_2305 = vector.shape_cast %swap3A_2304 : vector<1x1x128x128xf32> to vector<128x128xf32>
      %swap3A_2306 = vector.shape_cast %dot_general3A_2283 : vector<128x128xf32> to vector<1x1x128x128xf32>
      tpu.vector_store %arg5[%swap3A_2300, %swap3A_2301, %swap3A_2302, %swap3A_2303], %swap3A_2306 {strides = array<i32>} : memref<2x79x128x128xf32, #tpu.memory_space<vmem>>, vector<1x1x128x128xf32>,
      %gt3A_2307 = arith.cmpf ogt, %dot_general3A_2283, %select_n3A_2275 : vector<128x128xf32>
      %select_n3A_2308 = arith.select %gt3A_2307, %dot_general3A_2283, %select_n3A_2275 : vector<128x128xi1>, vector<128x128xf32>
      %jit3A_2309 = arith.constant 69 : i32
      %broadcast_in_dim3A_2310 = vector.broadcast %jit3A_2309 : i32 to vector<128x128xi32>
      %select_n3A_2311 = arith.select %gt3A_2307, %broadcast_in_dim3A_2310, %select_n3A_2278 : vector<128x128xi1>, vector<128x128xi32>
      %get3A_2312 = arith.constant 0 : index
      %get3A_2313 = arith.constant 8960 : index
      %get3A_2314 = vector.load %arg2[%get3A_2312, %get3A_2313] : memref<128x10112xf32, #tpu.memory_space<vmem>>, vector<128x128xf32>
      %dot_general3A_2315 = arith.constant dense<0.000000e+00> : vector<128x128xf32>
      %dot_general3A_2316 = tpu.matmul %get3A_7, %get3A_2314, %dot_general3A_2315 {dimension_numbers = #tpu.dot_dimension_numbers<[1], [0], [0], [1], [0, 0, 1, 1], [], []>, transpose_lhs_hint = false} : vector<128x128xf32>, vector<128x128xf32>, vector<128x128xf32> -> vector<128x128xf32>
      %jit3A_2317 = arith.constant 2 : i32
      %eq3A_2318 = arith.constant 0 : i32
      %eq3A_2319 = arith.cmpi eq, %jit3A_2317, %eq3A_2318 : i32
      %jit3A_2320 = arith.constant 1 : i32
      %select_n3A_2321 = arith.select %eq3A_2319, %jit3A_2320, %jit3A_2317 : i32
      %rem3A_2322 = arith.remsi %arg0, %select_n3A_2321 : i32
      %ne3A_2323 = arith.constant 0 : i32
      %ne3A_2324 = arith.cmpi ne, %rem3A_2322, %ne3A_2323 : i32
      %lt3A_2325 = arith.constant 0 : i32
      %lt3A_2326 = arith.cmpi slt, %rem3A_2322, %lt3A_2325 : i32
      %lt3A_2327 = arith.constant 0 : i32
      %lt3A_2328 = arith.cmpi slt, %select_n3A_2321, %lt3A_2327 : i32
      %ne3A_2329 = arith.xori %lt3A_2326, %lt3A_2328 : i1
      %and3A_2330 = arith.andi %ne3A_2329, %ne3A_2324 : i1
      %add3A_2331 = arith.addi %rem3A_2322, %select_n3A_2321 : i32
      %select_n3A_2332 = arith.select %and3A_2330, %add3A_2331, %rem3A_2322 : i32
      %swap3A_2333 = arith.index_cast %select_n3A_2332 : i32 to index
      %swap3A_2334 = arith.constant 70 : index
      %swap3A_2335 = arith.constant 0 : index
      %swap3A_2336 = arith.constant 0 : index
      %swap3A_2337 = vector.load %arg5[%swap3A_2333, %swap3A_2334, %swap3A_2335, %swap3A_2336] : memref<2x79x128x128xf32, #tpu.memory_space<vmem>>, vector<1x1x128x128xf32>
      %swap3A_2338 = vector.shape_cast %swap3A_2337 : vector<1x1x128x128xf32> to vector<128x128xf32>
      %swap3A_2339 = vector.shape_cast %dot_general3A_2316 : vector<128x128xf32> to vector<1x1x128x128xf32>
      tpu.vector_store %arg5[%swap3A_2333, %swap3A_2334, %swap3A_2335, %swap3A_2336], %swap3A_2339 {strides = array<i32>} : memref<2x79x128x128xf32, #tpu.memory_space<vmem>>, vector<1x1x128x128xf32>,
      %gt3A_2340 = arith.cmpf ogt, %dot_general3A_2316, %select_n3A_2308 : vector<128x128xf32>
      %select_n3A_2341 = arith.select %gt3A_2340, %dot_general3A_2316, %select_n3A_2308 : vector<128x128xi1>, vector<128x128xf32>
      %jit3A_2342 = arith.constant 70 : i32
      %broadcast_in_dim3A_2343 = vector.broadcast %jit3A_2342 : i32 to vector<128x128xi32>
      %select_n3A_2344 = arith.select %gt3A_2340, %broadcast_in_dim3A_2343, %select_n3A_2311 : vector<128x128xi1>, vector<128x128xi32>
      %get3A_2345 = arith.constant 0 : index
      %get3A_2346 = arith.constant 9088 : index
      %get3A_2347 = vector.load %arg2[%get3A_2345, %get3A_2346] : memref<128x10112xf32, #tpu.memory_space<vmem>>, vector<128x128xf32>
      %dot_general3A_2348 = arith.constant dense<0.000000e+00> : vector<128x128xf32>
      %dot_general3A_2349 = tpu.matmul %get3A_7, %get3A_2347, %dot_general3A_2348 {dimension_numbers = #tpu.dot_dimension_numbers<[1], [0], [0], [1], [0, 0, 1, 1], [], []>, transpose_lhs_hint = false} : vector<128x128xf32>, vector<128x128xf32>, vector<128x128xf32> -> vector<128x128xf32>
      %jit3A_2350 = arith.constant 2 : i32
      %eq3A_2351 = arith.constant 0 : i32
      %eq3A_2352 = arith.cmpi eq, %jit3A_2350, %eq3A_2351 : i32
      %jit3A_2353 = arith.constant 1 : i32
      %select_n3A_2354 = arith.select %eq3A_2352, %jit3A_2353, %jit3A_2350 : i32
      %rem3A_2355 = arith.remsi %arg0, %select_n3A_2354 : i32
      %ne3A_2356 = arith.constant 0 : i32
      %ne3A_2357 = arith.cmpi ne, %rem3A_2355, %ne3A_2356 : i32
      %lt3A_2358 = arith.constant 0 : i32
      %lt3A_2359 = arith.cmpi slt, %rem3A_2355, %lt3A_2358 : i32
      %lt3A_2360 = arith.constant 0 : i32
      %lt3A_2361 = arith.cmpi slt, %select_n3A_2354, %lt3A_2360 : i32
      %ne3A_2362 = arith.xori %lt3A_2359, %lt3A_2361 : i1
      %and3A_2363 = arith.andi %ne3A_2362, %ne3A_2357 : i1
      %add3A_2364 = arith.addi %rem3A_2355, %select_n3A_2354 : i32
      %select_n3A_2365 = arith.select %and3A_2363, %add3A_2364, %rem3A_2355 : i32
      %swap3A_2366 = arith.index_cast %select_n3A_2365 : i32 to index
      %swap3A_2367 = arith.constant 71 : index
      %swap3A_2368 = arith.constant 0 : index
      %swap3A_2369 = arith.constant 0 : index
      %swap3A_2370 = vector.load %arg5[%swap3A_2366, %swap3A_2367, %swap3A_2368, %swap3A_2369] : memref<2x79x128x128xf32, #tpu.memory_space<vmem>>, vector<1x1x128x128xf32>
      %swap3A_2371 = vector.shape_cast %swap3A_2370 : vector<1x1x128x128xf32> to vector<128x128xf32>
      %swap3A_2372 = vector.shape_cast %dot_general3A_2349 : vector<128x128xf32> to vector<1x1x128x128xf32>
      tpu.vector_store %arg5[%swap3A_2366, %swap3A_2367, %swap3A_2368, %swap3A_2369], %swap3A_2372 {strides = array<i32>} : memref<2x79x128x128xf32, #tpu.memory_space<vmem>>, vector<1x1x128x128xf32>,
      %gt3A_2373 = arith.cmpf ogt, %dot_general3A_2349, %select_n3A_2341 : vector<128x128xf32>
      %select_n3A_2374 = arith.select %gt3A_2373, %dot_general3A_2349, %select_n3A_2341 : vector<128x128xi1>, vector<128x128xf32>
      %jit3A_2375 = arith.constant 71 : i32
      %broadcast_in_dim3A_2376 = vector.broadcast %jit3A_2375 : i32 to vector<128x128xi32>
      %select_n3A_2377 = arith.select %gt3A_2373, %broadcast_in_dim3A_2376, %select_n3A_2344 : vector<128x128xi1>, vector<128x128xi32>
      %get3A_2378 = arith.constant 0 : index
      %get3A_2379 = arith.constant 9216 : index
      %get3A_2380 = vector.load %arg2[%get3A_2378, %get3A_2379] : memref<128x10112xf32, #tpu.memory_space<vmem>>, vector<128x128xf32>
      %dot_general3A_2381 = arith.constant dense<0.000000e+00> : vector<128x128xf32>
      %dot_general3A_2382 = tpu.matmul %get3A_7, %get3A_2380, %dot_general3A_2381 {dimension_numbers = #tpu.dot_dimension_numbers<[1], [0], [0], [1], [0, 0, 1, 1], [], []>, transpose_lhs_hint = false} : vector<128x128xf32>, vector<128x128xf32>, vector<128x128xf32> -> vector<128x128xf32>
      %jit3A_2383 = arith.constant 2 : i32
      %eq3A_2384 = arith.constant 0 : i32
      %eq3A_2385 = arith.cmpi eq, %jit3A_2383, %eq3A_2384 : i32
      %jit3A_2386 = arith.constant 1 : i32
      %select_n3A_2387 = arith.select %eq3A_2385, %jit3A_2386, %jit3A_2383 : i32
      %rem3A_2388 = arith.remsi %arg0, %select_n3A_2387 : i32
      %ne3A_2389 = arith.constant 0 : i32
      %ne3A_2390 = arith.cmpi ne, %rem3A_2388, %ne3A_2389 : i32
      %lt3A_2391 = arith.constant 0 : i32
      %lt3A_2392 = arith.cmpi slt, %rem3A_2388, %lt3A_2391 : i32
      %lt3A_2393 = arith.constant 0 : i32
      %lt3A_2394 = arith.cmpi slt, %select_n3A_2387, %lt3A_2393 : i32
      %ne3A_2395 = arith.xori %lt3A_2392, %lt3A_2394 : i1
      %and3A_2396 = arith.andi %ne3A_2395, %ne3A_2390 : i1
      %add3A_2397 = arith.addi %rem3A_2388, %select_n3A_2387 : i32
      %select_n3A_2398 = arith.select %and3A_2396, %add3A_2397, %rem3A_2388 : i32
      %swap3A_2399 = arith.index_cast %select_n3A_2398 : i32 to index
      %swap3A_2400 = arith.constant 72 : index
      %swap3A_2401 = arith.constant 0 : index
      %swap3A_2402 = arith.constant 0 : index
      %swap3A_2403 = vector.load %arg5[%swap3A_2399, %swap3A_2400, %swap3A_2401, %swap3A_2402] : memref<2x79x128x128xf32, #tpu.memory_space<vmem>>, vector<1x1x128x128xf32>
      %swap3A_2404 = vector.shape_cast %swap3A_2403 : vector<1x1x128x128xf32> to vector<128x128xf32>
      %swap3A_2405 = vector.shape_cast %dot_general3A_2382 : vector<128x128xf32> to vector<1x1x128x128xf32>
      tpu.vector_store %arg5[%swap3A_2399, %swap3A_2400, %swap3A_2401, %swap3A_2402], %swap3A_2405 {strides = array<i32>} : memref<2x79x128x128xf32, #tpu.memory_space<vmem>>, vector<1x1x128x128xf32>,
      %gt3A_2406 = arith.cmpf ogt, %dot_general3A_2382, %select_n3A_2374 : vector<128x128xf32>
      %select_n3A_2407 = arith.select %gt3A_2406, %dot_general3A_2382, %select_n3A_2374 : vector<128x128xi1>, vector<128x128xf32>
      %jit3A_2408 = arith.constant 72 : i32
      %broadcast_in_dim3A_2409 = vector.broadcast %jit3A_2408 : i32 to vector<128x128xi32>
      %select_n3A_2410 = arith.select %gt3A_2406, %broadcast_in_dim3A_2409, %select_n3A_2377 : vector<128x128xi1>, vector<128x128xi32>
      %get3A_2411 = arith.constant 0 : index
      %get3A_2412 = arith.constant 9344 : index
      %get3A_2413 = vector.load %arg2[%get3A_2411, %get3A_2412] : memref<128x10112xf32, #tpu.memory_space<vmem>>, vector<128x128xf32>
      %dot_general3A_2414 = arith.constant dense<0.000000e+00> : vector<128x128xf32>
      %dot_general3A_2415 = tpu.matmul %get3A_7, %get3A_2413, %dot_general3A_2414 {dimension_numbers = #tpu.dot_dimension_numbers<[1], [0], [0], [1], [0, 0, 1, 1], [], []>, transpose_lhs_hint = false} : vector<128x128xf32>, vector<128x128xf32>, vector<128x128xf32> -> vector<128x128xf32>
      %jit3A_2416 = arith.constant 2 : i32
      %eq3A_2417 = arith.constant 0 : i32
      %eq3A_2418 = arith.cmpi eq, %jit3A_2416, %eq3A_2417 : i32
      %jit3A_2419 = arith.constant 1 : i32
      %select_n3A_2420 = arith.select %eq3A_2418, %jit3A_2419, %jit3A_2416 : i32
      %rem3A_2421 = arith.remsi %arg0, %select_n3A_2420 : i32
      %ne3A_2422 = arith.constant 0 : i32
      %ne3A_2423 = arith.cmpi ne, %rem3A_2421, %ne3A_2422 : i32
      %lt3A_2424 = arith.constant 0 : i32
      %lt3A_2425 = arith.cmpi slt, %rem3A_2421, %lt3A_2424 : i32
      %lt3A_2426 = arith.constant 0 : i32
      %lt3A_2427 = arith.cmpi slt, %select_n3A_2420, %lt3A_2426 : i32
      %ne3A_2428 = arith.xori %lt3A_2425, %lt3A_2427 : i1
      %and3A_2429 = arith.andi %ne3A_2428, %ne3A_2423 : i1
      %add3A_2430 = arith.addi %rem3A_2421, %select_n3A_2420 : i32
      %select_n3A_2431 = arith.select %and3A_2429, %add3A_2430, %rem3A_2421 : i32
      %swap3A_2432 = arith.index_cast %select_n3A_2431 : i32 to index
      %swap3A_2433 = arith.constant 73 : index
      %swap3A_2434 = arith.constant 0 : index
      %swap3A_2435 = arith.constant 0 : index
      %swap3A_2436 = vector.load %arg5[%swap3A_2432, %swap3A_2433, %swap3A_2434, %swap3A_2435] : memref<2x79x128x128xf32, #tpu.memory_space<vmem>>, vector<1x1x128x128xf32>
      %swap3A_2437 = vector.shape_cast %swap3A_2436 : vector<1x1x128x128xf32> to vector<128x128xf32>
      %swap3A_2438 = vector.shape_cast %dot_general3A_2415 : vector<128x128xf32> to vector<1x1x128x128xf32>
      tpu.vector_store %arg5[%swap3A_2432, %swap3A_2433, %swap3A_2434, %swap3A_2435], %swap3A_2438 {strides = array<i32>} : memref<2x79x128x128xf32, #tpu.memory_space<vmem>>, vector<1x1x128x128xf32>,
      %gt3A_2439 = arith.cmpf ogt, %dot_general3A_2415, %select_n3A_2407 : vector<128x128xf32>
      %select_n3A_2440 = arith.select %gt3A_2439, %dot_general3A_2415, %select_n3A_2407 : vector<128x128xi1>, vector<128x128xf32>
      %jit3A_2441 = arith.constant 73 : i32
      %broadcast_in_dim3A_2442 = vector.broadcast %jit3A_2441 : i32 to vector<128x128xi32>
      %select_n3A_2443 = arith.select %gt3A_2439, %broadcast_in_dim3A_2442, %select_n3A_2410 : vector<128x128xi1>, vector<128x128xi32>
      %get3A_2444 = arith.constant 0 : index
      %get3A_2445 = arith.constant 9472 : index
      %get3A_2446 = vector.load %arg2[%get3A_2444, %get3A_2445] : memref<128x10112xf32, #tpu.memory_space<vmem>>, vector<128x128xf32>
      %dot_general3A_2447 = arith.constant dense<0.000000e+00> : vector<128x128xf32>
      %dot_general3A_2448 = tpu.matmul %get3A_7, %get3A_2446, %dot_general3A_2447 {dimension_numbers = #tpu.dot_dimension_numbers<[1], [0], [0], [1], [0, 0, 1, 1], [], []>, transpose_lhs_hint = false} : vector<128x128xf32>, vector<128x128xf32>, vector<128x128xf32> -> vector<128x128xf32>
      %jit3A_2449 = arith.constant 2 : i32
      %eq3A_2450 = arith.constant 0 : i32
      %eq3A_2451 = arith.cmpi eq, %jit3A_2449, %eq3A_2450 : i32
      %jit3A_2452 = arith.constant 1 : i32
      %select_n3A_2453 = arith.select %eq3A_2451, %jit3A_2452, %jit3A_2449 : i32
      %rem3A_2454 = arith.remsi %arg0, %select_n3A_2453 : i32
      %ne3A_2455 = arith.constant 0 : i32
      %ne3A_2456 = arith.cmpi ne, %rem3A_2454, %ne3A_2455 : i32
      %lt3A_2457 = arith.constant 0 : i32
      %lt3A_2458 = arith.cmpi slt, %rem3A_2454, %lt3A_2457 : i32
      %lt3A_2459 = arith.constant 0 : i32
      %lt3A_2460 = arith.cmpi slt, %select_n3A_2453, %lt3A_2459 : i32
      %ne3A_2461 = arith.xori %lt3A_2458, %lt3A_2460 : i1
      %and3A_2462 = arith.andi %ne3A_2461, %ne3A_2456 : i1
      %add3A_2463 = arith.addi %rem3A_2454, %select_n3A_2453 : i32
      %select_n3A_2464 = arith.select %and3A_2462, %add3A_2463, %rem3A_2454 : i32
      %swap3A_2465 = arith.index_cast %select_n3A_2464 : i32 to index
      %swap3A_2466 = arith.constant 74 : index
      %swap3A_2467 = arith.constant 0 : index
      %swap3A_2468 = arith.constant 0 : index
      %swap3A_2469 = vector.load %arg5[%swap3A_2465, %swap3A_2466, %swap3A_2467, %swap3A_2468] : memref<2x79x128x128xf32, #tpu.memory_space<vmem>>, vector<1x1x128x128xf32>
      %swap3A_2470 = vector.shape_cast %swap3A_2469 : vector<1x1x128x128xf32> to vector<128x128xf32>
      %swap3A_2471 = vector.shape_cast %dot_general3A_2448 : vector<128x128xf32> to vector<1x1x128x128xf32>
      tpu.vector_store %arg5[%swap3A_2465, %swap3A_2466, %swap3A_2467, %swap3A_2468], %swap3A_2471 {strides = array<i32>} : memref<2x79x128x128xf32, #tpu.memory_space<vmem>>, vector<1x1x128x128xf32>,
      %gt3A_2472 = arith.cmpf ogt, %dot_general3A_2448, %select_n3A_2440 : vector<128x128xf32>
      %select_n3A_2473 = arith.select %gt3A_2472, %dot_general3A_2448, %select_n3A_2440 : vector<128x128xi1>, vector<128x128xf32>
      %jit3A_2474 = arith.constant 74 : i32
      %broadcast_in_dim3A_2475 = vector.broadcast %jit3A_2474 : i32 to vector<128x128xi32>
      %select_n3A_2476 = arith.select %gt3A_2472, %broadcast_in_dim3A_2475, %select_n3A_2443 : vector<128x128xi1>, vector<128x128xi32>
      %get3A_2477 = arith.constant 0 : index
      %get3A_2478 = arith.constant 9600 : index
      %get3A_2479 = vector.load %arg2[%get3A_2477, %get3A_2478] : memref<128x10112xf32, #tpu.memory_space<vmem>>, vector<128x128xf32>
      %dot_general3A_2480 = arith.constant dense<0.000000e+00> : vector<128x128xf32>
      %dot_general3A_2481 = tpu.matmul %get3A_7, %get3A_2479, %dot_general3A_2480 {dimension_numbers = #tpu.dot_dimension_numbers<[1], [0], [0], [1], [0, 0, 1, 1], [], []>, transpose_lhs_hint = false} : vector<128x128xf32>, vector<128x128xf32>, vector<128x128xf32> -> vector<128x128xf32>
      %jit3A_2482 = arith.constant 2 : i32
      %eq3A_2483 = arith.constant 0 : i32
      %eq3A_2484 = arith.cmpi eq, %jit3A_2482, %eq3A_2483 : i32
      %jit3A_2485 = arith.constant 1 : i32
      %select_n3A_2486 = arith.select %eq3A_2484, %jit3A_2485, %jit3A_2482 : i32
      %rem3A_2487 = arith.remsi %arg0, %select_n3A_2486 : i32
      %ne3A_2488 = arith.constant 0 : i32
      %ne3A_2489 = arith.cmpi ne, %rem3A_2487, %ne3A_2488 : i32
      %lt3A_2490 = arith.constant 0 : i32
      %lt3A_2491 = arith.cmpi slt, %rem3A_2487, %lt3A_2490 : i32
      %lt3A_2492 = arith.constant 0 : i32
      %lt3A_2493 = arith.cmpi slt, %select_n3A_2486, %lt3A_2492 : i32
      %ne3A_2494 = arith.xori %lt3A_2491, %lt3A_2493 : i1
      %and3A_2495 = arith.andi %ne3A_2494, %ne3A_2489 : i1
      %add3A_2496 = arith.addi %rem3A_2487, %select_n3A_2486 : i32
      %select_n3A_2497 = arith.select %and3A_2495, %add3A_2496, %rem3A_2487 : i32
      %swap3A_2498 = arith.index_cast %select_n3A_2497 : i32 to index
      %swap3A_2499 = arith.constant 75 : index
      %swap3A_2500 = arith.constant 0 : index
      %swap3A_2501 = arith.constant 0 : index
      %swap3A_2502 = vector.load %arg5[%swap3A_2498, %swap3A_2499, %swap3A_2500, %swap3A_2501] : memref<2x79x128x128xf32, #tpu.memory_space<vmem>>, vector<1x1x128x128xf32>
      %swap3A_2503 = vector.shape_cast %swap3A_2502 : vector<1x1x128x128xf32> to vector<128x128xf32>
      %swap3A_2504 = vector.shape_cast %dot_general3A_2481 : vector<128x128xf32> to vector<1x1x128x128xf32>
      tpu.vector_store %arg5[%swap3A_2498, %swap3A_2499, %swap3A_2500, %swap3A_2501], %swap3A_2504 {strides = array<i32>} : memref<2x79x128x128xf32, #tpu.memory_space<vmem>>, vector<1x1x128x128xf32>,
      %gt3A_2505 = arith.cmpf ogt, %dot_general3A_2481, %select_n3A_2473 : vector<128x128xf32>
      %select_n3A_2506 = arith.select %gt3A_2505, %dot_general3A_2481, %select_n3A_2473 : vector<128x128xi1>, vector<128x128xf32>
      %jit3A_2507 = arith.constant 75 : i32
      %broadcast_in_dim3A_2508 = vector.broadcast %jit3A_2507 : i32 to vector<128x128xi32>
      %select_n3A_2509 = arith.select %gt3A_2505, %broadcast_in_dim3A_2508, %select_n3A_2476 : vector<128x128xi1>, vector<128x128xi32>
      %get3A_2510 = arith.constant 0 : index
      %get3A_2511 = arith.constant 9728 : index
      %get3A_2512 = vector.load %arg2[%get3A_2510, %get3A_2511] : memref<128x10112xf32, #tpu.memory_space<vmem>>, vector<128x128xf32>
      %dot_general3A_2513 = arith.constant dense<0.000000e+00> : vector<128x128xf32>
      %dot_general3A_2514 = tpu.matmul %get3A_7, %get3A_2512, %dot_general3A_2513 {dimension_numbers = #tpu.dot_dimension_numbers<[1], [0], [0], [1], [0, 0, 1, 1], [], []>, transpose_lhs_hint = false} : vector<128x128xf32>, vector<128x128xf32>, vector<128x128xf32> -> vector<128x128xf32>
      %jit3A_2515 = arith.constant 2 : i32
      %eq3A_2516 = arith.constant 0 : i32
      %eq3A_2517 = arith.cmpi eq, %jit3A_2515, %eq3A_2516 : i32
      %jit3A_2518 = arith.constant 1 : i32
      %select_n3A_2519 = arith.select %eq3A_2517, %jit3A_2518, %jit3A_2515 : i32
      %rem3A_2520 = arith.remsi %arg0, %select_n3A_2519 : i32
      %ne3A_2521 = arith.constant 0 : i32
      %ne3A_2522 = arith.cmpi ne, %rem3A_2520, %ne3A_2521 : i32
      %lt3A_2523 = arith.constant 0 : i32
      %lt3A_2524 = arith.cmpi slt, %rem3A_2520, %lt3A_2523 : i32
      %lt3A_2525 = arith.constant 0 : i32
      %lt3A_2526 = arith.cmpi slt, %select_n3A_2519, %lt3A_2525 : i32
      %ne3A_2527 = arith.xori %lt3A_2524, %lt3A_2526 : i1
      %and3A_2528 = arith.andi %ne3A_2527, %ne3A_2522 : i1
      %add3A_2529 = arith.addi %rem3A_2520, %select_n3A_2519 : i32
      %select_n3A_2530 = arith.select %and3A_2528, %add3A_2529, %rem3A_2520 : i32
      %swap3A_2531 = arith.index_cast %select_n3A_2530 : i32 to index
      %swap3A_2532 = arith.constant 76 : index
      %swap3A_2533 = arith.constant 0 : index
      %swap3A_2534 = arith.constant 0 : index
      %swap3A_2535 = vector.load %arg5[%swap3A_2531, %swap3A_2532, %swap3A_2533, %swap3A_2534] : memref<2x79x128x128xf32, #tpu.memory_space<vmem>>, vector<1x1x128x128xf32>
      %swap3A_2536 = vector.shape_cast %swap3A_2535 : vector<1x1x128x128xf32> to vector<128x128xf32>
      %swap3A_2537 = vector.shape_cast %dot_general3A_2514 : vector<128x128xf32> to vector<1x1x128x128xf32>
      tpu.vector_store %arg5[%swap3A_2531, %swap3A_2532, %swap3A_2533, %swap3A_2534], %swap3A_2537 {strides = array<i32>} : memref<2x79x128x128xf32, #tpu.memory_space<vmem>>, vector<1x1x128x128xf32>,
      %gt3A_2538 = arith.cmpf ogt, %dot_general3A_2514, %select_n3A_2506 : vector<128x128xf32>
      %select_n3A_2539 = arith.select %gt3A_2538, %dot_general3A_2514, %select_n3A_2506 : vector<128x128xi1>, vector<128x128xf32>
      %jit3A_2540 = arith.constant 76 : i32
      %broadcast_in_dim3A_2541 = vector.broadcast %jit3A_2540 : i32 to vector<128x128xi32>
      %select_n3A_2542 = arith.select %gt3A_2538, %broadcast_in_dim3A_2541, %select_n3A_2509 : vector<128x128xi1>, vector<128x128xi32>
      %get3A_2543 = arith.constant 0 : index
      %get3A_2544 = arith.constant 9856 : index
      %get3A_2545 = vector.load %arg2[%get3A_2543, %get3A_2544] : memref<128x10112xf32, #tpu.memory_space<vmem>>, vector<128x128xf32>
      %dot_general3A_2546 = arith.constant dense<0.000000e+00> : vector<128x128xf32>
      %dot_general3A_2547 = tpu.matmul %get3A_7, %get3A_2545, %dot_general3A_2546 {dimension_numbers = #tpu.dot_dimension_numbers<[1], [0], [0], [1], [0, 0, 1, 1], [], []>, transpose_lhs_hint = false} : vector<128x128xf32>, vector<128x128xf32>, vector<128x128xf32> -> vector<128x128xf32>
      %jit3A_2548 = arith.constant 2 : i32
      %eq3A_2549 = arith.constant 0 : i32
      %eq3A_2550 = arith.cmpi eq, %jit3A_2548, %eq3A_2549 : i32
      %jit3A_2551 = arith.constant 1 : i32
      %select_n3A_2552 = arith.select %eq3A_2550, %jit3A_2551, %jit3A_2548 : i32
      %rem3A_2553 = arith.remsi %arg0, %select_n3A_2552 : i32
      %ne3A_2554 = arith.constant 0 : i32
      %ne3A_2555 = arith.cmpi ne, %rem3A_2553, %ne3A_2554 : i32
      %lt3A_2556 = arith.constant 0 : i32
      %lt3A_2557 = arith.cmpi slt, %rem3A_2553, %lt3A_2556 : i32
      %lt3A_2558 = arith.constant 0 : i32
      %lt3A_2559 = arith.cmpi slt, %select_n3A_2552, %lt3A_2558 : i32
      %ne3A_2560 = arith.xori %lt3A_2557, %lt3A_2559 : i1
      %and3A_2561 = arith.andi %ne3A_2560, %ne3A_2555 : i1
      %add3A_2562 = arith.addi %rem3A_2553, %select_n3A_2552 : i32
      %select_n3A_2563 = arith.select %and3A_2561, %add3A_2562, %rem3A_2553 : i32
      %swap3A_2564 = arith.index_cast %select_n3A_2563 : i32 to index
      %swap3A_2565 = arith.constant 77 : index
      %swap3A_2566 = arith.constant 0 : index
      %swap3A_2567 = arith.constant 0 : index
      %swap3A_2568 = vector.load %arg5[%swap3A_2564, %swap3A_2565, %swap3A_2566, %swap3A_2567] : memref<2x79x128x128xf32, #tpu.memory_space<vmem>>, vector<1x1x128x128xf32>
      %swap3A_2569 = vector.shape_cast %swap3A_2568 : vector<1x1x128x128xf32> to vector<128x128xf32>
      %swap3A_2570 = vector.shape_cast %dot_general3A_2547 : vector<128x128xf32> to vector<1x1x128x128xf32>
      tpu.vector_store %arg5[%swap3A_2564, %swap3A_2565, %swap3A_2566, %swap3A_2567], %swap3A_2570 {strides = array<i32>} : memref<2x79x128x128xf32, #tpu.memory_space<vmem>>, vector<1x1x128x128xf32>,
      %gt3A_2571 = arith.cmpf ogt, %dot_general3A_2547, %select_n3A_2539 : vector<128x128xf32>
      %select_n3A_2572 = arith.select %gt3A_2571, %dot_general3A_2547, %select_n3A_2539 : vector<128x128xi1>, vector<128x128xf32>
      %jit3A_2573 = arith.constant 77 : i32
      %broadcast_in_dim3A_2574 = vector.broadcast %jit3A_2573 : i32 to vector<128x128xi32>
      %select_n3A_2575 = arith.select %gt3A_2571, %broadcast_in_dim3A_2574, %select_n3A_2542 : vector<128x128xi1>, vector<128x128xi32>
      %get3A_2576 = arith.constant 0 : index
      %get3A_2577 = arith.constant 9984 : index
      %get3A_2578 = vector.load %arg2[%get3A_2576, %get3A_2577] : memref<128x10112xf32, #tpu.memory_space<vmem>>, vector<128x128xf32>
      %dot_general3A_2579 = arith.constant dense<0.000000e+00> : vector<128x128xf32>
      %dot_general3A_2580 = tpu.matmul %get3A_7, %get3A_2578, %dot_general3A_2579 {dimension_numbers = #tpu.dot_dimension_numbers<[1], [0], [0], [1], [0, 0, 1, 1], [], []>, transpose_lhs_hint = false} : vector<128x128xf32>, vector<128x128xf32>, vector<128x128xf32> -> vector<128x128xf32>
      %ge3A = arith.constant 16 : i32
      %ge3A_2581 = vector.broadcast %ge3A : i32 to vector<128x128xi32>
      %ge3A_2582 = arith.cmpi sge, %iota3A, %ge3A_2581 : vector<128x128xi32>
      %jit3A_2583 = arith.constant -3.000000e+38 : f32
      %broadcast_in_dim3A_2584 = vector.broadcast %jit3A_2583 : f32 to vector<128x128xf32>
      %select_n3A_2585 = arith.select %ge3A_2582, %broadcast_in_dim3A_2584, %dot_general3A_2580 : vector<128x128xi1>, vector<128x128xf32>
      %jit3A_2586 = arith.constant 2 : i32
      %eq3A_2587 = arith.constant 0 : i32
      %eq3A_2588 = arith.cmpi eq, %jit3A_2586, %eq3A_2587 : i32
      %jit3A_2589 = arith.constant 1 : i32
      %select_n3A_2590 = arith.select %eq3A_2588, %jit3A_2589, %jit3A_2586 : i32
      %rem3A_2591 = arith.remsi %arg0, %select_n3A_2590 : i32
      %ne3A_2592 = arith.constant 0 : i32
      %ne3A_2593 = arith.cmpi ne, %rem3A_2591, %ne3A_2592 : i32
      %lt3A_2594 = arith.constant 0 : i32
      %lt3A_2595 = arith.cmpi slt, %rem3A_2591, %lt3A_2594 : i32
      %lt3A_2596 = arith.constant 0 : i32
      %lt3A_2597 = arith.cmpi slt, %select_n3A_2590, %lt3A_2596 : i32
      %ne3A_2598 = arith.xori %lt3A_2595, %lt3A_2597 : i1
      %and3A_2599 = arith.andi %ne3A_2598, %ne3A_2593 : i1
      %add3A_2600 = arith.addi %rem3A_2591, %select_n3A_2590 : i32
      %select_n3A_2601 = arith.select %and3A_2599, %add3A_2600, %rem3A_2591 : i32
      %swap3A_2602 = arith.index_cast %select_n3A_2601 : i32 to index
      %swap3A_2603 = arith.constant 78 : index
      %swap3A_2604 = arith.constant 0 : index
      %swap3A_2605 = arith.constant 0 : index
      %swap3A_2606 = vector.load %arg5[%swap3A_2602, %swap3A_2603, %swap3A_2604, %swap3A_2605] : memref<2x79x128x128xf32, #tpu.memory_space<vmem>>, vector<1x1x128x128xf32>
      %swap3A_2607 = vector.shape_cast %swap3A_2606 : vector<1x1x128x128xf32> to vector<128x128xf32>
      %swap3A_2608 = vector.shape_cast %select_n3A_2585 : vector<128x128xf32> to vector<1x1x128x128xf32>
      tpu.vector_store %arg5[%swap3A_2602, %swap3A_2603, %swap3A_2604, %swap3A_2605], %swap3A_2608 {strides = array<i32>} : memref<2x79x128x128xf32, #tpu.memory_space<vmem>>, vector<1x1x128x128xf32>,
      %gt3A_2609 = arith.cmpf ogt, %select_n3A_2585, %select_n3A_2572 : vector<128x128xf32>
      %select_n3A_2610 = arith.select %gt3A_2609, %select_n3A_2585, %select_n3A_2572 : vector<128x128xi1>, vector<128x128xf32>
      %jit3A_2611 = arith.constant 78 : i32
      %broadcast_in_dim3A_2612 = vector.broadcast %jit3A_2611 : i32 to vector<128x128xi32>
      %select_n3A_2613 = arith.select %gt3A_2609, %broadcast_in_dim3A_2612, %select_n3A_2575 : vector<128x128xi1>, vector<128x128xi32>
      %jit3A_2614 = arith.constant 2 : i32
      %eq3A_2615 = arith.constant 0 : i32
      %eq3A_2616 = arith.cmpi eq, %jit3A_2614, %eq3A_2615 : i32
      %jit3A_2617 = arith.constant 1 : i32
      %select_n3A_2618 = arith.select %eq3A_2616, %jit3A_2617, %jit3A_2614 : i32
      %rem3A_2619 = arith.remsi %arg0, %select_n3A_2618 : i32
      %ne3A_2620 = arith.constant 0 : i32
      %ne3A_2621 = arith.cmpi ne, %rem3A_2619, %ne3A_2620 : i32
      %lt3A_2622 = arith.constant 0 : i32
      %lt3A_2623 = arith.cmpi slt, %rem3A_2619, %lt3A_2622 : i32
      %lt3A_2624 = arith.constant 0 : i32
      %lt3A_2625 = arith.cmpi slt, %select_n3A_2618, %lt3A_2624 : i32
      %ne3A_2626 = arith.xori %lt3A_2623, %lt3A_2625 : i1
      %and3A_2627 = arith.andi %ne3A_2626, %ne3A_2621 : i1
      %add3A_2628 = arith.addi %rem3A_2619, %select_n3A_2618 : i32
      %select_n3A_2629 = arith.select %and3A_2627, %add3A_2628, %rem3A_2619 : i32
      %swap3A_2630 = arith.index_cast %select_n3A_2629 : i32 to index
      %swap3A_2631 = arith.constant 0 : index
      %swap3A_2632 = arith.constant 0 : index
      %swap3A_2633 = vector.load %arg8[%swap3A_2630, %swap3A_2631, %swap3A_2632] : memref<2x128x128xf32, #tpu.memory_space<vmem>>, vector<1x128x128xf32>
      %swap3A_2634 = vector.shape_cast %swap3A_2633 : vector<1x128x128xf32> to vector<128x128xf32>
      %swap3A_2635 = vector.shape_cast %select_n3A_2610 : vector<128x128xf32> to vector<1x128x128xf32>
      tpu.vector_store %arg8[%swap3A_2630, %swap3A_2631, %swap3A_2632], %swap3A_2635 {strides = array<i32>} : memref<2x128x128xf32, #tpu.memory_space<vmem>>, vector<1x128x128xf32>,
      %jit3A_2636 = arith.constant 2 : i32
      %eq3A_2637 = arith.constant 0 : i32
      %eq3A_2638 = arith.cmpi eq, %jit3A_2636, %eq3A_2637 : i32
      %jit3A_2639 = arith.constant 1 : i32
      %select_n3A_2640 = arith.select %eq3A_2638, %jit3A_2639, %jit3A_2636 : i32
      %rem3A_2641 = arith.remsi %arg0, %select_n3A_2640 : i32
      %ne3A_2642 = arith.constant 0 : i32
      %ne3A_2643 = arith.cmpi ne, %rem3A_2641, %ne3A_2642 : i32
      %lt3A_2644 = arith.constant 0 : i32
      %lt3A_2645 = arith.cmpi slt, %rem3A_2641, %lt3A_2644 : i32
      %lt3A_2646 = arith.constant 0 : i32
      %lt3A_2647 = arith.cmpi slt, %select_n3A_2640, %lt3A_2646 : i32
      %ne3A_2648 = arith.xori %lt3A_2645, %lt3A_2647 : i1
      %and3A_2649 = arith.andi %ne3A_2648, %ne3A_2643 : i1
      %add3A_2650 = arith.addi %rem3A_2641, %select_n3A_2640 : i32
      %select_n3A_2651 = arith.select %and3A_2649, %add3A_2650, %rem3A_2641 : i32
      %swap3A_2652 = arith.index_cast %select_n3A_2651 : i32 to index
      %swap3A_2653 = arith.constant 0 : index
      %swap3A_2654 = arith.constant 0 : index
      %swap3A_2655 = vector.load %arg9[%swap3A_2652, %swap3A_2653, %swap3A_2654] : memref<2x128x128xi32, #tpu.memory_space<vmem>>, vector<1x128x128xi32>
      %swap3A_2656 = vector.shape_cast %swap3A_2655 : vector<1x128x128xi32> to vector<128x128xi32>
      %swap3A_2657 = vector.shape_cast %select_n3A_2613 : vector<128x128xi32> to vector<1x128x128xi32>
      tpu.vector_store %arg9[%swap3A_2652, %swap3A_2653, %swap3A_2654], %swap3A_2657 {strides = array<i32>} : memref<2x128x128xi32, #tpu.memory_space<vmem>>, vector<1x128x128xi32>,
    } else {
    }
    %gt3A = arith.constant 0 : i32
    %gt3A_2 = arith.cmpi sgt, %arg0, %gt3A : i32
    %convert_element_type3A_3 = arith.extui %gt3A_2 : i1 to i32
    %cond3A_4 = arith.constant 0 : i32
    %cond3A_5 = arith.cmpi ne, %convert_element_type3A_3, %cond3A_4 : i32
    scf.if %cond3A_5 {
      %sub3A = arith.constant 1 : i32
      %sub3A_6 = arith.subi %arg0, %sub3A : i32
      %jit3A = arith.constant 2 : i32
      %eq3A = arith.constant 0 : i32
      %eq3A_7 = arith.cmpi eq, %jit3A, %eq3A : i32
      %jit3A_8 = arith.constant 1 : i32
      %select_n3A = arith.select %eq3A_7, %jit3A_8, %jit3A : i32
      %rem3A = arith.remsi %sub3A_6, %select_n3A : i32
      %ne3A = arith.constant 0 : i32
      %ne3A_9 = arith.cmpi ne, %rem3A, %ne3A : i32
      %lt3A_10 = arith.constant 0 : i32
      %lt3A_11 = arith.cmpi slt, %rem3A, %lt3A_10 : i32
      %lt3A_12 = arith.constant 0 : i32
      %lt3A_13 = arith.cmpi slt, %select_n3A, %lt3A_12 : i32
      %ne3A_14 = arith.xori %lt3A_11, %lt3A_13 : i1
      %and3A = arith.andi %ne3A_14, %ne3A_9 : i1
      %add3A = arith.addi %rem3A, %select_n3A : i32
      %select_n3A_15 = arith.select %and3A, %add3A, %rem3A : i32
      %get3A = arith.index_cast %select_n3A_15 : i32 to index
      %get3A_16 = arith.constant 0 : index
      %get3A_17 = arith.constant 0 : index
      %get3A_18 = vector.load %arg8[%get3A, %get3A_16, %get3A_17] : memref<2x128x128xf32, #tpu.memory_space<vmem>>, vector<1x128x128xf32>
      %get3A_19 = vector.shape_cast %get3A_18 : vector<1x128x128xf32> to vector<128x128xf32>
      %swap3A = arith.constant 0 : index
      %swap3A_20 = arith.constant 0 : index
      %swap3A_21 = arith.constant 0 : index
      %swap3A_22 = vector.load %arg6[%swap3A, %swap3A_20, %swap3A_21] : memref<6x128x128xf32, #tpu.memory_space<vmem>>, vector<1x128x128xf32>
      %swap3A_23 = vector.shape_cast %swap3A_22 : vector<1x128x128xf32> to vector<128x128xf32>
      %swap3A_24 = vector.shape_cast %get3A_19 : vector<128x128xf32> to vector<1x128x128xf32>
      tpu.vector_store %arg6[%swap3A, %swap3A_20, %swap3A_21], %swap3A_24 {strides = array<i32>} : memref<6x128x128xf32, #tpu.memory_space<vmem>>, vector<1x128x128xf32>,
      %get3A_25 = arith.index_cast %select_n3A_15 : i32 to index
      %get3A_26 = arith.constant 0 : index
      %get3A_27 = arith.constant 0 : index
      %get3A_28 = vector.load %arg9[%get3A_25, %get3A_26, %get3A_27] : memref<2x128x128xi32, #tpu.memory_space<vmem>>, vector<1x128x128xi32>
      %get3A_29 = vector.shape_cast %get3A_28 : vector<1x128x128xi32> to vector<128x128xi32>
      %mul3A = arith.constant 128 : i32
      %mul3A_30 = vector.broadcast %mul3A : i32 to vector<128x128xi32>
      %mul3A_31 = arith.muli %get3A_29, %mul3A_30 : vector<128x128xi32>
      %add3A_32 = arith.addi %mul3A_31, %iota3A : vector<128x128xi32>
      %swap3A_33 = arith.constant 0 : index
      %swap3A_34 = arith.constant 0 : index
      %swap3A_35 = arith.constant 0 : index
      %swap3A_36 = vector.load %arg7[%swap3A_33, %swap3A_34, %swap3A_35] : memref<6x128x128xi32, #tpu.memory_space<vmem>>, vector<1x128x128xi32>
      %swap3A_37 = vector.shape_cast %swap3A_36 : vector<1x128x128xi32> to vector<128x128xi32>
      %swap3A_38 = vector.shape_cast %add3A_32 : vector<128x128xi32> to vector<1x128x128xi32>
      tpu.vector_store %arg7[%swap3A_33, %swap3A_34, %swap3A_35], %swap3A_38 {strides = array<i32>} : memref<6x128x128xi32, #tpu.memory_space<vmem>>, vector<1x128x128xi32>,
      %scan3A = arith.constant 1 : i32
      %scan3A_39 = arith.constant 5 : i32
      %scan3A_40 = arith.addi %scan3A, %scan3A_39 : i32
      %scan3A_41 = arith.constant 1 : i32
      %scan3A_42 = scf.for %scan3A_75 = %scan3A to %scan3A_40 step %scan3A_41 iter_args(%scan3A_76 = %get3A_19) -> (vector<128x128xf32>)  : i32 {
        %broadcast_in_dim3A_77 = arith.constant -3.000000e+38 : f32
        %broadcast_in_dim3A_78 = vector.broadcast %broadcast_in_dim3A_77 : f32 to vector<128x128xf32>
        %broadcast_in_dim3A_79 = arith.constant 0 : i32
        %broadcast_in_dim3A_80 = vector.broadcast %broadcast_in_dim3A_79 : i32 to vector<128x128xi32>
        %get3A_81 = arith.index_cast %select_n3A_15 : i32 to index
        %get3A_82 = arith.constant 0 : index
        %get3A_83 = arith.constant 0 : index
        %get3A_84 = arith.constant 0 : index
        %get3A_85 = vector.load %arg5[%get3A_81, %get3A_82, %get3A_83, %get3A_84] : memref<2x79x128x128xf32, #tpu.memory_space<vmem>>, vector<1x1x128x128xf32>
        %get3A_86 = vector.shape_cast %get3A_85 : vector<1x1x128x128xf32> to vector<128x128xf32>
        %lt3A_87 = arith.cmpf olt, %get3A_86, %scan3A_76 : vector<128x128xf32>
        %jit3A_88 = arith.constant -3.000000e+38 : f32
        %broadcast_in_dim3A_89 = vector.broadcast %jit3A_88 : f32 to vector<128x128xf32>
        %select_n3A_90 = arith.select %lt3A_87, %get3A_86, %broadcast_in_dim3A_89 : vector<128x128xi1>, vector<128x128xf32>
        %gt3A_91 = arith.cmpf ogt, %select_n3A_90, %broadcast_in_dim3A_78 : vector<128x128xf32>
        %select_n3A_92 = arith.select %gt3A_91, %select_n3A_90, %broadcast_in_dim3A_78 : vector<128x128xi1>, vector<128x128xf32>
        %jit3A_93 = arith.constant 0 : i32
        %broadcast_in_dim3A_94 = vector.broadcast %jit3A_93 : i32 to vector<128x128xi32>
        %select_n3A_95 = arith.select %gt3A_91, %broadcast_in_dim3A_94, %broadcast_in_dim3A_80 : vector<128x128xi1>, vector<128x128xi32>
        %get3A_96 = arith.index_cast %select_n3A_15 : i32 to index
        %get3A_97 = arith.constant 1 : index
        %get3A_98 = arith.constant 0 : index
        %get3A_99 = arith.constant 0 : index
        %get3A_100 = vector.load %arg5[%get3A_96, %get3A_97, %get3A_98, %get3A_99] : memref<2x79x128x128xf32, #tpu.memory_space<vmem>>, vector<1x1x128x128xf32>
        %get3A_101 = vector.shape_cast %get3A_100 : vector<1x1x128x128xf32> to vector<128x128xf32>
        %lt3A_102 = arith.cmpf olt, %get3A_101, %scan3A_76 : vector<128x128xf32>
        %jit3A_103 = arith.constant -3.000000e+38 : f32
        %broadcast_in_dim3A_104 = vector.broadcast %jit3A_103 : f32 to vector<128x128xf32>
        %select_n3A_105 = arith.select %lt3A_102, %get3A_101, %broadcast_in_dim3A_104 : vector<128x128xi1>, vector<128x128xf32>
        %gt3A_106 = arith.cmpf ogt, %select_n3A_105, %select_n3A_92 : vector<128x128xf32>
        %select_n3A_107 = arith.select %gt3A_106, %select_n3A_105, %select_n3A_92 : vector<128x128xi1>, vector<128x128xf32>
        %jit3A_108 = arith.constant 1 : i32
        %broadcast_in_dim3A_109 = vector.broadcast %jit3A_108 : i32 to vector<128x128xi32>
        %select_n3A_110 = arith.select %gt3A_106, %broadcast_in_dim3A_109, %select_n3A_95 : vector<128x128xi1>, vector<128x128xi32>
        %get3A_111 = arith.index_cast %select_n3A_15 : i32 to index
        %get3A_112 = arith.constant 2 : index
        %get3A_113 = arith.constant 0 : index
        %get3A_114 = arith.constant 0 : index
        %get3A_115 = vector.load %arg5[%get3A_111, %get3A_112, %get3A_113, %get3A_114] : memref<2x79x128x128xf32, #tpu.memory_space<vmem>>, vector<1x1x128x128xf32>
        %get3A_116 = vector.shape_cast %get3A_115 : vector<1x1x128x128xf32> to vector<128x128xf32>
        %lt3A_117 = arith.cmpf olt, %get3A_116, %scan3A_76 : vector<128x128xf32>
        %jit3A_118 = arith.constant -3.000000e+38 : f32
        %broadcast_in_dim3A_119 = vector.broadcast %jit3A_118 : f32 to vector<128x128xf32>
        %select_n3A_120 = arith.select %lt3A_117, %get3A_116, %broadcast_in_dim3A_119 : vector<128x128xi1>, vector<128x128xf32>
        %gt3A_121 = arith.cmpf ogt, %select_n3A_120, %select_n3A_107 : vector<128x128xf32>
        %select_n3A_122 = arith.select %gt3A_121, %select_n3A_120, %select_n3A_107 : vector<128x128xi1>, vector<128x128xf32>
        %jit3A_123 = arith.constant 2 : i32
        %broadcast_in_dim3A_124 = vector.broadcast %jit3A_123 : i32 to vector<128x128xi32>
        %select_n3A_125 = arith.select %gt3A_121, %broadcast_in_dim3A_124, %select_n3A_110 : vector<128x128xi1>, vector<128x128xi32>
        %get3A_126 = arith.index_cast %select_n3A_15 : i32 to index
        %get3A_127 = arith.constant 3 : index
        %get3A_128 = arith.constant 0 : index
        %get3A_129 = arith.constant 0 : index
        %get3A_130 = vector.load %arg5[%get3A_126, %get3A_127, %get3A_128, %get3A_129] : memref<2x79x128x128xf32, #tpu.memory_space<vmem>>, vector<1x1x128x128xf32>
        %get3A_131 = vector.shape_cast %get3A_130 : vector<1x1x128x128xf32> to vector<128x128xf32>
        %lt3A_132 = arith.cmpf olt, %get3A_131, %scan3A_76 : vector<128x128xf32>
        %jit3A_133 = arith.constant -3.000000e+38 : f32
        %broadcast_in_dim3A_134 = vector.broadcast %jit3A_133 : f32 to vector<128x128xf32>
        %select_n3A_135 = arith.select %lt3A_132, %get3A_131, %broadcast_in_dim3A_134 : vector<128x128xi1>, vector<128x128xf32>
        %gt3A_136 = arith.cmpf ogt, %select_n3A_135, %select_n3A_122 : vector<128x128xf32>
        %select_n3A_137 = arith.select %gt3A_136, %select_n3A_135, %select_n3A_122 : vector<128x128xi1>, vector<128x128xf32>
        %jit3A_138 = arith.constant 3 : i32
        %broadcast_in_dim3A_139 = vector.broadcast %jit3A_138 : i32 to vector<128x128xi32>
        %select_n3A_140 = arith.select %gt3A_136, %broadcast_in_dim3A_139, %select_n3A_125 : vector<128x128xi1>, vector<128x128xi32>
        %get3A_141 = arith.index_cast %select_n3A_15 : i32 to index
        %get3A_142 = arith.constant 4 : index
        %get3A_143 = arith.constant 0 : index
        %get3A_144 = arith.constant 0 : index
        %get3A_145 = vector.load %arg5[%get3A_141, %get3A_142, %get3A_143, %get3A_144] : memref<2x79x128x128xf32, #tpu.memory_space<vmem>>, vector<1x1x128x128xf32>
        %get3A_146 = vector.shape_cast %get3A_145 : vector<1x1x128x128xf32> to vector<128x128xf32>
        %lt3A_147 = arith.cmpf olt, %get3A_146, %scan3A_76 : vector<128x128xf32>
        %jit3A_148 = arith.constant -3.000000e+38 : f32
        %broadcast_in_dim3A_149 = vector.broadcast %jit3A_148 : f32 to vector<128x128xf32>
        %select_n3A_150 = arith.select %lt3A_147, %get3A_146, %broadcast_in_dim3A_149 : vector<128x128xi1>, vector<128x128xf32>
        %gt3A_151 = arith.cmpf ogt, %select_n3A_150, %select_n3A_137 : vector<128x128xf32>
        %select_n3A_152 = arith.select %gt3A_151, %select_n3A_150, %select_n3A_137 : vector<128x128xi1>, vector<128x128xf32>
        %jit3A_153 = arith.constant 4 : i32
        %broadcast_in_dim3A_154 = vector.broadcast %jit3A_153 : i32 to vector<128x128xi32>
        %select_n3A_155 = arith.select %gt3A_151, %broadcast_in_dim3A_154, %select_n3A_140 : vector<128x128xi1>, vector<128x128xi32>
        %get3A_156 = arith.index_cast %select_n3A_15 : i32 to index
        %get3A_157 = arith.constant 5 : index
        %get3A_158 = arith.constant 0 : index
        %get3A_159 = arith.constant 0 : index
        %get3A_160 = vector.load %arg5[%get3A_156, %get3A_157, %get3A_158, %get3A_159] : memref<2x79x128x128xf32, #tpu.memory_space<vmem>>, vector<1x1x128x128xf32>
        %get3A_161 = vector.shape_cast %get3A_160 : vector<1x1x128x128xf32> to vector<128x128xf32>
        %lt3A_162 = arith.cmpf olt, %get3A_161, %scan3A_76 : vector<128x128xf32>
        %jit3A_163 = arith.constant -3.000000e+38 : f32
        %broadcast_in_dim3A_164 = vector.broadcast %jit3A_163 : f32 to vector<128x128xf32>
        %select_n3A_165 = arith.select %lt3A_162, %get3A_161, %broadcast_in_dim3A_164 : vector<128x128xi1>, vector<128x128xf32>
        %gt3A_166 = arith.cmpf ogt, %select_n3A_165, %select_n3A_152 : vector<128x128xf32>
        %select_n3A_167 = arith.select %gt3A_166, %select_n3A_165, %select_n3A_152 : vector<128x128xi1>, vector<128x128xf32>
        %jit3A_168 = arith.constant 5 : i32
        %broadcast_in_dim3A_169 = vector.broadcast %jit3A_168 : i32 to vector<128x128xi32>
        %select_n3A_170 = arith.select %gt3A_166, %broadcast_in_dim3A_169, %select_n3A_155 : vector<128x128xi1>, vector<128x128xi32>
        %get3A_171 = arith.index_cast %select_n3A_15 : i32 to index
        %get3A_172 = arith.constant 6 : index
        %get3A_173 = arith.constant 0 : index
        %get3A_174 = arith.constant 0 : index
        %get3A_175 = vector.load %arg5[%get3A_171, %get3A_172, %get3A_173, %get3A_174] : memref<2x79x128x128xf32, #tpu.memory_space<vmem>>, vector<1x1x128x128xf32>
        %get3A_176 = vector.shape_cast %get3A_175 : vector<1x1x128x128xf32> to vector<128x128xf32>
        %lt3A_177 = arith.cmpf olt, %get3A_176, %scan3A_76 : vector<128x128xf32>
        %jit3A_178 = arith.constant -3.000000e+38 : f32
        %broadcast_in_dim3A_179 = vector.broadcast %jit3A_178 : f32 to vector<128x128xf32>
        %select_n3A_180 = arith.select %lt3A_177, %get3A_176, %broadcast_in_dim3A_179 : vector<128x128xi1>, vector<128x128xf32>
        %gt3A_181 = arith.cmpf ogt, %select_n3A_180, %select_n3A_167 : vector<128x128xf32>
        %select_n3A_182 = arith.select %gt3A_181, %select_n3A_180, %select_n3A_167 : vector<128x128xi1>, vector<128x128xf32>
        %jit3A_183 = arith.constant 6 : i32
        %broadcast_in_dim3A_184 = vector.broadcast %jit3A_183 : i32 to vector<128x128xi32>
        %select_n3A_185 = arith.select %gt3A_181, %broadcast_in_dim3A_184, %select_n3A_170 : vector<128x128xi1>, vector<128x128xi32>
        %get3A_186 = arith.index_cast %select_n3A_15 : i32 to index
        %get3A_187 = arith.constant 7 : index
        %get3A_188 = arith.constant 0 : index
        %get3A_189 = arith.constant 0 : index
        %get3A_190 = vector.load %arg5[%get3A_186, %get3A_187, %get3A_188, %get3A_189] : memref<2x79x128x128xf32, #tpu.memory_space<vmem>>, vector<1x1x128x128xf32>
        %get3A_191 = vector.shape_cast %get3A_190 : vector<1x1x128x128xf32> to vector<128x128xf32>
        %lt3A_192 = arith.cmpf olt, %get3A_191, %scan3A_76 : vector<128x128xf32>
        %jit3A_193 = arith.constant -3.000000e+38 : f32
        %broadcast_in_dim3A_194 = vector.broadcast %jit3A_193 : f32 to vector<128x128xf32>
        %select_n3A_195 = arith.select %lt3A_192, %get3A_191, %broadcast_in_dim3A_194 : vector<128x128xi1>, vector<128x128xf32>
        %gt3A_196 = arith.cmpf ogt, %select_n3A_195, %select_n3A_182 : vector<128x128xf32>
        %select_n3A_197 = arith.select %gt3A_196, %select_n3A_195, %select_n3A_182 : vector<128x128xi1>, vector<128x128xf32>
        %jit3A_198 = arith.constant 7 : i32
        %broadcast_in_dim3A_199 = vector.broadcast %jit3A_198 : i32 to vector<128x128xi32>
        %select_n3A_200 = arith.select %gt3A_196, %broadcast_in_dim3A_199, %select_n3A_185 : vector<128x128xi1>, vector<128x128xi32>
        %get3A_201 = arith.index_cast %select_n3A_15 : i32 to index
        %get3A_202 = arith.constant 8 : index
        %get3A_203 = arith.constant 0 : index
        %get3A_204 = arith.constant 0 : index
        %get3A_205 = vector.load %arg5[%get3A_201, %get3A_202, %get3A_203, %get3A_204] : memref<2x79x128x128xf32, #tpu.memory_space<vmem>>, vector<1x1x128x128xf32>
        %get3A_206 = vector.shape_cast %get3A_205 : vector<1x1x128x128xf32> to vector<128x128xf32>
        %lt3A_207 = arith.cmpf olt, %get3A_206, %scan3A_76 : vector<128x128xf32>
        %jit3A_208 = arith.constant -3.000000e+38 : f32
        %broadcast_in_dim3A_209 = vector.broadcast %jit3A_208 : f32 to vector<128x128xf32>
        %select_n3A_210 = arith.select %lt3A_207, %get3A_206, %broadcast_in_dim3A_209 : vector<128x128xi1>, vector<128x128xf32>
        %gt3A_211 = arith.cmpf ogt, %select_n3A_210, %select_n3A_197 : vector<128x128xf32>
        %select_n3A_212 = arith.select %gt3A_211, %select_n3A_210, %select_n3A_197 : vector<128x128xi1>, vector<128x128xf32>
        %jit3A_213 = arith.constant 8 : i32
        %broadcast_in_dim3A_214 = vector.broadcast %jit3A_213 : i32 to vector<128x128xi32>
        %select_n3A_215 = arith.select %gt3A_211, %broadcast_in_dim3A_214, %select_n3A_200 : vector<128x128xi1>, vector<128x128xi32>
        %get3A_216 = arith.index_cast %select_n3A_15 : i32 to index
        %get3A_217 = arith.constant 9 : index
        %get3A_218 = arith.constant 0 : index
        %get3A_219 = arith.constant 0 : index
        %get3A_220 = vector.load %arg5[%get3A_216, %get3A_217, %get3A_218, %get3A_219] : memref<2x79x128x128xf32, #tpu.memory_space<vmem>>, vector<1x1x128x128xf32>
        %get3A_221 = vector.shape_cast %get3A_220 : vector<1x1x128x128xf32> to vector<128x128xf32>
        %lt3A_222 = arith.cmpf olt, %get3A_221, %scan3A_76 : vector<128x128xf32>
        %jit3A_223 = arith.constant -3.000000e+38 : f32
        %broadcast_in_dim3A_224 = vector.broadcast %jit3A_223 : f32 to vector<128x128xf32>
        %select_n3A_225 = arith.select %lt3A_222, %get3A_221, %broadcast_in_dim3A_224 : vector<128x128xi1>, vector<128x128xf32>
        %gt3A_226 = arith.cmpf ogt, %select_n3A_225, %select_n3A_212 : vector<128x128xf32>
        %select_n3A_227 = arith.select %gt3A_226, %select_n3A_225, %select_n3A_212 : vector<128x128xi1>, vector<128x128xf32>
        %jit3A_228 = arith.constant 9 : i32
        %broadcast_in_dim3A_229 = vector.broadcast %jit3A_228 : i32 to vector<128x128xi32>
        %select_n3A_230 = arith.select %gt3A_226, %broadcast_in_dim3A_229, %select_n3A_215 : vector<128x128xi1>, vector<128x128xi32>
        %get3A_231 = arith.index_cast %select_n3A_15 : i32 to index
        %get3A_232 = arith.constant 10 : index
        %get3A_233 = arith.constant 0 : index
        %get3A_234 = arith.constant 0 : index
        %get3A_235 = vector.load %arg5[%get3A_231, %get3A_232, %get3A_233, %get3A_234] : memref<2x79x128x128xf32, #tpu.memory_space<vmem>>, vector<1x1x128x128xf32>
        %get3A_236 = vector.shape_cast %get3A_235 : vector<1x1x128x128xf32> to vector<128x128xf32>
        %lt3A_237 = arith.cmpf olt, %get3A_236, %scan3A_76 : vector<128x128xf32>
        %jit3A_238 = arith.constant -3.000000e+38 : f32
        %broadcast_in_dim3A_239 = vector.broadcast %jit3A_238 : f32 to vector<128x128xf32>
        %select_n3A_240 = arith.select %lt3A_237, %get3A_236, %broadcast_in_dim3A_239 : vector<128x128xi1>, vector<128x128xf32>
        %gt3A_241 = arith.cmpf ogt, %select_n3A_240, %select_n3A_227 : vector<128x128xf32>
        %select_n3A_242 = arith.select %gt3A_241, %select_n3A_240, %select_n3A_227 : vector<128x128xi1>, vector<128x128xf32>
        %jit3A_243 = arith.constant 10 : i32
        %broadcast_in_dim3A_244 = vector.broadcast %jit3A_243 : i32 to vector<128x128xi32>
        %select_n3A_245 = arith.select %gt3A_241, %broadcast_in_dim3A_244, %select_n3A_230 : vector<128x128xi1>, vector<128x128xi32>
        %get3A_246 = arith.index_cast %select_n3A_15 : i32 to index
        %get3A_247 = arith.constant 11 : index
        %get3A_248 = arith.constant 0 : index
        %get3A_249 = arith.constant 0 : index
        %get3A_250 = vector.load %arg5[%get3A_246, %get3A_247, %get3A_248, %get3A_249] : memref<2x79x128x128xf32, #tpu.memory_space<vmem>>, vector<1x1x128x128xf32>
        %get3A_251 = vector.shape_cast %get3A_250 : vector<1x1x128x128xf32> to vector<128x128xf32>
        %lt3A_252 = arith.cmpf olt, %get3A_251, %scan3A_76 : vector<128x128xf32>
        %jit3A_253 = arith.constant -3.000000e+38 : f32
        %broadcast_in_dim3A_254 = vector.broadcast %jit3A_253 : f32 to vector<128x128xf32>
        %select_n3A_255 = arith.select %lt3A_252, %get3A_251, %broadcast_in_dim3A_254 : vector<128x128xi1>, vector<128x128xf32>
        %gt3A_256 = arith.cmpf ogt, %select_n3A_255, %select_n3A_242 : vector<128x128xf32>
        %select_n3A_257 = arith.select %gt3A_256, %select_n3A_255, %select_n3A_242 : vector<128x128xi1>, vector<128x128xf32>
        %jit3A_258 = arith.constant 11 : i32
        %broadcast_in_dim3A_259 = vector.broadcast %jit3A_258 : i32 to vector<128x128xi32>
        %select_n3A_260 = arith.select %gt3A_256, %broadcast_in_dim3A_259, %select_n3A_245 : vector<128x128xi1>, vector<128x128xi32>
        %get3A_261 = arith.index_cast %select_n3A_15 : i32 to index
        %get3A_262 = arith.constant 12 : index
        %get3A_263 = arith.constant 0 : index
        %get3A_264 = arith.constant 0 : index
        %get3A_265 = vector.load %arg5[%get3A_261, %get3A_262, %get3A_263, %get3A_264] : memref<2x79x128x128xf32, #tpu.memory_space<vmem>>, vector<1x1x128x128xf32>
        %get3A_266 = vector.shape_cast %get3A_265 : vector<1x1x128x128xf32> to vector<128x128xf32>
        %lt3A_267 = arith.cmpf olt, %get3A_266, %scan3A_76 : vector<128x128xf32>
        %jit3A_268 = arith.constant -3.000000e+38 : f32
        %broadcast_in_dim3A_269 = vector.broadcast %jit3A_268 : f32 to vector<128x128xf32>
        %select_n3A_270 = arith.select %lt3A_267, %get3A_266, %broadcast_in_dim3A_269 : vector<128x128xi1>, vector<128x128xf32>
        %gt3A_271 = arith.cmpf ogt, %select_n3A_270, %select_n3A_257 : vector<128x128xf32>
        %select_n3A_272 = arith.select %gt3A_271, %select_n3A_270, %select_n3A_257 : vector<128x128xi1>, vector<128x128xf32>
        %jit3A_273 = arith.constant 12 : i32
        %broadcast_in_dim3A_274 = vector.broadcast %jit3A_273 : i32 to vector<128x128xi32>
        %select_n3A_275 = arith.select %gt3A_271, %broadcast_in_dim3A_274, %select_n3A_260 : vector<128x128xi1>, vector<128x128xi32>
        %get3A_276 = arith.index_cast %select_n3A_15 : i32 to index
        %get3A_277 = arith.constant 13 : index
        %get3A_278 = arith.constant 0 : index
        %get3A_279 = arith.constant 0 : index
        %get3A_280 = vector.load %arg5[%get3A_276, %get3A_277, %get3A_278, %get3A_279] : memref<2x79x128x128xf32, #tpu.memory_space<vmem>>, vector<1x1x128x128xf32>
        %get3A_281 = vector.shape_cast %get3A_280 : vector<1x1x128x128xf32> to vector<128x128xf32>
        %lt3A_282 = arith.cmpf olt, %get3A_281, %scan3A_76 : vector<128x128xf32>
        %jit3A_283 = arith.constant -3.000000e+38 : f32
        %broadcast_in_dim3A_284 = vector.broadcast %jit3A_283 : f32 to vector<128x128xf32>
        %select_n3A_285 = arith.select %lt3A_282, %get3A_281, %broadcast_in_dim3A_284 : vector<128x128xi1>, vector<128x128xf32>
        %gt3A_286 = arith.cmpf ogt, %select_n3A_285, %select_n3A_272 : vector<128x128xf32>
        %select_n3A_287 = arith.select %gt3A_286, %select_n3A_285, %select_n3A_272 : vector<128x128xi1>, vector<128x128xf32>
        %jit3A_288 = arith.constant 13 : i32
        %broadcast_in_dim3A_289 = vector.broadcast %jit3A_288 : i32 to vector<128x128xi32>
        %select_n3A_290 = arith.select %gt3A_286, %broadcast_in_dim3A_289, %select_n3A_275 : vector<128x128xi1>, vector<128x128xi32>
        %get3A_291 = arith.index_cast %select_n3A_15 : i32 to index
        %get3A_292 = arith.constant 14 : index
        %get3A_293 = arith.constant 0 : index
        %get3A_294 = arith.constant 0 : index
        %get3A_295 = vector.load %arg5[%get3A_291, %get3A_292, %get3A_293, %get3A_294] : memref<2x79x128x128xf32, #tpu.memory_space<vmem>>, vector<1x1x128x128xf32>
        %get3A_296 = vector.shape_cast %get3A_295 : vector<1x1x128x128xf32> to vector<128x128xf32>
        %lt3A_297 = arith.cmpf olt, %get3A_296, %scan3A_76 : vector<128x128xf32>
        %jit3A_298 = arith.constant -3.000000e+38 : f32
        %broadcast_in_dim3A_299 = vector.broadcast %jit3A_298 : f32 to vector<128x128xf32>
        %select_n3A_300 = arith.select %lt3A_297, %get3A_296, %broadcast_in_dim3A_299 : vector<128x128xi1>, vector<128x128xf32>
        %gt3A_301 = arith.cmpf ogt, %select_n3A_300, %select_n3A_287 : vector<128x128xf32>
        %select_n3A_302 = arith.select %gt3A_301, %select_n3A_300, %select_n3A_287 : vector<128x128xi1>, vector<128x128xf32>
        %jit3A_303 = arith.constant 14 : i32
        %broadcast_in_dim3A_304 = vector.broadcast %jit3A_303 : i32 to vector<128x128xi32>
        %select_n3A_305 = arith.select %gt3A_301, %broadcast_in_dim3A_304, %select_n3A_290 : vector<128x128xi1>, vector<128x128xi32>
        %get3A_306 = arith.index_cast %select_n3A_15 : i32 to index
        %get3A_307 = arith.constant 15 : index
        %get3A_308 = arith.constant 0 : index
        %get3A_309 = arith.constant 0 : index
        %get3A_310 = vector.load %arg5[%get3A_306, %get3A_307, %get3A_308, %get3A_309] : memref<2x79x128x128xf32, #tpu.memory_space<vmem>>, vector<1x1x128x128xf32>
        %get3A_311 = vector.shape_cast %get3A_310 : vector<1x1x128x128xf32> to vector<128x128xf32>
        %lt3A_312 = arith.cmpf olt, %get3A_311, %scan3A_76 : vector<128x128xf32>
        %jit3A_313 = arith.constant -3.000000e+38 : f32
        %broadcast_in_dim3A_314 = vector.broadcast %jit3A_313 : f32 to vector<128x128xf32>
        %select_n3A_315 = arith.select %lt3A_312, %get3A_311, %broadcast_in_dim3A_314 : vector<128x128xi1>, vector<128x128xf32>
        %gt3A_316 = arith.cmpf ogt, %select_n3A_315, %select_n3A_302 : vector<128x128xf32>
        %select_n3A_317 = arith.select %gt3A_316, %select_n3A_315, %select_n3A_302 : vector<128x128xi1>, vector<128x128xf32>
        %jit3A_318 = arith.constant 15 : i32
        %broadcast_in_dim3A_319 = vector.broadcast %jit3A_318 : i32 to vector<128x128xi32>
        %select_n3A_320 = arith.select %gt3A_316, %broadcast_in_dim3A_319, %select_n3A_305 : vector<128x128xi1>, vector<128x128xi32>
        %get3A_321 = arith.index_cast %select_n3A_15 : i32 to index
        %get3A_322 = arith.constant 16 : index
        %get3A_323 = arith.constant 0 : index
        %get3A_324 = arith.constant 0 : index
        %get3A_325 = vector.load %arg5[%get3A_321, %get3A_322, %get3A_323, %get3A_324] : memref<2x79x128x128xf32, #tpu.memory_space<vmem>>, vector<1x1x128x128xf32>
        %get3A_326 = vector.shape_cast %get3A_325 : vector<1x1x128x128xf32> to vector<128x128xf32>
        %lt3A_327 = arith.cmpf olt, %get3A_326, %scan3A_76 : vector<128x128xf32>
        %jit3A_328 = arith.constant -3.000000e+38 : f32
        %broadcast_in_dim3A_329 = vector.broadcast %jit3A_328 : f32 to vector<128x128xf32>
        %select_n3A_330 = arith.select %lt3A_327, %get3A_326, %broadcast_in_dim3A_329 : vector<128x128xi1>, vector<128x128xf32>
        %gt3A_331 = arith.cmpf ogt, %select_n3A_330, %select_n3A_317 : vector<128x128xf32>
        %select_n3A_332 = arith.select %gt3A_331, %select_n3A_330, %select_n3A_317 : vector<128x128xi1>, vector<128x128xf32>
        %jit3A_333 = arith.constant 16 : i32
        %broadcast_in_dim3A_334 = vector.broadcast %jit3A_333 : i32 to vector<128x128xi32>
        %select_n3A_335 = arith.select %gt3A_331, %broadcast_in_dim3A_334, %select_n3A_320 : vector<128x128xi1>, vector<128x128xi32>
        %get3A_336 = arith.index_cast %select_n3A_15 : i32 to index
        %get3A_337 = arith.constant 17 : index
        %get3A_338 = arith.constant 0 : index
        %get3A_339 = arith.constant 0 : index
        %get3A_340 = vector.load %arg5[%get3A_336, %get3A_337, %get3A_338, %get3A_339] : memref<2x79x128x128xf32, #tpu.memory_space<vmem>>, vector<1x1x128x128xf32>
        %get3A_341 = vector.shape_cast %get3A_340 : vector<1x1x128x128xf32> to vector<128x128xf32>
        %lt3A_342 = arith.cmpf olt, %get3A_341, %scan3A_76 : vector<128x128xf32>
        %jit3A_343 = arith.constant -3.000000e+38 : f32
        %broadcast_in_dim3A_344 = vector.broadcast %jit3A_343 : f32 to vector<128x128xf32>
        %select_n3A_345 = arith.select %lt3A_342, %get3A_341, %broadcast_in_dim3A_344 : vector<128x128xi1>, vector<128x128xf32>
        %gt3A_346 = arith.cmpf ogt, %select_n3A_345, %select_n3A_332 : vector<128x128xf32>
        %select_n3A_347 = arith.select %gt3A_346, %select_n3A_345, %select_n3A_332 : vector<128x128xi1>, vector<128x128xf32>
        %jit3A_348 = arith.constant 17 : i32
        %broadcast_in_dim3A_349 = vector.broadcast %jit3A_348 : i32 to vector<128x128xi32>
        %select_n3A_350 = arith.select %gt3A_346, %broadcast_in_dim3A_349, %select_n3A_335 : vector<128x128xi1>, vector<128x128xi32>
        %get3A_351 = arith.index_cast %select_n3A_15 : i32 to index
        %get3A_352 = arith.constant 18 : index
        %get3A_353 = arith.constant 0 : index
        %get3A_354 = arith.constant 0 : index
        %get3A_355 = vector.load %arg5[%get3A_351, %get3A_352, %get3A_353, %get3A_354] : memref<2x79x128x128xf32, #tpu.memory_space<vmem>>, vector<1x1x128x128xf32>
        %get3A_356 = vector.shape_cast %get3A_355 : vector<1x1x128x128xf32> to vector<128x128xf32>
        %lt3A_357 = arith.cmpf olt, %get3A_356, %scan3A_76 : vector<128x128xf32>
        %jit3A_358 = arith.constant -3.000000e+38 : f32
        %broadcast_in_dim3A_359 = vector.broadcast %jit3A_358 : f32 to vector<128x128xf32>
        %select_n3A_360 = arith.select %lt3A_357, %get3A_356, %broadcast_in_dim3A_359 : vector<128x128xi1>, vector<128x128xf32>
        %gt3A_361 = arith.cmpf ogt, %select_n3A_360, %select_n3A_347 : vector<128x128xf32>
        %select_n3A_362 = arith.select %gt3A_361, %select_n3A_360, %select_n3A_347 : vector<128x128xi1>, vector<128x128xf32>
        %jit3A_363 = arith.constant 18 : i32
        %broadcast_in_dim3A_364 = vector.broadcast %jit3A_363 : i32 to vector<128x128xi32>
        %select_n3A_365 = arith.select %gt3A_361, %broadcast_in_dim3A_364, %select_n3A_350 : vector<128x128xi1>, vector<128x128xi32>
        %get3A_366 = arith.index_cast %select_n3A_15 : i32 to index
        %get3A_367 = arith.constant 19 : index
        %get3A_368 = arith.constant 0 : index
        %get3A_369 = arith.constant 0 : index
        %get3A_370 = vector.load %arg5[%get3A_366, %get3A_367, %get3A_368, %get3A_369] : memref<2x79x128x128xf32, #tpu.memory_space<vmem>>, vector<1x1x128x128xf32>
        %get3A_371 = vector.shape_cast %get3A_370 : vector<1x1x128x128xf32> to vector<128x128xf32>
        %lt3A_372 = arith.cmpf olt, %get3A_371, %scan3A_76 : vector<128x128xf32>
        %jit3A_373 = arith.constant -3.000000e+38 : f32
        %broadcast_in_dim3A_374 = vector.broadcast %jit3A_373 : f32 to vector<128x128xf32>
        %select_n3A_375 = arith.select %lt3A_372, %get3A_371, %broadcast_in_dim3A_374 : vector<128x128xi1>, vector<128x128xf32>
        %gt3A_376 = arith.cmpf ogt, %select_n3A_375, %select_n3A_362 : vector<128x128xf32>
        %select_n3A_377 = arith.select %gt3A_376, %select_n3A_375, %select_n3A_362 : vector<128x128xi1>, vector<128x128xf32>
        %jit3A_378 = arith.constant 19 : i32
        %broadcast_in_dim3A_379 = vector.broadcast %jit3A_378 : i32 to vector<128x128xi32>
        %select_n3A_380 = arith.select %gt3A_376, %broadcast_in_dim3A_379, %select_n3A_365 : vector<128x128xi1>, vector<128x128xi32>
        %get3A_381 = arith.index_cast %select_n3A_15 : i32 to index
        %get3A_382 = arith.constant 20 : index
        %get3A_383 = arith.constant 0 : index
        %get3A_384 = arith.constant 0 : index
        %get3A_385 = vector.load %arg5[%get3A_381, %get3A_382, %get3A_383, %get3A_384] : memref<2x79x128x128xf32, #tpu.memory_space<vmem>>, vector<1x1x128x128xf32>
        %get3A_386 = vector.shape_cast %get3A_385 : vector<1x1x128x128xf32> to vector<128x128xf32>
        %lt3A_387 = arith.cmpf olt, %get3A_386, %scan3A_76 : vector<128x128xf32>
        %jit3A_388 = arith.constant -3.000000e+38 : f32
        %broadcast_in_dim3A_389 = vector.broadcast %jit3A_388 : f32 to vector<128x128xf32>
        %select_n3A_390 = arith.select %lt3A_387, %get3A_386, %broadcast_in_dim3A_389 : vector<128x128xi1>, vector<128x128xf32>
        %gt3A_391 = arith.cmpf ogt, %select_n3A_390, %select_n3A_377 : vector<128x128xf32>
        %select_n3A_392 = arith.select %gt3A_391, %select_n3A_390, %select_n3A_377 : vector<128x128xi1>, vector<128x128xf32>
        %jit3A_393 = arith.constant 20 : i32
        %broadcast_in_dim3A_394 = vector.broadcast %jit3A_393 : i32 to vector<128x128xi32>
        %select_n3A_395 = arith.select %gt3A_391, %broadcast_in_dim3A_394, %select_n3A_380 : vector<128x128xi1>, vector<128x128xi32>
        %get3A_396 = arith.index_cast %select_n3A_15 : i32 to index
        %get3A_397 = arith.constant 21 : index
        %get3A_398 = arith.constant 0 : index
        %get3A_399 = arith.constant 0 : index
        %get3A_400 = vector.load %arg5[%get3A_396, %get3A_397, %get3A_398, %get3A_399] : memref<2x79x128x128xf32, #tpu.memory_space<vmem>>, vector<1x1x128x128xf32>
        %get3A_401 = vector.shape_cast %get3A_400 : vector<1x1x128x128xf32> to vector<128x128xf32>
        %lt3A_402 = arith.cmpf olt, %get3A_401, %scan3A_76 : vector<128x128xf32>
        %jit3A_403 = arith.constant -3.000000e+38 : f32
        %broadcast_in_dim3A_404 = vector.broadcast %jit3A_403 : f32 to vector<128x128xf32>
        %select_n3A_405 = arith.select %lt3A_402, %get3A_401, %broadcast_in_dim3A_404 : vector<128x128xi1>, vector<128x128xf32>
        %gt3A_406 = arith.cmpf ogt, %select_n3A_405, %select_n3A_392 : vector<128x128xf32>
        %select_n3A_407 = arith.select %gt3A_406, %select_n3A_405, %select_n3A_392 : vector<128x128xi1>, vector<128x128xf32>
        %jit3A_408 = arith.constant 21 : i32
        %broadcast_in_dim3A_409 = vector.broadcast %jit3A_408 : i32 to vector<128x128xi32>
        %select_n3A_410 = arith.select %gt3A_406, %broadcast_in_dim3A_409, %select_n3A_395 : vector<128x128xi1>, vector<128x128xi32>
        %get3A_411 = arith.index_cast %select_n3A_15 : i32 to index
        %get3A_412 = arith.constant 22 : index
        %get3A_413 = arith.constant 0 : index
        %get3A_414 = arith.constant 0 : index
        %get3A_415 = vector.load %arg5[%get3A_411, %get3A_412, %get3A_413, %get3A_414] : memref<2x79x128x128xf32, #tpu.memory_space<vmem>>, vector<1x1x128x128xf32>
        %get3A_416 = vector.shape_cast %get3A_415 : vector<1x1x128x128xf32> to vector<128x128xf32>
        %lt3A_417 = arith.cmpf olt, %get3A_416, %scan3A_76 : vector<128x128xf32>
        %jit3A_418 = arith.constant -3.000000e+38 : f32
        %broadcast_in_dim3A_419 = vector.broadcast %jit3A_418 : f32 to vector<128x128xf32>
        %select_n3A_420 = arith.select %lt3A_417, %get3A_416, %broadcast_in_dim3A_419 : vector<128x128xi1>, vector<128x128xf32>
        %gt3A_421 = arith.cmpf ogt, %select_n3A_420, %select_n3A_407 : vector<128x128xf32>
        %select_n3A_422 = arith.select %gt3A_421, %select_n3A_420, %select_n3A_407 : vector<128x128xi1>, vector<128x128xf32>
        %jit3A_423 = arith.constant 22 : i32
        %broadcast_in_dim3A_424 = vector.broadcast %jit3A_423 : i32 to vector<128x128xi32>
        %select_n3A_425 = arith.select %gt3A_421, %broadcast_in_dim3A_424, %select_n3A_410 : vector<128x128xi1>, vector<128x128xi32>
        %get3A_426 = arith.index_cast %select_n3A_15 : i32 to index
        %get3A_427 = arith.constant 23 : index
        %get3A_428 = arith.constant 0 : index
        %get3A_429 = arith.constant 0 : index
        %get3A_430 = vector.load %arg5[%get3A_426, %get3A_427, %get3A_428, %get3A_429] : memref<2x79x128x128xf32, #tpu.memory_space<vmem>>, vector<1x1x128x128xf32>
        %get3A_431 = vector.shape_cast %get3A_430 : vector<1x1x128x128xf32> to vector<128x128xf32>
        %lt3A_432 = arith.cmpf olt, %get3A_431, %scan3A_76 : vector<128x128xf32>
        %jit3A_433 = arith.constant -3.000000e+38 : f32
        %broadcast_in_dim3A_434 = vector.broadcast %jit3A_433 : f32 to vector<128x128xf32>
        %select_n3A_435 = arith.select %lt3A_432, %get3A_431, %broadcast_in_dim3A_434 : vector<128x128xi1>, vector<128x128xf32>
        %gt3A_436 = arith.cmpf ogt, %select_n3A_435, %select_n3A_422 : vector<128x128xf32>
        %select_n3A_437 = arith.select %gt3A_436, %select_n3A_435, %select_n3A_422 : vector<128x128xi1>, vector<128x128xf32>
        %jit3A_438 = arith.constant 23 : i32
        %broadcast_in_dim3A_439 = vector.broadcast %jit3A_438 : i32 to vector<128x128xi32>
        %select_n3A_440 = arith.select %gt3A_436, %broadcast_in_dim3A_439, %select_n3A_425 : vector<128x128xi1>, vector<128x128xi32>
        %get3A_441 = arith.index_cast %select_n3A_15 : i32 to index
        %get3A_442 = arith.constant 24 : index
        %get3A_443 = arith.constant 0 : index
        %get3A_444 = arith.constant 0 : index
        %get3A_445 = vector.load %arg5[%get3A_441, %get3A_442, %get3A_443, %get3A_444] : memref<2x79x128x128xf32, #tpu.memory_space<vmem>>, vector<1x1x128x128xf32>
        %get3A_446 = vector.shape_cast %get3A_445 : vector<1x1x128x128xf32> to vector<128x128xf32>
        %lt3A_447 = arith.cmpf olt, %get3A_446, %scan3A_76 : vector<128x128xf32>
        %jit3A_448 = arith.constant -3.000000e+38 : f32
        %broadcast_in_dim3A_449 = vector.broadcast %jit3A_448 : f32 to vector<128x128xf32>
        %select_n3A_450 = arith.select %lt3A_447, %get3A_446, %broadcast_in_dim3A_449 : vector<128x128xi1>, vector<128x128xf32>
        %gt3A_451 = arith.cmpf ogt, %select_n3A_450, %select_n3A_437 : vector<128x128xf32>
        %select_n3A_452 = arith.select %gt3A_451, %select_n3A_450, %select_n3A_437 : vector<128x128xi1>, vector<128x128xf32>
        %jit3A_453 = arith.constant 24 : i32
        %broadcast_in_dim3A_454 = vector.broadcast %jit3A_453 : i32 to vector<128x128xi32>
        %select_n3A_455 = arith.select %gt3A_451, %broadcast_in_dim3A_454, %select_n3A_440 : vector<128x128xi1>, vector<128x128xi32>
        %get3A_456 = arith.index_cast %select_n3A_15 : i32 to index
        %get3A_457 = arith.constant 25 : index
        %get3A_458 = arith.constant 0 : index
        %get3A_459 = arith.constant 0 : index
        %get3A_460 = vector.load %arg5[%get3A_456, %get3A_457, %get3A_458, %get3A_459] : memref<2x79x128x128xf32, #tpu.memory_space<vmem>>, vector<1x1x128x128xf32>
        %get3A_461 = vector.shape_cast %get3A_460 : vector<1x1x128x128xf32> to vector<128x128xf32>
        %lt3A_462 = arith.cmpf olt, %get3A_461, %scan3A_76 : vector<128x128xf32>
        %jit3A_463 = arith.constant -3.000000e+38 : f32
        %broadcast_in_dim3A_464 = vector.broadcast %jit3A_463 : f32 to vector<128x128xf32>
        %select_n3A_465 = arith.select %lt3A_462, %get3A_461, %broadcast_in_dim3A_464 : vector<128x128xi1>, vector<128x128xf32>
        %gt3A_466 = arith.cmpf ogt, %select_n3A_465, %select_n3A_452 : vector<128x128xf32>
        %select_n3A_467 = arith.select %gt3A_466, %select_n3A_465, %select_n3A_452 : vector<128x128xi1>, vector<128x128xf32>
        %jit3A_468 = arith.constant 25 : i32
        %broadcast_in_dim3A_469 = vector.broadcast %jit3A_468 : i32 to vector<128x128xi32>
        %select_n3A_470 = arith.select %gt3A_466, %broadcast_in_dim3A_469, %select_n3A_455 : vector<128x128xi1>, vector<128x128xi32>
        %get3A_471 = arith.index_cast %select_n3A_15 : i32 to index
        %get3A_472 = arith.constant 26 : index
        %get3A_473 = arith.constant 0 : index
        %get3A_474 = arith.constant 0 : index
        %get3A_475 = vector.load %arg5[%get3A_471, %get3A_472, %get3A_473, %get3A_474] : memref<2x79x128x128xf32, #tpu.memory_space<vmem>>, vector<1x1x128x128xf32>
        %get3A_476 = vector.shape_cast %get3A_475 : vector<1x1x128x128xf32> to vector<128x128xf32>
        %lt3A_477 = arith.cmpf olt, %get3A_476, %scan3A_76 : vector<128x128xf32>
        %jit3A_478 = arith.constant -3.000000e+38 : f32
        %broadcast_in_dim3A_479 = vector.broadcast %jit3A_478 : f32 to vector<128x128xf32>
        %select_n3A_480 = arith.select %lt3A_477, %get3A_476, %broadcast_in_dim3A_479 : vector<128x128xi1>, vector<128x128xf32>
        %gt3A_481 = arith.cmpf ogt, %select_n3A_480, %select_n3A_467 : vector<128x128xf32>
        %select_n3A_482 = arith.select %gt3A_481, %select_n3A_480, %select_n3A_467 : vector<128x128xi1>, vector<128x128xf32>
        %jit3A_483 = arith.constant 26 : i32
        %broadcast_in_dim3A_484 = vector.broadcast %jit3A_483 : i32 to vector<128x128xi32>
        %select_n3A_485 = arith.select %gt3A_481, %broadcast_in_dim3A_484, %select_n3A_470 : vector<128x128xi1>, vector<128x128xi32>
        %get3A_486 = arith.index_cast %select_n3A_15 : i32 to index
        %get3A_487 = arith.constant 27 : index
        %get3A_488 = arith.constant 0 : index
        %get3A_489 = arith.constant 0 : index
        %get3A_490 = vector.load %arg5[%get3A_486, %get3A_487, %get3A_488, %get3A_489] : memref<2x79x128x128xf32, #tpu.memory_space<vmem>>, vector<1x1x128x128xf32>
        %get3A_491 = vector.shape_cast %get3A_490 : vector<1x1x128x128xf32> to vector<128x128xf32>
        %lt3A_492 = arith.cmpf olt, %get3A_491, %scan3A_76 : vector<128x128xf32>
        %jit3A_493 = arith.constant -3.000000e+38 : f32
        %broadcast_in_dim3A_494 = vector.broadcast %jit3A_493 : f32 to vector<128x128xf32>
        %select_n3A_495 = arith.select %lt3A_492, %get3A_491, %broadcast_in_dim3A_494 : vector<128x128xi1>, vector<128x128xf32>
        %gt3A_496 = arith.cmpf ogt, %select_n3A_495, %select_n3A_482 : vector<128x128xf32>
        %select_n3A_497 = arith.select %gt3A_496, %select_n3A_495, %select_n3A_482 : vector<128x128xi1>, vector<128x128xf32>
        %jit3A_498 = arith.constant 27 : i32
        %broadcast_in_dim3A_499 = vector.broadcast %jit3A_498 : i32 to vector<128x128xi32>
        %select_n3A_500 = arith.select %gt3A_496, %broadcast_in_dim3A_499, %select_n3A_485 : vector<128x128xi1>, vector<128x128xi32>
        %get3A_501 = arith.index_cast %select_n3A_15 : i32 to index
        %get3A_502 = arith.constant 28 : index
        %get3A_503 = arith.constant 0 : index
        %get3A_504 = arith.constant 0 : index
        %get3A_505 = vector.load %arg5[%get3A_501, %get3A_502, %get3A_503, %get3A_504] : memref<2x79x128x128xf32, #tpu.memory_space<vmem>>, vector<1x1x128x128xf32>
        %get3A_506 = vector.shape_cast %get3A_505 : vector<1x1x128x128xf32> to vector<128x128xf32>
        %lt3A_507 = arith.cmpf olt, %get3A_506, %scan3A_76 : vector<128x128xf32>
        %jit3A_508 = arith.constant -3.000000e+38 : f32
        %broadcast_in_dim3A_509 = vector.broadcast %jit3A_508 : f32 to vector<128x128xf32>
        %select_n3A_510 = arith.select %lt3A_507, %get3A_506, %broadcast_in_dim3A_509 : vector<128x128xi1>, vector<128x128xf32>
        %gt3A_511 = arith.cmpf ogt, %select_n3A_510, %select_n3A_497 : vector<128x128xf32>
        %select_n3A_512 = arith.select %gt3A_511, %select_n3A_510, %select_n3A_497 : vector<128x128xi1>, vector<128x128xf32>
        %jit3A_513 = arith.constant 28 : i32
        %broadcast_in_dim3A_514 = vector.broadcast %jit3A_513 : i32 to vector<128x128xi32>
        %select_n3A_515 = arith.select %gt3A_511, %broadcast_in_dim3A_514, %select_n3A_500 : vector<128x128xi1>, vector<128x128xi32>
        %get3A_516 = arith.index_cast %select_n3A_15 : i32 to index
        %get3A_517 = arith.constant 29 : index
        %get3A_518 = arith.constant 0 : index
        %get3A_519 = arith.constant 0 : index
        %get3A_520 = vector.load %arg5[%get3A_516, %get3A_517, %get3A_518, %get3A_519] : memref<2x79x128x128xf32, #tpu.memory_space<vmem>>, vector<1x1x128x128xf32>
        %get3A_521 = vector.shape_cast %get3A_520 : vector<1x1x128x128xf32> to vector<128x128xf32>
        %lt3A_522 = arith.cmpf olt, %get3A_521, %scan3A_76 : vector<128x128xf32>
        %jit3A_523 = arith.constant -3.000000e+38 : f32
        %broadcast_in_dim3A_524 = vector.broadcast %jit3A_523 : f32 to vector<128x128xf32>
        %select_n3A_525 = arith.select %lt3A_522, %get3A_521, %broadcast_in_dim3A_524 : vector<128x128xi1>, vector<128x128xf32>
        %gt3A_526 = arith.cmpf ogt, %select_n3A_525, %select_n3A_512 : vector<128x128xf32>
        %select_n3A_527 = arith.select %gt3A_526, %select_n3A_525, %select_n3A_512 : vector<128x128xi1>, vector<128x128xf32>
        %jit3A_528 = arith.constant 29 : i32
        %broadcast_in_dim3A_529 = vector.broadcast %jit3A_528 : i32 to vector<128x128xi32>
        %select_n3A_530 = arith.select %gt3A_526, %broadcast_in_dim3A_529, %select_n3A_515 : vector<128x128xi1>, vector<128x128xi32>
        %get3A_531 = arith.index_cast %select_n3A_15 : i32 to index
        %get3A_532 = arith.constant 30 : index
        %get3A_533 = arith.constant 0 : index
        %get3A_534 = arith.constant 0 : index
        %get3A_535 = vector.load %arg5[%get3A_531, %get3A_532, %get3A_533, %get3A_534] : memref<2x79x128x128xf32, #tpu.memory_space<vmem>>, vector<1x1x128x128xf32>
        %get3A_536 = vector.shape_cast %get3A_535 : vector<1x1x128x128xf32> to vector<128x128xf32>
        %lt3A_537 = arith.cmpf olt, %get3A_536, %scan3A_76 : vector<128x128xf32>
        %jit3A_538 = arith.constant -3.000000e+38 : f32
        %broadcast_in_dim3A_539 = vector.broadcast %jit3A_538 : f32 to vector<128x128xf32>
        %select_n3A_540 = arith.select %lt3A_537, %get3A_536, %broadcast_in_dim3A_539 : vector<128x128xi1>, vector<128x128xf32>
        %gt3A_541 = arith.cmpf ogt, %select_n3A_540, %select_n3A_527 : vector<128x128xf32>
        %select_n3A_542 = arith.select %gt3A_541, %select_n3A_540, %select_n3A_527 : vector<128x128xi1>, vector<128x128xf32>
        %jit3A_543 = arith.constant 30 : i32
        %broadcast_in_dim3A_544 = vector.broadcast %jit3A_543 : i32 to vector<128x128xi32>
        %select_n3A_545 = arith.select %gt3A_541, %broadcast_in_dim3A_544, %select_n3A_530 : vector<128x128xi1>, vector<128x128xi32>
        %get3A_546 = arith.index_cast %select_n3A_15 : i32 to index
        %get3A_547 = arith.constant 31 : index
        %get3A_548 = arith.constant 0 : index
        %get3A_549 = arith.constant 0 : index
        %get3A_550 = vector.load %arg5[%get3A_546, %get3A_547, %get3A_548, %get3A_549] : memref<2x79x128x128xf32, #tpu.memory_space<vmem>>, vector<1x1x128x128xf32>
        %get3A_551 = vector.shape_cast %get3A_550 : vector<1x1x128x128xf32> to vector<128x128xf32>
        %lt3A_552 = arith.cmpf olt, %get3A_551, %scan3A_76 : vector<128x128xf32>
        %jit3A_553 = arith.constant -3.000000e+38 : f32
        %broadcast_in_dim3A_554 = vector.broadcast %jit3A_553 : f32 to vector<128x128xf32>
        %select_n3A_555 = arith.select %lt3A_552, %get3A_551, %broadcast_in_dim3A_554 : vector<128x128xi1>, vector<128x128xf32>
        %gt3A_556 = arith.cmpf ogt, %select_n3A_555, %select_n3A_542 : vector<128x128xf32>
        %select_n3A_557 = arith.select %gt3A_556, %select_n3A_555, %select_n3A_542 : vector<128x128xi1>, vector<128x128xf32>
        %jit3A_558 = arith.constant 31 : i32
        %broadcast_in_dim3A_559 = vector.broadcast %jit3A_558 : i32 to vector<128x128xi32>
        %select_n3A_560 = arith.select %gt3A_556, %broadcast_in_dim3A_559, %select_n3A_545 : vector<128x128xi1>, vector<128x128xi32>
        %get3A_561 = arith.index_cast %select_n3A_15 : i32 to index
        %get3A_562 = arith.constant 32 : index
        %get3A_563 = arith.constant 0 : index
        %get3A_564 = arith.constant 0 : index
        %get3A_565 = vector.load %arg5[%get3A_561, %get3A_562, %get3A_563, %get3A_564] : memref<2x79x128x128xf32, #tpu.memory_space<vmem>>, vector<1x1x128x128xf32>
        %get3A_566 = vector.shape_cast %get3A_565 : vector<1x1x128x128xf32> to vector<128x128xf32>
        %lt3A_567 = arith.cmpf olt, %get3A_566, %scan3A_76 : vector<128x128xf32>
        %jit3A_568 = arith.constant -3.000000e+38 : f32
        %broadcast_in_dim3A_569 = vector.broadcast %jit3A_568 : f32 to vector<128x128xf32>
        %select_n3A_570 = arith.select %lt3A_567, %get3A_566, %broadcast_in_dim3A_569 : vector<128x128xi1>, vector<128x128xf32>
        %gt3A_571 = arith.cmpf ogt, %select_n3A_570, %select_n3A_557 : vector<128x128xf32>
        %select_n3A_572 = arith.select %gt3A_571, %select_n3A_570, %select_n3A_557 : vector<128x128xi1>, vector<128x128xf32>
        %jit3A_573 = arith.constant 32 : i32
        %broadcast_in_dim3A_574 = vector.broadcast %jit3A_573 : i32 to vector<128x128xi32>
        %select_n3A_575 = arith.select %gt3A_571, %broadcast_in_dim3A_574, %select_n3A_560 : vector<128x128xi1>, vector<128x128xi32>
        %get3A_576 = arith.index_cast %select_n3A_15 : i32 to index
        %get3A_577 = arith.constant 33 : index
        %get3A_578 = arith.constant 0 : index
        %get3A_579 = arith.constant 0 : index
        %get3A_580 = vector.load %arg5[%get3A_576, %get3A_577, %get3A_578, %get3A_579] : memref<2x79x128x128xf32, #tpu.memory_space<vmem>>, vector<1x1x128x128xf32>
        %get3A_581 = vector.shape_cast %get3A_580 : vector<1x1x128x128xf32> to vector<128x128xf32>
        %lt3A_582 = arith.cmpf olt, %get3A_581, %scan3A_76 : vector<128x128xf32>
        %jit3A_583 = arith.constant -3.000000e+38 : f32
        %broadcast_in_dim3A_584 = vector.broadcast %jit3A_583 : f32 to vector<128x128xf32>
        %select_n3A_585 = arith.select %lt3A_582, %get3A_581, %broadcast_in_dim3A_584 : vector<128x128xi1>, vector<128x128xf32>
        %gt3A_586 = arith.cmpf ogt, %select_n3A_585, %select_n3A_572 : vector<128x128xf32>
        %select_n3A_587 = arith.select %gt3A_586, %select_n3A_585, %select_n3A_572 : vector<128x128xi1>, vector<128x128xf32>
        %jit3A_588 = arith.constant 33 : i32
        %broadcast_in_dim3A_589 = vector.broadcast %jit3A_588 : i32 to vector<128x128xi32>
        %select_n3A_590 = arith.select %gt3A_586, %broadcast_in_dim3A_589, %select_n3A_575 : vector<128x128xi1>, vector<128x128xi32>
        %get3A_591 = arith.index_cast %select_n3A_15 : i32 to index
        %get3A_592 = arith.constant 34 : index
        %get3A_593 = arith.constant 0 : index
        %get3A_594 = arith.constant 0 : index
        %get3A_595 = vector.load %arg5[%get3A_591, %get3A_592, %get3A_593, %get3A_594] : memref<2x79x128x128xf32, #tpu.memory_space<vmem>>, vector<1x1x128x128xf32>
        %get3A_596 = vector.shape_cast %get3A_595 : vector<1x1x128x128xf32> to vector<128x128xf32>
        %lt3A_597 = arith.cmpf olt, %get3A_596, %scan3A_76 : vector<128x128xf32>
        %jit3A_598 = arith.constant -3.000000e+38 : f32
        %broadcast_in_dim3A_599 = vector.broadcast %jit3A_598 : f32 to vector<128x128xf32>
        %select_n3A_600 = arith.select %lt3A_597, %get3A_596, %broadcast_in_dim3A_599 : vector<128x128xi1>, vector<128x128xf32>
        %gt3A_601 = arith.cmpf ogt, %select_n3A_600, %select_n3A_587 : vector<128x128xf32>
        %select_n3A_602 = arith.select %gt3A_601, %select_n3A_600, %select_n3A_587 : vector<128x128xi1>, vector<128x128xf32>
        %jit3A_603 = arith.constant 34 : i32
        %broadcast_in_dim3A_604 = vector.broadcast %jit3A_603 : i32 to vector<128x128xi32>
        %select_n3A_605 = arith.select %gt3A_601, %broadcast_in_dim3A_604, %select_n3A_590 : vector<128x128xi1>, vector<128x128xi32>
        %get3A_606 = arith.index_cast %select_n3A_15 : i32 to index
        %get3A_607 = arith.constant 35 : index
        %get3A_608 = arith.constant 0 : index
        %get3A_609 = arith.constant 0 : index
        %get3A_610 = vector.load %arg5[%get3A_606, %get3A_607, %get3A_608, %get3A_609] : memref<2x79x128x128xf32, #tpu.memory_space<vmem>>, vector<1x1x128x128xf32>
        %get3A_611 = vector.shape_cast %get3A_610 : vector<1x1x128x128xf32> to vector<128x128xf32>
        %lt3A_612 = arith.cmpf olt, %get3A_611, %scan3A_76 : vector<128x128xf32>
        %jit3A_613 = arith.constant -3.000000e+38 : f32
        %broadcast_in_dim3A_614 = vector.broadcast %jit3A_613 : f32 to vector<128x128xf32>
        %select_n3A_615 = arith.select %lt3A_612, %get3A_611, %broadcast_in_dim3A_614 : vector<128x128xi1>, vector<128x128xf32>
        %gt3A_616 = arith.cmpf ogt, %select_n3A_615, %select_n3A_602 : vector<128x128xf32>
        %select_n3A_617 = arith.select %gt3A_616, %select_n3A_615, %select_n3A_602 : vector<128x128xi1>, vector<128x128xf32>
        %jit3A_618 = arith.constant 35 : i32
        %broadcast_in_dim3A_619 = vector.broadcast %jit3A_618 : i32 to vector<128x128xi32>
        %select_n3A_620 = arith.select %gt3A_616, %broadcast_in_dim3A_619, %select_n3A_605 : vector<128x128xi1>, vector<128x128xi32>
        %get3A_621 = arith.index_cast %select_n3A_15 : i32 to index
        %get3A_622 = arith.constant 36 : index
        %get3A_623 = arith.constant 0 : index
        %get3A_624 = arith.constant 0 : index
        %get3A_625 = vector.load %arg5[%get3A_621, %get3A_622, %get3A_623, %get3A_624] : memref<2x79x128x128xf32, #tpu.memory_space<vmem>>, vector<1x1x128x128xf32>
        %get3A_626 = vector.shape_cast %get3A_625 : vector<1x1x128x128xf32> to vector<128x128xf32>
        %lt3A_627 = arith.cmpf olt, %get3A_626, %scan3A_76 : vector<128x128xf32>
        %jit3A_628 = arith.constant -3.000000e+38 : f32
        %broadcast_in_dim3A_629 = vector.broadcast %jit3A_628 : f32 to vector<128x128xf32>
        %select_n3A_630 = arith.select %lt3A_627, %get3A_626, %broadcast_in_dim3A_629 : vector<128x128xi1>, vector<128x128xf32>
        %gt3A_631 = arith.cmpf ogt, %select_n3A_630, %select_n3A_617 : vector<128x128xf32>
        %select_n3A_632 = arith.select %gt3A_631, %select_n3A_630, %select_n3A_617 : vector<128x128xi1>, vector<128x128xf32>
        %jit3A_633 = arith.constant 36 : i32
        %broadcast_in_dim3A_634 = vector.broadcast %jit3A_633 : i32 to vector<128x128xi32>
        %select_n3A_635 = arith.select %gt3A_631, %broadcast_in_dim3A_634, %select_n3A_620 : vector<128x128xi1>, vector<128x128xi32>
        %get3A_636 = arith.index_cast %select_n3A_15 : i32 to index
        %get3A_637 = arith.constant 37 : index
        %get3A_638 = arith.constant 0 : index
        %get3A_639 = arith.constant 0 : index
        %get3A_640 = vector.load %arg5[%get3A_636, %get3A_637, %get3A_638, %get3A_639] : memref<2x79x128x128xf32, #tpu.memory_space<vmem>>, vector<1x1x128x128xf32>
        %get3A_641 = vector.shape_cast %get3A_640 : vector<1x1x128x128xf32> to vector<128x128xf32>
        %lt3A_642 = arith.cmpf olt, %get3A_641, %scan3A_76 : vector<128x128xf32>
        %jit3A_643 = arith.constant -3.000000e+38 : f32
        %broadcast_in_dim3A_644 = vector.broadcast %jit3A_643 : f32 to vector<128x128xf32>
        %select_n3A_645 = arith.select %lt3A_642, %get3A_641, %broadcast_in_dim3A_644 : vector<128x128xi1>, vector<128x128xf32>
        %gt3A_646 = arith.cmpf ogt, %select_n3A_645, %select_n3A_632 : vector<128x128xf32>
        %select_n3A_647 = arith.select %gt3A_646, %select_n3A_645, %select_n3A_632 : vector<128x128xi1>, vector<128x128xf32>
        %jit3A_648 = arith.constant 37 : i32
        %broadcast_in_dim3A_649 = vector.broadcast %jit3A_648 : i32 to vector<128x128xi32>
        %select_n3A_650 = arith.select %gt3A_646, %broadcast_in_dim3A_649, %select_n3A_635 : vector<128x128xi1>, vector<128x128xi32>
        %get3A_651 = arith.index_cast %select_n3A_15 : i32 to index
        %get3A_652 = arith.constant 38 : index
        %get3A_653 = arith.constant 0 : index
        %get3A_654 = arith.constant 0 : index
        %get3A_655 = vector.load %arg5[%get3A_651, %get3A_652, %get3A_653, %get3A_654] : memref<2x79x128x128xf32, #tpu.memory_space<vmem>>, vector<1x1x128x128xf32>
        %get3A_656 = vector.shape_cast %get3A_655 : vector<1x1x128x128xf32> to vector<128x128xf32>
        %lt3A_657 = arith.cmpf olt, %get3A_656, %scan3A_76 : vector<128x128xf32>
        %jit3A_658 = arith.constant -3.000000e+38 : f32
        %broadcast_in_dim3A_659 = vector.broadcast %jit3A_658 : f32 to vector<128x128xf32>
        %select_n3A_660 = arith.select %lt3A_657, %get3A_656, %broadcast_in_dim3A_659 : vector<128x128xi1>, vector<128x128xf32>
        %gt3A_661 = arith.cmpf ogt, %select_n3A_660, %select_n3A_647 : vector<128x128xf32>
        %select_n3A_662 = arith.select %gt3A_661, %select_n3A_660, %select_n3A_647 : vector<128x128xi1>, vector<128x128xf32>
        %jit3A_663 = arith.constant 38 : i32
        %broadcast_in_dim3A_664 = vector.broadcast %jit3A_663 : i32 to vector<128x128xi32>
        %select_n3A_665 = arith.select %gt3A_661, %broadcast_in_dim3A_664, %select_n3A_650 : vector<128x128xi1>, vector<128x128xi32>
        %get3A_666 = arith.index_cast %select_n3A_15 : i32 to index
        %get3A_667 = arith.constant 39 : index
        %get3A_668 = arith.constant 0 : index
        %get3A_669 = arith.constant 0 : index
        %get3A_670 = vector.load %arg5[%get3A_666, %get3A_667, %get3A_668, %get3A_669] : memref<2x79x128x128xf32, #tpu.memory_space<vmem>>, vector<1x1x128x128xf32>
        %get3A_671 = vector.shape_cast %get3A_670 : vector<1x1x128x128xf32> to vector<128x128xf32>
        %lt3A_672 = arith.cmpf olt, %get3A_671, %scan3A_76 : vector<128x128xf32>
        %jit3A_673 = arith.constant -3.000000e+38 : f32
        %broadcast_in_dim3A_674 = vector.broadcast %jit3A_673 : f32 to vector<128x128xf32>
        %select_n3A_675 = arith.select %lt3A_672, %get3A_671, %broadcast_in_dim3A_674 : vector<128x128xi1>, vector<128x128xf32>
        %gt3A_676 = arith.cmpf ogt, %select_n3A_675, %select_n3A_662 : vector<128x128xf32>
        %select_n3A_677 = arith.select %gt3A_676, %select_n3A_675, %select_n3A_662 : vector<128x128xi1>, vector<128x128xf32>
        %jit3A_678 = arith.constant 39 : i32
        %broadcast_in_dim3A_679 = vector.broadcast %jit3A_678 : i32 to vector<128x128xi32>
        %select_n3A_680 = arith.select %gt3A_676, %broadcast_in_dim3A_679, %select_n3A_665 : vector<128x128xi1>, vector<128x128xi32>
        %get3A_681 = arith.index_cast %select_n3A_15 : i32 to index
        %get3A_682 = arith.constant 40 : index
        %get3A_683 = arith.constant 0 : index
        %get3A_684 = arith.constant 0 : index
        %get3A_685 = vector.load %arg5[%get3A_681, %get3A_682, %get3A_683, %get3A_684] : memref<2x79x128x128xf32, #tpu.memory_space<vmem>>, vector<1x1x128x128xf32>
        %get3A_686 = vector.shape_cast %get3A_685 : vector<1x1x128x128xf32> to vector<128x128xf32>
        %lt3A_687 = arith.cmpf olt, %get3A_686, %scan3A_76 : vector<128x128xf32>
        %jit3A_688 = arith.constant -3.000000e+38 : f32
        %broadcast_in_dim3A_689 = vector.broadcast %jit3A_688 : f32 to vector<128x128xf32>
        %select_n3A_690 = arith.select %lt3A_687, %get3A_686, %broadcast_in_dim3A_689 : vector<128x128xi1>, vector<128x128xf32>
        %gt3A_691 = arith.cmpf ogt, %select_n3A_690, %select_n3A_677 : vector<128x128xf32>
        %select_n3A_692 = arith.select %gt3A_691, %select_n3A_690, %select_n3A_677 : vector<128x128xi1>, vector<128x128xf32>
        %jit3A_693 = arith.constant 40 : i32
        %broadcast_in_dim3A_694 = vector.broadcast %jit3A_693 : i32 to vector<128x128xi32>
        %select_n3A_695 = arith.select %gt3A_691, %broadcast_in_dim3A_694, %select_n3A_680 : vector<128x128xi1>, vector<128x128xi32>
        %get3A_696 = arith.index_cast %select_n3A_15 : i32 to index
        %get3A_697 = arith.constant 41 : index
        %get3A_698 = arith.constant 0 : index
        %get3A_699 = arith.constant 0 : index
        %get3A_700 = vector.load %arg5[%get3A_696, %get3A_697, %get3A_698, %get3A_699] : memref<2x79x128x128xf32, #tpu.memory_space<vmem>>, vector<1x1x128x128xf32>
        %get3A_701 = vector.shape_cast %get3A_700 : vector<1x1x128x128xf32> to vector<128x128xf32>
        %lt3A_702 = arith.cmpf olt, %get3A_701, %scan3A_76 : vector<128x128xf32>
        %jit3A_703 = arith.constant -3.000000e+38 : f32
        %broadcast_in_dim3A_704 = vector.broadcast %jit3A_703 : f32 to vector<128x128xf32>
        %select_n3A_705 = arith.select %lt3A_702, %get3A_701, %broadcast_in_dim3A_704 : vector<128x128xi1>, vector<128x128xf32>
        %gt3A_706 = arith.cmpf ogt, %select_n3A_705, %select_n3A_692 : vector<128x128xf32>
        %select_n3A_707 = arith.select %gt3A_706, %select_n3A_705, %select_n3A_692 : vector<128x128xi1>, vector<128x128xf32>
        %jit3A_708 = arith.constant 41 : i32
        %broadcast_in_dim3A_709 = vector.broadcast %jit3A_708 : i32 to vector<128x128xi32>
        %select_n3A_710 = arith.select %gt3A_706, %broadcast_in_dim3A_709, %select_n3A_695 : vector<128x128xi1>, vector<128x128xi32>
        %get3A_711 = arith.index_cast %select_n3A_15 : i32 to index
        %get3A_712 = arith.constant 42 : index
        %get3A_713 = arith.constant 0 : index
        %get3A_714 = arith.constant 0 : index
        %get3A_715 = vector.load %arg5[%get3A_711, %get3A_712, %get3A_713, %get3A_714] : memref<2x79x128x128xf32, #tpu.memory_space<vmem>>, vector<1x1x128x128xf32>
        %get3A_716 = vector.shape_cast %get3A_715 : vector<1x1x128x128xf32> to vector<128x128xf32>
        %lt3A_717 = arith.cmpf olt, %get3A_716, %scan3A_76 : vector<128x128xf32>
        %jit3A_718 = arith.constant -3.000000e+38 : f32
        %broadcast_in_dim3A_719 = vector.broadcast %jit3A_718 : f32 to vector<128x128xf32>
        %select_n3A_720 = arith.select %lt3A_717, %get3A_716, %broadcast_in_dim3A_719 : vector<128x128xi1>, vector<128x128xf32>
        %gt3A_721 = arith.cmpf ogt, %select_n3A_720, %select_n3A_707 : vector<128x128xf32>
        %select_n3A_722 = arith.select %gt3A_721, %select_n3A_720, %select_n3A_707 : vector<128x128xi1>, vector<128x128xf32>
        %jit3A_723 = arith.constant 42 : i32
        %broadcast_in_dim3A_724 = vector.broadcast %jit3A_723 : i32 to vector<128x128xi32>
        %select_n3A_725 = arith.select %gt3A_721, %broadcast_in_dim3A_724, %select_n3A_710 : vector<128x128xi1>, vector<128x128xi32>
        %get3A_726 = arith.index_cast %select_n3A_15 : i32 to index
        %get3A_727 = arith.constant 43 : index
        %get3A_728 = arith.constant 0 : index
        %get3A_729 = arith.constant 0 : index
        %get3A_730 = vector.load %arg5[%get3A_726, %get3A_727, %get3A_728, %get3A_729] : memref<2x79x128x128xf32, #tpu.memory_space<vmem>>, vector<1x1x128x128xf32>
        %get3A_731 = vector.shape_cast %get3A_730 : vector<1x1x128x128xf32> to vector<128x128xf32>
        %lt3A_732 = arith.cmpf olt, %get3A_731, %scan3A_76 : vector<128x128xf32>
        %jit3A_733 = arith.constant -3.000000e+38 : f32
        %broadcast_in_dim3A_734 = vector.broadcast %jit3A_733 : f32 to vector<128x128xf32>
        %select_n3A_735 = arith.select %lt3A_732, %get3A_731, %broadcast_in_dim3A_734 : vector<128x128xi1>, vector<128x128xf32>
        %gt3A_736 = arith.cmpf ogt, %select_n3A_735, %select_n3A_722 : vector<128x128xf32>
        %select_n3A_737 = arith.select %gt3A_736, %select_n3A_735, %select_n3A_722 : vector<128x128xi1>, vector<128x128xf32>
        %jit3A_738 = arith.constant 43 : i32
        %broadcast_in_dim3A_739 = vector.broadcast %jit3A_738 : i32 to vector<128x128xi32>
        %select_n3A_740 = arith.select %gt3A_736, %broadcast_in_dim3A_739, %select_n3A_725 : vector<128x128xi1>, vector<128x128xi32>
        %get3A_741 = arith.index_cast %select_n3A_15 : i32 to index
        %get3A_742 = arith.constant 44 : index
        %get3A_743 = arith.constant 0 : index
        %get3A_744 = arith.constant 0 : index
        %get3A_745 = vector.load %arg5[%get3A_741, %get3A_742, %get3A_743, %get3A_744] : memref<2x79x128x128xf32, #tpu.memory_space<vmem>>, vector<1x1x128x128xf32>
        %get3A_746 = vector.shape_cast %get3A_745 : vector<1x1x128x128xf32> to vector<128x128xf32>
        %lt3A_747 = arith.cmpf olt, %get3A_746, %scan3A_76 : vector<128x128xf32>
        %jit3A_748 = arith.constant -3.000000e+38 : f32
        %broadcast_in_dim3A_749 = vector.broadcast %jit3A_748 : f32 to vector<128x128xf32>
        %select_n3A_750 = arith.select %lt3A_747, %get3A_746, %broadcast_in_dim3A_749 : vector<128x128xi1>, vector<128x128xf32>
        %gt3A_751 = arith.cmpf ogt, %select_n3A_750, %select_n3A_737 : vector<128x128xf32>
        %select_n3A_752 = arith.select %gt3A_751, %select_n3A_750, %select_n3A_737 : vector<128x128xi1>, vector<128x128xf32>
        %jit3A_753 = arith.constant 44 : i32
        %broadcast_in_dim3A_754 = vector.broadcast %jit3A_753 : i32 to vector<128x128xi32>
        %select_n3A_755 = arith.select %gt3A_751, %broadcast_in_dim3A_754, %select_n3A_740 : vector<128x128xi1>, vector<128x128xi32>
        %get3A_756 = arith.index_cast %select_n3A_15 : i32 to index
        %get3A_757 = arith.constant 45 : index
        %get3A_758 = arith.constant 0 : index
        %get3A_759 = arith.constant 0 : index
        %get3A_760 = vector.load %arg5[%get3A_756, %get3A_757, %get3A_758, %get3A_759] : memref<2x79x128x128xf32, #tpu.memory_space<vmem>>, vector<1x1x128x128xf32>
        %get3A_761 = vector.shape_cast %get3A_760 : vector<1x1x128x128xf32> to vector<128x128xf32>
        %lt3A_762 = arith.cmpf olt, %get3A_761, %scan3A_76 : vector<128x128xf32>
        %jit3A_763 = arith.constant -3.000000e+38 : f32
        %broadcast_in_dim3A_764 = vector.broadcast %jit3A_763 : f32 to vector<128x128xf32>
        %select_n3A_765 = arith.select %lt3A_762, %get3A_761, %broadcast_in_dim3A_764 : vector<128x128xi1>, vector<128x128xf32>
        %gt3A_766 = arith.cmpf ogt, %select_n3A_765, %select_n3A_752 : vector<128x128xf32>
        %select_n3A_767 = arith.select %gt3A_766, %select_n3A_765, %select_n3A_752 : vector<128x128xi1>, vector<128x128xf32>
        %jit3A_768 = arith.constant 45 : i32
        %broadcast_in_dim3A_769 = vector.broadcast %jit3A_768 : i32 to vector<128x128xi32>
        %select_n3A_770 = arith.select %gt3A_766, %broadcast_in_dim3A_769, %select_n3A_755 : vector<128x128xi1>, vector<128x128xi32>
        %get3A_771 = arith.index_cast %select_n3A_15 : i32 to index
        %get3A_772 = arith.constant 46 : index
        %get3A_773 = arith.constant 0 : index
        %get3A_774 = arith.constant 0 : index
        %get3A_775 = vector.load %arg5[%get3A_771, %get3A_772, %get3A_773, %get3A_774] : memref<2x79x128x128xf32, #tpu.memory_space<vmem>>, vector<1x1x128x128xf32>
        %get3A_776 = vector.shape_cast %get3A_775 : vector<1x1x128x128xf32> to vector<128x128xf32>
        %lt3A_777 = arith.cmpf olt, %get3A_776, %scan3A_76 : vector<128x128xf32>
        %jit3A_778 = arith.constant -3.000000e+38 : f32
        %broadcast_in_dim3A_779 = vector.broadcast %jit3A_778 : f32 to vector<128x128xf32>
        %select_n3A_780 = arith.select %lt3A_777, %get3A_776, %broadcast_in_dim3A_779 : vector<128x128xi1>, vector<128x128xf32>
        %gt3A_781 = arith.cmpf ogt, %select_n3A_780, %select_n3A_767 : vector<128x128xf32>
        %select_n3A_782 = arith.select %gt3A_781, %select_n3A_780, %select_n3A_767 : vector<128x128xi1>, vector<128x128xf32>
        %jit3A_783 = arith.constant 46 : i32
        %broadcast_in_dim3A_784 = vector.broadcast %jit3A_783 : i32 to vector<128x128xi32>
        %select_n3A_785 = arith.select %gt3A_781, %broadcast_in_dim3A_784, %select_n3A_770 : vector<128x128xi1>, vector<128x128xi32>
        %get3A_786 = arith.index_cast %select_n3A_15 : i32 to index
        %get3A_787 = arith.constant 47 : index
        %get3A_788 = arith.constant 0 : index
        %get3A_789 = arith.constant 0 : index
        %get3A_790 = vector.load %arg5[%get3A_786, %get3A_787, %get3A_788, %get3A_789] : memref<2x79x128x128xf32, #tpu.memory_space<vmem>>, vector<1x1x128x128xf32>
        %get3A_791 = vector.shape_cast %get3A_790 : vector<1x1x128x128xf32> to vector<128x128xf32>
        %lt3A_792 = arith.cmpf olt, %get3A_791, %scan3A_76 : vector<128x128xf32>
        %jit3A_793 = arith.constant -3.000000e+38 : f32
        %broadcast_in_dim3A_794 = vector.broadcast %jit3A_793 : f32 to vector<128x128xf32>
        %select_n3A_795 = arith.select %lt3A_792, %get3A_791, %broadcast_in_dim3A_794 : vector<128x128xi1>, vector<128x128xf32>
        %gt3A_796 = arith.cmpf ogt, %select_n3A_795, %select_n3A_782 : vector<128x128xf32>
        %select_n3A_797 = arith.select %gt3A_796, %select_n3A_795, %select_n3A_782 : vector<128x128xi1>, vector<128x128xf32>
        %jit3A_798 = arith.constant 47 : i32
        %broadcast_in_dim3A_799 = vector.broadcast %jit3A_798 : i32 to vector<128x128xi32>
        %select_n3A_800 = arith.select %gt3A_796, %broadcast_in_dim3A_799, %select_n3A_785 : vector<128x128xi1>, vector<128x128xi32>
        %get3A_801 = arith.index_cast %select_n3A_15 : i32 to index
        %get3A_802 = arith.constant 48 : index
        %get3A_803 = arith.constant 0 : index
        %get3A_804 = arith.constant 0 : index
        %get3A_805 = vector.load %arg5[%get3A_801, %get3A_802, %get3A_803, %get3A_804] : memref<2x79x128x128xf32, #tpu.memory_space<vmem>>, vector<1x1x128x128xf32>
        %get3A_806 = vector.shape_cast %get3A_805 : vector<1x1x128x128xf32> to vector<128x128xf32>
        %lt3A_807 = arith.cmpf olt, %get3A_806, %scan3A_76 : vector<128x128xf32>
        %jit3A_808 = arith.constant -3.000000e+38 : f32
        %broadcast_in_dim3A_809 = vector.broadcast %jit3A_808 : f32 to vector<128x128xf32>
        %select_n3A_810 = arith.select %lt3A_807, %get3A_806, %broadcast_in_dim3A_809 : vector<128x128xi1>, vector<128x128xf32>
        %gt3A_811 = arith.cmpf ogt, %select_n3A_810, %select_n3A_797 : vector<128x128xf32>
        %select_n3A_812 = arith.select %gt3A_811, %select_n3A_810, %select_n3A_797 : vector<128x128xi1>, vector<128x128xf32>
        %jit3A_813 = arith.constant 48 : i32
        %broadcast_in_dim3A_814 = vector.broadcast %jit3A_813 : i32 to vector<128x128xi32>
        %select_n3A_815 = arith.select %gt3A_811, %broadcast_in_dim3A_814, %select_n3A_800 : vector<128x128xi1>, vector<128x128xi32>
        %get3A_816 = arith.index_cast %select_n3A_15 : i32 to index
        %get3A_817 = arith.constant 49 : index
        %get3A_818 = arith.constant 0 : index
        %get3A_819 = arith.constant 0 : index
        %get3A_820 = vector.load %arg5[%get3A_816, %get3A_817, %get3A_818, %get3A_819] : memref<2x79x128x128xf32, #tpu.memory_space<vmem>>, vector<1x1x128x128xf32>
        %get3A_821 = vector.shape_cast %get3A_820 : vector<1x1x128x128xf32> to vector<128x128xf32>
        %lt3A_822 = arith.cmpf olt, %get3A_821, %scan3A_76 : vector<128x128xf32>
        %jit3A_823 = arith.constant -3.000000e+38 : f32
        %broadcast_in_dim3A_824 = vector.broadcast %jit3A_823 : f32 to vector<128x128xf32>
        %select_n3A_825 = arith.select %lt3A_822, %get3A_821, %broadcast_in_dim3A_824 : vector<128x128xi1>, vector<128x128xf32>
        %gt3A_826 = arith.cmpf ogt, %select_n3A_825, %select_n3A_812 : vector<128x128xf32>
        %select_n3A_827 = arith.select %gt3A_826, %select_n3A_825, %select_n3A_812 : vector<128x128xi1>, vector<128x128xf32>
        %jit3A_828 = arith.constant 49 : i32
        %broadcast_in_dim3A_829 = vector.broadcast %jit3A_828 : i32 to vector<128x128xi32>
        %select_n3A_830 = arith.select %gt3A_826, %broadcast_in_dim3A_829, %select_n3A_815 : vector<128x128xi1>, vector<128x128xi32>
        %get3A_831 = arith.index_cast %select_n3A_15 : i32 to index
        %get3A_832 = arith.constant 50 : index
        %get3A_833 = arith.constant 0 : index
        %get3A_834 = arith.constant 0 : index
        %get3A_835 = vector.load %arg5[%get3A_831, %get3A_832, %get3A_833, %get3A_834] : memref<2x79x128x128xf32, #tpu.memory_space<vmem>>, vector<1x1x128x128xf32>
        %get3A_836 = vector.shape_cast %get3A_835 : vector<1x1x128x128xf32> to vector<128x128xf32>
        %lt3A_837 = arith.cmpf olt, %get3A_836, %scan3A_76 : vector<128x128xf32>
        %jit3A_838 = arith.constant -3.000000e+38 : f32
        %broadcast_in_dim3A_839 = vector.broadcast %jit3A_838 : f32 to vector<128x128xf32>
        %select_n3A_840 = arith.select %lt3A_837, %get3A_836, %broadcast_in_dim3A_839 : vector<128x128xi1>, vector<128x128xf32>
        %gt3A_841 = arith.cmpf ogt, %select_n3A_840, %select_n3A_827 : vector<128x128xf32>
        %select_n3A_842 = arith.select %gt3A_841, %select_n3A_840, %select_n3A_827 : vector<128x128xi1>, vector<128x128xf32>
        %jit3A_843 = arith.constant 50 : i32
        %broadcast_in_dim3A_844 = vector.broadcast %jit3A_843 : i32 to vector<128x128xi32>
        %select_n3A_845 = arith.select %gt3A_841, %broadcast_in_dim3A_844, %select_n3A_830 : vector<128x128xi1>, vector<128x128xi32>
        %get3A_846 = arith.index_cast %select_n3A_15 : i32 to index
        %get3A_847 = arith.constant 51 : index
        %get3A_848 = arith.constant 0 : index
        %get3A_849 = arith.constant 0 : index
        %get3A_850 = vector.load %arg5[%get3A_846, %get3A_847, %get3A_848, %get3A_849] : memref<2x79x128x128xf32, #tpu.memory_space<vmem>>, vector<1x1x128x128xf32>
        %get3A_851 = vector.shape_cast %get3A_850 : vector<1x1x128x128xf32> to vector<128x128xf32>
        %lt3A_852 = arith.cmpf olt, %get3A_851, %scan3A_76 : vector<128x128xf32>
        %jit3A_853 = arith.constant -3.000000e+38 : f32
        %broadcast_in_dim3A_854 = vector.broadcast %jit3A_853 : f32 to vector<128x128xf32>
        %select_n3A_855 = arith.select %lt3A_852, %get3A_851, %broadcast_in_dim3A_854 : vector<128x128xi1>, vector<128x128xf32>
        %gt3A_856 = arith.cmpf ogt, %select_n3A_855, %select_n3A_842 : vector<128x128xf32>
        %select_n3A_857 = arith.select %gt3A_856, %select_n3A_855, %select_n3A_842 : vector<128x128xi1>, vector<128x128xf32>
        %jit3A_858 = arith.constant 51 : i32
        %broadcast_in_dim3A_859 = vector.broadcast %jit3A_858 : i32 to vector<128x128xi32>
        %select_n3A_860 = arith.select %gt3A_856, %broadcast_in_dim3A_859, %select_n3A_845 : vector<128x128xi1>, vector<128x128xi32>
        %get3A_861 = arith.index_cast %select_n3A_15 : i32 to index
        %get3A_862 = arith.constant 52 : index
        %get3A_863 = arith.constant 0 : index
        %get3A_864 = arith.constant 0 : index
        %get3A_865 = vector.load %arg5[%get3A_861, %get3A_862, %get3A_863, %get3A_864] : memref<2x79x128x128xf32, #tpu.memory_space<vmem>>, vector<1x1x128x128xf32>
        %get3A_866 = vector.shape_cast %get3A_865 : vector<1x1x128x128xf32> to vector<128x128xf32>
        %lt3A_867 = arith.cmpf olt, %get3A_866, %scan3A_76 : vector<128x128xf32>
        %jit3A_868 = arith.constant -3.000000e+38 : f32
        %broadcast_in_dim3A_869 = vector.broadcast %jit3A_868 : f32 to vector<128x128xf32>
        %select_n3A_870 = arith.select %lt3A_867, %get3A_866, %broadcast_in_dim3A_869 : vector<128x128xi1>, vector<128x128xf32>
        %gt3A_871 = arith.cmpf ogt, %select_n3A_870, %select_n3A_857 : vector<128x128xf32>
        %select_n3A_872 = arith.select %gt3A_871, %select_n3A_870, %select_n3A_857 : vector<128x128xi1>, vector<128x128xf32>
        %jit3A_873 = arith.constant 52 : i32
        %broadcast_in_dim3A_874 = vector.broadcast %jit3A_873 : i32 to vector<128x128xi32>
        %select_n3A_875 = arith.select %gt3A_871, %broadcast_in_dim3A_874, %select_n3A_860 : vector<128x128xi1>, vector<128x128xi32>
        %get3A_876 = arith.index_cast %select_n3A_15 : i32 to index
        %get3A_877 = arith.constant 53 : index
        %get3A_878 = arith.constant 0 : index
        %get3A_879 = arith.constant 0 : index
        %get3A_880 = vector.load %arg5[%get3A_876, %get3A_877, %get3A_878, %get3A_879] : memref<2x79x128x128xf32, #tpu.memory_space<vmem>>, vector<1x1x128x128xf32>
        %get3A_881 = vector.shape_cast %get3A_880 : vector<1x1x128x128xf32> to vector<128x128xf32>
        %lt3A_882 = arith.cmpf olt, %get3A_881, %scan3A_76 : vector<128x128xf32>
        %jit3A_883 = arith.constant -3.000000e+38 : f32
        %broadcast_in_dim3A_884 = vector.broadcast %jit3A_883 : f32 to vector<128x128xf32>
        %select_n3A_885 = arith.select %lt3A_882, %get3A_881, %broadcast_in_dim3A_884 : vector<128x128xi1>, vector<128x128xf32>
        %gt3A_886 = arith.cmpf ogt, %select_n3A_885, %select_n3A_872 : vector<128x128xf32>
        %select_n3A_887 = arith.select %gt3A_886, %select_n3A_885, %select_n3A_872 : vector<128x128xi1>, vector<128x128xf32>
        %jit3A_888 = arith.constant 53 : i32
        %broadcast_in_dim3A_889 = vector.broadcast %jit3A_888 : i32 to vector<128x128xi32>
        %select_n3A_890 = arith.select %gt3A_886, %broadcast_in_dim3A_889, %select_n3A_875 : vector<128x128xi1>, vector<128x128xi32>
        %get3A_891 = arith.index_cast %select_n3A_15 : i32 to index
        %get3A_892 = arith.constant 54 : index
        %get3A_893 = arith.constant 0 : index
        %get3A_894 = arith.constant 0 : index
        %get3A_895 = vector.load %arg5[%get3A_891, %get3A_892, %get3A_893, %get3A_894] : memref<2x79x128x128xf32, #tpu.memory_space<vmem>>, vector<1x1x128x128xf32>
        %get3A_896 = vector.shape_cast %get3A_895 : vector<1x1x128x128xf32> to vector<128x128xf32>
        %lt3A_897 = arith.cmpf olt, %get3A_896, %scan3A_76 : vector<128x128xf32>
        %jit3A_898 = arith.constant -3.000000e+38 : f32
        %broadcast_in_dim3A_899 = vector.broadcast %jit3A_898 : f32 to vector<128x128xf32>
        %select_n3A_900 = arith.select %lt3A_897, %get3A_896, %broadcast_in_dim3A_899 : vector<128x128xi1>, vector<128x128xf32>
        %gt3A_901 = arith.cmpf ogt, %select_n3A_900, %select_n3A_887 : vector<128x128xf32>
        %select_n3A_902 = arith.select %gt3A_901, %select_n3A_900, %select_n3A_887 : vector<128x128xi1>, vector<128x128xf32>
        %jit3A_903 = arith.constant 54 : i32
        %broadcast_in_dim3A_904 = vector.broadcast %jit3A_903 : i32 to vector<128x128xi32>
        %select_n3A_905 = arith.select %gt3A_901, %broadcast_in_dim3A_904, %select_n3A_890 : vector<128x128xi1>, vector<128x128xi32>
        %get3A_906 = arith.index_cast %select_n3A_15 : i32 to index
        %get3A_907 = arith.constant 55 : index
        %get3A_908 = arith.constant 0 : index
        %get3A_909 = arith.constant 0 : index
        %get3A_910 = vector.load %arg5[%get3A_906, %get3A_907, %get3A_908, %get3A_909] : memref<2x79x128x128xf32, #tpu.memory_space<vmem>>, vector<1x1x128x128xf32>
        %get3A_911 = vector.shape_cast %get3A_910 : vector<1x1x128x128xf32> to vector<128x128xf32>
        %lt3A_912 = arith.cmpf olt, %get3A_911, %scan3A_76 : vector<128x128xf32>
        %jit3A_913 = arith.constant -3.000000e+38 : f32
        %broadcast_in_dim3A_914 = vector.broadcast %jit3A_913 : f32 to vector<128x128xf32>
        %select_n3A_915 = arith.select %lt3A_912, %get3A_911, %broadcast_in_dim3A_914 : vector<128x128xi1>, vector<128x128xf32>
        %gt3A_916 = arith.cmpf ogt, %select_n3A_915, %select_n3A_902 : vector<128x128xf32>
        %select_n3A_917 = arith.select %gt3A_916, %select_n3A_915, %select_n3A_902 : vector<128x128xi1>, vector<128x128xf32>
        %jit3A_918 = arith.constant 55 : i32
        %broadcast_in_dim3A_919 = vector.broadcast %jit3A_918 : i32 to vector<128x128xi32>
        %select_n3A_920 = arith.select %gt3A_916, %broadcast_in_dim3A_919, %select_n3A_905 : vector<128x128xi1>, vector<128x128xi32>
        %get3A_921 = arith.index_cast %select_n3A_15 : i32 to index
        %get3A_922 = arith.constant 56 : index
        %get3A_923 = arith.constant 0 : index
        %get3A_924 = arith.constant 0 : index
        %get3A_925 = vector.load %arg5[%get3A_921, %get3A_922, %get3A_923, %get3A_924] : memref<2x79x128x128xf32, #tpu.memory_space<vmem>>, vector<1x1x128x128xf32>
        %get3A_926 = vector.shape_cast %get3A_925 : vector<1x1x128x128xf32> to vector<128x128xf32>
        %lt3A_927 = arith.cmpf olt, %get3A_926, %scan3A_76 : vector<128x128xf32>
        %jit3A_928 = arith.constant -3.000000e+38 : f32
        %broadcast_in_dim3A_929 = vector.broadcast %jit3A_928 : f32 to vector<128x128xf32>
        %select_n3A_930 = arith.select %lt3A_927, %get3A_926, %broadcast_in_dim3A_929 : vector<128x128xi1>, vector<128x128xf32>
        %gt3A_931 = arith.cmpf ogt, %select_n3A_930, %select_n3A_917 : vector<128x128xf32>
        %select_n3A_932 = arith.select %gt3A_931, %select_n3A_930, %select_n3A_917 : vector<128x128xi1>, vector<128x128xf32>
        %jit3A_933 = arith.constant 56 : i32
        %broadcast_in_dim3A_934 = vector.broadcast %jit3A_933 : i32 to vector<128x128xi32>
        %select_n3A_935 = arith.select %gt3A_931, %broadcast_in_dim3A_934, %select_n3A_920 : vector<128x128xi1>, vector<128x128xi32>
        %get3A_936 = arith.index_cast %select_n3A_15 : i32 to index
        %get3A_937 = arith.constant 57 : index
        %get3A_938 = arith.constant 0 : index
        %get3A_939 = arith.constant 0 : index
        %get3A_940 = vector.load %arg5[%get3A_936, %get3A_937, %get3A_938, %get3A_939] : memref<2x79x128x128xf32, #tpu.memory_space<vmem>>, vector<1x1x128x128xf32>
        %get3A_941 = vector.shape_cast %get3A_940 : vector<1x1x128x128xf32> to vector<128x128xf32>
        %lt3A_942 = arith.cmpf olt, %get3A_941, %scan3A_76 : vector<128x128xf32>
        %jit3A_943 = arith.constant -3.000000e+38 : f32
        %broadcast_in_dim3A_944 = vector.broadcast %jit3A_943 : f32 to vector<128x128xf32>
        %select_n3A_945 = arith.select %lt3A_942, %get3A_941, %broadcast_in_dim3A_944 : vector<128x128xi1>, vector<128x128xf32>
        %gt3A_946 = arith.cmpf ogt, %select_n3A_945, %select_n3A_932 : vector<128x128xf32>
        %select_n3A_947 = arith.select %gt3A_946, %select_n3A_945, %select_n3A_932 : vector<128x128xi1>, vector<128x128xf32>
        %jit3A_948 = arith.constant 57 : i32
        %broadcast_in_dim3A_949 = vector.broadcast %jit3A_948 : i32 to vector<128x128xi32>
        %select_n3A_950 = arith.select %gt3A_946, %broadcast_in_dim3A_949, %select_n3A_935 : vector<128x128xi1>, vector<128x128xi32>
        %get3A_951 = arith.index_cast %select_n3A_15 : i32 to index
        %get3A_952 = arith.constant 58 : index
        %get3A_953 = arith.constant 0 : index
        %get3A_954 = arith.constant 0 : index
        %get3A_955 = vector.load %arg5[%get3A_951, %get3A_952, %get3A_953, %get3A_954] : memref<2x79x128x128xf32, #tpu.memory_space<vmem>>, vector<1x1x128x128xf32>
        %get3A_956 = vector.shape_cast %get3A_955 : vector<1x1x128x128xf32> to vector<128x128xf32>
        %lt3A_957 = arith.cmpf olt, %get3A_956, %scan3A_76 : vector<128x128xf32>
        %jit3A_958 = arith.constant -3.000000e+38 : f32
        %broadcast_in_dim3A_959 = vector.broadcast %jit3A_958 : f32 to vector<128x128xf32>
        %select_n3A_960 = arith.select %lt3A_957, %get3A_956, %broadcast_in_dim3A_959 : vector<128x128xi1>, vector<128x128xf32>
        %gt3A_961 = arith.cmpf ogt, %select_n3A_960, %select_n3A_947 : vector<128x128xf32>
        %select_n3A_962 = arith.select %gt3A_961, %select_n3A_960, %select_n3A_947 : vector<128x128xi1>, vector<128x128xf32>
        %jit3A_963 = arith.constant 58 : i32
        %broadcast_in_dim3A_964 = vector.broadcast %jit3A_963 : i32 to vector<128x128xi32>
        %select_n3A_965 = arith.select %gt3A_961, %broadcast_in_dim3A_964, %select_n3A_950 : vector<128x128xi1>, vector<128x128xi32>
        %get3A_966 = arith.index_cast %select_n3A_15 : i32 to index
        %get3A_967 = arith.constant 59 : index
        %get3A_968 = arith.constant 0 : index
        %get3A_969 = arith.constant 0 : index
        %get3A_970 = vector.load %arg5[%get3A_966, %get3A_967, %get3A_968, %get3A_969] : memref<2x79x128x128xf32, #tpu.memory_space<vmem>>, vector<1x1x128x128xf32>
        %get3A_971 = vector.shape_cast %get3A_970 : vector<1x1x128x128xf32> to vector<128x128xf32>
        %lt3A_972 = arith.cmpf olt, %get3A_971, %scan3A_76 : vector<128x128xf32>
        %jit3A_973 = arith.constant -3.000000e+38 : f32
        %broadcast_in_dim3A_974 = vector.broadcast %jit3A_973 : f32 to vector<128x128xf32>
        %select_n3A_975 = arith.select %lt3A_972, %get3A_971, %broadcast_in_dim3A_974 : vector<128x128xi1>, vector<128x128xf32>
        %gt3A_976 = arith.cmpf ogt, %select_n3A_975, %select_n3A_962 : vector<128x128xf32>
        %select_n3A_977 = arith.select %gt3A_976, %select_n3A_975, %select_n3A_962 : vector<128x128xi1>, vector<128x128xf32>
        %jit3A_978 = arith.constant 59 : i32
        %broadcast_in_dim3A_979 = vector.broadcast %jit3A_978 : i32 to vector<128x128xi32>
        %select_n3A_980 = arith.select %gt3A_976, %broadcast_in_dim3A_979, %select_n3A_965 : vector<128x128xi1>, vector<128x128xi32>
        %get3A_981 = arith.index_cast %select_n3A_15 : i32 to index
        %get3A_982 = arith.constant 60 : index
        %get3A_983 = arith.constant 0 : index
        %get3A_984 = arith.constant 0 : index
        %get3A_985 = vector.load %arg5[%get3A_981, %get3A_982, %get3A_983, %get3A_984] : memref<2x79x128x128xf32, #tpu.memory_space<vmem>>, vector<1x1x128x128xf32>
        %get3A_986 = vector.shape_cast %get3A_985 : vector<1x1x128x128xf32> to vector<128x128xf32>
        %lt3A_987 = arith.cmpf olt, %get3A_986, %scan3A_76 : vector<128x128xf32>
        %jit3A_988 = arith.constant -3.000000e+38 : f32
        %broadcast_in_dim3A_989 = vector.broadcast %jit3A_988 : f32 to vector<128x128xf32>
        %select_n3A_990 = arith.select %lt3A_987, %get3A_986, %broadcast_in_dim3A_989 : vector<128x128xi1>, vector<128x128xf32>
        %gt3A_991 = arith.cmpf ogt, %select_n3A_990, %select_n3A_977 : vector<128x128xf32>
        %select_n3A_992 = arith.select %gt3A_991, %select_n3A_990, %select_n3A_977 : vector<128x128xi1>, vector<128x128xf32>
        %jit3A_993 = arith.constant 60 : i32
        %broadcast_in_dim3A_994 = vector.broadcast %jit3A_993 : i32 to vector<128x128xi32>
        %select_n3A_995 = arith.select %gt3A_991, %broadcast_in_dim3A_994, %select_n3A_980 : vector<128x128xi1>, vector<128x128xi32>
        %get3A_996 = arith.index_cast %select_n3A_15 : i32 to index
        %get3A_997 = arith.constant 61 : index
        %get3A_998 = arith.constant 0 : index
        %get3A_999 = arith.constant 0 : index
        %get3A_1000 = vector.load %arg5[%get3A_996, %get3A_997, %get3A_998, %get3A_999] : memref<2x79x128x128xf32, #tpu.memory_space<vmem>>, vector<1x1x128x128xf32>
        %get3A_1001 = vector.shape_cast %get3A_1000 : vector<1x1x128x128xf32> to vector<128x128xf32>
        %lt3A_1002 = arith.cmpf olt, %get3A_1001, %scan3A_76 : vector<128x128xf32>
        %jit3A_1003 = arith.constant -3.000000e+38 : f32
        %broadcast_in_dim3A_1004 = vector.broadcast %jit3A_1003 : f32 to vector<128x128xf32>
        %select_n3A_1005 = arith.select %lt3A_1002, %get3A_1001, %broadcast_in_dim3A_1004 : vector<128x128xi1>, vector<128x128xf32>
        %gt3A_1006 = arith.cmpf ogt, %select_n3A_1005, %select_n3A_992 : vector<128x128xf32>
        %select_n3A_1007 = arith.select %gt3A_1006, %select_n3A_1005, %select_n3A_992 : vector<128x128xi1>, vector<128x128xf32>
        %jit3A_1008 = arith.constant 61 : i32
        %broadcast_in_dim3A_1009 = vector.broadcast %jit3A_1008 : i32 to vector<128x128xi32>
        %select_n3A_1010 = arith.select %gt3A_1006, %broadcast_in_dim3A_1009, %select_n3A_995 : vector<128x128xi1>, vector<128x128xi32>
        %get3A_1011 = arith.index_cast %select_n3A_15 : i32 to index
        %get3A_1012 = arith.constant 62 : index
        %get3A_1013 = arith.constant 0 : index
        %get3A_1014 = arith.constant 0 : index
        %get3A_1015 = vector.load %arg5[%get3A_1011, %get3A_1012, %get3A_1013, %get3A_1014] : memref<2x79x128x128xf32, #tpu.memory_space<vmem>>, vector<1x1x128x128xf32>
        %get3A_1016 = vector.shape_cast %get3A_1015 : vector<1x1x128x128xf32> to vector<128x128xf32>
        %lt3A_1017 = arith.cmpf olt, %get3A_1016, %scan3A_76 : vector<128x128xf32>
        %jit3A_1018 = arith.constant -3.000000e+38 : f32
        %broadcast_in_dim3A_1019 = vector.broadcast %jit3A_1018 : f32 to vector<128x128xf32>
        %select_n3A_1020 = arith.select %lt3A_1017, %get3A_1016, %broadcast_in_dim3A_1019 : vector<128x128xi1>, vector<128x128xf32>
        %gt3A_1021 = arith.cmpf ogt, %select_n3A_1020, %select_n3A_1007 : vector<128x128xf32>
        %select_n3A_1022 = arith.select %gt3A_1021, %select_n3A_1020, %select_n3A_1007 : vector<128x128xi1>, vector<128x128xf32>
        %jit3A_1023 = arith.constant 62 : i32
        %broadcast_in_dim3A_1024 = vector.broadcast %jit3A_1023 : i32 to vector<128x128xi32>
        %select_n3A_1025 = arith.select %gt3A_1021, %broadcast_in_dim3A_1024, %select_n3A_1010 : vector<128x128xi1>, vector<128x128xi32>
        %get3A_1026 = arith.index_cast %select_n3A_15 : i32 to index
        %get3A_1027 = arith.constant 63 : index
        %get3A_1028 = arith.constant 0 : index
        %get3A_1029 = arith.constant 0 : index
        %get3A_1030 = vector.load %arg5[%get3A_1026, %get3A_1027, %get3A_1028, %get3A_1029] : memref<2x79x128x128xf32, #tpu.memory_space<vmem>>, vector<1x1x128x128xf32>
        %get3A_1031 = vector.shape_cast %get3A_1030 : vector<1x1x128x128xf32> to vector<128x128xf32>
        %lt3A_1032 = arith.cmpf olt, %get3A_1031, %scan3A_76 : vector<128x128xf32>
        %jit3A_1033 = arith.constant -3.000000e+38 : f32
        %broadcast_in_dim3A_1034 = vector.broadcast %jit3A_1033 : f32 to vector<128x128xf32>
        %select_n3A_1035 = arith.select %lt3A_1032, %get3A_1031, %broadcast_in_dim3A_1034 : vector<128x128xi1>, vector<128x128xf32>
        %gt3A_1036 = arith.cmpf ogt, %select_n3A_1035, %select_n3A_1022 : vector<128x128xf32>
        %select_n3A_1037 = arith.select %gt3A_1036, %select_n3A_1035, %select_n3A_1022 : vector<128x128xi1>, vector<128x128xf32>
        %jit3A_1038 = arith.constant 63 : i32
        %broadcast_in_dim3A_1039 = vector.broadcast %jit3A_1038 : i32 to vector<128x128xi32>
        %select_n3A_1040 = arith.select %gt3A_1036, %broadcast_in_dim3A_1039, %select_n3A_1025 : vector<128x128xi1>, vector<128x128xi32>
        %get3A_1041 = arith.index_cast %select_n3A_15 : i32 to index
        %get3A_1042 = arith.constant 64 : index
        %get3A_1043 = arith.constant 0 : index
        %get3A_1044 = arith.constant 0 : index
        %get3A_1045 = vector.load %arg5[%get3A_1041, %get3A_1042, %get3A_1043, %get3A_1044] : memref<2x79x128x128xf32, #tpu.memory_space<vmem>>, vector<1x1x128x128xf32>
        %get3A_1046 = vector.shape_cast %get3A_1045 : vector<1x1x128x128xf32> to vector<128x128xf32>
        %lt3A_1047 = arith.cmpf olt, %get3A_1046, %scan3A_76 : vector<128x128xf32>
        %jit3A_1048 = arith.constant -3.000000e+38 : f32
        %broadcast_in_dim3A_1049 = vector.broadcast %jit3A_1048 : f32 to vector<128x128xf32>
        %select_n3A_1050 = arith.select %lt3A_1047, %get3A_1046, %broadcast_in_dim3A_1049 : vector<128x128xi1>, vector<128x128xf32>
        %gt3A_1051 = arith.cmpf ogt, %select_n3A_1050, %select_n3A_1037 : vector<128x128xf32>
        %select_n3A_1052 = arith.select %gt3A_1051, %select_n3A_1050, %select_n3A_1037 : vector<128x128xi1>, vector<128x128xf32>
        %jit3A_1053 = arith.constant 64 : i32
        %broadcast_in_dim3A_1054 = vector.broadcast %jit3A_1053 : i32 to vector<128x128xi32>
        %select_n3A_1055 = arith.select %gt3A_1051, %broadcast_in_dim3A_1054, %select_n3A_1040 : vector<128x128xi1>, vector<128x128xi32>
        %get3A_1056 = arith.index_cast %select_n3A_15 : i32 to index
        %get3A_1057 = arith.constant 65 : index
        %get3A_1058 = arith.constant 0 : index
        %get3A_1059 = arith.constant 0 : index
        %get3A_1060 = vector.load %arg5[%get3A_1056, %get3A_1057, %get3A_1058, %get3A_1059] : memref<2x79x128x128xf32, #tpu.memory_space<vmem>>, vector<1x1x128x128xf32>
        %get3A_1061 = vector.shape_cast %get3A_1060 : vector<1x1x128x128xf32> to vector<128x128xf32>
        %lt3A_1062 = arith.cmpf olt, %get3A_1061, %scan3A_76 : vector<128x128xf32>
        %jit3A_1063 = arith.constant -3.000000e+38 : f32
        %broadcast_in_dim3A_1064 = vector.broadcast %jit3A_1063 : f32 to vector<128x128xf32>
        %select_n3A_1065 = arith.select %lt3A_1062, %get3A_1061, %broadcast_in_dim3A_1064 : vector<128x128xi1>, vector<128x128xf32>
        %gt3A_1066 = arith.cmpf ogt, %select_n3A_1065, %select_n3A_1052 : vector<128x128xf32>
        %select_n3A_1067 = arith.select %gt3A_1066, %select_n3A_1065, %select_n3A_1052 : vector<128x128xi1>, vector<128x128xf32>
        %jit3A_1068 = arith.constant 65 : i32
        %broadcast_in_dim3A_1069 = vector.broadcast %jit3A_1068 : i32 to vector<128x128xi32>
        %select_n3A_1070 = arith.select %gt3A_1066, %broadcast_in_dim3A_1069, %select_n3A_1055 : vector<128x128xi1>, vector<128x128xi32>
        %get3A_1071 = arith.index_cast %select_n3A_15 : i32 to index
        %get3A_1072 = arith.constant 66 : index
        %get3A_1073 = arith.constant 0 : index
        %get3A_1074 = arith.constant 0 : index
        %get3A_1075 = vector.load %arg5[%get3A_1071, %get3A_1072, %get3A_1073, %get3A_1074] : memref<2x79x128x128xf32, #tpu.memory_space<vmem>>, vector<1x1x128x128xf32>
        %get3A_1076 = vector.shape_cast %get3A_1075 : vector<1x1x128x128xf32> to vector<128x128xf32>
        %lt3A_1077 = arith.cmpf olt, %get3A_1076, %scan3A_76 : vector<128x128xf32>
        %jit3A_1078 = arith.constant -3.000000e+38 : f32
        %broadcast_in_dim3A_1079 = vector.broadcast %jit3A_1078 : f32 to vector<128x128xf32>
        %select_n3A_1080 = arith.select %lt3A_1077, %get3A_1076, %broadcast_in_dim3A_1079 : vector<128x128xi1>, vector<128x128xf32>
        %gt3A_1081 = arith.cmpf ogt, %select_n3A_1080, %select_n3A_1067 : vector<128x128xf32>
        %select_n3A_1082 = arith.select %gt3A_1081, %select_n3A_1080, %select_n3A_1067 : vector<128x128xi1>, vector<128x128xf32>
        %jit3A_1083 = arith.constant 66 : i32
        %broadcast_in_dim3A_1084 = vector.broadcast %jit3A_1083 : i32 to vector<128x128xi32>
        %select_n3A_1085 = arith.select %gt3A_1081, %broadcast_in_dim3A_1084, %select_n3A_1070 : vector<128x128xi1>, vector<128x128xi32>
        %get3A_1086 = arith.index_cast %select_n3A_15 : i32 to index
        %get3A_1087 = arith.constant 67 : index
        %get3A_1088 = arith.constant 0 : index
        %get3A_1089 = arith.constant 0 : index
        %get3A_1090 = vector.load %arg5[%get3A_1086, %get3A_1087, %get3A_1088, %get3A_1089] : memref<2x79x128x128xf32, #tpu.memory_space<vmem>>, vector<1x1x128x128xf32>
        %get3A_1091 = vector.shape_cast %get3A_1090 : vector<1x1x128x128xf32> to vector<128x128xf32>
        %lt3A_1092 = arith.cmpf olt, %get3A_1091, %scan3A_76 : vector<128x128xf32>
        %jit3A_1093 = arith.constant -3.000000e+38 : f32
        %broadcast_in_dim3A_1094 = vector.broadcast %jit3A_1093 : f32 to vector<128x128xf32>
        %select_n3A_1095 = arith.select %lt3A_1092, %get3A_1091, %broadcast_in_dim3A_1094 : vector<128x128xi1>, vector<128x128xf32>
        %gt3A_1096 = arith.cmpf ogt, %select_n3A_1095, %select_n3A_1082 : vector<128x128xf32>
        %select_n3A_1097 = arith.select %gt3A_1096, %select_n3A_1095, %select_n3A_1082 : vector<128x128xi1>, vector<128x128xf32>
        %jit3A_1098 = arith.constant 67 : i32
        %broadcast_in_dim3A_1099 = vector.broadcast %jit3A_1098 : i32 to vector<128x128xi32>
        %select_n3A_1100 = arith.select %gt3A_1096, %broadcast_in_dim3A_1099, %select_n3A_1085 : vector<128x128xi1>, vector<128x128xi32>
        %get3A_1101 = arith.index_cast %select_n3A_15 : i32 to index
        %get3A_1102 = arith.constant 68 : index
        %get3A_1103 = arith.constant 0 : index
        %get3A_1104 = arith.constant 0 : index
        %get3A_1105 = vector.load %arg5[%get3A_1101, %get3A_1102, %get3A_1103, %get3A_1104] : memref<2x79x128x128xf32, #tpu.memory_space<vmem>>, vector<1x1x128x128xf32>
        %get3A_1106 = vector.shape_cast %get3A_1105 : vector<1x1x128x128xf32> to vector<128x128xf32>
        %lt3A_1107 = arith.cmpf olt, %get3A_1106, %scan3A_76 : vector<128x128xf32>
        %jit3A_1108 = arith.constant -3.000000e+38 : f32
        %broadcast_in_dim3A_1109 = vector.broadcast %jit3A_1108 : f32 to vector<128x128xf32>
        %select_n3A_1110 = arith.select %lt3A_1107, %get3A_1106, %broadcast_in_dim3A_1109 : vector<128x128xi1>, vector<128x128xf32>
        %gt3A_1111 = arith.cmpf ogt, %select_n3A_1110, %select_n3A_1097 : vector<128x128xf32>
        %select_n3A_1112 = arith.select %gt3A_1111, %select_n3A_1110, %select_n3A_1097 : vector<128x128xi1>, vector<128x128xf32>
        %jit3A_1113 = arith.constant 68 : i32
        %broadcast_in_dim3A_1114 = vector.broadcast %jit3A_1113 : i32 to vector<128x128xi32>
        %select_n3A_1115 = arith.select %gt3A_1111, %broadcast_in_dim3A_1114, %select_n3A_1100 : vector<128x128xi1>, vector<128x128xi32>
        %get3A_1116 = arith.index_cast %select_n3A_15 : i32 to index
        %get3A_1117 = arith.constant 69 : index
        %get3A_1118 = arith.constant 0 : index
        %get3A_1119 = arith.constant 0 : index
        %get3A_1120 = vector.load %arg5[%get3A_1116, %get3A_1117, %get3A_1118, %get3A_1119] : memref<2x79x128x128xf32, #tpu.memory_space<vmem>>, vector<1x1x128x128xf32>
        %get3A_1121 = vector.shape_cast %get3A_1120 : vector<1x1x128x128xf32> to vector<128x128xf32>
        %lt3A_1122 = arith.cmpf olt, %get3A_1121, %scan3A_76 : vector<128x128xf32>
        %jit3A_1123 = arith.constant -3.000000e+38 : f32
        %broadcast_in_dim3A_1124 = vector.broadcast %jit3A_1123 : f32 to vector<128x128xf32>
        %select_n3A_1125 = arith.select %lt3A_1122, %get3A_1121, %broadcast_in_dim3A_1124 : vector<128x128xi1>, vector<128x128xf32>
        %gt3A_1126 = arith.cmpf ogt, %select_n3A_1125, %select_n3A_1112 : vector<128x128xf32>
        %select_n3A_1127 = arith.select %gt3A_1126, %select_n3A_1125, %select_n3A_1112 : vector<128x128xi1>, vector<128x128xf32>
        %jit3A_1128 = arith.constant 69 : i32
        %broadcast_in_dim3A_1129 = vector.broadcast %jit3A_1128 : i32 to vector<128x128xi32>
        %select_n3A_1130 = arith.select %gt3A_1126, %broadcast_in_dim3A_1129, %select_n3A_1115 : vector<128x128xi1>, vector<128x128xi32>
        %get3A_1131 = arith.index_cast %select_n3A_15 : i32 to index
        %get3A_1132 = arith.constant 70 : index
        %get3A_1133 = arith.constant 0 : index
        %get3A_1134 = arith.constant 0 : index
        %get3A_1135 = vector.load %arg5[%get3A_1131, %get3A_1132, %get3A_1133, %get3A_1134] : memref<2x79x128x128xf32, #tpu.memory_space<vmem>>, vector<1x1x128x128xf32>
        %get3A_1136 = vector.shape_cast %get3A_1135 : vector<1x1x128x128xf32> to vector<128x128xf32>
        %lt3A_1137 = arith.cmpf olt, %get3A_1136, %scan3A_76 : vector<128x128xf32>
        %jit3A_1138 = arith.constant -3.000000e+38 : f32
        %broadcast_in_dim3A_1139 = vector.broadcast %jit3A_1138 : f32 to vector<128x128xf32>
        %select_n3A_1140 = arith.select %lt3A_1137, %get3A_1136, %broadcast_in_dim3A_1139 : vector<128x128xi1>, vector<128x128xf32>
        %gt3A_1141 = arith.cmpf ogt, %select_n3A_1140, %select_n3A_1127 : vector<128x128xf32>
        %select_n3A_1142 = arith.select %gt3A_1141, %select_n3A_1140, %select_n3A_1127 : vector<128x128xi1>, vector<128x128xf32>
        %jit3A_1143 = arith.constant 70 : i32
        %broadcast_in_dim3A_1144 = vector.broadcast %jit3A_1143 : i32 to vector<128x128xi32>
        %select_n3A_1145 = arith.select %gt3A_1141, %broadcast_in_dim3A_1144, %select_n3A_1130 : vector<128x128xi1>, vector<128x128xi32>
        %get3A_1146 = arith.index_cast %select_n3A_15 : i32 to index
        %get3A_1147 = arith.constant 71 : index
        %get3A_1148 = arith.constant 0 : index
        %get3A_1149 = arith.constant 0 : index
        %get3A_1150 = vector.load %arg5[%get3A_1146, %get3A_1147, %get3A_1148, %get3A_1149] : memref<2x79x128x128xf32, #tpu.memory_space<vmem>>, vector<1x1x128x128xf32>
        %get3A_1151 = vector.shape_cast %get3A_1150 : vector<1x1x128x128xf32> to vector<128x128xf32>
        %lt3A_1152 = arith.cmpf olt, %get3A_1151, %scan3A_76 : vector<128x128xf32>
        %jit3A_1153 = arith.constant -3.000000e+38 : f32
        %broadcast_in_dim3A_1154 = vector.broadcast %jit3A_1153 : f32 to vector<128x128xf32>
        %select_n3A_1155 = arith.select %lt3A_1152, %get3A_1151, %broadcast_in_dim3A_1154 : vector<128x128xi1>, vector<128x128xf32>
        %gt3A_1156 = arith.cmpf ogt, %select_n3A_1155, %select_n3A_1142 : vector<128x128xf32>
        %select_n3A_1157 = arith.select %gt3A_1156, %select_n3A_1155, %select_n3A_1142 : vector<128x128xi1>, vector<128x128xf32>
        %jit3A_1158 = arith.constant 71 : i32
        %broadcast_in_dim3A_1159 = vector.broadcast %jit3A_1158 : i32 to vector<128x128xi32>
        %select_n3A_1160 = arith.select %gt3A_1156, %broadcast_in_dim3A_1159, %select_n3A_1145 : vector<128x128xi1>, vector<128x128xi32>
        %get3A_1161 = arith.index_cast %select_n3A_15 : i32 to index
        %get3A_1162 = arith.constant 72 : index
        %get3A_1163 = arith.constant 0 : index
        %get3A_1164 = arith.constant 0 : index
        %get3A_1165 = vector.load %arg5[%get3A_1161, %get3A_1162, %get3A_1163, %get3A_1164] : memref<2x79x128x128xf32, #tpu.memory_space<vmem>>, vector<1x1x128x128xf32>
        %get3A_1166 = vector.shape_cast %get3A_1165 : vector<1x1x128x128xf32> to vector<128x128xf32>
        %lt3A_1167 = arith.cmpf olt, %get3A_1166, %scan3A_76 : vector<128x128xf32>
        %jit3A_1168 = arith.constant -3.000000e+38 : f32
        %broadcast_in_dim3A_1169 = vector.broadcast %jit3A_1168 : f32 to vector<128x128xf32>
        %select_n3A_1170 = arith.select %lt3A_1167, %get3A_1166, %broadcast_in_dim3A_1169 : vector<128x128xi1>, vector<128x128xf32>
        %gt3A_1171 = arith.cmpf ogt, %select_n3A_1170, %select_n3A_1157 : vector<128x128xf32>
        %select_n3A_1172 = arith.select %gt3A_1171, %select_n3A_1170, %select_n3A_1157 : vector<128x128xi1>, vector<128x128xf32>
        %jit3A_1173 = arith.constant 72 : i32
        %broadcast_in_dim3A_1174 = vector.broadcast %jit3A_1173 : i32 to vector<128x128xi32>
        %select_n3A_1175 = arith.select %gt3A_1171, %broadcast_in_dim3A_1174, %select_n3A_1160 : vector<128x128xi1>, vector<128x128xi32>
        %get3A_1176 = arith.index_cast %select_n3A_15 : i32 to index
        %get3A_1177 = arith.constant 73 : index
        %get3A_1178 = arith.constant 0 : index
        %get3A_1179 = arith.constant 0 : index
        %get3A_1180 = vector.load %arg5[%get3A_1176, %get3A_1177, %get3A_1178, %get3A_1179] : memref<2x79x128x128xf32, #tpu.memory_space<vmem>>, vector<1x1x128x128xf32>
        %get3A_1181 = vector.shape_cast %get3A_1180 : vector<1x1x128x128xf32> to vector<128x128xf32>
        %lt3A_1182 = arith.cmpf olt, %get3A_1181, %scan3A_76 : vector<128x128xf32>
        %jit3A_1183 = arith.constant -3.000000e+38 : f32
        %broadcast_in_dim3A_1184 = vector.broadcast %jit3A_1183 : f32 to vector<128x128xf32>
        %select_n3A_1185 = arith.select %lt3A_1182, %get3A_1181, %broadcast_in_dim3A_1184 : vector<128x128xi1>, vector<128x128xf32>
        %gt3A_1186 = arith.cmpf ogt, %select_n3A_1185, %select_n3A_1172 : vector<128x128xf32>
        %select_n3A_1187 = arith.select %gt3A_1186, %select_n3A_1185, %select_n3A_1172 : vector<128x128xi1>, vector<128x128xf32>
        %jit3A_1188 = arith.constant 73 : i32
        %broadcast_in_dim3A_1189 = vector.broadcast %jit3A_1188 : i32 to vector<128x128xi32>
        %select_n3A_1190 = arith.select %gt3A_1186, %broadcast_in_dim3A_1189, %select_n3A_1175 : vector<128x128xi1>, vector<128x128xi32>
        %get3A_1191 = arith.index_cast %select_n3A_15 : i32 to index
        %get3A_1192 = arith.constant 74 : index
        %get3A_1193 = arith.constant 0 : index
        %get3A_1194 = arith.constant 0 : index
        %get3A_1195 = vector.load %arg5[%get3A_1191, %get3A_1192, %get3A_1193, %get3A_1194] : memref<2x79x128x128xf32, #tpu.memory_space<vmem>>, vector<1x1x128x128xf32>
        %get3A_1196 = vector.shape_cast %get3A_1195 : vector<1x1x128x128xf32> to vector<128x128xf32>
        %lt3A_1197 = arith.cmpf olt, %get3A_1196, %scan3A_76 : vector<128x128xf32>
        %jit3A_1198 = arith.constant -3.000000e+38 : f32
        %broadcast_in_dim3A_1199 = vector.broadcast %jit3A_1198 : f32 to vector<128x128xf32>
        %select_n3A_1200 = arith.select %lt3A_1197, %get3A_1196, %broadcast_in_dim3A_1199 : vector<128x128xi1>, vector<128x128xf32>
        %gt3A_1201 = arith.cmpf ogt, %select_n3A_1200, %select_n3A_1187 : vector<128x128xf32>
        %select_n3A_1202 = arith.select %gt3A_1201, %select_n3A_1200, %select_n3A_1187 : vector<128x128xi1>, vector<128x128xf32>
        %jit3A_1203 = arith.constant 74 : i32
        %broadcast_in_dim3A_1204 = vector.broadcast %jit3A_1203 : i32 to vector<128x128xi32>
        %select_n3A_1205 = arith.select %gt3A_1201, %broadcast_in_dim3A_1204, %select_n3A_1190 : vector<128x128xi1>, vector<128x128xi32>
        %get3A_1206 = arith.index_cast %select_n3A_15 : i32 to index
        %get3A_1207 = arith.constant 75 : index
        %get3A_1208 = arith.constant 0 : index
        %get3A_1209 = arith.constant 0 : index
        %get3A_1210 = vector.load %arg5[%get3A_1206, %get3A_1207, %get3A_1208, %get3A_1209] : memref<2x79x128x128xf32, #tpu.memory_space<vmem>>, vector<1x1x128x128xf32>
        %get3A_1211 = vector.shape_cast %get3A_1210 : vector<1x1x128x128xf32> to vector<128x128xf32>
        %lt3A_1212 = arith.cmpf olt, %get3A_1211, %scan3A_76 : vector<128x128xf32>
        %jit3A_1213 = arith.constant -3.000000e+38 : f32
        %broadcast_in_dim3A_1214 = vector.broadcast %jit3A_1213 : f32 to vector<128x128xf32>
        %select_n3A_1215 = arith.select %lt3A_1212, %get3A_1211, %broadcast_in_dim3A_1214 : vector<128x128xi1>, vector<128x128xf32>
        %gt3A_1216 = arith.cmpf ogt, %select_n3A_1215, %select_n3A_1202 : vector<128x128xf32>
        %select_n3A_1217 = arith.select %gt3A_1216, %select_n3A_1215, %select_n3A_1202 : vector<128x128xi1>, vector<128x128xf32>
        %jit3A_1218 = arith.constant 75 : i32
        %broadcast_in_dim3A_1219 = vector.broadcast %jit3A_1218 : i32 to vector<128x128xi32>
        %select_n3A_1220 = arith.select %gt3A_1216, %broadcast_in_dim3A_1219, %select_n3A_1205 : vector<128x128xi1>, vector<128x128xi32>
        %get3A_1221 = arith.index_cast %select_n3A_15 : i32 to index
        %get3A_1222 = arith.constant 76 : index
        %get3A_1223 = arith.constant 0 : index
        %get3A_1224 = arith.constant 0 : index
        %get3A_1225 = vector.load %arg5[%get3A_1221, %get3A_1222, %get3A_1223, %get3A_1224] : memref<2x79x128x128xf32, #tpu.memory_space<vmem>>, vector<1x1x128x128xf32>
        %get3A_1226 = vector.shape_cast %get3A_1225 : vector<1x1x128x128xf32> to vector<128x128xf32>
        %lt3A_1227 = arith.cmpf olt, %get3A_1226, %scan3A_76 : vector<128x128xf32>
        %jit3A_1228 = arith.constant -3.000000e+38 : f32
        %broadcast_in_dim3A_1229 = vector.broadcast %jit3A_1228 : f32 to vector<128x128xf32>
        %select_n3A_1230 = arith.select %lt3A_1227, %get3A_1226, %broadcast_in_dim3A_1229 : vector<128x128xi1>, vector<128x128xf32>
        %gt3A_1231 = arith.cmpf ogt, %select_n3A_1230, %select_n3A_1217 : vector<128x128xf32>
        %select_n3A_1232 = arith.select %gt3A_1231, %select_n3A_1230, %select_n3A_1217 : vector<128x128xi1>, vector<128x128xf32>
        %jit3A_1233 = arith.constant 76 : i32
        %broadcast_in_dim3A_1234 = vector.broadcast %jit3A_1233 : i32 to vector<128x128xi32>
        %select_n3A_1235 = arith.select %gt3A_1231, %broadcast_in_dim3A_1234, %select_n3A_1220 : vector<128x128xi1>, vector<128x128xi32>
        %get3A_1236 = arith.index_cast %select_n3A_15 : i32 to index
        %get3A_1237 = arith.constant 77 : index
        %get3A_1238 = arith.constant 0 : index
        %get3A_1239 = arith.constant 0 : index
        %get3A_1240 = vector.load %arg5[%get3A_1236, %get3A_1237, %get3A_1238, %get3A_1239] : memref<2x79x128x128xf32, #tpu.memory_space<vmem>>, vector<1x1x128x128xf32>
        %get3A_1241 = vector.shape_cast %get3A_1240 : vector<1x1x128x128xf32> to vector<128x128xf32>
        %lt3A_1242 = arith.cmpf olt, %get3A_1241, %scan3A_76 : vector<128x128xf32>
        %jit3A_1243 = arith.constant -3.000000e+38 : f32
        %broadcast_in_dim3A_1244 = vector.broadcast %jit3A_1243 : f32 to vector<128x128xf32>
        %select_n3A_1245 = arith.select %lt3A_1242, %get3A_1241, %broadcast_in_dim3A_1244 : vector<128x128xi1>, vector<128x128xf32>
        %gt3A_1246 = arith.cmpf ogt, %select_n3A_1245, %select_n3A_1232 : vector<128x128xf32>
        %select_n3A_1247 = arith.select %gt3A_1246, %select_n3A_1245, %select_n3A_1232 : vector<128x128xi1>, vector<128x128xf32>
        %jit3A_1248 = arith.constant 77 : i32
        %broadcast_in_dim3A_1249 = vector.broadcast %jit3A_1248 : i32 to vector<128x128xi32>
        %select_n3A_1250 = arith.select %gt3A_1246, %broadcast_in_dim3A_1249, %select_n3A_1235 : vector<128x128xi1>, vector<128x128xi32>
        %get3A_1251 = arith.index_cast %select_n3A_15 : i32 to index
        %get3A_1252 = arith.constant 78 : index
        %get3A_1253 = arith.constant 0 : index
        %get3A_1254 = arith.constant 0 : index
        %get3A_1255 = vector.load %arg5[%get3A_1251, %get3A_1252, %get3A_1253, %get3A_1254] : memref<2x79x128x128xf32, #tpu.memory_space<vmem>>, vector<1x1x128x128xf32>
        %get3A_1256 = vector.shape_cast %get3A_1255 : vector<1x1x128x128xf32> to vector<128x128xf32>
        %lt3A_1257 = arith.cmpf olt, %get3A_1256, %scan3A_76 : vector<128x128xf32>
        %jit3A_1258 = arith.constant -3.000000e+38 : f32
        %broadcast_in_dim3A_1259 = vector.broadcast %jit3A_1258 : f32 to vector<128x128xf32>
        %select_n3A_1260 = arith.select %lt3A_1257, %get3A_1256, %broadcast_in_dim3A_1259 : vector<128x128xi1>, vector<128x128xf32>
        %gt3A_1261 = arith.cmpf ogt, %select_n3A_1260, %select_n3A_1247 : vector<128x128xf32>
        %select_n3A_1262 = arith.select %gt3A_1261, %select_n3A_1260, %select_n3A_1247 : vector<128x128xi1>, vector<128x128xf32>
        %jit3A_1263 = arith.constant 78 : i32
        %broadcast_in_dim3A_1264 = vector.broadcast %jit3A_1263 : i32 to vector<128x128xi32>
        %select_n3A_1265 = arith.select %gt3A_1261, %broadcast_in_dim3A_1264, %select_n3A_1250 : vector<128x128xi1>, vector<128x128xi32>
        %swap3A_1266 = arith.index_cast %scan3A_75 : i32 to index
        %swap3A_1267 = arith.constant 0 : index
        %swap3A_1268 = arith.constant 0 : index
        %swap3A_1269 = vector.load %arg6[%swap3A_1266, %swap3A_1267, %swap3A_1268] : memref<6x128x128xf32, #tpu.memory_space<vmem>>, vector<1x128x128xf32>
        %swap3A_1270 = vector.shape_cast %swap3A_1269 : vector<1x128x128xf32> to vector<128x128xf32>
        %swap3A_1271 = vector.shape_cast %select_n3A_1262 : vector<128x128xf32> to vector<1x128x128xf32>
        tpu.vector_store %arg6[%swap3A_1266, %swap3A_1267, %swap3A_1268], %swap3A_1271 {strides = array<i32>} : memref<6x128x128xf32, #tpu.memory_space<vmem>>, vector<1x128x128xf32>,
        %mul3A_1272 = arith.constant 128 : i32
        %mul3A_1273 = vector.broadcast %mul3A_1272 : i32 to vector<128x128xi32>
        %mul3A_1274 = arith.muli %select_n3A_1265, %mul3A_1273 : vector<128x128xi32>
        %add3A_1275 = arith.addi %mul3A_1274, %iota3A : vector<128x128xi32>
        %swap3A_1276 = arith.index_cast %scan3A_75 : i32 to index
        %swap3A_1277 = arith.constant 0 : index
        %swap3A_1278 = arith.constant 0 : index
        %swap3A_1279 = vector.load %arg7[%swap3A_1276, %swap3A_1277, %swap3A_1278] : memref<6x128x128xi32, #tpu.memory_space<vmem>>, vector<1x128x128xi32>
        %swap3A_1280 = vector.shape_cast %swap3A_1279 : vector<1x128x128xi32> to vector<128x128xi32>
        %swap3A_1281 = vector.shape_cast %add3A_1275 : vector<128x128xi32> to vector<1x128x128xi32>
        tpu.vector_store %arg7[%swap3A_1276, %swap3A_1277, %swap3A_1278], %swap3A_1281 {strides = array<i32>} : memref<6x128x128xi32, #tpu.memory_space<vmem>>, vector<1x128x128xi32>,
        scf.yield %select_n3A_1262 : vector<128x128xf32>
      }
      %scan3A_43 = arith.constant 5 : i32
      %broadcast_in_dim3A = arith.constant 0 : i32
      %broadcast_in_dim3A_44 = vector.broadcast %broadcast_in_dim3A : i32 to vector<128x128xi32>
      %broadcast_in_dim3A_45 = arith.constant 0.000000e+00 : f32
      %broadcast_in_dim3A_46 = vector.broadcast %broadcast_in_dim3A_45 : f32 to vector<128x128xf32>
      %broadcast_in_dim3A_47 = arith.constant 0 : i32
      %broadcast_in_dim3A_48 = vector.broadcast %broadcast_in_dim3A_47 : i32 to vector<128x128xi32>
      %scan3A_49 = arith.constant 0 : i32
      %scan3A_50 = arith.constant 33 : i32
      %scan3A_51 = arith.addi %scan3A_49, %scan3A_50 : i32
      %scan3A_52 = arith.constant 1 : i32
      %scan3A_53:3 = scf.for %scan3A_75 = %scan3A_49 to %scan3A_51 step %scan3A_52 iter_args(%scan3A_76 = %broadcast_in_dim3A_44, %scan3A_77 = %broadcast_in_dim3A_46, %scan3A_78 = %broadcast_in_dim3A_48) -> (vector<128x128xi32>, vector<128x128xf32>, vector<128x128xi32>)  : i32 {
        %broadcast_in_dim3A_79 = arith.constant -3.000000e+38 : f32
        %broadcast_in_dim3A_80 = vector.broadcast %broadcast_in_dim3A_79 : f32 to vector<128x128xf32>
        %broadcast_in_dim3A_81 = arith.constant 1073741824 : i32
        %broadcast_in_dim3A_82 = vector.broadcast %broadcast_in_dim3A_81 : i32 to vector<128x128xi32>
        %eq3A_83 = arith.constant 0 : i32
        %eq3A_84 = vector.broadcast %eq3A_83 : i32 to vector<128x128xi32>
        %eq3A_85 = arith.cmpi eq, %scan3A_76, %eq3A_84 : vector<128x128xi32>
        %get3A_86 = arith.constant 0 : index
        %get3A_87 = arith.constant 0 : index
        %get3A_88 = arith.constant 0 : index
        %get3A_89 = vector.load %arg6[%get3A_86, %get3A_87, %get3A_88] : memref<6x128x128xf32, #tpu.memory_space<vmem>>, vector<1x128x128xf32>
        %get3A_90 = vector.shape_cast %get3A_89 : vector<1x128x128xf32> to vector<128x128xf32>
        %select_n3A_91 = arith.select %eq3A_85, %get3A_90, %broadcast_in_dim3A_80 : vector<128x128xi1>, vector<128x128xf32>
        %get3A_92 = arith.constant 0 : index
        %get3A_93 = arith.constant 0 : index
        %get3A_94 = arith.constant 0 : index
        %get3A_95 = vector.load %arg7[%get3A_92, %get3A_93, %get3A_94] : memref<6x128x128xi32, #tpu.memory_space<vmem>>, vector<1x128x128xi32>
        %get3A_96 = vector.shape_cast %get3A_95 : vector<1x128x128xi32> to vector<128x128xi32>
        %select_n3A_97 = arith.select %eq3A_85, %get3A_96, %broadcast_in_dim3A_82 : vector<128x128xi1>, vector<128x128xi32>
        %eq3A_98 = arith.constant 1 : i32
        %eq3A_99 = vector.broadcast %eq3A_98 : i32 to vector<128x128xi32>
        %eq3A_100 = arith.cmpi eq, %scan3A_76, %eq3A_99 : vector<128x128xi32>
        %get3A_101 = arith.constant 1 : index
        %get3A_102 = arith.constant 0 : index
        %get3A_103 = arith.constant 0 : index
        %get3A_104 = vector.load %arg6[%get3A_101, %get3A_102, %get3A_103] : memref<6x128x128xf32, #tpu.memory_space<vmem>>, vector<1x128x128xf32>
        %get3A_105 = vector.shape_cast %get3A_104 : vector<1x128x128xf32> to vector<128x128xf32>
        %select_n3A_106 = arith.select %eq3A_100, %get3A_105, %select_n3A_91 : vector<128x128xi1>, vector<128x128xf32>
        %get3A_107 = arith.constant 1 : index
        %get3A_108 = arith.constant 0 : index
        %get3A_109 = arith.constant 0 : index
        %get3A_110 = vector.load %arg7[%get3A_107, %get3A_108, %get3A_109] : memref<6x128x128xi32, #tpu.memory_space<vmem>>, vector<1x128x128xi32>
        %get3A_111 = vector.shape_cast %get3A_110 : vector<1x128x128xi32> to vector<128x128xi32>
        %select_n3A_112 = arith.select %eq3A_100, %get3A_111, %select_n3A_97 : vector<128x128xi1>, vector<128x128xi32>
        %eq3A_113 = arith.constant 2 : i32
        %eq3A_114 = vector.broadcast %eq3A_113 : i32 to vector<128x128xi32>
        %eq3A_115 = arith.cmpi eq, %scan3A_76, %eq3A_114 : vector<128x128xi32>
        %get3A_116 = arith.constant 2 : index
        %get3A_117 = arith.constant 0 : index
        %get3A_118 = arith.constant 0 : index
        %get3A_119 = vector.load %arg6[%get3A_116, %get3A_117, %get3A_118] : memref<6x128x128xf32, #tpu.memory_space<vmem>>, vector<1x128x128xf32>
        %get3A_120 = vector.shape_cast %get3A_119 : vector<1x128x128xf32> to vector<128x128xf32>
        %select_n3A_121 = arith.select %eq3A_115, %get3A_120, %select_n3A_106 : vector<128x128xi1>, vector<128x128xf32>
        %get3A_122 = arith.constant 2 : index
        %get3A_123 = arith.constant 0 : index
        %get3A_124 = arith.constant 0 : index
        %get3A_125 = vector.load %arg7[%get3A_122, %get3A_123, %get3A_124] : memref<6x128x128xi32, #tpu.memory_space<vmem>>, vector<1x128x128xi32>
        %get3A_126 = vector.shape_cast %get3A_125 : vector<1x128x128xi32> to vector<128x128xi32>
        %select_n3A_127 = arith.select %eq3A_115, %get3A_126, %select_n3A_112 : vector<128x128xi1>, vector<128x128xi32>
        %eq3A_128 = arith.constant 3 : i32
        %eq3A_129 = vector.broadcast %eq3A_128 : i32 to vector<128x128xi32>
        %eq3A_130 = arith.cmpi eq, %scan3A_76, %eq3A_129 : vector<128x128xi32>
        %get3A_131 = arith.constant 3 : index
        %get3A_132 = arith.constant 0 : index
        %get3A_133 = arith.constant 0 : index
        %get3A_134 = vector.load %arg6[%get3A_131, %get3A_132, %get3A_133] : memref<6x128x128xf32, #tpu.memory_space<vmem>>, vector<1x128x128xf32>
        %get3A_135 = vector.shape_cast %get3A_134 : vector<1x128x128xf32> to vector<128x128xf32>
        %select_n3A_136 = arith.select %eq3A_130, %get3A_135, %select_n3A_121 : vector<128x128xi1>, vector<128x128xf32>
        %get3A_137 = arith.constant 3 : index
        %get3A_138 = arith.constant 0 : index
        %get3A_139 = arith.constant 0 : index
        %get3A_140 = vector.load %arg7[%get3A_137, %get3A_138, %get3A_139] : memref<6x128x128xi32, #tpu.memory_space<vmem>>, vector<1x128x128xi32>
        %get3A_141 = vector.shape_cast %get3A_140 : vector<1x128x128xi32> to vector<128x128xi32>
        %select_n3A_142 = arith.select %eq3A_130, %get3A_141, %select_n3A_127 : vector<128x128xi1>, vector<128x128xi32>
        %eq3A_143 = arith.constant 4 : i32
        %eq3A_144 = vector.broadcast %eq3A_143 : i32 to vector<128x128xi32>
        %eq3A_145 = arith.cmpi eq, %scan3A_76, %eq3A_144 : vector<128x128xi32>
        %get3A_146 = arith.constant 4 : index
        %get3A_147 = arith.constant 0 : index
        %get3A_148 = arith.constant 0 : index
        %get3A_149 = vector.load %arg6[%get3A_146, %get3A_147, %get3A_148] : memref<6x128x128xf32, #tpu.memory_space<vmem>>, vector<1x128x128xf32>
        %get3A_150 = vector.shape_cast %get3A_149 : vector<1x128x128xf32> to vector<128x128xf32>
        %select_n3A_151 = arith.select %eq3A_145, %get3A_150, %select_n3A_136 : vector<128x128xi1>, vector<128x128xf32>
        %get3A_152 = arith.constant 4 : index
        %get3A_153 = arith.constant 0 : index
        %get3A_154 = arith.constant 0 : index
        %get3A_155 = vector.load %arg7[%get3A_152, %get3A_153, %get3A_154] : memref<6x128x128xi32, #tpu.memory_space<vmem>>, vector<1x128x128xi32>
        %get3A_156 = vector.shape_cast %get3A_155 : vector<1x128x128xi32> to vector<128x128xi32>
        %select_n3A_157 = arith.select %eq3A_145, %get3A_156, %select_n3A_142 : vector<128x128xi1>, vector<128x128xi32>
        %eq3A_158 = arith.constant 5 : i32
        %eq3A_159 = vector.broadcast %eq3A_158 : i32 to vector<128x128xi32>
        %eq3A_160 = arith.cmpi eq, %scan3A_76, %eq3A_159 : vector<128x128xi32>
        %get3A_161 = arith.constant 5 : index
        %get3A_162 = arith.constant 0 : index
        %get3A_163 = arith.constant 0 : index
        %get3A_164 = vector.load %arg6[%get3A_161, %get3A_162, %get3A_163] : memref<6x128x128xf32, #tpu.memory_space<vmem>>, vector<1x128x128xf32>
        %get3A_165 = vector.shape_cast %get3A_164 : vector<1x128x128xf32> to vector<128x128xf32>
        %select_n3A_166 = arith.select %eq3A_160, %get3A_165, %select_n3A_151 : vector<128x128xi1>, vector<128x128xf32>
        %get3A_167 = arith.constant 5 : index
        %get3A_168 = arith.constant 0 : index
        %get3A_169 = arith.constant 0 : index
        %get3A_170 = vector.load %arg7[%get3A_167, %get3A_168, %get3A_169] : memref<6x128x128xi32, #tpu.memory_space<vmem>>, vector<1x128x128xi32>
        %get3A_171 = vector.shape_cast %get3A_170 : vector<1x128x128xi32> to vector<128x128xi32>
        %select_n3A_172 = arith.select %eq3A_160, %get3A_171, %select_n3A_157 : vector<128x128xi1>, vector<128x128xi32>
        %reduce_max3A = arith.constant dense<0xFF800000> : vector<128xf32>
        %reduce_max3A_173 = vector.multi_reduction <maximumf>, %select_n3A_166, %reduce_max3A [1] : vector<128x128xf32> to vector<128xf32>
        %broadcast_in_dim3A_174 = vector.shape_cast %reduce_max3A_173 : vector<128xf32> to vector<128x1xf32>
        %eq3A_175 = vector.broadcast %broadcast_in_dim3A_174 : vector<128x1xf32> to vector<128x128xf32>
        %eq3A_176 = arith.cmpf oeq, %select_n3A_166, %eq3A_175 : vector<128x128xf32>
        %jit3A_177 = arith.constant 1073741824 : i32
        %broadcast_in_dim3A_178 = vector.broadcast %jit3A_177 : i32 to vector<128x128xi32>
        %select_n3A_179 = arith.select %eq3A_176, %select_n3A_172, %broadcast_in_dim3A_178 : vector<128x128xi1>, vector<128x128xi32>
        %reduce_min3A = arith.constant dense<2147483647> : vector<128xi32>
        %reduce_min3A_180 = vector.multi_reduction <minsi>, %select_n3A_179, %reduce_min3A [1] : vector<128x128xi32> to vector<128xi32>
        %broadcast_in_dim3A_181 = vector.shape_cast %reduce_min3A_180 : vector<128xi32> to vector<128x1xi32>
        %eq3A_182 = vector.broadcast %broadcast_in_dim3A_174 : vector<128x1xf32> to vector<128x128xf32>
        %eq3A_183 = arith.cmpf oeq, %select_n3A_166, %eq3A_182 : vector<128x128xf32>
        %eq3A_184 = vector.broadcast %broadcast_in_dim3A_181 : vector<128x1xi32> to vector<128x128xi32>
        %eq3A_185 = arith.cmpi eq, %select_n3A_172, %eq3A_184 : vector<128x128xi32>
        %and3A_186 = arith.andi %eq3A_183, %eq3A_185 : vector<128x128xi1>
        %convert_element_type3A_187 = arith.extui %and3A_186 : vector<128x128xi1> to vector<128x128xi32>
        %add3A_188 = arith.addi %scan3A_76, %convert_element_type3A_187 : vector<128x128xi32>
        %eq3A_189 = vector.broadcast %scan3A_75 : i32 to vector<128x128xi32>
        %eq3A_190 = arith.cmpi eq, %iota3A, %eq3A_189 : vector<128x128xi32>
        %broadcast_in_dim3A_191 = vector.shape_cast %broadcast_in_dim3A_174 : vector<128x1xf32> to vector<128x1xf32>
        %broadcast_in_dim3A_192 = vector.broadcast %broadcast_in_dim3A_191 : vector<128x1xf32> to vector<128x128xf32>
        %select_n3A_193 = arith.select %eq3A_190, %broadcast_in_dim3A_192, %scan3A_77 : vector<128x128xi1>, vector<128x128xf32>
        %eq3A_194 = vector.broadcast %scan3A_75 : i32 to vector<128x128xi32>
        %eq3A_195 = arith.cmpi eq, %iota3A, %eq3A_194 : vector<128x128xi32>
        %broadcast_in_dim3A_196 = vector.shape_cast %broadcast_in_dim3A_181 : vector<128x1xi32> to vector<128x1xi32>
        %broadcast_in_dim3A_197 = vector.broadcast %broadcast_in_dim3A_196 : vector<128x1xi32> to vector<128x128xi32>
        %select_n3A_198 = arith.select %eq3A_195, %broadcast_in_dim3A_197, %scan3A_78 : vector<128x128xi1>, vector<128x128xi32>
        scf.yield %add3A_188, %select_n3A_193, %select_n3A_198 : vector<128x128xi32>, vector<128x128xf32>, vector<128x128xi32>
      }
      %scan3A_54 = arith.constant 33 : i32
      %lt3A_55 = arith.constant 33 : i32
      %lt3A_56 = vector.broadcast %lt3A_55 : i32 to vector<128x128xi32>
      %lt3A_57 = arith.cmpi slt, %iota3A, %lt3A_56 : vector<128x128xi32>
      %jit3A_58 = arith.constant 0.000000e+00 : f32
      %broadcast_in_dim3A_59 = vector.broadcast %jit3A_58 : f32 to vector<128x128xf32>
      %select_n3A_60 = arith.select %lt3A_57, %scan3A_53#1, %broadcast_in_dim3A_59 : vector<128x128xi1>, vector<128x128xf32>
      %reduce_sum3A = arith.constant dense<0.000000e+00> : vector<128xf32>
      %reduce_sum3A_61 = vector.multi_reduction <add>, %select_n3A_60, %reduce_sum3A [1] : vector<128x128xf32> to vector<128xf32>
      %broadcast_in_dim3A_62 = vector.shape_cast %reduce_sum3A_61 : vector<128xf32> to vector<128x1xf32>
      %eq3A_63 = arith.constant 33 : i32
      %eq3A_64 = vector.broadcast %eq3A_63 : i32 to vector<128x128xi32>
      %eq3A_65 = arith.cmpi eq, %iota3A, %eq3A_64 : vector<128x128xi32>
      %broadcast_in_dim3A_66 = vector.shape_cast %broadcast_in_dim3A_62 : vector<128x1xf32> to vector<128x1xf32>
      %broadcast_in_dim3A_67 = vector.broadcast %broadcast_in_dim3A_66 : vector<128x1xf32> to vector<128x128xf32>
      %select_n3A_68 = arith.select %eq3A_65, %broadcast_in_dim3A_67, %scan3A_53#1 : vector<128x128xi1>, vector<128x128xf32>
      %swap3A_69 = arith.constant 0 : index
      %swap3A_70 = arith.constant 0 : index
      %swap3A_71 = vector.load %arg3[%swap3A_69, %swap3A_70] : memref<128x128xf32, #tpu.memory_space<vmem>>, vector<128x128xf32>
      tpu.vector_store %arg3[%swap3A_69, %swap3A_70], %select_n3A_68 {strides = array<i32>} : memref<128x128xf32, #tpu.memory_space<vmem>>, vector<128x128xf32>,
      %swap3A_72 = arith.constant 0 : index
      %swap3A_73 = arith.constant 0 : index
      %swap3A_74 = vector.load %arg4[%swap3A_72, %swap3A_73] : memref<128x128xi32, #tpu.memory_space<vmem>>, vector<128x128xi32>
      tpu.vector_store %arg4[%swap3A_72, %swap3A_73], %scan3A_53#2 {strides = array<i32>} : memref<128x128xi32, #tpu.memory_space<vmem>>, vector<128x128xi32>,
    } else {
    }
    return
  }
  func.func @transform_0(%arg0: i32) -> (i32, i32) {
    %min3A = arith.constant 78 : i32
    %min3A_0 = arith.minsi %arg0, %min3A : i32
    %c0_i32 = arith.constant 0 : i32
    %c0_i32_1 = arith.constant 0 : i32
    return %min3A_0, %c0_i32 : i32, i32
  }
  func.func @transform_1(%arg0: i32) -> (i32, i32) {
    %c0_i32 = arith.constant 0 : i32
    %c0_i32_0 = arith.constant 0 : i32
    %c0_i32_1 = arith.constant 0 : i32
    return %c0_i32, %c0_i32_0 : i32, i32
  }
  func.func @transform_2(%arg0: i32) -> (i32, i32) {
    %sub3A = arith.constant 1 : i32
    %sub3A_0 = arith.subi %arg0, %sub3A : i32
    %max3A = arith.constant 0 : i32
    %max3A_1 = arith.maxsi %sub3A_0, %max3A : i32
    %c0_i32 = arith.constant 0 : i32
    %c0_i32_2 = arith.constant 0 : i32
    return %max3A_1, %c0_i32 : i32, i32
  }
  func.func @transform_3(%arg0: i32) -> (i32, i32) {
    %sub3A = arith.constant 1 : i32
    %sub3A_0 = arith.subi %arg0, %sub3A : i32
    %max3A = arith.constant 0 : i32
    %max3A_1 = arith.maxsi %sub3A_0, %max3A : i32
    %c0_i32 = arith.constant 0 : i32
    %c0_i32_2 = arith.constant 0 : i32
    return %max3A_1, %c0_i32 : i32, i32
  }
}

module attributes {stable_mosaic.version = 14 : i64} {
  func.func @_inv_body(%arg0: memref<80x128xf32, #tpu.memory_space<vmem>>, %arg1: memref<80x128xf32, #tpu.memory_space<vmem>>, %arg2: memref<80x128xf32, #tpu.memory_space<vmem>>, %arg3: memref<80x128xf32, #tpu.memory_space<vmem>>) attributes {dimension_semantics = [], scalar_prefetch = 0 : i64, scratch_operands = 0 : i64, tpu.core_type = #tpu.core_type<tc>} {
    %get3A = arith.constant 0 : index
    %get3A_0 = arith.constant 0 : index
    %get3A_1 = vector.load %arg0[%get3A, %get3A_0] : memref<80x128xf32, #tpu.memory_space<vmem>>, vector<80x128xf32>
    %get3A_2 = arith.constant 0 : index
    %get3A_3 = arith.constant 0 : index
    %get3A_4 = vector.load %arg1[%get3A_2, %get3A_3] : memref<80x128xf32, #tpu.memory_space<vmem>>, vector<80x128xf32>
    %add3A = arith.addf %get3A_1, %get3A_4 : vector<80x128xf32>
    %get3A_5 = arith.constant 0 : index
    %get3A_6 = arith.constant 0 : index
    %get3A_7 = vector.load %arg2[%get3A_5, %get3A_6] : memref<80x128xf32, #tpu.memory_space<vmem>>, vector<80x128xf32>
    %add3A_8 = arith.addf %add3A, %get3A_7 : vector<80x128xf32>
    %rsqrt3A = math.rsqrt %add3A_8 : vector<80x128xf32>
    %swap3A = arith.constant 0 : index
    %swap3A_9 = arith.constant 0 : index
    %swap3A_10 = vector.load %arg3[%swap3A, %swap3A_9] : memref<80x128xf32, #tpu.memory_space<vmem>>, vector<80x128xf32>
    tpu.vector_store %arg3[%swap3A, %swap3A_9], %rsqrt3A {strides = array<i32>} : memref<80x128xf32, #tpu.memory_space<vmem>>, vector<80x128xf32>,
    return
  }
}

</mosaic_0001>

<sc_bundles>
// kernel: kernel.10.cloned.1.call-start
scs
__scs_entry_jumppad:
0x0: {  	(pc) =	sbr.rel $0x88, $3  }
0x1: {  	(tag) =	ssettag $0x0;
	lr =	simm.s32 $0x1  }
0x2: {  	[smem:$0x3F9B] =	sst lr;
	_ =	strace $0xD0000000  }
0x3: {  	_ = 	snop  }
0x4: {  	_ = 	snop  }
0x5: {  	_ = 	snop  }
0x6: {  	_ = 	snop  }
0x7: {  	_ = 	snop  }
__scs_overlays_trampoline_lowered:
0x8: {  	[smem:$0x3FAA] =	sst s0  }
0x9: {  	[smem:$0x3FAB] =	sst s1  }
0xa: {  	[smem:$0x3FAC] =	sst s2  }
0xb: {  	[smem:$0x3FAD] =	sst s3  }
0xc: {  	[smem:$0x3FAE] =	sst s4  }
0xd: {  	[smem:$0x3FAF] =	sst s5  }
0xe: {  	[smem:$0x3FB0] =	sst s6  }
0xf: {  	[smem:$0x3FB1] =	sst s7  }
0x10: {  	[smem:$0x3FB2] =	sst s8  }
0x11: {  	[smem:$0x3FB3] =	sst s9;
	s0 =	simm.s32 @!p0 $0x0  }
0x12: {  	s1 =	sld [smem:$0x3F99];
	s0 =	simm.s32 @p0 $0x1  }
0x13: {  	[smem:$0x3FB4] =	sst s0;
	s0 =	simm.s32 @!p1 $0x0  }
0x14: {  	s2 =	sld [smem:$0x3F98];
	s0 =	simm.s32 @p1 $0x1  }
0x15: {  	[smem:$0x3FB5] =	sst s0;
	s0 =	simm.s32 @!p2 $0x0  }
0x16: {  	s3 =	sld [smem:$0x3FDB];
	s0 =	simm.s32 @p2 $0x1  }
0x17: {  	s4 =	simm.s32 $0x1BF5;
	[smem:$0x3FB7] =	sst s0  }
0x18: {  	s0 =	sld [smem:$0x3F9A];
	_ =	swait.ge [sflag:s4], $0x0  }
0x19: {  	s7 =	sld [smem:$0x3F9B]  }
0x1a: {  	s8 =	sadd.s32 $0xFFFFE003, lr  }
0x1b: {  	s9 =	sadd.s32 $0xFFFFFEF7, lr;
	s5 =	simm.s32 $0xFFFFFFFF;
	p2 =	slt.u32 s8, $0xFFFFF086  }
0x1c: {  	p1 =	slt.u32 s9, $0xF7A;
	s5 =	simm.s32 @!p2 $0x0  }
0x1d: {  	s5 =	simm.s32 @p1 $0x1;
	p0 =	seq.s32 s7, s2  }
0x1e: {  	s7 =	smul.u32 @!p0 $0xF7A, s2;
	p2 =	seq.s32 @!p0 s5, $0x0  }
0x1f: {  	s9 =	smul.u32 $0xF7A, s1;
	s8 =	simm.s32 @!p0 $0x1BF5;
	p2 =	por !p2, p0  }
0x20: {  	[sflag:s8] =	ssyncset.s32 @!p0 $0xFFFFF086;
	s6 =	sadd.s32 @!p0 s3, s7;
	s7 =	simm.s32 @!p0 $0x108  }
0x21: {  	s3 =	sadd.s32 s3, s9;
	s6 =	sadd.s32 @!p0 $0x88, s6;
	s7 =	simm.s32 @p2 $0x1082  }
0x22: {  	[simem:s7], [sflag:s8] =	dma.local @!p0 [hbm:s6], $0xF7A  }
0x23: {  	s9 =	sor.u32 $0xD0000000, s2;
	s6 =	simm.s32 $0x108;
	_ =	swait.ge @!p0 [sflag:s8], $0x0  }
0x24: {  	s3 =	sadd.s32 $0x88, s3;
	s6 =	simm.s32 @!p1 $0x1082;
	[sflag:s4] =	ssyncset.s32 $0xFFFFF086  }
0x25: {  	[simem:s6], [sflag:s4] =	dma.local [hbm:s3], $0xF7A  }
0x26: {  	[smem:$0x3F9B] =	sst s1;
	(tag) =	ssettag s2;
	_ =	strace s9  }
0x27: {  	s1 =	sld [smem:$0x3FAB]  }
0x28: {  	s2 =	sld [smem:$0x3FAC]  }
0x29: {  	s4 =	sld [smem:$0x3FAE]  }
0x2a: {  	p0 =	seq.s32 s5, $0x0;
	s5 =	sld [smem:$0x3FAF]  }
0x2b: {  	s6 =	sld [smem:$0x3FB0]  }
0x2c: {  	s7 =	sld [smem:$0x3FB1]  }
0x2d: {  	s3 =	simm.s32 $0x108;
	s8 =	sld [smem:$0x3FB2]  }
0x2e: {  	s3 =	simm.s32 @!p0 $0x1082;
	s9 =	sld [smem:$0x3FB3]  }
0x2f: {  	lr =	sadd.s32 s0, s3;
	s0 =	sld [smem:$0x3FAA]  }
0x30: {  	s3 =	sld [smem:$0x3FAD]  }
0x31: {  	[smem:$0x3FB6] =	sst s10  }
0x32: {  	s10 =	sld [smem:$0x3FB4];
	_ =	sdelay $0x3  }
0x33: {  	p0 =	seq.s32 s10, $0x1;
	s10 =	sld [smem:$0x3FB6];
	_ =	sdelay $0x3  }
0x34: {  	[smem:$0x3FB6] =	sst s10  }
0x35: {  	s10 =	sld [smem:$0x3FB5];
	_ =	sdelay $0x3  }
0x36: {  	p1 =	seq.s32 s10, $0x1;
	s10 =	sld [smem:$0x3FB6];
	_ =	sdelay $0x3  }
0x37: {  	[smem:$0x3FB6] =	sst s10  }
0x38: {  	s10 =	sld [smem:$0x3FB7]  }
0x39: {  	_ = 	snop;
	(pc) =	sbr.ind lr, $3  }
0x3a: {  	_ = 	snop  }
0x3b: {  	_ = 	snop  }
0x3c: {  	p2 =	seq.s32 s10, $0x1;
	s10 =	sld [smem:$0x3FB6]  }
0x3d: {  	_ =	shalt  }
0x3e: {  	_ =	shalt  }
0x3f: {  	_ =	shalt  }
0x40: {  	_ =	shalt  }
0x41: {  	_ =	shalt  }
0x42: {  	_ =	shalt  }
0x43: {  	_ =	shalt  }
0x44: {  	_ =	shalt  }
0x45: {  	_ =	shalt  }
0x46: {  	_ =	shalt  }
0x47: {  	_ =	shalt  }
0x48: {  	_ =	shalt  }
0x49: {  	_ =	shalt  }
0x4a: {  	_ =	shalt  }
0x4b: {  	_ =	shalt  }
0x4c: {  	_ =	shalt  }
0x4d: {  	_ =	shalt  }
0x4e: {  	_ =	shalt  }
0x4f: {  	_ =	shalt  }
0x50: {  	_ =	shalt  }
0x51: {  	_ =	shalt  }
0x52: {  	_ =	shalt  }
0x53: {  	_ =	shalt  }
0x54: {  	_ =	shalt  }
0x55: {  	_ =	shalt  }
0x56: {  	_ =	shalt  }
0x57: {  	_ =	shalt  }
0x58: {  	_ =	shalt  }
0x59: {  	_ =	shalt  }
0x5a: {  	_ =	shalt  }
0x5b: {  	_ =	shalt  }
0x5c: {  	_ =	shalt  }
0x5d: {  	_ =	shalt  }
0x5e: {  	_ =	shalt  }
0x5f: {  	_ =	shalt  }
0x60: {  	_ =	shalt  }
0x61: {  	_ =	shalt  }
0x62: {  	_ =	shalt  }
0x63: {  	_ =	shalt  }
0x64: {  	_ =	shalt  }
0x65: {  	_ =	shalt  }
0x66: {  	_ =	shalt  }
0x67: {  	_ =	shalt  }
0x68: {  	_ =	shalt  }
0x69: {  	_ =	shalt  }
0x6a: {  	_ =	shalt  }
0x6b: {  	_ =	shalt  }
0x6c: {  	_ =	shalt  }
0x6d: {  	_ =	shalt  }
0x6e: {  	_ =	shalt  }
0x6f: {  	_ =	shalt  }
0x70: {  	_ =	shalt  }
0x71: {  	_ =	shalt  }
0x72: {  	_ =	shalt  }
0x73: {  	_ =	shalt  }
0x74: {  	_ =	shalt  }
0x75: {  	_ =	shalt  }
0x76: {  	_ =	shalt  }
0x77: {  	_ =	shalt  }
0x78: {  	_ =	shalt  }
0x79: {  	_ =	shalt  }
0x7a: {  	_ =	shalt  }
0x7b: {  	_ =	shalt  }
0x7c: {  	_ =	shalt  }
0x7d: {  	_ =	shalt  }
0x7e: {  	_ =	shalt  }
0x7f: {  	_ =	shalt  }
0x80: {  	_ =	shalt  }
0x81: {  	_ =	shalt  }
0x82: {  	_ =	shalt  }
0x83: {  	_ =	shalt  }
0x84: {  	_ =	shalt  }
0x85: {  	_ =	shalt  }
0x86: {  	_ =	shalt  }
0x87: {  	_ =	shalt  }
.Lfunc_end0:
.L_simem_size_0:
called_computation.1_lowered:
.L_overlay_start_0:
0x88: {  	s2 =	sld [smem:$0x3FD9]  }
0x89: {  	s3 =	sld [smem:$0x3FFE];
	_ =	sdelay $0x1  }
0x8a: {  	s1 =	srdreg.scid  }
0x8b: {  	s0 =	sand.u32 $0x1, s1  }
0x8c: {  	s14 =	sshll.u32 s0, $0xA;
	s2 =	sadd.s32 s3, s2  }
0x8d: {  	s2 =	sadd.s32 s2, s14  }
0x8e: {  	[smem:$0x3FC2] =	sst s2  }
0x8f: {  	_ = 	snop  }
0x90: {  	s2 =	sld [smem:$0x3FD0];
	_ =	sdelay $0x2  }
0x91: {  	s15 =	simm.s32 $0xA;
	s4 =	simm.s32 $0x10  }
0x92: {  	[smem:s4], [sflag:s15] =	dma.local [hbm:s2], $0x1  }
0x93: {  	_ =	swait.eq [sflag:s15], $0x1  }
0x94: {  	[sflag:s15] =	ssyncset.done $0x0  }
0x95: {  	[sflag:s15] =	ssyncadd.s32 $0xFFFFFFFF  }
0x96: {  	s16 =	sld [smem:$0x11];
	(tm) =	ssettm $0x1  }
0x97: {  	s17 =	sld [smem:$0x3FFB];
	_ =	sdelay $0x3  }
0x98: {  	_ =	strace s17  }
0x99: {  	s3 =	sld [smem:$0x3FFC];
	_ =	sdelay $0x3  }
0x9a: {  	_ =	strace s3  }
0x9b: {  	s3 =	sld [smem:$0x3FFD];
	_ =	sdelay $0x3  }
0x9c: {  	_ =	strace s3  }
0x9d: {  	_ =	strace $0x8FFFFFFF  }
0x9e: {  	s18 =	sld [smem:$0x3FDB];
	_ =	sdelay $0x1  }
0x9f: {  	s19 =	simm.s32 $_scs_section_size  }
0xa0: {  	s5 =	simm.s32 $_size__tile_overlayer_lowered;
	s6 =	simm.s32 $_tile_overlayer_lowered  }
0xa1: {  	s22 =	simm.s32 $0x1BFF;
	s21 =	sshll.u32 s6, $0x1;
	s3 =	sadd.s32 s19, s18  }
0xa2: {  	s7 =	simm.s32 $0x0;
	s20 =	sshll.u32 s5, $0x1;
	s5 =	sadd.s32 s21, s3  }
0xa3: {  	[timem:s7], [sflag:s22] =	dma.local [hbm:s5], s20  }
0xa4: {  	_ =	swait.ge [sflag:s22], s20  }
0xa5: {  	s4 =	ssub.s32 $0x0, s20;
	[sflag:s22] =	ssyncset.done $0x0  }
0xa6: {  	[sflag:s22] =	ssyncadd.s32 s4;
	_ =	sdelay $0x1  }
0xa7: {  	s23 =	simm.s32 $0x1B8B  }
0xa8: {  	_ =	swait.ge [sflag:s23], $0x1  }
0xa9: {  	[sflag:s23] =	ssyncset.done $0x0  }
0xaa: {  	s25 =	simm.s32 $0x1B8E;
	s24 =	sld [smem:$0x3FFE];
	[sflag:s23] =	ssyncadd.s32 $0xFFFFFFFF  }
0xab: {  	s26 =	simm.s32 $execute0_lowered;
	[smem:$0x3FD2] =	sst s25  }
0xac: {  	s5 =	sshll.u32 s26, $0x1;
	_ =	strace $0x80000049;
	[dreg:$0x1] =	wrdreg $0xFFFFFFFF  }
0xad: {  	s28 =	simm.s32 $_size_execute0_lowered;
	s3 =	sadd.s32 s3, s5;
	[dreg:$0x0] =	wrdreg $0x0  }
0xae: {  	s5 =	sshll.u32 s28, $0x1;
	[dreg:$0x2] =	wrdreg s3  }
0xaf: {  	[dreg:$0x3] =	wrdreg s5  }
0xb0: {  	[dreg:$0x4] =	wrdreg $0xC0  }
0xb1: {  	_ =	task [dreg:s7], $0x5FFFF  }
0xb2: {  	[dreg:$0x1] =	wrdreg $0xFFFFFFFF  }
0xb3: {  	[dreg:$0x0] =	wrdreg $0x60  }
0xb4: {  	[dreg:$0x2] =	wrdreg s24  }
0xb5: {  	[dreg:$0x3] =	wrdreg s16  }
0xb6: {  	[dreg:$0x4] =	wrdreg $0xCA800  }
0xb7: {  	[dreg:$0x5] =	wrdreg $0x9  }
0xb8: {  	_ =	task.clear_ibuf [dreg:s7], $0x6FFFF;
	_ =	strace $0x90000049  }
0xb9: {  	s29 =	simm.s32 $0x9;
	_ =	strace $0x8000004B  }
0xba: {  	_ =	swait.ge [sflag:s29], $0x1  }
0xbb: {  	[sflag:s29] =	ssyncadd.s32 $0xFFFFFFFF  }
0xbc: {  	_ =	strace $0x9000004B  }
0xbd: {  	_ =	sfence  }
0xbe: {  	s30 =	sld [smem:$0x0];
	_ =	sdelay $0x2  }
0xbf: {  	s31 =	sshll.u32 s1, $0xD;
	s1 =	sshrl.u32 s1, $0x2  }
0xc0: {  	s3 =	sand.u32 $0x4000, s31;
	s1 =	sadd.s32 s1, s30  }
0xc1: {  	s0 =	sor.u32 s3, s0;
	s1 =	sshll.u32 s1, $0x11  }
0xc2: {  	s0 =	sor.u32 s1, s0  }
0xc3: {  	s0 =	sadd.s32 $0x8F2B, s0  }
0xc4: {  	[sflag:s0] =	ssyncadd.remote.s32 $0x1  }
0xc5: {  	_ =	sfence.sel $0xFFFF  }
0xc6: {  	[dreg:$0x0] =	wrdreg $0xFFFFFFFF;
	(pc) =	sbr.abs _section_cstart, $3  }
0xc7: {  	[dreg:$0x1] =	wrdreg $0xFFFFFFFF  }
0xc8: {  	_ =	task.clear_ibuf [dreg:s7], $0x2FFFF;
	_ =	strace $0x9FFFFFFF  }
0xc9: {  	(tm) =	ssettm $0x7FFFFFFF  }
tec
execute0_lowered:
.L_overlay_start_1:
0x0: {  	(tag) =	ssettag $0x1  }
0x1: {  	s3 =	rddreg [dreg:$0x0]  }
0x2: {  	s5 =	rddreg [dreg:$0x1];
	s0 =	srdreg.scid  }
0x3: {  	s7 =	stileid.u32;
	s10 =	simm.s32 $0x80;
	s11 =	simm.s32 $0x400  }
0x4: {  	s12 =	simm.s32 $0x2;
	s13 =	simm.s32 $0x2880;
	s14 =	simm.s32 $0x5100  }
0x5: {  	s15 =	simm.s32 $0x7980;
	s16 =	simm.s32 $0xA200;
	s17 =	simm.s32 $0x1  }
0x6: {  	s18 =	simm.s32 $0x0;
	s4 =	sand.u32 $0x1, s0;
	s29 =	sshrl.u32 s7, $0x2  }
0x7: {  	s1 =	sshll.u32 s7, $0x8;
	s0 =	rddreg [dreg:$0x3];
	p0 =	sne.s32 s7, $0x0  }
0x8: {  	s6 =	smul.u32 $0x14400, s29;
	s30 =	sshll.u32 s4, $0x7;
	s2 =	sand.u32 $0x300, s1  }
0x9: {  	s1 =	rddreg [dreg:$0x2];
	s4 =	ssub.s32 $0x2, s4;
	s8 =	sor.u32 s30, s2  }
0xa: {  	s2 =	simm.s32 $0x0;
	s9 =	sshrl.u32 s4, $0x1;
	s6 =	sor.u32 s6, s8  }
0xb: {  	[smem:$0x7FF] =	sst s2;
	s9 =	ssub.s32 s4, s9;
	s6 =	sshrl.u32 s6, $0x3  }
0xc: {  	_ =	strace $0x8000004A;
	s8 =	smax.u32 s9, $0x1;
	s9 =	sshrl.u32 @!p0 s1, $0x3  }
0xd: {  	s31 =	sadd.s32 s6, s3;
	s3 =	sadd.s32 $0xAA00, s3;
	s5 =	sadd.s32 s5, s6  }
0xe: {  	s4 =	sadd.s32 $0xB000, s31;
	s6 =	sadd.s32 $0x800, s31;
	s7 =	sadd.s32 $0x15200, s31  }
.LBB2_1:
0xf: {  	s19 =	simm.s32 @!p0 $0x1C02  }
0x10: {  	[spmem:s9], [sflag:s19] =	dma.local @!p0 [hbm:s3], $0x500  }
0x11: {  	s19 =	simm.s32 @!p0 $0x2  }
0x12: {  	_ =	swait.ge @!p0 [sflag:s19], $0x500  }
0x13: {  	[sflag:s19] =	ssyncset.done @!p0 $0x0  }
0x14: {  	[sflag:s19] =	ssyncadd.s32 @!p0 $0xFFFFFB00  }
0x15: {  	[tilespmem:s2], [sflag:$0x2] =	stream.strided.gather [hbm4b:s4+s10], $0x2880, s11, s10, $0x38;
	[tilespmem:$0xCD00] =	vst v63  }
0x16: {  	_ =	swait.ge [sflag:s12], $0x2880  }
0x17: {  	[sflag:s12] =	ssyncset.done $0x0  }
0x18: {  	[sflag:s12] =	ssyncadd.s32 $0xFFFFD780  }
0x19: {  	[tilespmem:s13], [sflag:$0x2] =	stream.strided.gather [hbm4b:s5+s10], $0x2880, s11, s10, $0x38;
	[tilespmem:$0xCD00] =	vst v63  }
0x1a: {  	_ =	swait.ge [sflag:s12], $0x2880  }
0x1b: {  	[sflag:s12] =	ssyncset.done $0x0  }
0x1c: {  	[sflag:s12] =	ssyncadd.s32 $0xFFFFD780  }
0x1d: {  	[tilespmem:s14], [sflag:$0x2] =	stream.strided.gather [hbm4b:s6+s10], $0x2880, s11, s10, $0x38;
	[tilespmem:$0xCD00] =	vst v63  }
0x1e: {  	_ =	swait.ge [sflag:s12], $0x2880  }
0x1f: {  	[sflag:s12] =	ssyncset.done $0x0  }
0x20: {  	[sflag:s12] =	ssyncadd.s32 $0xFFFFD780  }
0x21: {  	[bflag:$0x0] =	sbarrier.arrive $0xFFFF  }
0x22: {  	[tilespmem:s15], [sflag:$0x1] =	stream.indirect.gather [spmem:s1], $0x1, s2, s13, $0xb8;
	[tilespmem:$0xCD00] =	vst v63  }
0x23: {  	_ = 	snop  }
0x24: {  	[tilespmem:s16], [sflag:$0x1] =	stream.indirect.gather [spmem:s1], $0x1, s13, s13, $0xb8;
	[tilespmem:$0xCD00] =	vst v63  }
0x25: {  	_ =	swait.ge [sflag:s17], $0x2880  }
0x26: {  	[sflag:s17] =	ssyncset.done $0x0  }
0x27: {  	[sflag:s17] =	ssyncadd.s32 $0xFFFFD780  }
0x28: {  	_ =	swait.ge [sflag:s17], $0x2880  }
0x29: {  	[sflag:s17] =	ssyncset.done $0x0  }
0x2a: {  	s19 =	simm.s32 $0x0;
	[sflag:s17] =	ssyncadd.s32 $0xFFFFD780  }
0x2b: {  	v0 =	vld [tilespmem:s19+$0x5100]  }
0x2c: {  	v1 =	vld [tilespmem:s19+$0xA200];
	_ =	sdelay $0x1  }
0x2d: {  	v2 =	vld [tilespmem:s19+$0x7980];
	_ =	sdelay $0x2  }
0x2e: {  	v1 =	vmul.f32 v1, v0  }
0x2f: {  	s20 =	simm.s32 $0x10  }
0x30: {  	s21 =	simm.s32 $0x80;
	v0 =	vld [tilespmem:s20+$0x5100];
	v1 =	vmul.f32 v2, v1  }
.LBB2_2:
0x31: {  	p1 =	sne.s32 s21, $0xA1C0;
	v2 =	vld [tilespmem:s20+$0xA200]  }
0x32: {  	[tilespmem:s19+$0x7980] =	vst v1;
	s19 =	smov.u32 s20  }
0x33: {  	v1 =	vld [tilespmem:s19+$0x7980]  }
.Ltmp0:
0x34: {  	(pc) =	sbr.rel @p1 .LBB2_2-.Ltmp0, $4  }
0x35: {  	_ = 	snop  }
0x36: {  	v2 =	vmul.f32 v2, v0  }
0x37: {  	s20 =	sshra.s32 s21, $0x2  }
0x38: {  	s21 =	sadd.s32 $0x40, s21;
	v0 =	vld [tilespmem:s20+$0x5100];
	v1 =	vmul.f32 v1, v2  }
0x39: {  	v2 =	vld [tilespmem:s20+$0xA200]  }
0x3a: {  	[tilespmem:s19+$0x7980] =	vst v1  }
0x3b: {  	v1 =	vld [tilespmem:s20+$0x7980];
	_ =	sdelay $0x2  }
0x3c: {  	v0 =	vmul.f32 v2, v0;
	_ =	sdelay $0x1  }
0x3d: {  	s18 =	sadd.s32 $0x1, s18;
	v0 =	vmul.f32 v1, v0  }
0x3e: {  	p1 =	sne.s32 s18, s8  }
.Ltmp1:
0x3f: {  	[tilespmem:s20+$0x7980] =	vst v0;
	(pc) =	sbr.rel @p1 .LBB2_1-.Ltmp1, $4  }
0x40: {  	[hbm4b:s7+s10] =	stream.strided.scatter [tilespmem:s15], [sflag:$0x2], $0x2880, s11, s10, $0x38;
	[tilespmem:$0xCD00] =	vst v63  }
0x41: {  	_ =	swait.ge [sflag:s12], $0x2880  }
0x42: {  	[sflag:s12] =	ssyncset.done $0x0  }
0x43: {  	[sflag:s12] =	ssyncadd.s32 $0xFFFFD780  }
0x44: {  	_ =	sfence.sel $0x180000  }
0x45: {  	[bflag:$0x0] =	sbarrier.arrive $0xFFFF  }
0x46: {  	_ =	strace $0x9000004A  }
0x47: {  	s0 =	sadd.s32 @!p0 $0x100000, s0;
	[bflag:$0x2] =	sbarrier.arrive $0xFFFF  }
0x48: {  	[sflag:s0] =	ssyncadd.tile.s32 @!p0 $0x1;
	_ =	shalt  }
.Lfunc_end2:
_tile_overlayer_lowered:
.L_overlay_start_2:
0x49: {  	(tag) =	ssettag $0x2  }
0x4a: {  	s0 =	rddreg [dreg:$0x0];
	s2 =	stileid.u32  }
0x4b: {  	s1 =	rddreg [dreg:$0x1];
	p0 =	sne.s32 s2, $0x0  }
0x4c: {  	s3 =	rddreg [dreg:$0x2];
	[bflag:$0x3] =	sbarrier.arrive $0xFFFF;
	s2 =	simm.s32 @!p0 $0x1C02  }
0x4d: {  	[timem:s3], [sflag:s2] =	dma.local @!p0 [hbm:s0], s1  }
0x4e: {  	s0 =	simm.s32 @!p0 $0x2  }
0x4f: {  	_ =	swait.ge @!p0 [sflag:s0], s1  }
0x50: {  	s1 =	ssub.s32 @!p0 $0x0, s1;
	[sflag:s0] =	ssyncset.done @!p0 $0x0  }
0x51: {  	[sflag:s0] =	ssyncadd.s32 @!p0 s1  }
0x52: {  	[bflag:$0x3] =	sbarrier.arrive $0xFFFF  }
0x53: {  	_ =	shalt  }

// kernel: kernel.7.cloned.1.call-start
scs
__scs_entry_jumppad:
0x0: {  	(pc) =	sbr.rel $0x88, $3  }
0x1: {  	(tag) =	ssettag $0x0;
	lr =	simm.s32 $0x1  }
0x2: {  	[smem:$0x3F9B] =	sst lr;
	_ =	strace $0xD0000000  }
0x3: {  	_ = 	snop  }
0x4: {  	_ = 	snop  }
0x5: {  	_ = 	snop  }
0x6: {  	_ = 	snop  }
0x7: {  	_ = 	snop  }
__scs_overlays_trampoline_lowered:
0x8: {  	[smem:$0x3FAA] =	sst s0  }
0x9: {  	[smem:$0x3FAB] =	sst s1  }
0xa: {  	[smem:$0x3FAC] =	sst s2  }
0xb: {  	[smem:$0x3FAD] =	sst s3  }
0xc: {  	[smem:$0x3FAE] =	sst s4  }
0xd: {  	[smem:$0x3FAF] =	sst s5  }
0xe: {  	[smem:$0x3FB0] =	sst s6  }
0xf: {  	[smem:$0x3FB1] =	sst s7  }
0x10: {  	[smem:$0x3FB2] =	sst s8  }
0x11: {  	[smem:$0x3FB3] =	sst s9;
	s0 =	simm.s32 @!p0 $0x0  }
0x12: {  	s1 =	sld [smem:$0x3F99];
	s0 =	simm.s32 @p0 $0x1  }
0x13: {  	[smem:$0x3FB4] =	sst s0;
	s0 =	simm.s32 @!p1 $0x0  }
0x14: {  	s2 =	sld [smem:$0x3F98];
	s0 =	simm.s32 @p1 $0x1  }
0x15: {  	[smem:$0x3FB5] =	sst s0;
	s0 =	simm.s32 @!p2 $0x0  }
0x16: {  	s3 =	sld [smem:$0x3FDB];
	s0 =	simm.s32 @p2 $0x1  }
0x17: {  	s4 =	simm.s32 $0x1BF5;
	[smem:$0x3FB7] =	sst s0  }
0x18: {  	s0 =	sld [smem:$0x3F9A];
	_ =	swait.ge [sflag:s4], $0x0  }
0x19: {  	s7 =	sld [smem:$0x3F9B]  }
0x1a: {  	s8 =	sadd.s32 $0xFFFFE003, lr  }
0x1b: {  	s9 =	sadd.s32 $0xFFFFFEF7, lr;
	s5 =	simm.s32 $0xFFFFFFFF;
	p2 =	slt.u32 s8, $0xFFFFF086  }
0x1c: {  	p1 =	slt.u32 s9, $0xF7A;
	s5 =	simm.s32 @!p2 $0x0  }
0x1d: {  	s5 =	simm.s32 @p1 $0x1;
	p0 =	seq.s32 s7, s2  }
0x1e: {  	s7 =	smul.u32 @!p0 $0xF7A, s2;
	p2 =	seq.s32 @!p0 s5, $0x0  }
0x1f: {  	s9 =	smul.u32 $0xF7A, s1;
	s8 =	simm.s32 @!p0 $0x1BF5;
	p2 =	por !p2, p0  }
0x20: {  	[sflag:s8] =	ssyncset.s32 @!p0 $0xFFFFF086;
	s6 =	sadd.s32 @!p0 s3, s7;
	s7 =	simm.s32 @!p0 $0x108  }
0x21: {  	s3 =	sadd.s32 s3, s9;
	s6 =	sadd.s32 @!p0 $0x88, s6;
	s7 =	simm.s32 @p2 $0x1082  }
0x22: {  	[simem:s7], [sflag:s8] =	dma.local @!p0 [hbm:s6], $0xF7A  }
0x23: {  	s9 =	sor.u32 $0xD0000000, s2;
	s6 =	simm.s32 $0x108;
	_ =	swait.ge @!p0 [sflag:s8], $0x0  }
0x24: {  	s3 =	sadd.s32 $0x88, s3;
	s6 =	simm.s32 @!p1 $0x1082;
	[sflag:s4] =	ssyncset.s32 $0xFFFFF086  }
0x25: {  	[simem:s6], [sflag:s4] =	dma.local [hbm:s3], $0xF7A  }
0x26: {  	[smem:$0x3F9B] =	sst s1;
	(tag) =	ssettag s2;
	_ =	strace s9  }
0x27: {  	s1 =	sld [smem:$0x3FAB]  }
0x28: {  	s2 =	sld [smem:$0x3FAC]  }
0x29: {  	s4 =	sld [smem:$0x3FAE]  }
0x2a: {  	p0 =	seq.s32 s5, $0x0;
	s5 =	sld [smem:$0x3FAF]  }
0x2b: {  	s6 =	sld [smem:$0x3FB0]  }
0x2c: {  	s7 =	sld [smem:$0x3FB1]  }
0x2d: {  	s3 =	simm.s32 $0x108;
	s8 =	sld [smem:$0x3FB2]  }
0x2e: {  	s3 =	simm.s32 @!p0 $0x1082;
	s9 =	sld [smem:$0x3FB3]  }
0x2f: {  	lr =	sadd.s32 s0, s3;
	s0 =	sld [smem:$0x3FAA]  }
0x30: {  	s3 =	sld [smem:$0x3FAD]  }
0x31: {  	[smem:$0x3FB6] =	sst s10  }
0x32: {  	s10 =	sld [smem:$0x3FB4];
	_ =	sdelay $0x3  }
0x33: {  	p0 =	seq.s32 s10, $0x1;
	s10 =	sld [smem:$0x3FB6];
	_ =	sdelay $0x3  }
0x34: {  	[smem:$0x3FB6] =	sst s10  }
0x35: {  	s10 =	sld [smem:$0x3FB5];
	_ =	sdelay $0x3  }
0x36: {  	p1 =	seq.s32 s10, $0x1;
	s10 =	sld [smem:$0x3FB6];
	_ =	sdelay $0x3  }
0x37: {  	[smem:$0x3FB6] =	sst s10  }
0x38: {  	s10 =	sld [smem:$0x3FB7]  }
0x39: {  	_ = 	snop;
	(pc) =	sbr.ind lr, $3  }
0x3a: {  	_ = 	snop  }
0x3b: {  	_ = 	snop  }
0x3c: {  	p2 =	seq.s32 s10, $0x1;
	s10 =	sld [smem:$0x3FB6]  }
0x3d: {  	_ =	shalt  }
0x3e: {  	_ =	shalt  }
0x3f: {  	_ =	shalt  }
0x40: {  	_ =	shalt  }
0x41: {  	_ =	shalt  }
0x42: {  	_ =	shalt  }
0x43: {  	_ =	shalt  }
0x44: {  	_ =	shalt  }
0x45: {  	_ =	shalt  }
0x46: {  	_ =	shalt  }
0x47: {  	_ =	shalt  }
0x48: {  	_ =	shalt  }
0x49: {  	_ =	shalt  }
0x4a: {  	_ =	shalt  }
0x4b: {  	_ =	shalt  }
0x4c: {  	_ =	shalt  }
0x4d: {  	_ =	shalt  }
0x4e: {  	_ =	shalt  }
0x4f: {  	_ =	shalt  }
0x50: {  	_ =	shalt  }
0x51: {  	_ =	shalt  }
0x52: {  	_ =	shalt  }
0x53: {  	_ =	shalt  }
0x54: {  	_ =	shalt  }
0x55: {  	_ =	shalt  }
0x56: {  	_ =	shalt  }
0x57: {  	_ =	shalt  }
0x58: {  	_ =	shalt  }
0x59: {  	_ =	shalt  }
0x5a: {  	_ =	shalt  }
0x5b: {  	_ =	shalt  }
0x5c: {  	_ =	shalt  }
0x5d: {  	_ =	shalt  }
0x5e: {  	_ =	shalt  }
0x5f: {  	_ =	shalt  }
0x60: {  	_ =	shalt  }
0x61: {  	_ =	shalt  }
0x62: {  	_ =	shalt  }
0x63: {  	_ =	shalt  }
0x64: {  	_ =	shalt  }
0x65: {  	_ =	shalt  }
0x66: {  	_ =	shalt  }
0x67: {  	_ =	shalt  }
0x68: {  	_ =	shalt  }
0x69: {  	_ =	shalt  }
0x6a: {  	_ =	shalt  }
0x6b: {  	_ =	shalt  }
0x6c: {  	_ =	shalt  }
0x6d: {  	_ =	shalt  }
0x6e: {  	_ =	shalt  }
0x6f: {  	_ =	shalt  }
0x70: {  	_ =	shalt  }
0x71: {  	_ =	shalt  }
0x72: {  	_ =	shalt  }
0x73: {  	_ =	shalt  }
0x74: {  	_ =	shalt  }
0x75: {  	_ =	shalt  }
0x76: {  	_ =	shalt  }
0x77: {  	_ =	shalt  }
0x78: {  	_ =	shalt  }
0x79: {  	_ =	shalt  }
0x7a: {  	_ =	shalt  }
0x7b: {  	_ =	shalt  }
0x7c: {  	_ =	shalt  }
0x7d: {  	_ =	shalt  }
0x7e: {  	_ =	shalt  }
0x7f: {  	_ =	shalt  }
0x80: {  	_ =	shalt  }
0x81: {  	_ =	shalt  }
0x82: {  	_ =	shalt  }
0x83: {  	_ =	shalt  }
0x84: {  	_ =	shalt  }
0x85: {  	_ =	shalt  }
0x86: {  	_ =	shalt  }
0x87: {  	_ =	shalt  }
.Lfunc_end0:
.L_simem_size_0:
called_computation_lowered:
.L_overlay_start_0:
0x88: {  	s2 =	sld [smem:$0x3FD9]  }
0x89: {  	s3 =	sld [smem:$0x3FFE];
	_ =	sdelay $0x1  }
0x8a: {  	s1 =	srdreg.scid  }
0x8b: {  	s0 =	sand.u32 $0x1, s1  }
0x8c: {  	s14 =	sshll.u32 s0, $0xA;
	s2 =	sadd.s32 s3, s2  }
0x8d: {  	s2 =	sadd.s32 s2, s14  }
0x8e: {  	[smem:$0x3FC2] =	sst s2  }
0x8f: {  	_ = 	snop  }
0x90: {  	s2 =	sld [smem:$0x3FD0];
	_ =	sdelay $0x2  }
0x91: {  	s15 =	simm.s32 $0xA;
	s4 =	simm.s32 $0x10  }
0x92: {  	[smem:s4], [sflag:s15] =	dma.local [hbm:s2], $0x1  }
0x93: {  	_ =	swait.eq [sflag:s15], $0x1  }
0x94: {  	[sflag:s15] =	ssyncset.done $0x0  }
0x95: {  	s16 =	sld [smem:$0x10];
	[sflag:s15] =	ssyncadd.s32 $0xFFFFFFFF  }
0x96: {  	s17 =	sld [smem:$0x11];
	(tm) =	ssettm $0x1  }
0x97: {  	s18 =	sld [smem:$0x3FFB];
	_ =	sdelay $0x3  }
0x98: {  	_ =	strace s18  }
0x99: {  	s4 =	sld [smem:$0x3FFC];
	_ =	sdelay $0x3  }
0x9a: {  	_ =	strace s4  }
0x9b: {  	s4 =	sld [smem:$0x3FFD];
	_ =	sdelay $0x3  }
0x9c: {  	_ =	strace s4  }
0x9d: {  	_ =	strace $0x8FFFFFFF  }
0x9e: {  	s19 =	sld [smem:$0x3FDB];
	_ =	sdelay $0x1  }
0x9f: {  	s5 =	simm.s32 $_scs_section_size  }
0xa0: {  	s6 =	simm.s32 $_size__tile_overlayer_lowered;
	s7 =	simm.s32 $_tile_overlayer_lowered  }
0xa1: {  	s22 =	simm.s32 $0x1BFF;
	s21 =	sshll.u32 s7, $0x1;
	s4 =	sadd.s32 s5, s19  }
0xa2: {  	s8 =	simm.s32 $0x0;
	s20 =	sshll.u32 s6, $0x1;
	s6 =	sadd.s32 s21, s4  }
0xa3: {  	[timem:s8], [sflag:s22] =	dma.local [hbm:s6], s20  }
0xa4: {  	_ =	swait.ge [sflag:s22], s20  }
0xa5: {  	s5 =	ssub.s32 $0x0, s20;
	[sflag:s22] =	ssyncset.done $0x0  }
0xa6: {  	[sflag:s22] =	ssyncadd.s32 s5;
	_ =	sdelay $0x1  }
0xa7: {  	s23 =	simm.s32 $0x1B8B  }
0xa8: {  	_ =	swait.ge [sflag:s23], $0x1  }
0xa9: {  	[sflag:s23] =	ssyncset.done $0x0  }
0xaa: {  	s25 =	simm.s32 $0x1B8E;
	s24 =	sld [smem:$0x3FFE];
	[sflag:s23] =	ssyncadd.s32 $0xFFFFFFFF  }
0xab: {  	s26 =	simm.s32 $execute0_lowered;
	[smem:$0x3FD2] =	sst s25  }
0xac: {  	s6 =	sshll.u32 s26, $0x1;
	_ =	strace $0x80000046;
	[dreg:$0x1] =	wrdreg $0xFFFFFFFF  }
0xad: {  	s28 =	simm.s32 $_size_execute0_lowered;
	s4 =	sadd.s32 s4, s6;
	[dreg:$0x0] =	wrdreg $0x0  }
0xae: {  	s6 =	sshll.u32 s28, $0x1;
	[dreg:$0x2] =	wrdreg s4  }
0xaf: {  	[dreg:$0x3] =	wrdreg s6  }
0xb0: {  	[dreg:$0x4] =	wrdreg $0xC0  }
0xb1: {  	_ =	task [dreg:s8], $0x5FFFF  }
0xb2: {  	[dreg:$0x1] =	wrdreg $0xFFFFFFFF  }
0xb3: {  	[dreg:$0x0] =	wrdreg $0x60  }
0xb4: {  	[dreg:$0x2] =	wrdreg s17  }
0xb5: {  	[dreg:$0x3] =	wrdreg s24  }
0xb6: {  	[dreg:$0x4] =	wrdreg s16  }
0xb7: {  	[dreg:$0x5] =	wrdreg $0x51000  }
0xb8: {  	[dreg:$0x6] =	wrdreg $0x9  }
0xb9: {  	_ =	task.clear_ibuf [dreg:s8], $0x7FFFF;
	_ =	strace $0x90000046  }
0xba: {  	s29 =	simm.s32 $0x9;
	_ =	strace $0x80000048  }
0xbb: {  	_ =	swait.ge [sflag:s29], $0x1  }
0xbc: {  	[sflag:s29] =	ssyncadd.s32 $0xFFFFFFFF  }
0xbd: {  	_ =	strace $0x90000048  }
0xbe: {  	_ =	sfence  }
0xbf: {  	s30 =	sld [smem:$0x0];
	_ =	sdelay $0x2  }
0xc0: {  	s31 =	sshll.u32 s1, $0xD;
	s1 =	sshrl.u32 s1, $0x2  }
0xc1: {  	s3 =	sand.u32 $0x4000, s31;
	s1 =	sadd.s32 s1, s30  }
0xc2: {  	s0 =	sor.u32 s3, s0;
	s1 =	sshll.u32 s1, $0x11  }
0xc3: {  	s0 =	sor.u32 s1, s0  }
0xc4: {  	s0 =	sadd.s32 $0x8F2B, s0  }
0xc5: {  	[sflag:s0] =	ssyncadd.remote.s32 $0x1  }
0xc6: {  	_ =	sfence.sel $0xFFFF  }
0xc7: {  	[dreg:$0x0] =	wrdreg $0xFFFFFFFF;
	(pc) =	sbr.abs _section_cstart, $3  }
0xc8: {  	[dreg:$0x1] =	wrdreg $0xFFFFFFFF  }
0xc9: {  	_ =	task.clear_ibuf [dreg:s8], $0x2FFFF;
	_ =	strace $0x9FFFFFFF  }
0xca: {  	(tm) =	ssettm $0x7FFFFFFF  }
0xcb: {  	_ =	shalt  }
tec
execute0_lowered:
.L_overlay_start_1:
0x0: {  	(tag) =	ssettag $0x1  }
0x1: {  	s0 =	srdreg.scid;
	s9 =	stileid.u32  }
0x2: {  	s10 =	sand.u32 $0x1, s0;
	s26 =	sshrl.u32 s9, $0x2;
	s2 =	sshll.u32 s9, $0x8  }
0x3: {  	s5 =	smul.u32 $0x14400, s26;
	s6 =	sshll.u32 s10, $0x7;
	s8 =	sand.u32 $0x300, s2  }
0x4: {  	s6 =	sor.u32 s6, s8  }
0x5: {  	s28 =	ssub.s32 $0x2, s10;
	s5 =	sor.u32 s5, s6  }
0x6: {  	s4 =	rddreg [dreg:$0x1];
	s29 =	sshrl.u32 s28, $0x1;
	s5 =	sshrl.u32 s5, $0x3  }
0x7: {  	s8 =	sadd.s32 $0xAA00, s4;
	s11 =	sadd.s32 s5, s4;
	s4 =	ssub.s32 s28, s29  }
0x8: {  	s3 =	rddreg [dreg:$0x0];
	s31 =	smax.u32 s4, $0x1  }
0x9: {  	s7 =	rddreg [dreg:$0x2];
	s14 =	sadd.s32 $0xFFFFFFFF, s31  }
0xa: {  	s1 =	rddreg [dreg:$0x3];
	p1 =	por $0x0, $0x0;
	p2 =	sne.s32 s14, $0x0  }
.Ltmp0:
0xb: {  	s0 =	rddreg [dreg:$0x4];
	s2 =	simm.s32 $0x0;
	(pc) =	sbr.rel @!p2 .LBB2_3-.Ltmp0, $4  }
0xc: {  	p0 =	sne.s32 s9, $0x0;
	s9 =	simm.s32 $0x80;
	[smem:$0x7FF] =	sst s2  }
0xd: {  	s30 =	sshll.u32 s10, $0x4;
	s10 =	simm.s32 $0x2880;
	_ =	strace $0x80000047  }
0xe: {  	s6 =	sadd.s32 s3, s5;
	s3 =	sadd.s32 s7, s30;
	s7 =	simm.s32 $0x1  }
0xf: {  	s5 =	sadd.s32 $0x800, s11;
	s4 =	sshrl.u32 @!p0 s1, $0x3;
	s11 =	simm.s32 $0x400  }
0x10: {  	s13 =	simm.s32 @!p0 $0x1C01;
	s12 =	simm.s32 @!p0 $0x1  }
0x11: {  	[spmem:s4], [sflag:s13] =	dma.local @!p0 [hbm:s8], $0x4F0  }
0x12: {  	_ =	swait.ge @!p0 [sflag:s12], $0x4F0  }
0x13: {  	[sflag:s12] =	ssyncset.done @!p0 $0x0  }
0x14: {  	[sflag:s12] =	ssyncadd.s32 @!p0 $0xFFFFFB10  }
0x15: {  	[bflag:$0x0] =	sbarrier.arrive $0xFFFF  }
0x16: {  	[tilespmem:s2], [sflag:$0x1] =	stream.strided.gather [hbm4b:s6+s9], $0x2880, s11, s9, $0x38;
	[tilespmem:$0x5378] =	vst v63  }
0x17: {  	_ =	swait.ge [sflag:s7], $0x2880  }
0x18: {  	[sflag:s7] =	ssyncset.done $0x0  }
0x19: {  	[sflag:s7] =	ssyncadd.s32 $0xFFFFD780  }
0x1a: {  	[tilespmem:s10], [sflag:$0x1] =	stream.strided.gather [hbm4b:s5+s9], $0x2880, s11, s9, $0x38;
	[tilespmem:$0x5378] =	vst v63  }
0x1b: {  	_ =	swait.ge [sflag:s7], $0x2880  }
0x1c: {  	[sflag:s7] =	ssyncset.done $0x0  }
0x1d: {  	[sflag:s7] =	ssyncadd.s32 $0xFFFFD780  }
0x1e: {  	[spmem:s1] =	stream.indirect.scatter.add.f32 [tilespmem:s10], [sflag:$0x1], $0x1, s2, s10, $0xb8;
	[tilespmem:$0x5378] =	vst v63  }
0x1f: {  	s14 =	sadd.s32 $0xFFFFFFFF, s14;
	_ =	swait.ge [sflag:s7], $0x2880  }
0x20: {  	p2 =	sne.s32 s14, $0x0;
	[sflag:s7] =	ssyncset.done $0x0  }
.Ltmp1:
0x21: {  	[sflag:s7] =	ssyncadd.s32 $0xFFFFD780;
	(pc) =	sbr.rel @!p2 .LBB2_3-.Ltmp1, $4  }
0x22: {  	s15 =	simm.s32 @!p0 $0x20;
	s16 =	simm.s32 @!p0 $0x10;
	[bflag:$0x0] =	sbarrier.arrive $0xFFFF  }
0x23: {  	[hbm:s3@s15], [sflag:s13] =	dma.strided @!p0 [spmem:s4@s16], $0x4F0, s12, $0x10   }
0x24: {  	_ =	swait.ge @!p0 [sflag:s12], $0x4F0  }
0x25: {  	p1 =	por $0x1, $0x1;
	[sflag:s12] =	ssyncset.done @!p0 $0x0  }
.LBB2_2:
0x26: {  	[sflag:s12] =	ssyncadd.s32 @!p0 $0xFFFFFB10  }
0x27: {  	[spmem:s4], [sflag:s13] =	dma.local @!p0 [hbm:s8], $0x4F0  }
0x28: {  	s14 =	sadd.s32 $0xFFFFFFFF, s14;
	_ =	swait.ge @!p0 [sflag:s12], $0x4F0  }
0x29: {  	p2 =	sne.s32 s14, $0x0;
	[sflag:s12] =	ssyncset.done @!p0 $0x0  }
0x2a: {  	[sflag:s12] =	ssyncadd.s32 @!p0 $0xFFFFFB10  }
0x2b: {  	[bflag:$0x0] =	sbarrier.arrive $0xFFFF  }
0x2c: {  	[tilespmem:s2], [sflag:$0x1] =	stream.strided.gather [hbm4b:s6+s9], $0x2880, s11, s9, $0x38;
	[tilespmem:$0x5378] =	vst v63  }
0x2d: {  	_ =	swait.ge [sflag:s7], $0x2880  }
0x2e: {  	[sflag:s7] =	ssyncset.done $0x0  }
0x2f: {  	[sflag:s7] =	ssyncadd.s32 $0xFFFFD780  }
0x30: {  	[tilespmem:s10], [sflag:$0x1] =	stream.strided.gather [hbm4b:s5+s9], $0x2880, s11, s9, $0x38;
	[tilespmem:$0x5378] =	vst v63  }
0x31: {  	_ =	swait.ge [sflag:s7], $0x2880  }
0x32: {  	[sflag:s7] =	ssyncset.done $0x0  }
0x33: {  	[sflag:s7] =	ssyncadd.s32 $0xFFFFD780  }
0x34: {  	[spmem:s1] =	stream.indirect.scatter.add.f32 [tilespmem:s10], [sflag:$0x1], $0x1, s2, s10, $0xb8;
	[tilespmem:$0x5378] =	vst v63  }
0x35: {  	_ =	swait.ge [sflag:s7], $0x2880  }
0x36: {  	[sflag:s7] =	ssyncset.done $0x0  }
.Ltmp2:
0x37: {  	[sflag:s7] =	ssyncadd.s32 $0xFFFFD780;
	(pc) =	sbr.rel @p2 .LBB2_2-.Ltmp2, $4  }
0x38: {  	[bflag:$0x0] =	sbarrier.arrive $0xFFFF  }
0x39: {  	[hbm:s3@s15], [sflag:s13] =	dma.strided @!p0 [spmem:s4@s16], $0x4F0, s12, $0x10   }
0x3a: {  	_ =	swait.ge @!p0 [sflag:s12], $0x4F0  }
0x3b: {  	[sflag:s12] =	ssyncset.done @!p0 $0x0  }
.LBB2_3:
0x3c: {  	p1 =	por p0, !p1  }
0x3d: {  	s13 =	simm.s32 @!p0 $0x1C01;
	s14 =	simm.s32 @!p0 $0x1;
	[sflag:s12] =	ssyncadd.s32 @!p1 $0xFFFFFB10  }
0x3e: {  	[spmem:s4], [sflag:s13] =	dma.local @!p0 [hbm:s8], $0x4F0  }
0x3f: {  	_ =	swait.ge @!p0 [sflag:s14], $0x4F0  }
0x40: {  	[sflag:s14] =	ssyncset.done @!p0 $0x0  }
0x41: {  	[sflag:s14] =	ssyncadd.s32 @!p0 $0xFFFFFB10  }
0x42: {  	[bflag:$0x0] =	sbarrier.arrive $0xFFFF  }
0x43: {  	[tilespmem:s2], [sflag:$0x1] =	stream.strided.gather [hbm4b:s6+s9], $0x2880, s11, s9, $0x38;
	[tilespmem:$0x5378] =	vst v63  }
0x44: {  	_ =	swait.ge [sflag:s7], $0x2880  }
0x45: {  	[sflag:s7] =	ssyncset.done $0x0  }
0x46: {  	[sflag:s7] =	ssyncadd.s32 $0xFFFFD780  }
0x47: {  	[tilespmem:s10], [sflag:$0x1] =	stream.strided.gather [hbm4b:s5+s9], $0x2880, s11, s9, $0x38;
	[tilespmem:$0x5378] =	vst v63  }
0x48: {  	_ =	swait.ge [sflag:s7], $0x2880  }
0x49: {  	[sflag:s7] =	ssyncset.done $0x0  }
0x4a: {  	[sflag:s7] =	ssyncadd.s32 $0xFFFFD780  }
0x4b: {  	[spmem:s1] =	stream.indirect.scatter.add.f32 [tilespmem:s10], [sflag:$0x1], $0x1, s2, s10, $0xb8;
	[tilespmem:$0x5378] =	vst v63  }
0x4c: {  	_ =	swait.ge [sflag:s7], $0x2880  }
0x4d: {  	[sflag:s7] =	ssyncset.done $0x0  }
0x4e: {  	[sflag:s7] =	ssyncadd.s32 $0xFFFFD780  }
0x4f: {  	s1 =	simm.s32 @!p0 $0x20;
	s2 =	simm.s32 @!p0 $0x10;
	[bflag:$0x0] =	sbarrier.arrive $0xFFFF  }
0x50: {  	[hbm:s3@s1], [sflag:s13] =	dma.strided @!p0 [spmem:s4@s2], $0x4F0, s14, $0x10   }
0x51: {  	_ =	swait.ge @!p0 [sflag:s14], $0x4F0  }
0x52: {  	[sflag:s14] =	ssyncset.done @!p0 $0x0  }
0x53: {  	[sflag:s14] =	ssyncadd.s32 @!p0 $0xFFFFFB10  }
0x54: {  	_ =	sfence.sel $0x180000  }
0x55: {  	[bflag:$0x0] =	sbarrier.arrive $0xFFFF  }
0x56: {  	_ =	strace $0x90000047  }
0x57: {  	s0 =	sadd.s32 @!p0 $0x100000, s0;
	[bflag:$0x2] =	sbarrier.arrive $0xFFFF  }
0x58: {  	[sflag:s0] =	ssyncadd.tile.s32 @!p0 $0x1;
	_ =	shalt  }
.Lfunc_end2:
_tile_overlayer_lowered:
.L_overlay_start_2:
0x59: {  	(tag) =	ssettag $0x2  }
0x5a: {  	s0 =	rddreg [dreg:$0x0];
	s2 =	stileid.u32  }
0x5b: {  	s1 =	rddreg [dreg:$0x1];
	p0 =	sne.s32 s2, $0x0  }
0x5c: {  	s3 =	rddreg [dreg:$0x2];
	[bflag:$0x3] =	sbarrier.arrive $0xFFFF;
	s2 =	simm.s32 @!p0 $0x1C01  }
0x5d: {  	[timem:s3], [sflag:s2] =	dma.local @!p0 [hbm:s0], s1  }
0x5e: {  	s0 =	simm.s32 @!p0 $0x1  }
0x5f: {  	_ =	swait.ge @!p0 [sflag:s0], s1  }
0x60: {  	s1 =	ssub.s32 @!p0 $0x0, s1;
	[sflag:s0] =	ssyncset.done @!p0 $0x0  }
0x61: {  	[sflag:s0] =	ssyncadd.s32 @!p0 s1  }
0x62: {  	[bflag:$0x3] =	sbarrier.arrive $0xFFFF  }
0x63: {  	_ =	shalt  }

</sc_bundles>
